<compile_context>
chip_gen: v7x
topology: tpu7x:2x2x1
jax: 0.10.2.dev20260603
libtpu: 0.0.44.dev20260713+nightly
codegen_flags: <defaults>
</compile_context>

<pallas_src>
import dataclasses
import functools

import jax
import jax.numpy as jnp
from jax import lax
from jax.experimental import pallas as pl
from jax.experimental.pallas import tpu as pltpu
from jax.experimental.pallas import tpu_sc as plsc

_NUM_NODES = 10000
_D = 128
_E = 320000
_NC = 2
_NS = 16
_NW = _NC * _NS
_EPW = _E // _NW
_W = 200
_NWIN = _EPW // _W
_L = 16

_PERM_DNUMS = lax.GatherDimensionNumbers(
    offset_dims=(), collapsed_slice_dims=(0,), start_index_map=(0,))


def _permute(x, idx):
    return lax.gather(x, idx[:, None], _PERM_DNUMS, slice_sizes=(1,),
                      mode=lax.GatherScatterMode.PROMISE_IN_BOUNDS)


def _edge_scores(z, src, dst, w):
    mesh = plsc.VectorSubcoreMesh(core_axis_name="c", subcore_axis_name="s")
    cp = pltpu.CompilerParams()
    if "needs_layout_passes" in pltpu.CompilerParams.__dataclass_fields__:
        cp = dataclasses.replace(cp, needs_layout_passes=False)
    if "use_tc_tiling_on_sc" in pltpu.CompilerParams.__dataclass_fields__:
        cp = dataclasses.replace(cp, use_tc_tiling_on_sc=False)

    @functools.partial(
        pl.kernel,
        compiler_params=cp,
        out_type=jax.ShapeDtypeStruct((_E,), jnp.float32),
        mesh=mesh,
        scratch_types=[
            pltpu.VMEM((_NUM_NODES,), jnp.float32),
            pltpu.VMEM((_EPW,), jnp.int32),
            pltpu.VMEM((_EPW,), jnp.int32),
            pltpu.VMEM((_EPW,), jnp.float32),
            pltpu.VMEM((_W, _D // 2), jnp.int32),
            pltpu.VMEM((_W, _D // 2), jnp.int32),
            pltpu.VMEM((_W, _D // 2), jnp.int32),
            pltpu.VMEM((_W, _D // 2), jnp.int32),
            pltpu.VMEM((_W, _D // 2), jnp.int32),
            pltpu.VMEM((_W, _D // 2), jnp.int32),
            pltpu.SemaphoreType.DMA,
            pltpu.SemaphoreType.DMA,
            pltpu.SemaphoreType.DMA,
            pltpu.SemaphoreType.DMA,
            pltpu.SemaphoreType.DMA,
            pltpu.SemaphoreType.DMA,
        ],
    )
    def k(z_hbm, src_hbm, dst_hbm, w_hbm, out_hbm,
          w_v, sidx, didx, outv, srows_a, drows_a, srows_b, drows_b,
          srows_c, drows_c, sem_sa, sem_da, sem_sb, sem_db,
          sem_sc, sem_dc):
        wid = lax.axis_index("s") * _NC + lax.axis_index("c")
        base = wid * _EPW
        pltpu.sync_copy(w_hbm, w_v)
        pltpu.sync_copy(src_hbm.at[pl.ds(base, _EPW)], sidx)
        pltpu.sync_copy(dst_hbm.at[pl.ds(base, _EPW)], didx)

        def copies(win, srows, drows, sem_s, sem_d):
            off = win * _W
            cs = pltpu.make_async_copy(
                z_hbm.at[sidx.at[pl.ds(off, _W)]], srows, sem_s)
            cd = pltpu.make_async_copy(
                z_hbm.at[didx.at[pl.ds(off, _W)]], drows, sem_d)
            return cs, cd

        def issue(win, srows, drows, sem_s, sem_d):
            cs, cd = copies(win, srows, drows, sem_s, sem_d)
            cs.start()
            cd.start()

        lane = lax.iota(jnp.int32, _L)
        perms = [lane ^ sh for sh in (1, 2, 4, 8)]
        mask0 = lane == 0

        _P = 8

        def compute(win, srows, drows, sem_s, sem_d):
            cs, cd = copies(win, srows, drows, sem_s, sem_d)
            cs.wait()
            cd.wait()
            woff = win * _W

            def dots(e):
                accs = []
                for j in range(_P):
                    acc = None
                    for kk in range(_D // (2 * _L)):
                        si = srows[e + j, pl.ds(kk * _L, _L)]
                        di = drows[e + j, pl.ds(kk * _L, _L)]
                        pr = (plsc.bitcast(si, jnp.bfloat16)
                              * plsc.bitcast(di, jnp.bfloat16))
                        lo, hi = plsc.unpack(
                            pr, format=plsc.PackFormat.INTERLEAVED)
                        acc = lo + hi if acc is None else acc + lo + hi
                    accs.append(acc)
                return tuple(accs)

            def reduce_store(e, accs, mask):
                for j in range(_P):
                    acc = accs[j]
                    for p in perms:
                        acc = acc + _permute(acc, p)
                    idx = jnp.broadcast_to(e + j, (_L,))
                    plsc.store_scatter(outv, [idx], acc, mask=mask)

            @pl.loop(0, _W, step=_P)
            def _e4(e):
                reduce_store(woff + e, dots(e), mask0)

        bufs = ((srows_a, drows_a, sem_sa, sem_da),
                (srows_b, drows_b, sem_sb, sem_db),
                (srows_c, drows_c, sem_sc, sem_dc))

        issue(0, *bufs[0])
        issue(1, *bufs[1])

        @pl.loop(0, _NWIN - 2, step=3)
        def _win(wn):
            issue(wn + 2, *bufs[2])
            compute(wn, *bufs[0])
            issue(wn + 3, *bufs[0])
            compute(wn + 1, *bufs[1])
            issue(wn + 4, *bufs[1])
            compute(wn + 2, *bufs[2])

        compute(_NWIN - 2, *bufs[0])
        compute(_NWIN - 1, *bufs[1])

        @pl.loop(0, _EPW, step=_L)
        def _wgt(e):
            sl = pl.ds(e, _L)
            x = outv[sl] * plsc.load_gather(w_v, [sidx[sl]])
            outv[sl] = 1.0 / (1.0 + jnp.exp(-x))

        pltpu.sync_copy(outv, out_hbm.at[pl.ds(base, _EPW)])

    return k(z, src, dst, w)


def kernel(z, edge_index, weight):
    ei = edge_index.astype(jnp.int32)
    zi = lax.bitcast_convert_type(
        z.astype(jnp.bfloat16).reshape(_NUM_NODES, _D // 2, 2), jnp.int32)
    return _edge_scores(zi, ei[0], ei[1], weight)

# --- scband reference (transcript-rebuilt; emitter-appended) ---
"""Pipeline reference for scband-tfdecoder-43215960932830 (READ-ONLY COPY).

The authoritative reference and input builder live on the scoring server;
editing this copy changes nothing except your own understanding.
"""

import jax, jax.numpy as jnp
import numpy as np

NUM_NODES = 10000
D_FEAT = 128
N_EDGES = 320000


def setup_inputs(seed: int = 0) -> dict:
    key = jax.random.key(seed)
    k1, k2, k3 = jax.random.split(key, 3)
    z = jax.random.normal(k1, (NUM_NODES, D_FEAT), dtype=jnp.float32)
    edge_index = jax.random.randint(k2, (2, N_EDGES), 0, NUM_NODES, dtype=jnp.int64)
    # learned parameter: per-node scalar weight, init normal with std = 1/sqrt(in_dim)=1.0
    weight = jax.random.normal(k3, (NUM_NODES,), dtype=jnp.float32)
    return {"z": z, "edge_index": edge_index, "weight": weight}


def reference(z, edge_index, weight):
    # zNew = torch.mul(z.t(), self.weight).t()  -> scale each row of z by weight[node]
    zNew = z * weight[:, None]
    # gather source/dst node features, elementwise product, sum over feature dim
    src = jnp.take(zNew, edge_index[0], axis=0)
    dst = jnp.take(z, edge_index[1], axis=0)
    value = (src * dst).sum(axis=1)
    return jax.nn.sigmoid(value)

if __name__ == "__main__":
    import jax
    _d = setup_inputs()
    print(jax.jit(kernel)(*tuple(_d.values())))

</pallas_src>

<mosaic_0001>
#map = affine_map<(d0, d1) -> (0, 0)>
#map1 = affine_map<(d0, d1) -> (0)>
module attributes {stable_mosaic.version = 14 : i64} {
  func.func @k(%arg0: i32, %arg1: i32, %arg2: memref<10000x64xi32, #tpu.memory_space<hbm>>, %arg3: memref<320000xi32, #tpu.memory_space<hbm>>, %arg4: memref<320000xi32, #tpu.memory_space<hbm>>, %arg5: memref<10000xf32, #tpu.memory_space<hbm>>, %arg6: memref<320000xf32, #tpu.memory_space<hbm>>, %arg7: memref<10000xf32, #tpu.memory_space<vmem>>, %arg8: memref<10000xi32, #tpu.memory_space<vmem>>, %arg9: memref<10000xi32, #tpu.memory_space<vmem>>, %arg10: memref<10000xf32, #tpu.memory_space<vmem>>, %arg11: memref<200x64xi32, #tpu.memory_space<vmem>>, %arg12: memref<200x64xi32, #tpu.memory_space<vmem>>, %arg13: memref<200x64xi32, #tpu.memory_space<vmem>>, %arg14: memref<200x64xi32, #tpu.memory_space<vmem>>, %arg15: memref<200x64xi32, #tpu.memory_space<vmem>>, %arg16: memref<200x64xi32, #tpu.memory_space<vmem>>, %arg17: memref<!tpu.dma_semaphore, #tpu.memory_space<semaphore_mem>>, %arg18: memref<!tpu.dma_semaphore, #tpu.memory_space<semaphore_mem>>, %arg19: memref<!tpu.dma_semaphore, #tpu.memory_space<semaphore_mem>>, %arg20: memref<!tpu.dma_semaphore, #tpu.memory_space<semaphore_mem>>, %arg21: memref<!tpu.dma_semaphore, #tpu.memory_space<semaphore_mem>>, %arg22: memref<!tpu.dma_semaphore, #tpu.memory_space<semaphore_mem>>) attributes {dimension_semantics = [#tpu.dimension_semantics<core_parallel>, #tpu.dimension_semantics<subcore_parallel>], iteration_bounds = array<i64: 2, 16>, scalar_prefetch = 0 : i64, scratch_operands = 16 : i64, tpu.core_type = #tpu.core_type<sc_vector_subcore>, window_params = [{transform_indices = #map}, {transform_indices = #map1}, {transform_indices = #map1}, {transform_indices = #map1}, {transform_indices = #map1}]} {
    %mul3A = arith.constant 2 : i32
    %mul3A_0 = arith.muli %arg1, %mul3A : i32
    %add3A = arith.addi %mul3A_0, %arg0 : i32
    %mul3A_1 = arith.constant 10000 : i32
    %mul3A_2 = arith.muli %add3A, %mul3A_1 : i32
    "tpu.region"() ({
      %run_scoped3A = tpu.sem_alloc : memref<!tpu.dma_semaphore, #tpu.memory_space<semaphore_mem>>
      tpu.enqueue_dma source(%arg5 : memref<10000xf32, #tpu.memory_space<hbm>>) target(%arg7 : memref<10000xf32, #tpu.memory_space<vmem>>) target_semaphore(%run_scoped3A : memref<!tpu.dma_semaphore, #tpu.memory_space<semaphore_mem>>)
      tpu.wait_dma2 semaphore(%run_scoped3A : memref<!tpu.dma_semaphore, #tpu.memory_space<semaphore_mem>>) src(%arg5 : memref<10000xf32, #tpu.memory_space<hbm>>) dst(%arg7 : memref<10000xf32, #tpu.memory_space<vmem>>)
      tpu.yield
    }) : () -> ()
    "tpu.region"() ({
      %run_scoped3A = tpu.sem_alloc : memref<!tpu.dma_semaphore, #tpu.memory_space<semaphore_mem>>
      %dma_start3A_73 = tpu.memref_slice %arg3[%mul3A_2] : memref<320000xi32, #tpu.memory_space<hbm>> -> memref<10000xi32, #tpu.memory_space<hbm>>
      %dma_start3A_74 = tpu.memref_slice %arg3[%mul3A_2] : memref<320000xi32, #tpu.memory_space<hbm>> -> memref<10000xi32, #tpu.memory_space<hbm>>
      tpu.enqueue_dma source(%dma_start3A_74 : memref<10000xi32, #tpu.memory_space<hbm>>) target(%arg8 : memref<10000xi32, #tpu.memory_space<vmem>>) target_semaphore(%run_scoped3A : memref<!tpu.dma_semaphore, #tpu.memory_space<semaphore_mem>>)
      %dma_wait3A_75 = tpu.memref_slice %arg3[%mul3A_2] : memref<320000xi32, #tpu.memory_space<hbm>> -> memref<10000xi32, #tpu.memory_space<hbm>>
      %dma_wait3A_76 = tpu.memref_slice %arg3[%mul3A_2] : memref<320000xi32, #tpu.memory_space<hbm>> -> memref<10000xi32, #tpu.memory_space<hbm>>
      tpu.wait_dma2 semaphore(%run_scoped3A : memref<!tpu.dma_semaphore, #tpu.memory_space<semaphore_mem>>) src(%dma_wait3A_76 : memref<10000xi32, #tpu.memory_space<hbm>>) dst(%arg8 : memref<10000xi32, #tpu.memory_space<vmem>>)
      tpu.yield
    }) : () -> ()
    "tpu.region"() ({
      %run_scoped3A = tpu.sem_alloc : memref<!tpu.dma_semaphore, #tpu.memory_space<semaphore_mem>>
      %dma_start3A_73 = tpu.memref_slice %arg4[%mul3A_2] : memref<320000xi32, #tpu.memory_space<hbm>> -> memref<10000xi32, #tpu.memory_space<hbm>>
      %dma_start3A_74 = tpu.memref_slice %arg4[%mul3A_2] : memref<320000xi32, #tpu.memory_space<hbm>> -> memref<10000xi32, #tpu.memory_space<hbm>>
      tpu.enqueue_dma source(%dma_start3A_74 : memref<10000xi32, #tpu.memory_space<hbm>>) target(%arg9 : memref<10000xi32, #tpu.memory_space<vmem>>) target_semaphore(%run_scoped3A : memref<!tpu.dma_semaphore, #tpu.memory_space<semaphore_mem>>)
      %dma_wait3A_75 = tpu.memref_slice %arg4[%mul3A_2] : memref<320000xi32, #tpu.memory_space<hbm>> -> memref<10000xi32, #tpu.memory_space<hbm>>
      %dma_wait3A_76 = tpu.memref_slice %arg4[%mul3A_2] : memref<320000xi32, #tpu.memory_space<hbm>> -> memref<10000xi32, #tpu.memory_space<hbm>>
      tpu.wait_dma2 semaphore(%run_scoped3A : memref<!tpu.dma_semaphore, #tpu.memory_space<semaphore_mem>>) src(%dma_wait3A_76 : memref<10000xi32, #tpu.memory_space<hbm>>) dst(%arg9 : memref<10000xi32, #tpu.memory_space<vmem>>)
      tpu.yield
    }) : () -> ()
    %iota3A = tpu.iota {dimensions = array<i32: 0>} : vector<16xi32>
    %xor3A = arith.constant 1 : i32
    %xor3A_3 = vector.broadcast %xor3A : i32 to vector<16xi32>
    %xor3A_4 = arith.xori %iota3A, %xor3A_3 : vector<16xi32>
    %xor3A_5 = arith.constant 2 : i32
    %xor3A_6 = vector.broadcast %xor3A_5 : i32 to vector<16xi32>
    %xor3A_7 = arith.xori %iota3A, %xor3A_6 : vector<16xi32>
    %xor3A_8 = arith.constant 4 : i32
    %xor3A_9 = vector.broadcast %xor3A_8 : i32 to vector<16xi32>
    %xor3A_10 = arith.xori %iota3A, %xor3A_9 : vector<16xi32>
    %xor3A_11 = arith.constant 8 : i32
    %xor3A_12 = vector.broadcast %xor3A_11 : i32 to vector<16xi32>
    %xor3A_13 = arith.xori %iota3A, %xor3A_12 : vector<16xi32>
    %eq3A = arith.constant 0 : i32
    %eq3A_14 = vector.broadcast %eq3A : i32 to vector<16xi32>
    %eq3A_15 = arith.cmpi eq, %iota3A, %eq3A_14 : vector<16xi32>
    %dma_start3A = arith.constant 0 : i32
    %dma_start3A_16 = tpu.memref_slice %arg8[%dma_start3A] : memref<10000xi32, #tpu.memory_space<vmem>> -> memref<200xi32, #tpu.memory_space<vmem>>
    %dma_start3A_17 = arith.constant 0 : i32
    %dma_start3A_18 = arith.constant 0 : i32
    %dma_start3A_19 = tpu.memref_slice %arg2[%dma_start3A_17, %dma_start3A_18] : memref<10000x64xi32, #tpu.memory_space<hbm>> -> memref<10000x64xi32, #tpu.memory_space<hbm>>
    tpu.enqueue_indirect_dma source(%dma_start3A_19 : memref<10000x64xi32, #tpu.memory_space<hbm>>) target(%arg11 : memref<200x64xi32, #tpu.memory_space<vmem>>) offsets(%dma_start3A_16 : memref<200xi32, #tpu.memory_space<vmem>>) semaphore(%arg17 : memref<!tpu.dma_semaphore, #tpu.memory_space<semaphore_mem>>)
    %dma_start3A_20 = arith.constant 0 : i32
    %dma_start3A_21 = tpu.memref_slice %arg9[%dma_start3A_20] : memref<10000xi32, #tpu.memory_space<vmem>> -> memref<200xi32, #tpu.memory_space<vmem>>
    %dma_start3A_22 = arith.constant 0 : i32
    %dma_start3A_23 = arith.constant 0 : i32
    %dma_start3A_24 = tpu.memref_slice %arg2[%dma_start3A_22, %dma_start3A_23] : memref<10000x64xi32, #tpu.memory_space<hbm>> -> memref<10000x64xi32, #tpu.memory_space<hbm>>
    tpu.enqueue_indirect_dma source(%dma_start3A_24 : memref<10000x64xi32, #tpu.memory_space<hbm>>) target(%arg12 : memref<200x64xi32, #tpu.memory_space<vmem>>) offsets(%dma_start3A_21 : memref<200xi32, #tpu.memory_space<vmem>>) semaphore(%arg18 : memref<!tpu.dma_semaphore, #tpu.memory_space<semaphore_mem>>)
    %dma_start3A_25 = arith.constant 200 : i32
    %dma_start3A_26 = tpu.memref_slice %arg8[%dma_start3A_25] : memref<10000xi32, #tpu.memory_space<vmem>> -> memref<200xi32, #tpu.memory_space<vmem>>
    %dma_start3A_27 = arith.constant 0 : i32
    %dma_start3A_28 = arith.constant 0 : i32
    %dma_start3A_29 = tpu.memref_slice %arg2[%dma_start3A_27, %dma_start3A_28] : memref<10000x64xi32, #tpu.memory_space<hbm>> -> memref<10000x64xi32, #tpu.memory_space<hbm>>
    tpu.enqueue_indirect_dma source(%dma_start3A_29 : memref<10000x64xi32, #tpu.memory_space<hbm>>) target(%arg13 : memref<200x64xi32, #tpu.memory_space<vmem>>) offsets(%dma_start3A_26 : memref<200xi32, #tpu.memory_space<vmem>>) semaphore(%arg19 : memref<!tpu.dma_semaphore, #tpu.memory_space<semaphore_mem>>)
    %dma_start3A_30 = arith.constant 200 : i32
    %dma_start3A_31 = tpu.memref_slice %arg9[%dma_start3A_30] : memref<10000xi32, #tpu.memory_space<vmem>> -> memref<200xi32, #tpu.memory_space<vmem>>
    %dma_start3A_32 = arith.constant 0 : i32
    %dma_start3A_33 = arith.constant 0 : i32
    %dma_start3A_34 = tpu.memref_slice %arg2[%dma_start3A_32, %dma_start3A_33] : memref<10000x64xi32, #tpu.memory_space<hbm>> -> memref<10000x64xi32, #tpu.memory_space<hbm>>
    tpu.enqueue_indirect_dma source(%dma_start3A_34 : memref<10000x64xi32, #tpu.memory_space<hbm>>) target(%arg14 : memref<200x64xi32, #tpu.memory_space<vmem>>) offsets(%dma_start3A_31 : memref<200xi32, #tpu.memory_space<vmem>>) semaphore(%arg20 : memref<!tpu.dma_semaphore, #tpu.memory_space<semaphore_mem>>)
    %scan3A = arith.constant 0 : i32
    %scan3A_35 = arith.constant 16 : i32
    %scan3A_36 = arith.addi %scan3A, %scan3A_35 : i32
    %scan3A_37 = arith.constant 1 : i32
    scf.for %scan3A_73 = %scan3A to %scan3A_36 step %scan3A_37  : i32 {
      %mul3A_74 = arith.constant 3 : i32
      %mul3A_75 = arith.muli %scan3A_73, %mul3A_74 : i32
      %add3A_76 = arith.constant 0 : i32
      %add3A_77 = arith.addi %add3A_76, %mul3A_75 : i32
      %add3A_78 = arith.constant 2 : i32
      %add3A_79 = arith.addi %add3A_77, %add3A_78 : i32
      %mul3A_80 = arith.constant 200 : i32
      %mul3A_81 = arith.muli %add3A_79, %mul3A_80 : i32
      %dma_start3A_82 = tpu.memref_slice %arg8[%mul3A_81] : memref<10000xi32, #tpu.memory_space<vmem>> -> memref<200xi32, #tpu.memory_space<vmem>>
      %dma_start3A_83 = arith.constant 0 : i32
      %dma_start3A_84 = arith.constant 0 : i32
      %dma_start3A_85 = tpu.memref_slice %arg2[%dma_start3A_83, %dma_start3A_84] : memref<10000x64xi32, #tpu.memory_space<hbm>> -> memref<10000x64xi32, #tpu.memory_space<hbm>>
      tpu.enqueue_indirect_dma source(%dma_start3A_85 : memref<10000x64xi32, #tpu.memory_space<hbm>>) target(%arg15 : memref<200x64xi32, #tpu.memory_space<vmem>>) offsets(%dma_start3A_82 : memref<200xi32, #tpu.memory_space<vmem>>) semaphore(%arg21 : memref<!tpu.dma_semaphore, #tpu.memory_space<semaphore_mem>>)
      %dma_start3A_86 = tpu.memref_slice %arg9[%mul3A_81] : memref<10000xi32, #tpu.memory_space<vmem>> -> memref<200xi32, #tpu.memory_space<vmem>>
      %dma_start3A_87 = arith.constant 0 : i32
      %dma_start3A_88 = arith.constant 0 : i32
      %dma_start3A_89 = tpu.memref_slice %arg2[%dma_start3A_87, %dma_start3A_88] : memref<10000x64xi32, #tpu.memory_space<hbm>> -> memref<10000x64xi32, #tpu.memory_space<hbm>>
      tpu.enqueue_indirect_dma source(%dma_start3A_89 : memref<10000x64xi32, #tpu.memory_space<hbm>>) target(%arg16 : memref<200x64xi32, #tpu.memory_space<vmem>>) offsets(%dma_start3A_86 : memref<200xi32, #tpu.memory_space<vmem>>) semaphore(%arg22 : memref<!tpu.dma_semaphore, #tpu.memory_space<semaphore_mem>>)
      %mul3A_90 = arith.constant 200 : i32
      %mul3A_91 = arith.muli %add3A_77, %mul3A_90 : i32
      %dma_wait3A_92 = tpu.memref_slice %arg8[%mul3A_91] : memref<10000xi32, #tpu.memory_space<vmem>> -> memref<200xi32, #tpu.memory_space<vmem>>
      %dma_wait3A_93 = arith.constant 0 : i32
      %dma_wait3A_94 = arith.constant 0 : i32
      %dma_wait3A_95 = tpu.memref_slice %arg2[%dma_wait3A_93, %dma_wait3A_94] : memref<10000x64xi32, #tpu.memory_space<hbm>> -> memref<10000x64xi32, #tpu.memory_space<hbm>>
      tpu.wait_indirect_dma semaphore(%arg17 : memref<!tpu.dma_semaphore, #tpu.memory_space<semaphore_mem>>) src(%dma_wait3A_95 : memref<10000x64xi32, #tpu.memory_space<hbm>>) dst(%arg11 : memref<200x64xi32, #tpu.memory_space<vmem>>)
      %dma_wait3A_96 = tpu.memref_slice %arg9[%mul3A_91] : memref<10000xi32, #tpu.memory_space<vmem>> -> memref<200xi32, #tpu.memory_space<vmem>>
      %dma_wait3A_97 = arith.constant 0 : i32
      %dma_wait3A_98 = arith.constant 0 : i32
      %dma_wait3A_99 = tpu.memref_slice %arg2[%dma_wait3A_97, %dma_wait3A_98] : memref<10000x64xi32, #tpu.memory_space<hbm>> -> memref<10000x64xi32, #tpu.memory_space<hbm>>
      tpu.wait_indirect_dma semaphore(%arg18 : memref<!tpu.dma_semaphore, #tpu.memory_space<semaphore_mem>>) src(%dma_wait3A_99 : memref<10000x64xi32, #tpu.memory_space<hbm>>) dst(%arg12 : memref<200x64xi32, #tpu.memory_space<vmem>>)
      %mul3A_100 = arith.constant 200 : i32
      %mul3A_101 = arith.muli %add3A_77, %mul3A_100 : i32
      %scan3A_102 = arith.constant 0 : i32
      %scan3A_103 = arith.constant 25 : i32
      %scan3A_104 = arith.addi %scan3A_102, %scan3A_103 : i32
      %scan3A_105 = arith.constant 1 : i32
      scf.for %scan3A_169 = %scan3A_102 to %scan3A_104 step %scan3A_105  : i32 {
        %mul3A_170 = arith.constant 8 : i32
        %mul3A_171 = arith.muli %scan3A_169, %mul3A_170 : i32
        %add3A_172 = arith.constant 0 : i32
        %add3A_173 = arith.addi %add3A_172, %mul3A_171 : i32
        %add3A_174 = arith.addi %mul3A_101, %add3A_173 : i32
        %add3A_175 = arith.constant 0 : i32
        %add3A_176 = arith.addi %add3A_173, %add3A_175 : i32
        %get3A = arith.index_cast %add3A_176 : i32 to index
        %get3A_177 = arith.constant 0 : index
        %get3A_178 = tpu.vector_load %arg11[%get3A, %get3A_177] {strides = array<i32>} : memref<200x64xi32, #tpu.memory_space<vmem>>, vector<16xi32>,
        %add3A_179 = arith.constant 0 : i32
        %add3A_180 = arith.addi %add3A_173, %add3A_179 : i32
        %get3A_181 = arith.index_cast %add3A_180 : i32 to index
        %get3A_182 = arith.constant 0 : index
        %get3A_183 = tpu.vector_load %arg12[%get3A_181, %get3A_182] {strides = array<i32>} : memref<200x64xi32, #tpu.memory_space<vmem>>, vector<16xi32>,
        %bitcast3A = vector.bitcast %get3A_178 : vector<16xi32> to vector<32xbf16>
        %bitcast3A_184 = vector.bitcast %get3A_183 : vector<16xi32> to vector<32xbf16>
        %mul3A_185 = arith.mulf %bitcast3A, %bitcast3A_184 : vector<32xbf16>
        %unpack3A = tpu.unpack_subelements %mul3A_185, 0 {pack_format = #tpu.pack_format<interleaved>} : vector<32xbf16> -> vector<16xf32>
        %unpack3A_186 = tpu.unpack_subelements %mul3A_185, 1 {pack_format = #tpu.pack_format<interleaved>} : vector<32xbf16> -> vector<16xf32>
        %add3A_187 = arith.addf %unpack3A, %unpack3A_186 : vector<16xf32>
        %add3A_188 = arith.constant 0 : i32
        %add3A_189 = arith.addi %add3A_173, %add3A_188 : i32
        %get3A_190 = arith.index_cast %add3A_189 : i32 to index
        %get3A_191 = arith.constant 16 : index
        %get3A_192 = tpu.vector_load %arg11[%get3A_190, %get3A_191] {strides = array<i32>} : memref<200x64xi32, #tpu.memory_space<vmem>>, vector<16xi32>,
        %add3A_193 = arith.constant 0 : i32
        %add3A_194 = arith.addi %add3A_173, %add3A_193 : i32
        %get3A_195 = arith.index_cast %add3A_194 : i32 to index
        %get3A_196 = arith.constant 16 : index
        %get3A_197 = tpu.vector_load %arg12[%get3A_195, %get3A_196] {strides = array<i32>} : memref<200x64xi32, #tpu.memory_space<vmem>>, vector<16xi32>,
        %bitcast3A_198 = vector.bitcast %get3A_192 : vector<16xi32> to vector<32xbf16>
        %bitcast3A_199 = vector.bitcast %get3A_197 : vector<16xi32> to vector<32xbf16>
        %mul3A_200 = arith.mulf %bitcast3A_198, %bitcast3A_199 : vector<32xbf16>
        %unpack3A_201 = tpu.unpack_subelements %mul3A_200, 0 {pack_format = #tpu.pack_format<interleaved>} : vector<32xbf16> -> vector<16xf32>
        %unpack3A_202 = tpu.unpack_subelements %mul3A_200, 1 {pack_format = #tpu.pack_format<interleaved>} : vector<32xbf16> -> vector<16xf32>
        %add3A_203 = arith.addf %add3A_187, %unpack3A_201 : vector<16xf32>
        %add3A_204 = arith.addf %add3A_203, %unpack3A_202 : vector<16xf32>
        %add3A_205 = arith.constant 0 : i32
        %add3A_206 = arith.addi %add3A_173, %add3A_205 : i32
        %get3A_207 = arith.index_cast %add3A_206 : i32 to index
        %get3A_208 = arith.constant 32 : index
        %get3A_209 = tpu.vector_load %arg11[%get3A_207, %get3A_208] {strides = array<i32>} : memref<200x64xi32, #tpu.memory_space<vmem>>, vector<16xi32>,
        %add3A_210 = arith.constant 0 : i32
        %add3A_211 = arith.addi %add3A_173, %add3A_210 : i32
        %get3A_212 = arith.index_cast %add3A_211 : i32 to index
        %get3A_213 = arith.constant 32 : index
        %get3A_214 = tpu.vector_load %arg12[%get3A_212, %get3A_213] {strides = array<i32>} : memref<200x64xi32, #tpu.memory_space<vmem>>, vector<16xi32>,
        %bitcast3A_215 = vector.bitcast %get3A_209 : vector<16xi32> to vector<32xbf16>
        %bitcast3A_216 = vector.bitcast %get3A_214 : vector<16xi32> to vector<32xbf16>
        %mul3A_217 = arith.mulf %bitcast3A_215, %bitcast3A_216 : vector<32xbf16>
        %unpack3A_218 = tpu.unpack_subelements %mul3A_217, 0 {pack_format = #tpu.pack_format<interleaved>} : vector<32xbf16> -> vector<16xf32>
        %unpack3A_219 = tpu.unpack_subelements %mul3A_217, 1 {pack_format = #tpu.pack_format<interleaved>} : vector<32xbf16> -> vector<16xf32>
        %add3A_220 = arith.addf %add3A_204, %unpack3A_218 : vector<16xf32>
        %add3A_221 = arith.addf %add3A_220, %unpack3A_219 : vector<16xf32>
        %add3A_222 = arith.constant 0 : i32
        %add3A_223 = arith.addi %add3A_173, %add3A_222 : i32
        %get3A_224 = arith.index_cast %add3A_223 : i32 to index
        %get3A_225 = arith.constant 48 : index
        %get3A_226 = tpu.vector_load %arg11[%get3A_224, %get3A_225] {strides = array<i32>} : memref<200x64xi32, #tpu.memory_space<vmem>>, vector<16xi32>,
        %add3A_227 = arith.constant 0 : i32
        %add3A_228 = arith.addi %add3A_173, %add3A_227 : i32
        %get3A_229 = arith.index_cast %add3A_228 : i32 to index
        %get3A_230 = arith.constant 48 : index
        %get3A_231 = tpu.vector_load %arg12[%get3A_229, %get3A_230] {strides = array<i32>} : memref<200x64xi32, #tpu.memory_space<vmem>>, vector<16xi32>,
        %bitcast3A_232 = vector.bitcast %get3A_226 : vector<16xi32> to vector<32xbf16>
        %bitcast3A_233 = vector.bitcast %get3A_231 : vector<16xi32> to vector<32xbf16>
        %mul3A_234 = arith.mulf %bitcast3A_232, %bitcast3A_233 : vector<32xbf16>
        %unpack3A_235 = tpu.unpack_subelements %mul3A_234, 0 {pack_format = #tpu.pack_format<interleaved>} : vector<32xbf16> -> vector<16xf32>
        %unpack3A_236 = tpu.unpack_subelements %mul3A_234, 1 {pack_format = #tpu.pack_format<interleaved>} : vector<32xbf16> -> vector<16xf32>
        %add3A_237 = arith.addf %add3A_221, %unpack3A_235 : vector<16xf32>
        %add3A_238 = arith.addf %add3A_237, %unpack3A_236 : vector<16xf32>
        %add3A_239 = arith.constant 1 : i32
        %add3A_240 = arith.addi %add3A_173, %add3A_239 : i32
        %get3A_241 = arith.index_cast %add3A_240 : i32 to index
        %get3A_242 = arith.constant 0 : index
        %get3A_243 = tpu.vector_load %arg11[%get3A_241, %get3A_242] {strides = array<i32>} : memref<200x64xi32, #tpu.memory_space<vmem>>, vector<16xi32>,
        %add3A_244 = arith.constant 1 : i32
        %add3A_245 = arith.addi %add3A_173, %add3A_244 : i32
        %get3A_246 = arith.index_cast %add3A_245 : i32 to index
        %get3A_247 = arith.constant 0 : index
        %get3A_248 = tpu.vector_load %arg12[%get3A_246, %get3A_247] {strides = array<i32>} : memref<200x64xi32, #tpu.memory_space<vmem>>, vector<16xi32>,
        %bitcast3A_249 = vector.bitcast %get3A_243 : vector<16xi32> to vector<32xbf16>
        %bitcast3A_250 = vector.bitcast %get3A_248 : vector<16xi32> to vector<32xbf16>
        %mul3A_251 = arith.mulf %bitcast3A_249, %bitcast3A_250 : vector<32xbf16>
        %unpack3A_252 = tpu.unpack_subelements %mul3A_251, 0 {pack_format = #tpu.pack_format<interleaved>} : vector<32xbf16> -> vector<16xf32>
        %unpack3A_253 = tpu.unpack_subelements %mul3A_251, 1 {pack_format = #tpu.pack_format<interleaved>} : vector<32xbf16> -> vector<16xf32>
        %add3A_254 = arith.addf %unpack3A_252, %unpack3A_253 : vector<16xf32>
        %add3A_255 = arith.constant 1 : i32
        %add3A_256 = arith.addi %add3A_173, %add3A_255 : i32
        %get3A_257 = arith.index_cast %add3A_256 : i32 to index
        %get3A_258 = arith.constant 16 : index
        %get3A_259 = tpu.vector_load %arg11[%get3A_257, %get3A_258] {strides = array<i32>} : memref<200x64xi32, #tpu.memory_space<vmem>>, vector<16xi32>,
        %add3A_260 = arith.constant 1 : i32
        %add3A_261 = arith.addi %add3A_173, %add3A_260 : i32
        %get3A_262 = arith.index_cast %add3A_261 : i32 to index
        %get3A_263 = arith.constant 16 : index
        %get3A_264 = tpu.vector_load %arg12[%get3A_262, %get3A_263] {strides = array<i32>} : memref<200x64xi32, #tpu.memory_space<vmem>>, vector<16xi32>,
        %bitcast3A_265 = vector.bitcast %get3A_259 : vector<16xi32> to vector<32xbf16>
        %bitcast3A_266 = vector.bitcast %get3A_264 : vector<16xi32> to vector<32xbf16>
        %mul3A_267 = arith.mulf %bitcast3A_265, %bitcast3A_266 : vector<32xbf16>
        %unpack3A_268 = tpu.unpack_subelements %mul3A_267, 0 {pack_format = #tpu.pack_format<interleaved>} : vector<32xbf16> -> vector<16xf32>
        %unpack3A_269 = tpu.unpack_subelements %mul3A_267, 1 {pack_format = #tpu.pack_format<interleaved>} : vector<32xbf16> -> vector<16xf32>
        %add3A_270 = arith.addf %add3A_254, %unpack3A_268 : vector<16xf32>
        %add3A_271 = arith.addf %add3A_270, %unpack3A_269 : vector<16xf32>
        %add3A_272 = arith.constant 1 : i32
        %add3A_273 = arith.addi %add3A_173, %add3A_272 : i32
        %get3A_274 = arith.index_cast %add3A_273 : i32 to index
        %get3A_275 = arith.constant 32 : index
        %get3A_276 = tpu.vector_load %arg11[%get3A_274, %get3A_275] {strides = array<i32>} : memref<200x64xi32, #tpu.memory_space<vmem>>, vector<16xi32>,
        %add3A_277 = arith.constant 1 : i32
        %add3A_278 = arith.addi %add3A_173, %add3A_277 : i32
        %get3A_279 = arith.index_cast %add3A_278 : i32 to index
        %get3A_280 = arith.constant 32 : index
        %get3A_281 = tpu.vector_load %arg12[%get3A_279, %get3A_280] {strides = array<i32>} : memref<200x64xi32, #tpu.memory_space<vmem>>, vector<16xi32>,
        %bitcast3A_282 = vector.bitcast %get3A_276 : vector<16xi32> to vector<32xbf16>
        %bitcast3A_283 = vector.bitcast %get3A_281 : vector<16xi32> to vector<32xbf16>
        %mul3A_284 = arith.mulf %bitcast3A_282, %bitcast3A_283 : vector<32xbf16>
        %unpack3A_285 = tpu.unpack_subelements %mul3A_284, 0 {pack_format = #tpu.pack_format<interleaved>} : vector<32xbf16> -> vector<16xf32>
        %unpack3A_286 = tpu.unpack_subelements %mul3A_284, 1 {pack_format = #tpu.pack_format<interleaved>} : vector<32xbf16> -> vector<16xf32>
        %add3A_287 = arith.addf %add3A_271, %unpack3A_285 : vector<16xf32>
        %add3A_288 = arith.addf %add3A_287, %unpack3A_286 : vector<16xf32>
        %add3A_289 = arith.constant 1 : i32
        %add3A_290 = arith.addi %add3A_173, %add3A_289 : i32
        %get3A_291 = arith.index_cast %add3A_290 : i32 to index
        %get3A_292 = arith.constant 48 : index
        %get3A_293 = tpu.vector_load %arg11[%get3A_291, %get3A_292] {strides = array<i32>} : memref<200x64xi32, #tpu.memory_space<vmem>>, vector<16xi32>,
        %add3A_294 = arith.constant 1 : i32
        %add3A_295 = arith.addi %add3A_173, %add3A_294 : i32
        %get3A_296 = arith.index_cast %add3A_295 : i32 to index
        %get3A_297 = arith.constant 48 : index
        %get3A_298 = tpu.vector_load %arg12[%get3A_296, %get3A_297] {strides = array<i32>} : memref<200x64xi32, #tpu.memory_space<vmem>>, vector<16xi32>,
        %bitcast3A_299 = vector.bitcast %get3A_293 : vector<16xi32> to vector<32xbf16>
        %bitcast3A_300 = vector.bitcast %get3A_298 : vector<16xi32> to vector<32xbf16>
        %mul3A_301 = arith.mulf %bitcast3A_299, %bitcast3A_300 : vector<32xbf16>
        %unpack3A_302 = tpu.unpack_subelements %mul3A_301, 0 {pack_format = #tpu.pack_format<interleaved>} : vector<32xbf16> -> vector<16xf32>
        %unpack3A_303 = tpu.unpack_subelements %mul3A_301, 1 {pack_format = #tpu.pack_format<interleaved>} : vector<32xbf16> -> vector<16xf32>
        %add3A_304 = arith.addf %add3A_288, %unpack3A_302 : vector<16xf32>
        %add3A_305 = arith.addf %add3A_304, %unpack3A_303 : vector<16xf32>
        %add3A_306 = arith.constant 2 : i32
        %add3A_307 = arith.addi %add3A_173, %add3A_306 : i32
        %get3A_308 = arith.index_cast %add3A_307 : i32 to index
        %get3A_309 = arith.constant 0 : index
        %get3A_310 = tpu.vector_load %arg11[%get3A_308, %get3A_309] {strides = array<i32>} : memref<200x64xi32, #tpu.memory_space<vmem>>, vector<16xi32>,
        %add3A_311 = arith.constant 2 : i32
        %add3A_312 = arith.addi %add3A_173, %add3A_311 : i32
        %get3A_313 = arith.index_cast %add3A_312 : i32 to index
        %get3A_314 = arith.constant 0 : index
        %get3A_315 = tpu.vector_load %arg12[%get3A_313, %get3A_314] {strides = array<i32>} : memref<200x64xi32, #tpu.memory_space<vmem>>, vector<16xi32>,
        %bitcast3A_316 = vector.bitcast %get3A_310 : vector<16xi32> to vector<32xbf16>
        %bitcast3A_317 = vector.bitcast %get3A_315 : vector<16xi32> to vector<32xbf16>
        %mul3A_318 = arith.mulf %bitcast3A_316, %bitcast3A_317 : vector<32xbf16>
        %unpack3A_319 = tpu.unpack_subelements %mul3A_318, 0 {pack_format = #tpu.pack_format<interleaved>} : vector<32xbf16> -> vector<16xf32>
        %unpack3A_320 = tpu.unpack_subelements %mul3A_318, 1 {pack_format = #tpu.pack_format<interleaved>} : vector<32xbf16> -> vector<16xf32>
        %add3A_321 = arith.addf %unpack3A_319, %unpack3A_320 : vector<16xf32>
        %add3A_322 = arith.constant 2 : i32
        %add3A_323 = arith.addi %add3A_173, %add3A_322 : i32
        %get3A_324 = arith.index_cast %add3A_323 : i32 to index
        %get3A_325 = arith.constant 16 : index
        %get3A_326 = tpu.vector_load %arg11[%get3A_324, %get3A_325] {strides = array<i32>} : memref<200x64xi32, #tpu.memory_space<vmem>>, vector<16xi32>,
        %add3A_327 = arith.constant 2 : i32
        %add3A_328 = arith.addi %add3A_173, %add3A_327 : i32
        %get3A_329 = arith.index_cast %add3A_328 : i32 to index
        %get3A_330 = arith.constant 16 : index
        %get3A_331 = tpu.vector_load %arg12[%get3A_329, %get3A_330] {strides = array<i32>} : memref<200x64xi32, #tpu.memory_space<vmem>>, vector<16xi32>,
        %bitcast3A_332 = vector.bitcast %get3A_326 : vector<16xi32> to vector<32xbf16>
        %bitcast3A_333 = vector.bitcast %get3A_331 : vector<16xi32> to vector<32xbf16>
        %mul3A_334 = arith.mulf %bitcast3A_332, %bitcast3A_333 : vector<32xbf16>
        %unpack3A_335 = tpu.unpack_subelements %mul3A_334, 0 {pack_format = #tpu.pack_format<interleaved>} : vector<32xbf16> -> vector<16xf32>
        %unpack3A_336 = tpu.unpack_subelements %mul3A_334, 1 {pack_format = #tpu.pack_format<interleaved>} : vector<32xbf16> -> vector<16xf32>
        %add3A_337 = arith.addf %add3A_321, %unpack3A_335 : vector<16xf32>
        %add3A_338 = arith.addf %add3A_337, %unpack3A_336 : vector<16xf32>
        %add3A_339 = arith.constant 2 : i32
        %add3A_340 = arith.addi %add3A_173, %add3A_339 : i32
        %get3A_341 = arith.index_cast %add3A_340 : i32 to index
        %get3A_342 = arith.constant 32 : index
        %get3A_343 = tpu.vector_load %arg11[%get3A_341, %get3A_342] {strides = array<i32>} : memref<200x64xi32, #tpu.memory_space<vmem>>, vector<16xi32>,
        %add3A_344 = arith.constant 2 : i32
        %add3A_345 = arith.addi %add3A_173, %add3A_344 : i32
        %get3A_346 = arith.index_cast %add3A_345 : i32 to index
        %get3A_347 = arith.constant 32 : index
        %get3A_348 = tpu.vector_load %arg12[%get3A_346, %get3A_347] {strides = array<i32>} : memref<200x64xi32, #tpu.memory_space<vmem>>, vector<16xi32>,
        %bitcast3A_349 = vector.bitcast %get3A_343 : vector<16xi32> to vector<32xbf16>
        %bitcast3A_350 = vector.bitcast %get3A_348 : vector<16xi32> to vector<32xbf16>
        %mul3A_351 = arith.mulf %bitcast3A_349, %bitcast3A_350 : vector<32xbf16>
        %unpack3A_352 = tpu.unpack_subelements %mul3A_351, 0 {pack_format = #tpu.pack_format<interleaved>} : vector<32xbf16> -> vector<16xf32>
        %unpack3A_353 = tpu.unpack_subelements %mul3A_351, 1 {pack_format = #tpu.pack_format<interleaved>} : vector<32xbf16> -> vector<16xf32>
        %add3A_354 = arith.addf %add3A_338, %unpack3A_352 : vector<16xf32>
        %add3A_355 = arith.addf %add3A_354, %unpack3A_353 : vector<16xf32>
        %add3A_356 = arith.constant 2 : i32
        %add3A_357 = arith.addi %add3A_173, %add3A_356 : i32
        %get3A_358 = arith.index_cast %add3A_357 : i32 to index
        %get3A_359 = arith.constant 48 : index
        %get3A_360 = tpu.vector_load %arg11[%get3A_358, %get3A_359] {strides = array<i32>} : memref<200x64xi32, #tpu.memory_space<vmem>>, vector<16xi32>,
        %add3A_361 = arith.constant 2 : i32
        %add3A_362 = arith.addi %add3A_173, %add3A_361 : i32
        %get3A_363 = arith.index_cast %add3A_362 : i32 to index
        %get3A_364 = arith.constant 48 : index
        %get3A_365 = tpu.vector_load %arg12[%get3A_363, %get3A_364] {strides = array<i32>} : memref<200x64xi32, #tpu.memory_space<vmem>>, vector<16xi32>,
        %bitcast3A_366 = vector.bitcast %get3A_360 : vector<16xi32> to vector<32xbf16>
        %bitcast3A_367 = vector.bitcast %get3A_365 : vector<16xi32> to vector<32xbf16>
        %mul3A_368 = arith.mulf %bitcast3A_366, %bitcast3A_367 : vector<32xbf16>
        %unpack3A_369 = tpu.unpack_subelements %mul3A_368, 0 {pack_format = #tpu.pack_format<interleaved>} : vector<32xbf16> -> vector<16xf32>
        %unpack3A_370 = tpu.unpack_subelements %mul3A_368, 1 {pack_format = #tpu.pack_format<interleaved>} : vector<32xbf16> -> vector<16xf32>
        %add3A_371 = arith.addf %add3A_355, %unpack3A_369 : vector<16xf32>
        %add3A_372 = arith.addf %add3A_371, %unpack3A_370 : vector<16xf32>
        %add3A_373 = arith.constant 3 : i32
        %add3A_374 = arith.addi %add3A_173, %add3A_373 : i32
        %get3A_375 = arith.index_cast %add3A_374 : i32 to index
        %get3A_376 = arith.constant 0 : index
        %get3A_377 = tpu.vector_load %arg11[%get3A_375, %get3A_376] {strides = array<i32>} : memref<200x64xi32, #tpu.memory_space<vmem>>, vector<16xi32>,
        %add3A_378 = arith.constant 3 : i32
        %add3A_379 = arith.addi %add3A_173, %add3A_378 : i32
        %get3A_380 = arith.index_cast %add3A_379 : i32 to index
        %get3A_381 = arith.constant 0 : index
        %get3A_382 = tpu.vector_load %arg12[%get3A_380, %get3A_381] {strides = array<i32>} : memref<200x64xi32, #tpu.memory_space<vmem>>, vector<16xi32>,
        %bitcast3A_383 = vector.bitcast %get3A_377 : vector<16xi32> to vector<32xbf16>
        %bitcast3A_384 = vector.bitcast %get3A_382 : vector<16xi32> to vector<32xbf16>
        %mul3A_385 = arith.mulf %bitcast3A_383, %bitcast3A_384 : vector<32xbf16>
        %unpack3A_386 = tpu.unpack_subelements %mul3A_385, 0 {pack_format = #tpu.pack_format<interleaved>} : vector<32xbf16> -> vector<16xf32>
        %unpack3A_387 = tpu.unpack_subelements %mul3A_385, 1 {pack_format = #tpu.pack_format<interleaved>} : vector<32xbf16> -> vector<16xf32>
        %add3A_388 = arith.addf %unpack3A_386, %unpack3A_387 : vector<16xf32>
        %add3A_389 = arith.constant 3 : i32
        %add3A_390 = arith.addi %add3A_173, %add3A_389 : i32
        %get3A_391 = arith.index_cast %add3A_390 : i32 to index
        %get3A_392 = arith.constant 16 : index
        %get3A_393 = tpu.vector_load %arg11[%get3A_391, %get3A_392] {strides = array<i32>} : memref<200x64xi32, #tpu.memory_space<vmem>>, vector<16xi32>,
        %add3A_394 = arith.constant 3 : i32
        %add3A_395 = arith.addi %add3A_173, %add3A_394 : i32
        %get3A_396 = arith.index_cast %add3A_395 : i32 to index
        %get3A_397 = arith.constant 16 : index
        %get3A_398 = tpu.vector_load %arg12[%get3A_396, %get3A_397] {strides = array<i32>} : memref<200x64xi32, #tpu.memory_space<vmem>>, vector<16xi32>,
        %bitcast3A_399 = vector.bitcast %get3A_393 : vector<16xi32> to vector<32xbf16>
        %bitcast3A_400 = vector.bitcast %get3A_398 : vector<16xi32> to vector<32xbf16>
        %mul3A_401 = arith.mulf %bitcast3A_399, %bitcast3A_400 : vector<32xbf16>
        %unpack3A_402 = tpu.unpack_subelements %mul3A_401, 0 {pack_format = #tpu.pack_format<interleaved>} : vector<32xbf16> -> vector<16xf32>
        %unpack3A_403 = tpu.unpack_subelements %mul3A_401, 1 {pack_format = #tpu.pack_format<interleaved>} : vector<32xbf16> -> vector<16xf32>
        %add3A_404 = arith.addf %add3A_388, %unpack3A_402 : vector<16xf32>
        %add3A_405 = arith.addf %add3A_404, %unpack3A_403 : vector<16xf32>
        %add3A_406 = arith.constant 3 : i32
        %add3A_407 = arith.addi %add3A_173, %add3A_406 : i32
        %get3A_408 = arith.index_cast %add3A_407 : i32 to index
        %get3A_409 = arith.constant 32 : index
        %get3A_410 = tpu.vector_load %arg11[%get3A_408, %get3A_409] {strides = array<i32>} : memref<200x64xi32, #tpu.memory_space<vmem>>, vector<16xi32>,
        %add3A_411 = arith.constant 3 : i32
        %add3A_412 = arith.addi %add3A_173, %add3A_411 : i32
        %get3A_413 = arith.index_cast %add3A_412 : i32 to index
        %get3A_414 = arith.constant 32 : index
        %get3A_415 = tpu.vector_load %arg12[%get3A_413, %get3A_414] {strides = array<i32>} : memref<200x64xi32, #tpu.memory_space<vmem>>, vector<16xi32>,
        %bitcast3A_416 = vector.bitcast %get3A_410 : vector<16xi32> to vector<32xbf16>
        %bitcast3A_417 = vector.bitcast %get3A_415 : vector<16xi32> to vector<32xbf16>
        %mul3A_418 = arith.mulf %bitcast3A_416, %bitcast3A_417 : vector<32xbf16>
        %unpack3A_419 = tpu.unpack_subelements %mul3A_418, 0 {pack_format = #tpu.pack_format<interleaved>} : vector<32xbf16> -> vector<16xf32>
        %unpack3A_420 = tpu.unpack_subelements %mul3A_418, 1 {pack_format = #tpu.pack_format<interleaved>} : vector<32xbf16> -> vector<16xf32>
        %add3A_421 = arith.addf %add3A_405, %unpack3A_419 : vector<16xf32>
        %add3A_422 = arith.addf %add3A_421, %unpack3A_420 : vector<16xf32>
        %add3A_423 = arith.constant 3 : i32
        %add3A_424 = arith.addi %add3A_173, %add3A_423 : i32
        %get3A_425 = arith.index_cast %add3A_424 : i32 to index
        %get3A_426 = arith.constant 48 : index
        %get3A_427 = tpu.vector_load %arg11[%get3A_425, %get3A_426] {strides = array<i32>} : memref<200x64xi32, #tpu.memory_space<vmem>>, vector<16xi32>,
        %add3A_428 = arith.constant 3 : i32
        %add3A_429 = arith.addi %add3A_173, %add3A_428 : i32
        %get3A_430 = arith.index_cast %add3A_429 : i32 to index
        %get3A_431 = arith.constant 48 : index
        %get3A_432 = tpu.vector_load %arg12[%get3A_430, %get3A_431] {strides = array<i32>} : memref<200x64xi32, #tpu.memory_space<vmem>>, vector<16xi32>,
        %bitcast3A_433 = vector.bitcast %get3A_427 : vector<16xi32> to vector<32xbf16>
        %bitcast3A_434 = vector.bitcast %get3A_432 : vector<16xi32> to vector<32xbf16>
        %mul3A_435 = arith.mulf %bitcast3A_433, %bitcast3A_434 : vector<32xbf16>
        %unpack3A_436 = tpu.unpack_subelements %mul3A_435, 0 {pack_format = #tpu.pack_format<interleaved>} : vector<32xbf16> -> vector<16xf32>
        %unpack3A_437 = tpu.unpack_subelements %mul3A_435, 1 {pack_format = #tpu.pack_format<interleaved>} : vector<32xbf16> -> vector<16xf32>
        %add3A_438 = arith.addf %add3A_422, %unpack3A_436 : vector<16xf32>
        %add3A_439 = arith.addf %add3A_438, %unpack3A_437 : vector<16xf32>
        %add3A_440 = arith.constant 4 : i32
        %add3A_441 = arith.addi %add3A_173, %add3A_440 : i32
        %get3A_442 = arith.index_cast %add3A_441 : i32 to index
        %get3A_443 = arith.constant 0 : index
        %get3A_444 = tpu.vector_load %arg11[%get3A_442, %get3A_443] {strides = array<i32>} : memref<200x64xi32, #tpu.memory_space<vmem>>, vector<16xi32>,
        %add3A_445 = arith.constant 4 : i32
        %add3A_446 = arith.addi %add3A_173, %add3A_445 : i32
        %get3A_447 = arith.index_cast %add3A_446 : i32 to index
        %get3A_448 = arith.constant 0 : index
        %get3A_449 = tpu.vector_load %arg12[%get3A_447, %get3A_448] {strides = array<i32>} : memref<200x64xi32, #tpu.memory_space<vmem>>, vector<16xi32>,
        %bitcast3A_450 = vector.bitcast %get3A_444 : vector<16xi32> to vector<32xbf16>
        %bitcast3A_451 = vector.bitcast %get3A_449 : vector<16xi32> to vector<32xbf16>
        %mul3A_452 = arith.mulf %bitcast3A_450, %bitcast3A_451 : vector<32xbf16>
        %unpack3A_453 = tpu.unpack_subelements %mul3A_452, 0 {pack_format = #tpu.pack_format<interleaved>} : vector<32xbf16> -> vector<16xf32>
        %unpack3A_454 = tpu.unpack_subelements %mul3A_452, 1 {pack_format = #tpu.pack_format<interleaved>} : vector<32xbf16> -> vector<16xf32>
        %add3A_455 = arith.addf %unpack3A_453, %unpack3A_454 : vector<16xf32>
        %add3A_456 = arith.constant 4 : i32
        %add3A_457 = arith.addi %add3A_173, %add3A_456 : i32
        %get3A_458 = arith.index_cast %add3A_457 : i32 to index
        %get3A_459 = arith.constant 16 : index
        %get3A_460 = tpu.vector_load %arg11[%get3A_458, %get3A_459] {strides = array<i32>} : memref<200x64xi32, #tpu.memory_space<vmem>>, vector<16xi32>,
        %add3A_461 = arith.constant 4 : i32
        %add3A_462 = arith.addi %add3A_173, %add3A_461 : i32
        %get3A_463 = arith.index_cast %add3A_462 : i32 to index
        %get3A_464 = arith.constant 16 : index
        %get3A_465 = tpu.vector_load %arg12[%get3A_463, %get3A_464] {strides = array<i32>} : memref<200x64xi32, #tpu.memory_space<vmem>>, vector<16xi32>,
        %bitcast3A_466 = vector.bitcast %get3A_460 : vector<16xi32> to vector<32xbf16>
        %bitcast3A_467 = vector.bitcast %get3A_465 : vector<16xi32> to vector<32xbf16>
        %mul3A_468 = arith.mulf %bitcast3A_466, %bitcast3A_467 : vector<32xbf16>
        %unpack3A_469 = tpu.unpack_subelements %mul3A_468, 0 {pack_format = #tpu.pack_format<interleaved>} : vector<32xbf16> -> vector<16xf32>
        %unpack3A_470 = tpu.unpack_subelements %mul3A_468, 1 {pack_format = #tpu.pack_format<interleaved>} : vector<32xbf16> -> vector<16xf32>
        %add3A_471 = arith.addf %add3A_455, %unpack3A_469 : vector<16xf32>
        %add3A_472 = arith.addf %add3A_471, %unpack3A_470 : vector<16xf32>
        %add3A_473 = arith.constant 4 : i32
        %add3A_474 = arith.addi %add3A_173, %add3A_473 : i32
        %get3A_475 = arith.index_cast %add3A_474 : i32 to index
        %get3A_476 = arith.constant 32 : index
        %get3A_477 = tpu.vector_load %arg11[%get3A_475, %get3A_476] {strides = array<i32>} : memref<200x64xi32, #tpu.memory_space<vmem>>, vector<16xi32>,
        %add3A_478 = arith.constant 4 : i32
        %add3A_479 = arith.addi %add3A_173, %add3A_478 : i32
        %get3A_480 = arith.index_cast %add3A_479 : i32 to index
        %get3A_481 = arith.constant 32 : index
        %get3A_482 = tpu.vector_load %arg12[%get3A_480, %get3A_481] {strides = array<i32>} : memref<200x64xi32, #tpu.memory_space<vmem>>, vector<16xi32>,
        %bitcast3A_483 = vector.bitcast %get3A_477 : vector<16xi32> to vector<32xbf16>
        %bitcast3A_484 = vector.bitcast %get3A_482 : vector<16xi32> to vector<32xbf16>
        %mul3A_485 = arith.mulf %bitcast3A_483, %bitcast3A_484 : vector<32xbf16>
        %unpack3A_486 = tpu.unpack_subelements %mul3A_485, 0 {pack_format = #tpu.pack_format<interleaved>} : vector<32xbf16> -> vector<16xf32>
        %unpack3A_487 = tpu.unpack_subelements %mul3A_485, 1 {pack_format = #tpu.pack_format<interleaved>} : vector<32xbf16> -> vector<16xf32>
        %add3A_488 = arith.addf %add3A_472, %unpack3A_486 : vector<16xf32>
        %add3A_489 = arith.addf %add3A_488, %unpack3A_487 : vector<16xf32>
        %add3A_490 = arith.constant 4 : i32
        %add3A_491 = arith.addi %add3A_173, %add3A_490 : i32
        %get3A_492 = arith.index_cast %add3A_491 : i32 to index
        %get3A_493 = arith.constant 48 : index
        %get3A_494 = tpu.vector_load %arg11[%get3A_492, %get3A_493] {strides = array<i32>} : memref<200x64xi32, #tpu.memory_space<vmem>>, vector<16xi32>,
        %add3A_495 = arith.constant 4 : i32
        %add3A_496 = arith.addi %add3A_173, %add3A_495 : i32
        %get3A_497 = arith.index_cast %add3A_496 : i32 to index
        %get3A_498 = arith.constant 48 : index
        %get3A_499 = tpu.vector_load %arg12[%get3A_497, %get3A_498] {strides = array<i32>} : memref<200x64xi32, #tpu.memory_space<vmem>>, vector<16xi32>,
        %bitcast3A_500 = vector.bitcast %get3A_494 : vector<16xi32> to vector<32xbf16>
        %bitcast3A_501 = vector.bitcast %get3A_499 : vector<16xi32> to vector<32xbf16>
        %mul3A_502 = arith.mulf %bitcast3A_500, %bitcast3A_501 : vector<32xbf16>
        %unpack3A_503 = tpu.unpack_subelements %mul3A_502, 0 {pack_format = #tpu.pack_format<interleaved>} : vector<32xbf16> -> vector<16xf32>
        %unpack3A_504 = tpu.unpack_subelements %mul3A_502, 1 {pack_format = #tpu.pack_format<interleaved>} : vector<32xbf16> -> vector<16xf32>
        %add3A_505 = arith.addf %add3A_489, %unpack3A_503 : vector<16xf32>
        %add3A_506 = arith.addf %add3A_505, %unpack3A_504 : vector<16xf32>
        %add3A_507 = arith.constant 5 : i32
        %add3A_508 = arith.addi %add3A_173, %add3A_507 : i32
        %get3A_509 = arith.index_cast %add3A_508 : i32 to index
        %get3A_510 = arith.constant 0 : index
        %get3A_511 = tpu.vector_load %arg11[%get3A_509, %get3A_510] {strides = array<i32>} : memref<200x64xi32, #tpu.memory_space<vmem>>, vector<16xi32>,
        %add3A_512 = arith.constant 5 : i32
        %add3A_513 = arith.addi %add3A_173, %add3A_512 : i32
        %get3A_514 = arith.index_cast %add3A_513 : i32 to index
        %get3A_515 = arith.constant 0 : index
        %get3A_516 = tpu.vector_load %arg12[%get3A_514, %get3A_515] {strides = array<i32>} : memref<200x64xi32, #tpu.memory_space<vmem>>, vector<16xi32>,
        %bitcast3A_517 = vector.bitcast %get3A_511 : vector<16xi32> to vector<32xbf16>
        %bitcast3A_518 = vector.bitcast %get3A_516 : vector<16xi32> to vector<32xbf16>
        %mul3A_519 = arith.mulf %bitcast3A_517, %bitcast3A_518 : vector<32xbf16>
        %unpack3A_520 = tpu.unpack_subelements %mul3A_519, 0 {pack_format = #tpu.pack_format<interleaved>} : vector<32xbf16> -> vector<16xf32>
        %unpack3A_521 = tpu.unpack_subelements %mul3A_519, 1 {pack_format = #tpu.pack_format<interleaved>} : vector<32xbf16> -> vector<16xf32>
        %add3A_522 = arith.addf %unpack3A_520, %unpack3A_521 : vector<16xf32>
        %add3A_523 = arith.constant 5 : i32
        %add3A_524 = arith.addi %add3A_173, %add3A_523 : i32
        %get3A_525 = arith.index_cast %add3A_524 : i32 to index
        %get3A_526 = arith.constant 16 : index
        %get3A_527 = tpu.vector_load %arg11[%get3A_525, %get3A_526] {strides = array<i32>} : memref<200x64xi32, #tpu.memory_space<vmem>>, vector<16xi32>,
        %add3A_528 = arith.constant 5 : i32
        %add3A_529 = arith.addi %add3A_173, %add3A_528 : i32
        %get3A_530 = arith.index_cast %add3A_529 : i32 to index
        %get3A_531 = arith.constant 16 : index
        %get3A_532 = tpu.vector_load %arg12[%get3A_530, %get3A_531] {strides = array<i32>} : memref<200x64xi32, #tpu.memory_space<vmem>>, vector<16xi32>,
        %bitcast3A_533 = vector.bitcast %get3A_527 : vector<16xi32> to vector<32xbf16>
        %bitcast3A_534 = vector.bitcast %get3A_532 : vector<16xi32> to vector<32xbf16>
        %mul3A_535 = arith.mulf %bitcast3A_533, %bitcast3A_534 : vector<32xbf16>
        %unpack3A_536 = tpu.unpack_subelements %mul3A_535, 0 {pack_format = #tpu.pack_format<interleaved>} : vector<32xbf16> -> vector<16xf32>
        %unpack3A_537 = tpu.unpack_subelements %mul3A_535, 1 {pack_format = #tpu.pack_format<interleaved>} : vector<32xbf16> -> vector<16xf32>
        %add3A_538 = arith.addf %add3A_522, %unpack3A_536 : vector<16xf32>
        %add3A_539 = arith.addf %add3A_538, %unpack3A_537 : vector<16xf32>
        %add3A_540 = arith.constant 5 : i32
        %add3A_541 = arith.addi %add3A_173, %add3A_540 : i32
        %get3A_542 = arith.index_cast %add3A_541 : i32 to index
        %get3A_543 = arith.constant 32 : index
        %get3A_544 = tpu.vector_load %arg11[%get3A_542, %get3A_543] {strides = array<i32>} : memref<200x64xi32, #tpu.memory_space<vmem>>, vector<16xi32>,
        %add3A_545 = arith.constant 5 : i32
        %add3A_546 = arith.addi %add3A_173, %add3A_545 : i32
        %get3A_547 = arith.index_cast %add3A_546 : i32 to index
        %get3A_548 = arith.constant 32 : index
        %get3A_549 = tpu.vector_load %arg12[%get3A_547, %get3A_548] {strides = array<i32>} : memref<200x64xi32, #tpu.memory_space<vmem>>, vector<16xi32>,
        %bitcast3A_550 = vector.bitcast %get3A_544 : vector<16xi32> to vector<32xbf16>
        %bitcast3A_551 = vector.bitcast %get3A_549 : vector<16xi32> to vector<32xbf16>
        %mul3A_552 = arith.mulf %bitcast3A_550, %bitcast3A_551 : vector<32xbf16>
        %unpack3A_553 = tpu.unpack_subelements %mul3A_552, 0 {pack_format = #tpu.pack_format<interleaved>} : vector<32xbf16> -> vector<16xf32>
        %unpack3A_554 = tpu.unpack_subelements %mul3A_552, 1 {pack_format = #tpu.pack_format<interleaved>} : vector<32xbf16> -> vector<16xf32>
        %add3A_555 = arith.addf %add3A_539, %unpack3A_553 : vector<16xf32>
        %add3A_556 = arith.addf %add3A_555, %unpack3A_554 : vector<16xf32>
        %add3A_557 = arith.constant 5 : i32
        %add3A_558 = arith.addi %add3A_173, %add3A_557 : i32
        %get3A_559 = arith.index_cast %add3A_558 : i32 to index
        %get3A_560 = arith.constant 48 : index
        %get3A_561 = tpu.vector_load %arg11[%get3A_559, %get3A_560] {strides = array<i32>} : memref<200x64xi32, #tpu.memory_space<vmem>>, vector<16xi32>,
        %add3A_562 = arith.constant 5 : i32
        %add3A_563 = arith.addi %add3A_173, %add3A_562 : i32
        %get3A_564 = arith.index_cast %add3A_563 : i32 to index
        %get3A_565 = arith.constant 48 : index
        %get3A_566 = tpu.vector_load %arg12[%get3A_564, %get3A_565] {strides = array<i32>} : memref<200x64xi32, #tpu.memory_space<vmem>>, vector<16xi32>,
        %bitcast3A_567 = vector.bitcast %get3A_561 : vector<16xi32> to vector<32xbf16>
        %bitcast3A_568 = vector.bitcast %get3A_566 : vector<16xi32> to vector<32xbf16>
        %mul3A_569 = arith.mulf %bitcast3A_567, %bitcast3A_568 : vector<32xbf16>
        %unpack3A_570 = tpu.unpack_subelements %mul3A_569, 0 {pack_format = #tpu.pack_format<interleaved>} : vector<32xbf16> -> vector<16xf32>
        %unpack3A_571 = tpu.unpack_subelements %mul3A_569, 1 {pack_format = #tpu.pack_format<interleaved>} : vector<32xbf16> -> vector<16xf32>
        %add3A_572 = arith.addf %add3A_556, %unpack3A_570 : vector<16xf32>
        %add3A_573 = arith.addf %add3A_572, %unpack3A_571 : vector<16xf32>
        %add3A_574 = arith.constant 6 : i32
        %add3A_575 = arith.addi %add3A_173, %add3A_574 : i32
        %get3A_576 = arith.index_cast %add3A_575 : i32 to index
        %get3A_577 = arith.constant 0 : index
        %get3A_578 = tpu.vector_load %arg11[%get3A_576, %get3A_577] {strides = array<i32>} : memref<200x64xi32, #tpu.memory_space<vmem>>, vector<16xi32>,
        %add3A_579 = arith.constant 6 : i32
        %add3A_580 = arith.addi %add3A_173, %add3A_579 : i32
        %get3A_581 = arith.index_cast %add3A_580 : i32 to index
        %get3A_582 = arith.constant 0 : index
        %get3A_583 = tpu.vector_load %arg12[%get3A_581, %get3A_582] {strides = array<i32>} : memref<200x64xi32, #tpu.memory_space<vmem>>, vector<16xi32>,
        %bitcast3A_584 = vector.bitcast %get3A_578 : vector<16xi32> to vector<32xbf16>
        %bitcast3A_585 = vector.bitcast %get3A_583 : vector<16xi32> to vector<32xbf16>
        %mul3A_586 = arith.mulf %bitcast3A_584, %bitcast3A_585 : vector<32xbf16>
        %unpack3A_587 = tpu.unpack_subelements %mul3A_586, 0 {pack_format = #tpu.pack_format<interleaved>} : vector<32xbf16> -> vector<16xf32>
        %unpack3A_588 = tpu.unpack_subelements %mul3A_586, 1 {pack_format = #tpu.pack_format<interleaved>} : vector<32xbf16> -> vector<16xf32>
        %add3A_589 = arith.addf %unpack3A_587, %unpack3A_588 : vector<16xf32>
        %add3A_590 = arith.constant 6 : i32
        %add3A_591 = arith.addi %add3A_173, %add3A_590 : i32
        %get3A_592 = arith.index_cast %add3A_591 : i32 to index
        %get3A_593 = arith.constant 16 : index
        %get3A_594 = tpu.vector_load %arg11[%get3A_592, %get3A_593] {strides = array<i32>} : memref<200x64xi32, #tpu.memory_space<vmem>>, vector<16xi32>,
        %add3A_595 = arith.constant 6 : i32
        %add3A_596 = arith.addi %add3A_173, %add3A_595 : i32
        %get3A_597 = arith.index_cast %add3A_596 : i32 to index
        %get3A_598 = arith.constant 16 : index
        %get3A_599 = tpu.vector_load %arg12[%get3A_597, %get3A_598] {strides = array<i32>} : memref<200x64xi32, #tpu.memory_space<vmem>>, vector<16xi32>,
        %bitcast3A_600 = vector.bitcast %get3A_594 : vector<16xi32> to vector<32xbf16>
        %bitcast3A_601 = vector.bitcast %get3A_599 : vector<16xi32> to vector<32xbf16>
        %mul3A_602 = arith.mulf %bitcast3A_600, %bitcast3A_601 : vector<32xbf16>
        %unpack3A_603 = tpu.unpack_subelements %mul3A_602, 0 {pack_format = #tpu.pack_format<interleaved>} : vector<32xbf16> -> vector<16xf32>
        %unpack3A_604 = tpu.unpack_subelements %mul3A_602, 1 {pack_format = #tpu.pack_format<interleaved>} : vector<32xbf16> -> vector<16xf32>
        %add3A_605 = arith.addf %add3A_589, %unpack3A_603 : vector<16xf32>
        %add3A_606 = arith.addf %add3A_605, %unpack3A_604 : vector<16xf32>
        %add3A_607 = arith.constant 6 : i32
        %add3A_608 = arith.addi %add3A_173, %add3A_607 : i32
        %get3A_609 = arith.index_cast %add3A_608 : i32 to index
        %get3A_610 = arith.constant 32 : index
        %get3A_611 = tpu.vector_load %arg11[%get3A_609, %get3A_610] {strides = array<i32>} : memref<200x64xi32, #tpu.memory_space<vmem>>, vector<16xi32>,
        %add3A_612 = arith.constant 6 : i32
        %add3A_613 = arith.addi %add3A_173, %add3A_612 : i32
        %get3A_614 = arith.index_cast %add3A_613 : i32 to index
        %get3A_615 = arith.constant 32 : index
        %get3A_616 = tpu.vector_load %arg12[%get3A_614, %get3A_615] {strides = array<i32>} : memref<200x64xi32, #tpu.memory_space<vmem>>, vector<16xi32>,
        %bitcast3A_617 = vector.bitcast %get3A_611 : vector<16xi32> to vector<32xbf16>
        %bitcast3A_618 = vector.bitcast %get3A_616 : vector<16xi32> to vector<32xbf16>
        %mul3A_619 = arith.mulf %bitcast3A_617, %bitcast3A_618 : vector<32xbf16>
        %unpack3A_620 = tpu.unpack_subelements %mul3A_619, 0 {pack_format = #tpu.pack_format<interleaved>} : vector<32xbf16> -> vector<16xf32>
        %unpack3A_621 = tpu.unpack_subelements %mul3A_619, 1 {pack_format = #tpu.pack_format<interleaved>} : vector<32xbf16> -> vector<16xf32>
        %add3A_622 = arith.addf %add3A_606, %unpack3A_620 : vector<16xf32>
        %add3A_623 = arith.addf %add3A_622, %unpack3A_621 : vector<16xf32>
        %add3A_624 = arith.constant 6 : i32
        %add3A_625 = arith.addi %add3A_173, %add3A_624 : i32
        %get3A_626 = arith.index_cast %add3A_625 : i32 to index
        %get3A_627 = arith.constant 48 : index
        %get3A_628 = tpu.vector_load %arg11[%get3A_626, %get3A_627] {strides = array<i32>} : memref<200x64xi32, #tpu.memory_space<vmem>>, vector<16xi32>,
        %add3A_629 = arith.constant 6 : i32
        %add3A_630 = arith.addi %add3A_173, %add3A_629 : i32
        %get3A_631 = arith.index_cast %add3A_630 : i32 to index
        %get3A_632 = arith.constant 48 : index
        %get3A_633 = tpu.vector_load %arg12[%get3A_631, %get3A_632] {strides = array<i32>} : memref<200x64xi32, #tpu.memory_space<vmem>>, vector<16xi32>,
        %bitcast3A_634 = vector.bitcast %get3A_628 : vector<16xi32> to vector<32xbf16>
        %bitcast3A_635 = vector.bitcast %get3A_633 : vector<16xi32> to vector<32xbf16>
        %mul3A_636 = arith.mulf %bitcast3A_634, %bitcast3A_635 : vector<32xbf16>
        %unpack3A_637 = tpu.unpack_subelements %mul3A_636, 0 {pack_format = #tpu.pack_format<interleaved>} : vector<32xbf16> -> vector<16xf32>
        %unpack3A_638 = tpu.unpack_subelements %mul3A_636, 1 {pack_format = #tpu.pack_format<interleaved>} : vector<32xbf16> -> vector<16xf32>
        %add3A_639 = arith.addf %add3A_623, %unpack3A_637 : vector<16xf32>
        %add3A_640 = arith.addf %add3A_639, %unpack3A_638 : vector<16xf32>
        %add3A_641 = arith.constant 7 : i32
        %add3A_642 = arith.addi %add3A_173, %add3A_641 : i32
        %get3A_643 = arith.index_cast %add3A_642 : i32 to index
        %get3A_644 = arith.constant 0 : index
        %get3A_645 = tpu.vector_load %arg11[%get3A_643, %get3A_644] {strides = array<i32>} : memref<200x64xi32, #tpu.memory_space<vmem>>, vector<16xi32>,
        %add3A_646 = arith.constant 7 : i32
        %add3A_647 = arith.addi %add3A_173, %add3A_646 : i32
        %get3A_648 = arith.index_cast %add3A_647 : i32 to index
        %get3A_649 = arith.constant 0 : index
        %get3A_650 = tpu.vector_load %arg12[%get3A_648, %get3A_649] {strides = array<i32>} : memref<200x64xi32, #tpu.memory_space<vmem>>, vector<16xi32>,
        %bitcast3A_651 = vector.bitcast %get3A_645 : vector<16xi32> to vector<32xbf16>
        %bitcast3A_652 = vector.bitcast %get3A_650 : vector<16xi32> to vector<32xbf16>
        %mul3A_653 = arith.mulf %bitcast3A_651, %bitcast3A_652 : vector<32xbf16>
        %unpack3A_654 = tpu.unpack_subelements %mul3A_653, 0 {pack_format = #tpu.pack_format<interleaved>} : vector<32xbf16> -> vector<16xf32>
        %unpack3A_655 = tpu.unpack_subelements %mul3A_653, 1 {pack_format = #tpu.pack_format<interleaved>} : vector<32xbf16> -> vector<16xf32>
        %add3A_656 = arith.addf %unpack3A_654, %unpack3A_655 : vector<16xf32>
        %add3A_657 = arith.constant 7 : i32
        %add3A_658 = arith.addi %add3A_173, %add3A_657 : i32
        %get3A_659 = arith.index_cast %add3A_658 : i32 to index
        %get3A_660 = arith.constant 16 : index
        %get3A_661 = tpu.vector_load %arg11[%get3A_659, %get3A_660] {strides = array<i32>} : memref<200x64xi32, #tpu.memory_space<vmem>>, vector<16xi32>,
        %add3A_662 = arith.constant 7 : i32
        %add3A_663 = arith.addi %add3A_173, %add3A_662 : i32
        %get3A_664 = arith.index_cast %add3A_663 : i32 to index
        %get3A_665 = arith.constant 16 : index
        %get3A_666 = tpu.vector_load %arg12[%get3A_664, %get3A_665] {strides = array<i32>} : memref<200x64xi32, #tpu.memory_space<vmem>>, vector<16xi32>,
        %bitcast3A_667 = vector.bitcast %get3A_661 : vector<16xi32> to vector<32xbf16>
        %bitcast3A_668 = vector.bitcast %get3A_666 : vector<16xi32> to vector<32xbf16>
        %mul3A_669 = arith.mulf %bitcast3A_667, %bitcast3A_668 : vector<32xbf16>
        %unpack3A_670 = tpu.unpack_subelements %mul3A_669, 0 {pack_format = #tpu.pack_format<interleaved>} : vector<32xbf16> -> vector<16xf32>
        %unpack3A_671 = tpu.unpack_subelements %mul3A_669, 1 {pack_format = #tpu.pack_format<interleaved>} : vector<32xbf16> -> vector<16xf32>
        %add3A_672 = arith.addf %add3A_656, %unpack3A_670 : vector<16xf32>
        %add3A_673 = arith.addf %add3A_672, %unpack3A_671 : vector<16xf32>
        %add3A_674 = arith.constant 7 : i32
        %add3A_675 = arith.addi %add3A_173, %add3A_674 : i32
        %get3A_676 = arith.index_cast %add3A_675 : i32 to index
        %get3A_677 = arith.constant 32 : index
        %get3A_678 = tpu.vector_load %arg11[%get3A_676, %get3A_677] {strides = array<i32>} : memref<200x64xi32, #tpu.memory_space<vmem>>, vector<16xi32>,
        %add3A_679 = arith.constant 7 : i32
        %add3A_680 = arith.addi %add3A_173, %add3A_679 : i32
        %get3A_681 = arith.index_cast %add3A_680 : i32 to index
        %get3A_682 = arith.constant 32 : index
        %get3A_683 = tpu.vector_load %arg12[%get3A_681, %get3A_682] {strides = array<i32>} : memref<200x64xi32, #tpu.memory_space<vmem>>, vector<16xi32>,
        %bitcast3A_684 = vector.bitcast %get3A_678 : vector<16xi32> to vector<32xbf16>
        %bitcast3A_685 = vector.bitcast %get3A_683 : vector<16xi32> to vector<32xbf16>
        %mul3A_686 = arith.mulf %bitcast3A_684, %bitcast3A_685 : vector<32xbf16>
        %unpack3A_687 = tpu.unpack_subelements %mul3A_686, 0 {pack_format = #tpu.pack_format<interleaved>} : vector<32xbf16> -> vector<16xf32>
        %unpack3A_688 = tpu.unpack_subelements %mul3A_686, 1 {pack_format = #tpu.pack_format<interleaved>} : vector<32xbf16> -> vector<16xf32>
        %add3A_689 = arith.addf %add3A_673, %unpack3A_687 : vector<16xf32>
        %add3A_690 = arith.addf %add3A_689, %unpack3A_688 : vector<16xf32>
        %add3A_691 = arith.constant 7 : i32
        %add3A_692 = arith.addi %add3A_173, %add3A_691 : i32
        %get3A_693 = arith.index_cast %add3A_692 : i32 to index
        %get3A_694 = arith.constant 48 : index
        %get3A_695 = tpu.vector_load %arg11[%get3A_693, %get3A_694] {strides = array<i32>} : memref<200x64xi32, #tpu.memory_space<vmem>>, vector<16xi32>,
        %add3A_696 = arith.constant 7 : i32
        %add3A_697 = arith.addi %add3A_173, %add3A_696 : i32
        %get3A_698 = arith.index_cast %add3A_697 : i32 to index
        %get3A_699 = arith.constant 48 : index
        %get3A_700 = tpu.vector_load %arg12[%get3A_698, %get3A_699] {strides = array<i32>} : memref<200x64xi32, #tpu.memory_space<vmem>>, vector<16xi32>,
        %bitcast3A_701 = vector.bitcast %get3A_695 : vector<16xi32> to vector<32xbf16>
        %bitcast3A_702 = vector.bitcast %get3A_700 : vector<16xi32> to vector<32xbf16>
        %mul3A_703 = arith.mulf %bitcast3A_701, %bitcast3A_702 : vector<32xbf16>
        %unpack3A_704 = tpu.unpack_subelements %mul3A_703, 0 {pack_format = #tpu.pack_format<interleaved>} : vector<32xbf16> -> vector<16xf32>
        %unpack3A_705 = tpu.unpack_subelements %mul3A_703, 1 {pack_format = #tpu.pack_format<interleaved>} : vector<32xbf16> -> vector<16xf32>
        %add3A_706 = arith.addf %add3A_690, %unpack3A_704 : vector<16xf32>
        %add3A_707 = arith.addf %add3A_706, %unpack3A_705 : vector<16xf32>
        %broadcast_in_dim3A = vector.shape_cast %xor3A_4 : vector<16xi32> to vector<16x1xi32>
        %gather3A = vector.shape_cast %broadcast_in_dim3A : vector<16x1xi32> to vector<16xi32>
        %gather3A_708 = tpu.dynamic_gather %add3A_238[%gather3A] in [0] : vector<16xf32>, vector<16xi32> -> vector<16xf32>
        %add3A_709 = arith.addf %add3A_238, %gather3A_708 : vector<16xf32>
        %broadcast_in_dim3A_710 = vector.shape_cast %xor3A_7 : vector<16xi32> to vector<16x1xi32>
        %gather3A_711 = vector.shape_cast %broadcast_in_dim3A_710 : vector<16x1xi32> to vector<16xi32>
        %gather3A_712 = tpu.dynamic_gather %add3A_709[%gather3A_711] in [0] : vector<16xf32>, vector<16xi32> -> vector<16xf32>
        %add3A_713 = arith.addf %add3A_709, %gather3A_712 : vector<16xf32>
        %broadcast_in_dim3A_714 = vector.shape_cast %xor3A_10 : vector<16xi32> to vector<16x1xi32>
        %gather3A_715 = vector.shape_cast %broadcast_in_dim3A_714 : vector<16x1xi32> to vector<16xi32>
        %gather3A_716 = tpu.dynamic_gather %add3A_713[%gather3A_715] in [0] : vector<16xf32>, vector<16xi32> -> vector<16xf32>
        %add3A_717 = arith.addf %add3A_713, %gather3A_716 : vector<16xf32>
        %broadcast_in_dim3A_718 = vector.shape_cast %xor3A_13 : vector<16xi32> to vector<16x1xi32>
        %gather3A_719 = vector.shape_cast %broadcast_in_dim3A_718 : vector<16x1xi32> to vector<16xi32>
        %gather3A_720 = tpu.dynamic_gather %add3A_717[%gather3A_719] in [0] : vector<16xf32>, vector<16xi32> -> vector<16xf32>
        %add3A_721 = arith.addf %add3A_717, %gather3A_720 : vector<16xf32>
        %add3A_722 = arith.constant 0 : i32
        %add3A_723 = arith.addi %add3A_174, %add3A_722 : i32
        %broadcast_in_dim3A_724 = vector.broadcast %add3A_723 : i32 to vector<16xi32>
        tpu.vector_store_idx %arg10[%broadcast_in_dim3A_724], %add3A_721 masked %eq3A_15 : memref<10000xf32, #tpu.memory_space<vmem>>[vector<16xi32>], vector<16xf32>, vector<16xi1>
        %broadcast_in_dim3A_725 = vector.shape_cast %xor3A_4 : vector<16xi32> to vector<16x1xi32>
        %gather3A_726 = vector.shape_cast %broadcast_in_dim3A_725 : vector<16x1xi32> to vector<16xi32>
        %gather3A_727 = tpu.dynamic_gather %add3A_305[%gather3A_726] in [0] : vector<16xf32>, vector<16xi32> -> vector<16xf32>
        %add3A_728 = arith.addf %add3A_305, %gather3A_727 : vector<16xf32>
        %broadcast_in_dim3A_729 = vector.shape_cast %xor3A_7 : vector<16xi32> to vector<16x1xi32>
        %gather3A_730 = vector.shape_cast %broadcast_in_dim3A_729 : vector<16x1xi32> to vector<16xi32>
        %gather3A_731 = tpu.dynamic_gather %add3A_728[%gather3A_730] in [0] : vector<16xf32>, vector<16xi32> -> vector<16xf32>
        %add3A_732 = arith.addf %add3A_728, %gather3A_731 : vector<16xf32>
        %broadcast_in_dim3A_733 = vector.shape_cast %xor3A_10 : vector<16xi32> to vector<16x1xi32>
        %gather3A_734 = vector.shape_cast %broadcast_in_dim3A_733 : vector<16x1xi32> to vector<16xi32>
        %gather3A_735 = tpu.dynamic_gather %add3A_732[%gather3A_734] in [0] : vector<16xf32>, vector<16xi32> -> vector<16xf32>
        %add3A_736 = arith.addf %add3A_732, %gather3A_735 : vector<16xf32>
        %broadcast_in_dim3A_737 = vector.shape_cast %xor3A_13 : vector<16xi32> to vector<16x1xi32>
        %gather3A_738 = vector.shape_cast %broadcast_in_dim3A_737 : vector<16x1xi32> to vector<16xi32>
        %gather3A_739 = tpu.dynamic_gather %add3A_736[%gather3A_738] in [0] : vector<16xf32>, vector<16xi32> -> vector<16xf32>
        %add3A_740 = arith.addf %add3A_736, %gather3A_739 : vector<16xf32>
        %add3A_741 = arith.constant 1 : i32
        %add3A_742 = arith.addi %add3A_174, %add3A_741 : i32
        %broadcast_in_dim3A_743 = vector.broadcast %add3A_742 : i32 to vector<16xi32>
        tpu.vector_store_idx %arg10[%broadcast_in_dim3A_743], %add3A_740 masked %eq3A_15 : memref<10000xf32, #tpu.memory_space<vmem>>[vector<16xi32>], vector<16xf32>, vector<16xi1>
        %broadcast_in_dim3A_744 = vector.shape_cast %xor3A_4 : vector<16xi32> to vector<16x1xi32>
        %gather3A_745 = vector.shape_cast %broadcast_in_dim3A_744 : vector<16x1xi32> to vector<16xi32>
        %gather3A_746 = tpu.dynamic_gather %add3A_372[%gather3A_745] in [0] : vector<16xf32>, vector<16xi32> -> vector<16xf32>
        %add3A_747 = arith.addf %add3A_372, %gather3A_746 : vector<16xf32>
        %broadcast_in_dim3A_748 = vector.shape_cast %xor3A_7 : vector<16xi32> to vector<16x1xi32>
        %gather3A_749 = vector.shape_cast %broadcast_in_dim3A_748 : vector<16x1xi32> to vector<16xi32>
        %gather3A_750 = tpu.dynamic_gather %add3A_747[%gather3A_749] in [0] : vector<16xf32>, vector<16xi32> -> vector<16xf32>
        %add3A_751 = arith.addf %add3A_747, %gather3A_750 : vector<16xf32>
        %broadcast_in_dim3A_752 = vector.shape_cast %xor3A_10 : vector<16xi32> to vector<16x1xi32>
        %gather3A_753 = vector.shape_cast %broadcast_in_dim3A_752 : vector<16x1xi32> to vector<16xi32>
        %gather3A_754 = tpu.dynamic_gather %add3A_751[%gather3A_753] in [0] : vector<16xf32>, vector<16xi32> -> vector<16xf32>
        %add3A_755 = arith.addf %add3A_751, %gather3A_754 : vector<16xf32>
        %broadcast_in_dim3A_756 = vector.shape_cast %xor3A_13 : vector<16xi32> to vector<16x1xi32>
        %gather3A_757 = vector.shape_cast %broadcast_in_dim3A_756 : vector<16x1xi32> to vector<16xi32>
        %gather3A_758 = tpu.dynamic_gather %add3A_755[%gather3A_757] in [0] : vector<16xf32>, vector<16xi32> -> vector<16xf32>
        %add3A_759 = arith.addf %add3A_755, %gather3A_758 : vector<16xf32>
        %add3A_760 = arith.constant 2 : i32
        %add3A_761 = arith.addi %add3A_174, %add3A_760 : i32
        %broadcast_in_dim3A_762 = vector.broadcast %add3A_761 : i32 to vector<16xi32>
        tpu.vector_store_idx %arg10[%broadcast_in_dim3A_762], %add3A_759 masked %eq3A_15 : memref<10000xf32, #tpu.memory_space<vmem>>[vector<16xi32>], vector<16xf32>, vector<16xi1>
        %broadcast_in_dim3A_763 = vector.shape_cast %xor3A_4 : vector<16xi32> to vector<16x1xi32>
        %gather3A_764 = vector.shape_cast %broadcast_in_dim3A_763 : vector<16x1xi32> to vector<16xi32>
        %gather3A_765 = tpu.dynamic_gather %add3A_439[%gather3A_764] in [0] : vector<16xf32>, vector<16xi32> -> vector<16xf32>
        %add3A_766 = arith.addf %add3A_439, %gather3A_765 : vector<16xf32>
        %broadcast_in_dim3A_767 = vector.shape_cast %xor3A_7 : vector<16xi32> to vector<16x1xi32>
        %gather3A_768 = vector.shape_cast %broadcast_in_dim3A_767 : vector<16x1xi32> to vector<16xi32>
        %gather3A_769 = tpu.dynamic_gather %add3A_766[%gather3A_768] in [0] : vector<16xf32>, vector<16xi32> -> vector<16xf32>
        %add3A_770 = arith.addf %add3A_766, %gather3A_769 : vector<16xf32>
        %broadcast_in_dim3A_771 = vector.shape_cast %xor3A_10 : vector<16xi32> to vector<16x1xi32>
        %gather3A_772 = vector.shape_cast %broadcast_in_dim3A_771 : vector<16x1xi32> to vector<16xi32>
        %gather3A_773 = tpu.dynamic_gather %add3A_770[%gather3A_772] in [0] : vector<16xf32>, vector<16xi32> -> vector<16xf32>
        %add3A_774 = arith.addf %add3A_770, %gather3A_773 : vector<16xf32>
        %broadcast_in_dim3A_775 = vector.shape_cast %xor3A_13 : vector<16xi32> to vector<16x1xi32>
        %gather3A_776 = vector.shape_cast %broadcast_in_dim3A_775 : vector<16x1xi32> to vector<16xi32>
        %gather3A_777 = tpu.dynamic_gather %add3A_774[%gather3A_776] in [0] : vector<16xf32>, vector<16xi32> -> vector<16xf32>
        %add3A_778 = arith.addf %add3A_774, %gather3A_777 : vector<16xf32>
        %add3A_779 = arith.constant 3 : i32
        %add3A_780 = arith.addi %add3A_174, %add3A_779 : i32
        %broadcast_in_dim3A_781 = vector.broadcast %add3A_780 : i32 to vector<16xi32>
        tpu.vector_store_idx %arg10[%broadcast_in_dim3A_781], %add3A_778 masked %eq3A_15 : memref<10000xf32, #tpu.memory_space<vmem>>[vector<16xi32>], vector<16xf32>, vector<16xi1>
        %broadcast_in_dim3A_782 = vector.shape_cast %xor3A_4 : vector<16xi32> to vector<16x1xi32>
        %gather3A_783 = vector.shape_cast %broadcast_in_dim3A_782 : vector<16x1xi32> to vector<16xi32>
        %gather3A_784 = tpu.dynamic_gather %add3A_506[%gather3A_783] in [0] : vector<16xf32>, vector<16xi32> -> vector<16xf32>
        %add3A_785 = arith.addf %add3A_506, %gather3A_784 : vector<16xf32>
        %broadcast_in_dim3A_786 = vector.shape_cast %xor3A_7 : vector<16xi32> to vector<16x1xi32>
        %gather3A_787 = vector.shape_cast %broadcast_in_dim3A_786 : vector<16x1xi32> to vector<16xi32>
        %gather3A_788 = tpu.dynamic_gather %add3A_785[%gather3A_787] in [0] : vector<16xf32>, vector<16xi32> -> vector<16xf32>
        %add3A_789 = arith.addf %add3A_785, %gather3A_788 : vector<16xf32>
        %broadcast_in_dim3A_790 = vector.shape_cast %xor3A_10 : vector<16xi32> to vector<16x1xi32>
        %gather3A_791 = vector.shape_cast %broadcast_in_dim3A_790 : vector<16x1xi32> to vector<16xi32>
        %gather3A_792 = tpu.dynamic_gather %add3A_789[%gather3A_791] in [0] : vector<16xf32>, vector<16xi32> -> vector<16xf32>
        %add3A_793 = arith.addf %add3A_789, %gather3A_792 : vector<16xf32>
        %broadcast_in_dim3A_794 = vector.shape_cast %xor3A_13 : vector<16xi32> to vector<16x1xi32>
        %gather3A_795 = vector.shape_cast %broadcast_in_dim3A_794 : vector<16x1xi32> to vector<16xi32>
        %gather3A_796 = tpu.dynamic_gather %add3A_793[%gather3A_795] in [0] : vector<16xf32>, vector<16xi32> -> vector<16xf32>
        %add3A_797 = arith.addf %add3A_793, %gather3A_796 : vector<16xf32>
        %add3A_798 = arith.constant 4 : i32
        %add3A_799 = arith.addi %add3A_174, %add3A_798 : i32
        %broadcast_in_dim3A_800 = vector.broadcast %add3A_799 : i32 to vector<16xi32>
        tpu.vector_store_idx %arg10[%broadcast_in_dim3A_800], %add3A_797 masked %eq3A_15 : memref<10000xf32, #tpu.memory_space<vmem>>[vector<16xi32>], vector<16xf32>, vector<16xi1>
        %broadcast_in_dim3A_801 = vector.shape_cast %xor3A_4 : vector<16xi32> to vector<16x1xi32>
        %gather3A_802 = vector.shape_cast %broadcast_in_dim3A_801 : vector<16x1xi32> to vector<16xi32>
        %gather3A_803 = tpu.dynamic_gather %add3A_573[%gather3A_802] in [0] : vector<16xf32>, vector<16xi32> -> vector<16xf32>
        %add3A_804 = arith.addf %add3A_573, %gather3A_803 : vector<16xf32>
        %broadcast_in_dim3A_805 = vector.shape_cast %xor3A_7 : vector<16xi32> to vector<16x1xi32>
        %gather3A_806 = vector.shape_cast %broadcast_in_dim3A_805 : vector<16x1xi32> to vector<16xi32>
        %gather3A_807 = tpu.dynamic_gather %add3A_804[%gather3A_806] in [0] : vector<16xf32>, vector<16xi32> -> vector<16xf32>
        %add3A_808 = arith.addf %add3A_804, %gather3A_807 : vector<16xf32>
        %broadcast_in_dim3A_809 = vector.shape_cast %xor3A_10 : vector<16xi32> to vector<16x1xi32>
        %gather3A_810 = vector.shape_cast %broadcast_in_dim3A_809 : vector<16x1xi32> to vector<16xi32>
        %gather3A_811 = tpu.dynamic_gather %add3A_808[%gather3A_810] in [0] : vector<16xf32>, vector<16xi32> -> vector<16xf32>
        %add3A_812 = arith.addf %add3A_808, %gather3A_811 : vector<16xf32>
        %broadcast_in_dim3A_813 = vector.shape_cast %xor3A_13 : vector<16xi32> to vector<16x1xi32>
        %gather3A_814 = vector.shape_cast %broadcast_in_dim3A_813 : vector<16x1xi32> to vector<16xi32>
        %gather3A_815 = tpu.dynamic_gather %add3A_812[%gather3A_814] in [0] : vector<16xf32>, vector<16xi32> -> vector<16xf32>
        %add3A_816 = arith.addf %add3A_812, %gather3A_815 : vector<16xf32>
        %add3A_817 = arith.constant 5 : i32
        %add3A_818 = arith.addi %add3A_174, %add3A_817 : i32
        %broadcast_in_dim3A_819 = vector.broadcast %add3A_818 : i32 to vector<16xi32>
        tpu.vector_store_idx %arg10[%broadcast_in_dim3A_819], %add3A_816 masked %eq3A_15 : memref<10000xf32, #tpu.memory_space<vmem>>[vector<16xi32>], vector<16xf32>, vector<16xi1>
        %broadcast_in_dim3A_820 = vector.shape_cast %xor3A_4 : vector<16xi32> to vector<16x1xi32>
        %gather3A_821 = vector.shape_cast %broadcast_in_dim3A_820 : vector<16x1xi32> to vector<16xi32>
        %gather3A_822 = tpu.dynamic_gather %add3A_640[%gather3A_821] in [0] : vector<16xf32>, vector<16xi32> -> vector<16xf32>
        %add3A_823 = arith.addf %add3A_640, %gather3A_822 : vector<16xf32>
        %broadcast_in_dim3A_824 = vector.shape_cast %xor3A_7 : vector<16xi32> to vector<16x1xi32>
        %gather3A_825 = vector.shape_cast %broadcast_in_dim3A_824 : vector<16x1xi32> to vector<16xi32>
        %gather3A_826 = tpu.dynamic_gather %add3A_823[%gather3A_825] in [0] : vector<16xf32>, vector<16xi32> -> vector<16xf32>
        %add3A_827 = arith.addf %add3A_823, %gather3A_826 : vector<16xf32>
        %broadcast_in_dim3A_828 = vector.shape_cast %xor3A_10 : vector<16xi32> to vector<16x1xi32>
        %gather3A_829 = vector.shape_cast %broadcast_in_dim3A_828 : vector<16x1xi32> to vector<16xi32>
        %gather3A_830 = tpu.dynamic_gather %add3A_827[%gather3A_829] in [0] : vector<16xf32>, vector<16xi32> -> vector<16xf32>
        %add3A_831 = arith.addf %add3A_827, %gather3A_830 : vector<16xf32>
        %broadcast_in_dim3A_832 = vector.shape_cast %xor3A_13 : vector<16xi32> to vector<16x1xi32>
        %gather3A_833 = vector.shape_cast %broadcast_in_dim3A_832 : vector<16x1xi32> to vector<16xi32>
        %gather3A_834 = tpu.dynamic_gather %add3A_831[%gather3A_833] in [0] : vector<16xf32>, vector<16xi32> -> vector<16xf32>
        %add3A_835 = arith.addf %add3A_831, %gather3A_834 : vector<16xf32>
        %add3A_836 = arith.constant 6 : i32
        %add3A_837 = arith.addi %add3A_174, %add3A_836 : i32
        %broadcast_in_dim3A_838 = vector.broadcast %add3A_837 : i32 to vector<16xi32>
        tpu.vector_store_idx %arg10[%broadcast_in_dim3A_838], %add3A_835 masked %eq3A_15 : memref<10000xf32, #tpu.memory_space<vmem>>[vector<16xi32>], vector<16xf32>, vector<16xi1>
        %broadcast_in_dim3A_839 = vector.shape_cast %xor3A_4 : vector<16xi32> to vector<16x1xi32>
        %gather3A_840 = vector.shape_cast %broadcast_in_dim3A_839 : vector<16x1xi32> to vector<16xi32>
        %gather3A_841 = tpu.dynamic_gather %add3A_707[%gather3A_840] in [0] : vector<16xf32>, vector<16xi32> -> vector<16xf32>
        %add3A_842 = arith.addf %add3A_707, %gather3A_841 : vector<16xf32>
        %broadcast_in_dim3A_843 = vector.shape_cast %xor3A_7 : vector<16xi32> to vector<16x1xi32>
        %gather3A_844 = vector.shape_cast %broadcast_in_dim3A_843 : vector<16x1xi32> to vector<16xi32>
        %gather3A_845 = tpu.dynamic_gather %add3A_842[%gather3A_844] in [0] : vector<16xf32>, vector<16xi32> -> vector<16xf32>
        %add3A_846 = arith.addf %add3A_842, %gather3A_845 : vector<16xf32>
        %broadcast_in_dim3A_847 = vector.shape_cast %xor3A_10 : vector<16xi32> to vector<16x1xi32>
        %gather3A_848 = vector.shape_cast %broadcast_in_dim3A_847 : vector<16x1xi32> to vector<16xi32>
        %gather3A_849 = tpu.dynamic_gather %add3A_846[%gather3A_848] in [0] : vector<16xf32>, vector<16xi32> -> vector<16xf32>
        %add3A_850 = arith.addf %add3A_846, %gather3A_849 : vector<16xf32>
        %broadcast_in_dim3A_851 = vector.shape_cast %xor3A_13 : vector<16xi32> to vector<16x1xi32>
        %gather3A_852 = vector.shape_cast %broadcast_in_dim3A_851 : vector<16x1xi32> to vector<16xi32>
        %gather3A_853 = tpu.dynamic_gather %add3A_850[%gather3A_852] in [0] : vector<16xf32>, vector<16xi32> -> vector<16xf32>
        %add3A_854 = arith.addf %add3A_850, %gather3A_853 : vector<16xf32>
        %add3A_855 = arith.constant 7 : i32
        %add3A_856 = arith.addi %add3A_174, %add3A_855 : i32
        %broadcast_in_dim3A_857 = vector.broadcast %add3A_856 : i32 to vector<16xi32>
        tpu.vector_store_idx %arg10[%broadcast_in_dim3A_857], %add3A_854 masked %eq3A_15 : memref<10000xf32, #tpu.memory_space<vmem>>[vector<16xi32>], vector<16xf32>, vector<16xi1>
      }
      %scan3A_106 = arith.constant 25 : i32
      %add3A_107 = arith.constant 3 : i32
      %add3A_108 = arith.addi %add3A_77, %add3A_107 : i32
      %mul3A_109 = arith.constant 200 : i32
      %mul3A_110 = arith.muli %add3A_108, %mul3A_109 : i32
      %dma_start3A_111 = tpu.memref_slice %arg8[%mul3A_110] : memref<10000xi32, #tpu.memory_space<vmem>> -> memref<200xi32, #tpu.memory_space<vmem>>
      %dma_start3A_112 = arith.constant 0 : i32
      %dma_start3A_113 = arith.constant 0 : i32
      %dma_start3A_114 = tpu.memref_slice %arg2[%dma_start3A_112, %dma_start3A_113] : memref<10000x64xi32, #tpu.memory_space<hbm>> -> memref<10000x64xi32, #tpu.memory_space<hbm>>
      tpu.enqueue_indirect_dma source(%dma_start3A_114 : memref<10000x64xi32, #tpu.memory_space<hbm>>) target(%arg11 : memref<200x64xi32, #tpu.memory_space<vmem>>) offsets(%dma_start3A_111 : memref<200xi32, #tpu.memory_space<vmem>>) semaphore(%arg17 : memref<!tpu.dma_semaphore, #tpu.memory_space<semaphore_mem>>)
      %dma_start3A_115 = tpu.memref_slice %arg9[%mul3A_110] : memref<10000xi32, #tpu.memory_space<vmem>> -> memref<200xi32, #tpu.memory_space<vmem>>
      %dma_start3A_116 = arith.constant 0 : i32
      %dma_start3A_117 = arith.constant 0 : i32
      %dma_start3A_118 = tpu.memref_slice %arg2[%dma_start3A_116, %dma_start3A_117] : memref<10000x64xi32, #tpu.memory_space<hbm>> -> memref<10000x64xi32, #tpu.memory_space<hbm>>
      tpu.enqueue_indirect_dma source(%dma_start3A_118 : memref<10000x64xi32, #tpu.memory_space<hbm>>) target(%arg12 : memref<200x64xi32, #tpu.memory_space<vmem>>) offsets(%dma_start3A_115 : memref<200xi32, #tpu.memory_space<vmem>>) semaphore(%arg18 : memref<!tpu.dma_semaphore, #tpu.memory_space<semaphore_mem>>)
      %add3A_119 = arith.constant 1 : i32
      %add3A_120 = arith.addi %add3A_77, %add3A_119 : i32
      %mul3A_121 = arith.constant 200 : i32
      %mul3A_122 = arith.muli %add3A_120, %mul3A_121 : i32
      %dma_wait3A_123 = tpu.memref_slice %arg8[%mul3A_122] : memref<10000xi32, #tpu.memory_space<vmem>> -> memref<200xi32, #tpu.memory_space<vmem>>
      %dma_wait3A_124 = arith.constant 0 : i32
      %dma_wait3A_125 = arith.constant 0 : i32
      %dma_wait3A_126 = tpu.memref_slice %arg2[%dma_wait3A_124, %dma_wait3A_125] : memref<10000x64xi32, #tpu.memory_space<hbm>> -> memref<10000x64xi32, #tpu.memory_space<hbm>>
      tpu.wait_indirect_dma semaphore(%arg19 : memref<!tpu.dma_semaphore, #tpu.memory_space<semaphore_mem>>) src(%dma_wait3A_126 : memref<10000x64xi32, #tpu.memory_space<hbm>>) dst(%arg13 : memref<200x64xi32, #tpu.memory_space<vmem>>)
      %dma_wait3A_127 = tpu.memref_slice %arg9[%mul3A_122] : memref<10000xi32, #tpu.memory_space<vmem>> -> memref<200xi32, #tpu.memory_space<vmem>>
      %dma_wait3A_128 = arith.constant 0 : i32
      %dma_wait3A_129 = arith.constant 0 : i32
      %dma_wait3A_130 = tpu.memref_slice %arg2[%dma_wait3A_128, %dma_wait3A_129] : memref<10000x64xi32, #tpu.memory_space<hbm>> -> memref<10000x64xi32, #tpu.memory_space<hbm>>
      tpu.wait_indirect_dma semaphore(%arg20 : memref<!tpu.dma_semaphore, #tpu.memory_space<semaphore_mem>>) src(%dma_wait3A_130 : memref<10000x64xi32, #tpu.memory_space<hbm>>) dst(%arg14 : memref<200x64xi32, #tpu.memory_space<vmem>>)
      %mul3A_131 = arith.constant 200 : i32
      %mul3A_132 = arith.muli %add3A_120, %mul3A_131 : i32
      %scan3A_133 = arith.constant 0 : i32
      %scan3A_134 = arith.constant 25 : i32
      %scan3A_135 = arith.addi %scan3A_133, %scan3A_134 : i32
      %scan3A_136 = arith.constant 1 : i32
      scf.for %scan3A_169 = %scan3A_133 to %scan3A_135 step %scan3A_136  : i32 {
        %mul3A_170 = arith.constant 8 : i32
        %mul3A_171 = arith.muli %scan3A_169, %mul3A_170 : i32
        %add3A_172 = arith.constant 0 : i32
        %add3A_173 = arith.addi %add3A_172, %mul3A_171 : i32
        %add3A_174 = arith.addi %mul3A_132, %add3A_173 : i32
        %add3A_175 = arith.constant 0 : i32
        %add3A_176 = arith.addi %add3A_173, %add3A_175 : i32
        %get3A = arith.index_cast %add3A_176 : i32 to index
        %get3A_177 = arith.constant 0 : index
        %get3A_178 = tpu.vector_load %arg13[%get3A, %get3A_177] {strides = array<i32>} : memref<200x64xi32, #tpu.memory_space<vmem>>, vector<16xi32>,
        %add3A_179 = arith.constant 0 : i32
        %add3A_180 = arith.addi %add3A_173, %add3A_179 : i32
        %get3A_181 = arith.index_cast %add3A_180 : i32 to index
        %get3A_182 = arith.constant 0 : index
        %get3A_183 = tpu.vector_load %arg14[%get3A_181, %get3A_182] {strides = array<i32>} : memref<200x64xi32, #tpu.memory_space<vmem>>, vector<16xi32>,
        %bitcast3A = vector.bitcast %get3A_178 : vector<16xi32> to vector<32xbf16>
        %bitcast3A_184 = vector.bitcast %get3A_183 : vector<16xi32> to vector<32xbf16>
        %mul3A_185 = arith.mulf %bitcast3A, %bitcast3A_184 : vector<32xbf16>
        %unpack3A = tpu.unpack_subelements %mul3A_185, 0 {pack_format = #tpu.pack_format<interleaved>} : vector<32xbf16> -> vector<16xf32>
        %unpack3A_186 = tpu.unpack_subelements %mul3A_185, 1 {pack_format = #tpu.pack_format<interleaved>} : vector<32xbf16> -> vector<16xf32>
        %add3A_187 = arith.addf %unpack3A, %unpack3A_186 : vector<16xf32>
        %add3A_188 = arith.constant 0 : i32
        %add3A_189 = arith.addi %add3A_173, %add3A_188 : i32
        %get3A_190 = arith.index_cast %add3A_189 : i32 to index
        %get3A_191 = arith.constant 16 : index
        %get3A_192 = tpu.vector_load %arg13[%get3A_190, %get3A_191] {strides = array<i32>} : memref<200x64xi32, #tpu.memory_space<vmem>>, vector<16xi32>,
        %add3A_193 = arith.constant 0 : i32
        %add3A_194 = arith.addi %add3A_173, %add3A_193 : i32
        %get3A_195 = arith.index_cast %add3A_194 : i32 to index
        %get3A_196 = arith.constant 16 : index
        %get3A_197 = tpu.vector_load %arg14[%get3A_195, %get3A_196] {strides = array<i32>} : memref<200x64xi32, #tpu.memory_space<vmem>>, vector<16xi32>,
        %bitcast3A_198 = vector.bitcast %get3A_192 : vector<16xi32> to vector<32xbf16>
        %bitcast3A_199 = vector.bitcast %get3A_197 : vector<16xi32> to vector<32xbf16>
        %mul3A_200 = arith.mulf %bitcast3A_198, %bitcast3A_199 : vector<32xbf16>
        %unpack3A_201 = tpu.unpack_subelements %mul3A_200, 0 {pack_format = #tpu.pack_format<interleaved>} : vector<32xbf16> -> vector<16xf32>
        %unpack3A_202 = tpu.unpack_subelements %mul3A_200, 1 {pack_format = #tpu.pack_format<interleaved>} : vector<32xbf16> -> vector<16xf32>
        %add3A_203 = arith.addf %add3A_187, %unpack3A_201 : vector<16xf32>
        %add3A_204 = arith.addf %add3A_203, %unpack3A_202 : vector<16xf32>
        %add3A_205 = arith.constant 0 : i32
        %add3A_206 = arith.addi %add3A_173, %add3A_205 : i32
        %get3A_207 = arith.index_cast %add3A_206 : i32 to index
        %get3A_208 = arith.constant 32 : index
        %get3A_209 = tpu.vector_load %arg13[%get3A_207, %get3A_208] {strides = array<i32>} : memref<200x64xi32, #tpu.memory_space<vmem>>, vector<16xi32>,
        %add3A_210 = arith.constant 0 : i32
        %add3A_211 = arith.addi %add3A_173, %add3A_210 : i32
        %get3A_212 = arith.index_cast %add3A_211 : i32 to index
        %get3A_213 = arith.constant 32 : index
        %get3A_214 = tpu.vector_load %arg14[%get3A_212, %get3A_213] {strides = array<i32>} : memref<200x64xi32, #tpu.memory_space<vmem>>, vector<16xi32>,
        %bitcast3A_215 = vector.bitcast %get3A_209 : vector<16xi32> to vector<32xbf16>
        %bitcast3A_216 = vector.bitcast %get3A_214 : vector<16xi32> to vector<32xbf16>
        %mul3A_217 = arith.mulf %bitcast3A_215, %bitcast3A_216 : vector<32xbf16>
        %unpack3A_218 = tpu.unpack_subelements %mul3A_217, 0 {pack_format = #tpu.pack_format<interleaved>} : vector<32xbf16> -> vector<16xf32>
        %unpack3A_219 = tpu.unpack_subelements %mul3A_217, 1 {pack_format = #tpu.pack_format<interleaved>} : vector<32xbf16> -> vector<16xf32>
        %add3A_220 = arith.addf %add3A_204, %unpack3A_218 : vector<16xf32>
        %add3A_221 = arith.addf %add3A_220, %unpack3A_219 : vector<16xf32>
        %add3A_222 = arith.constant 0 : i32
        %add3A_223 = arith.addi %add3A_173, %add3A_222 : i32
        %get3A_224 = arith.index_cast %add3A_223 : i32 to index
        %get3A_225 = arith.constant 48 : index
        %get3A_226 = tpu.vector_load %arg13[%get3A_224, %get3A_225] {strides = array<i32>} : memref<200x64xi32, #tpu.memory_space<vmem>>, vector<16xi32>,
        %add3A_227 = arith.constant 0 : i32
        %add3A_228 = arith.addi %add3A_173, %add3A_227 : i32
        %get3A_229 = arith.index_cast %add3A_228 : i32 to index
        %get3A_230 = arith.constant 48 : index
        %get3A_231 = tpu.vector_load %arg14[%get3A_229, %get3A_230] {strides = array<i32>} : memref<200x64xi32, #tpu.memory_space<vmem>>, vector<16xi32>,
        %bitcast3A_232 = vector.bitcast %get3A_226 : vector<16xi32> to vector<32xbf16>
        %bitcast3A_233 = vector.bitcast %get3A_231 : vector<16xi32> to vector<32xbf16>
        %mul3A_234 = arith.mulf %bitcast3A_232, %bitcast3A_233 : vector<32xbf16>
        %unpack3A_235 = tpu.unpack_subelements %mul3A_234, 0 {pack_format = #tpu.pack_format<interleaved>} : vector<32xbf16> -> vector<16xf32>
        %unpack3A_236 = tpu.unpack_subelements %mul3A_234, 1 {pack_format = #tpu.pack_format<interleaved>} : vector<32xbf16> -> vector<16xf32>
        %add3A_237 = arith.addf %add3A_221, %unpack3A_235 : vector<16xf32>
        %add3A_238 = arith.addf %add3A_237, %unpack3A_236 : vector<16xf32>
        %add3A_239 = arith.constant 1 : i32
        %add3A_240 = arith.addi %add3A_173, %add3A_239 : i32
        %get3A_241 = arith.index_cast %add3A_240 : i32 to index
        %get3A_242 = arith.constant 0 : index
        %get3A_243 = tpu.vector_load %arg13[%get3A_241, %get3A_242] {strides = array<i32>} : memref<200x64xi32, #tpu.memory_space<vmem>>, vector<16xi32>,
        %add3A_244 = arith.constant 1 : i32
        %add3A_245 = arith.addi %add3A_173, %add3A_244 : i32
        %get3A_246 = arith.index_cast %add3A_245 : i32 to index
        %get3A_247 = arith.constant 0 : index
        %get3A_248 = tpu.vector_load %arg14[%get3A_246, %get3A_247] {strides = array<i32>} : memref<200x64xi32, #tpu.memory_space<vmem>>, vector<16xi32>,
        %bitcast3A_249 = vector.bitcast %get3A_243 : vector<16xi32> to vector<32xbf16>
        %bitcast3A_250 = vector.bitcast %get3A_248 : vector<16xi32> to vector<32xbf16>
        %mul3A_251 = arith.mulf %bitcast3A_249, %bitcast3A_250 : vector<32xbf16>
        %unpack3A_252 = tpu.unpack_subelements %mul3A_251, 0 {pack_format = #tpu.pack_format<interleaved>} : vector<32xbf16> -> vector<16xf32>
        %unpack3A_253 = tpu.unpack_subelements %mul3A_251, 1 {pack_format = #tpu.pack_format<interleaved>} : vector<32xbf16> -> vector<16xf32>
        %add3A_254 = arith.addf %unpack3A_252, %unpack3A_253 : vector<16xf32>
        %add3A_255 = arith.constant 1 : i32
        %add3A_256 = arith.addi %add3A_173, %add3A_255 : i32
        %get3A_257 = arith.index_cast %add3A_256 : i32 to index
        %get3A_258 = arith.constant 16 : index
        %get3A_259 = tpu.vector_load %arg13[%get3A_257, %get3A_258] {strides = array<i32>} : memref<200x64xi32, #tpu.memory_space<vmem>>, vector<16xi32>,
        %add3A_260 = arith.constant 1 : i32
        %add3A_261 = arith.addi %add3A_173, %add3A_260 : i32
        %get3A_262 = arith.index_cast %add3A_261 : i32 to index
        %get3A_263 = arith.constant 16 : index
        %get3A_264 = tpu.vector_load %arg14[%get3A_262, %get3A_263] {strides = array<i32>} : memref<200x64xi32, #tpu.memory_space<vmem>>, vector<16xi32>,
        %bitcast3A_265 = vector.bitcast %get3A_259 : vector<16xi32> to vector<32xbf16>
        %bitcast3A_266 = vector.bitcast %get3A_264 : vector<16xi32> to vector<32xbf16>
        %mul3A_267 = arith.mulf %bitcast3A_265, %bitcast3A_266 : vector<32xbf16>
        %unpack3A_268 = tpu.unpack_subelements %mul3A_267, 0 {pack_format = #tpu.pack_format<interleaved>} : vector<32xbf16> -> vector<16xf32>
        %unpack3A_269 = tpu.unpack_subelements %mul3A_267, 1 {pack_format = #tpu.pack_format<interleaved>} : vector<32xbf16> -> vector<16xf32>
        %add3A_270 = arith.addf %add3A_254, %unpack3A_268 : vector<16xf32>
        %add3A_271 = arith.addf %add3A_270, %unpack3A_269 : vector<16xf32>
        %add3A_272 = arith.constant 1 : i32
        %add3A_273 = arith.addi %add3A_173, %add3A_272 : i32
        %get3A_274 = arith.index_cast %add3A_273 : i32 to index
        %get3A_275 = arith.constant 32 : index
        %get3A_276 = tpu.vector_load %arg13[%get3A_274, %get3A_275] {strides = array<i32>} : memref<200x64xi32, #tpu.memory_space<vmem>>, vector<16xi32>,
        %add3A_277 = arith.constant 1 : i32
        %add3A_278 = arith.addi %add3A_173, %add3A_277 : i32
        %get3A_279 = arith.index_cast %add3A_278 : i32 to index
        %get3A_280 = arith.constant 32 : index
        %get3A_281 = tpu.vector_load %arg14[%get3A_279, %get3A_280] {strides = array<i32>} : memref<200x64xi32, #tpu.memory_space<vmem>>, vector<16xi32>,
        %bitcast3A_282 = vector.bitcast %get3A_276 : vector<16xi32> to vector<32xbf16>
        %bitcast3A_283 = vector.bitcast %get3A_281 : vector<16xi32> to vector<32xbf16>
        %mul3A_284 = arith.mulf %bitcast3A_282, %bitcast3A_283 : vector<32xbf16>
        %unpack3A_285 = tpu.unpack_subelements %mul3A_284, 0 {pack_format = #tpu.pack_format<interleaved>} : vector<32xbf16> -> vector<16xf32>
        %unpack3A_286 = tpu.unpack_subelements %mul3A_284, 1 {pack_format = #tpu.pack_format<interleaved>} : vector<32xbf16> -> vector<16xf32>
        %add3A_287 = arith.addf %add3A_271, %unpack3A_285 : vector<16xf32>
        %add3A_288 = arith.addf %add3A_287, %unpack3A_286 : vector<16xf32>
        %add3A_289 = arith.constant 1 : i32
        %add3A_290 = arith.addi %add3A_173, %add3A_289 : i32
        %get3A_291 = arith.index_cast %add3A_290 : i32 to index
        %get3A_292 = arith.constant 48 : index
        %get3A_293 = tpu.vector_load %arg13[%get3A_291, %get3A_292] {strides = array<i32>} : memref<200x64xi32, #tpu.memory_space<vmem>>, vector<16xi32>,
        %add3A_294 = arith.constant 1 : i32
        %add3A_295 = arith.addi %add3A_173, %add3A_294 : i32
        %get3A_296 = arith.index_cast %add3A_295 : i32 to index
        %get3A_297 = arith.constant 48 : index
        %get3A_298 = tpu.vector_load %arg14[%get3A_296, %get3A_297] {strides = array<i32>} : memref<200x64xi32, #tpu.memory_space<vmem>>, vector<16xi32>,
        %bitcast3A_299 = vector.bitcast %get3A_293 : vector<16xi32> to vector<32xbf16>
        %bitcast3A_300 = vector.bitcast %get3A_298 : vector<16xi32> to vector<32xbf16>
        %mul3A_301 = arith.mulf %bitcast3A_299, %bitcast3A_300 : vector<32xbf16>
        %unpack3A_302 = tpu.unpack_subelements %mul3A_301, 0 {pack_format = #tpu.pack_format<interleaved>} : vector<32xbf16> -> vector<16xf32>
        %unpack3A_303 = tpu.unpack_subelements %mul3A_301, 1 {pack_format = #tpu.pack_format<interleaved>} : vector<32xbf16> -> vector<16xf32>
        %add3A_304 = arith.addf %add3A_288, %unpack3A_302 : vector<16xf32>
        %add3A_305 = arith.addf %add3A_304, %unpack3A_303 : vector<16xf32>
        %add3A_306 = arith.constant 2 : i32
        %add3A_307 = arith.addi %add3A_173, %add3A_306 : i32
        %get3A_308 = arith.index_cast %add3A_307 : i32 to index
        %get3A_309 = arith.constant 0 : index
        %get3A_310 = tpu.vector_load %arg13[%get3A_308, %get3A_309] {strides = array<i32>} : memref<200x64xi32, #tpu.memory_space<vmem>>, vector<16xi32>,
        %add3A_311 = arith.constant 2 : i32
        %add3A_312 = arith.addi %add3A_173, %add3A_311 : i32
        %get3A_313 = arith.index_cast %add3A_312 : i32 to index
        %get3A_314 = arith.constant 0 : index
        %get3A_315 = tpu.vector_load %arg14[%get3A_313, %get3A_314] {strides = array<i32>} : memref<200x64xi32, #tpu.memory_space<vmem>>, vector<16xi32>,
        %bitcast3A_316 = vector.bitcast %get3A_310 : vector<16xi32> to vector<32xbf16>
        %bitcast3A_317 = vector.bitcast %get3A_315 : vector<16xi32> to vector<32xbf16>
        %mul3A_318 = arith.mulf %bitcast3A_316, %bitcast3A_317 : vector<32xbf16>
        %unpack3A_319 = tpu.unpack_subelements %mul3A_318, 0 {pack_format = #tpu.pack_format<interleaved>} : vector<32xbf16> -> vector<16xf32>
        %unpack3A_320 = tpu.unpack_subelements %mul3A_318, 1 {pack_format = #tpu.pack_format<interleaved>} : vector<32xbf16> -> vector<16xf32>
        %add3A_321 = arith.addf %unpack3A_319, %unpack3A_320 : vector<16xf32>
        %add3A_322 = arith.constant 2 : i32
        %add3A_323 = arith.addi %add3A_173, %add3A_322 : i32
        %get3A_324 = arith.index_cast %add3A_323 : i32 to index
        %get3A_325 = arith.constant 16 : index
        %get3A_326 = tpu.vector_load %arg13[%get3A_324, %get3A_325] {strides = array<i32>} : memref<200x64xi32, #tpu.memory_space<vmem>>, vector<16xi32>,
        %add3A_327 = arith.constant 2 : i32
        %add3A_328 = arith.addi %add3A_173, %add3A_327 : i32
        %get3A_329 = arith.index_cast %add3A_328 : i32 to index
        %get3A_330 = arith.constant 16 : index
        %get3A_331 = tpu.vector_load %arg14[%get3A_329, %get3A_330] {strides = array<i32>} : memref<200x64xi32, #tpu.memory_space<vmem>>, vector<16xi32>,
        %bitcast3A_332 = vector.bitcast %get3A_326 : vector<16xi32> to vector<32xbf16>
        %bitcast3A_333 = vector.bitcast %get3A_331 : vector<16xi32> to vector<32xbf16>
        %mul3A_334 = arith.mulf %bitcast3A_332, %bitcast3A_333 : vector<32xbf16>
        %unpack3A_335 = tpu.unpack_subelements %mul3A_334, 0 {pack_format = #tpu.pack_format<interleaved>} : vector<32xbf16> -> vector<16xf32>
        %unpack3A_336 = tpu.unpack_subelements %mul3A_334, 1 {pack_format = #tpu.pack_format<interleaved>} : vector<32xbf16> -> vector<16xf32>
        %add3A_337 = arith.addf %add3A_321, %unpack3A_335 : vector<16xf32>
        %add3A_338 = arith.addf %add3A_337, %unpack3A_336 : vector<16xf32>
        %add3A_339 = arith.constant 2 : i32
        %add3A_340 = arith.addi %add3A_173, %add3A_339 : i32
        %get3A_341 = arith.index_cast %add3A_340 : i32 to index
        %get3A_342 = arith.constant 32 : index
        %get3A_343 = tpu.vector_load %arg13[%get3A_341, %get3A_342] {strides = array<i32>} : memref<200x64xi32, #tpu.memory_space<vmem>>, vector<16xi32>,
        %add3A_344 = arith.constant 2 : i32
        %add3A_345 = arith.addi %add3A_173, %add3A_344 : i32
        %get3A_346 = arith.index_cast %add3A_345 : i32 to index
        %get3A_347 = arith.constant 32 : index
        %get3A_348 = tpu.vector_load %arg14[%get3A_346, %get3A_347] {strides = array<i32>} : memref<200x64xi32, #tpu.memory_space<vmem>>, vector<16xi32>,
        %bitcast3A_349 = vector.bitcast %get3A_343 : vector<16xi32> to vector<32xbf16>
        %bitcast3A_350 = vector.bitcast %get3A_348 : vector<16xi32> to vector<32xbf16>
        %mul3A_351 = arith.mulf %bitcast3A_349, %bitcast3A_350 : vector<32xbf16>
        %unpack3A_352 = tpu.unpack_subelements %mul3A_351, 0 {pack_format = #tpu.pack_format<interleaved>} : vector<32xbf16> -> vector<16xf32>
        %unpack3A_353 = tpu.unpack_subelements %mul3A_351, 1 {pack_format = #tpu.pack_format<interleaved>} : vector<32xbf16> -> vector<16xf32>
        %add3A_354 = arith.addf %add3A_338, %unpack3A_352 : vector<16xf32>
        %add3A_355 = arith.addf %add3A_354, %unpack3A_353 : vector<16xf32>
        %add3A_356 = arith.constant 2 : i32
        %add3A_357 = arith.addi %add3A_173, %add3A_356 : i32
        %get3A_358 = arith.index_cast %add3A_357 : i32 to index
        %get3A_359 = arith.constant 48 : index
        %get3A_360 = tpu.vector_load %arg13[%get3A_358, %get3A_359] {strides = array<i32>} : memref<200x64xi32, #tpu.memory_space<vmem>>, vector<16xi32>,
        %add3A_361 = arith.constant 2 : i32
        %add3A_362 = arith.addi %add3A_173, %add3A_361 : i32
        %get3A_363 = arith.index_cast %add3A_362 : i32 to index
        %get3A_364 = arith.constant 48 : index
        %get3A_365 = tpu.vector_load %arg14[%get3A_363, %get3A_364] {strides = array<i32>} : memref<200x64xi32, #tpu.memory_space<vmem>>, vector<16xi32>,
        %bitcast3A_366 = vector.bitcast %get3A_360 : vector<16xi32> to vector<32xbf16>
        %bitcast3A_367 = vector.bitcast %get3A_365 : vector<16xi32> to vector<32xbf16>
        %mul3A_368 = arith.mulf %bitcast3A_366, %bitcast3A_367 : vector<32xbf16>
        %unpack3A_369 = tpu.unpack_subelements %mul3A_368, 0 {pack_format = #tpu.pack_format<interleaved>} : vector<32xbf16> -> vector<16xf32>
        %unpack3A_370 = tpu.unpack_subelements %mul3A_368, 1 {pack_format = #tpu.pack_format<interleaved>} : vector<32xbf16> -> vector<16xf32>
        %add3A_371 = arith.addf %add3A_355, %unpack3A_369 : vector<16xf32>
        %add3A_372 = arith.addf %add3A_371, %unpack3A_370 : vector<16xf32>
        %add3A_373 = arith.constant 3 : i32
        %add3A_374 = arith.addi %add3A_173, %add3A_373 : i32
        %get3A_375 = arith.index_cast %add3A_374 : i32 to index
        %get3A_376 = arith.constant 0 : index
        %get3A_377 = tpu.vector_load %arg13[%get3A_375, %get3A_376] {strides = array<i32>} : memref<200x64xi32, #tpu.memory_space<vmem>>, vector<16xi32>,
        %add3A_378 = arith.constant 3 : i32
        %add3A_379 = arith.addi %add3A_173, %add3A_378 : i32
        %get3A_380 = arith.index_cast %add3A_379 : i32 to index
        %get3A_381 = arith.constant 0 : index
        %get3A_382 = tpu.vector_load %arg14[%get3A_380, %get3A_381] {strides = array<i32>} : memref<200x64xi32, #tpu.memory_space<vmem>>, vector<16xi32>,
        %bitcast3A_383 = vector.bitcast %get3A_377 : vector<16xi32> to vector<32xbf16>
        %bitcast3A_384 = vector.bitcast %get3A_382 : vector<16xi32> to vector<32xbf16>
        %mul3A_385 = arith.mulf %bitcast3A_383, %bitcast3A_384 : vector<32xbf16>
        %unpack3A_386 = tpu.unpack_subelements %mul3A_385, 0 {pack_format = #tpu.pack_format<interleaved>} : vector<32xbf16> -> vector<16xf32>
        %unpack3A_387 = tpu.unpack_subelements %mul3A_385, 1 {pack_format = #tpu.pack_format<interleaved>} : vector<32xbf16> -> vector<16xf32>
        %add3A_388 = arith.addf %unpack3A_386, %unpack3A_387 : vector<16xf32>
        %add3A_389 = arith.constant 3 : i32
        %add3A_390 = arith.addi %add3A_173, %add3A_389 : i32
        %get3A_391 = arith.index_cast %add3A_390 : i32 to index
        %get3A_392 = arith.constant 16 : index
        %get3A_393 = tpu.vector_load %arg13[%get3A_391, %get3A_392] {strides = array<i32>} : memref<200x64xi32, #tpu.memory_space<vmem>>, vector<16xi32>,
        %add3A_394 = arith.constant 3 : i32
        %add3A_395 = arith.addi %add3A_173, %add3A_394 : i32
        %get3A_396 = arith.index_cast %add3A_395 : i32 to index
        %get3A_397 = arith.constant 16 : index
        %get3A_398 = tpu.vector_load %arg14[%get3A_396, %get3A_397] {strides = array<i32>} : memref<200x64xi32, #tpu.memory_space<vmem>>, vector<16xi32>,
        %bitcast3A_399 = vector.bitcast %get3A_393 : vector<16xi32> to vector<32xbf16>
        %bitcast3A_400 = vector.bitcast %get3A_398 : vector<16xi32> to vector<32xbf16>
        %mul3A_401 = arith.mulf %bitcast3A_399, %bitcast3A_400 : vector<32xbf16>
        %unpack3A_402 = tpu.unpack_subelements %mul3A_401, 0 {pack_format = #tpu.pack_format<interleaved>} : vector<32xbf16> -> vector<16xf32>
        %unpack3A_403 = tpu.unpack_subelements %mul3A_401, 1 {pack_format = #tpu.pack_format<interleaved>} : vector<32xbf16> -> vector<16xf32>
        %add3A_404 = arith.addf %add3A_388, %unpack3A_402 : vector<16xf32>
        %add3A_405 = arith.addf %add3A_404, %unpack3A_403 : vector<16xf32>
        %add3A_406 = arith.constant 3 : i32
        %add3A_407 = arith.addi %add3A_173, %add3A_406 : i32
        %get3A_408 = arith.index_cast %add3A_407 : i32 to index
        %get3A_409 = arith.constant 32 : index
        %get3A_410 = tpu.vector_load %arg13[%get3A_408, %get3A_409] {strides = array<i32>} : memref<200x64xi32, #tpu.memory_space<vmem>>, vector<16xi32>,
        %add3A_411 = arith.constant 3 : i32
        %add3A_412 = arith.addi %add3A_173, %add3A_411 : i32
        %get3A_413 = arith.index_cast %add3A_412 : i32 to index
        %get3A_414 = arith.constant 32 : index
        %get3A_415 = tpu.vector_load %arg14[%get3A_413, %get3A_414] {strides = array<i32>} : memref<200x64xi32, #tpu.memory_space<vmem>>, vector<16xi32>,
        %bitcast3A_416 = vector.bitcast %get3A_410 : vector<16xi32> to vector<32xbf16>
        %bitcast3A_417 = vector.bitcast %get3A_415 : vector<16xi32> to vector<32xbf16>
        %mul3A_418 = arith.mulf %bitcast3A_416, %bitcast3A_417 : vector<32xbf16>
        %unpack3A_419 = tpu.unpack_subelements %mul3A_418, 0 {pack_format = #tpu.pack_format<interleaved>} : vector<32xbf16> -> vector<16xf32>
        %unpack3A_420 = tpu.unpack_subelements %mul3A_418, 1 {pack_format = #tpu.pack_format<interleaved>} : vector<32xbf16> -> vector<16xf32>
        %add3A_421 = arith.addf %add3A_405, %unpack3A_419 : vector<16xf32>
        %add3A_422 = arith.addf %add3A_421, %unpack3A_420 : vector<16xf32>
        %add3A_423 = arith.constant 3 : i32
        %add3A_424 = arith.addi %add3A_173, %add3A_423 : i32
        %get3A_425 = arith.index_cast %add3A_424 : i32 to index
        %get3A_426 = arith.constant 48 : index
        %get3A_427 = tpu.vector_load %arg13[%get3A_425, %get3A_426] {strides = array<i32>} : memref<200x64xi32, #tpu.memory_space<vmem>>, vector<16xi32>,
        %add3A_428 = arith.constant 3 : i32
        %add3A_429 = arith.addi %add3A_173, %add3A_428 : i32
        %get3A_430 = arith.index_cast %add3A_429 : i32 to index
        %get3A_431 = arith.constant 48 : index
        %get3A_432 = tpu.vector_load %arg14[%get3A_430, %get3A_431] {strides = array<i32>} : memref<200x64xi32, #tpu.memory_space<vmem>>, vector<16xi32>,
        %bitcast3A_433 = vector.bitcast %get3A_427 : vector<16xi32> to vector<32xbf16>
        %bitcast3A_434 = vector.bitcast %get3A_432 : vector<16xi32> to vector<32xbf16>
        %mul3A_435 = arith.mulf %bitcast3A_433, %bitcast3A_434 : vector<32xbf16>
        %unpack3A_436 = tpu.unpack_subelements %mul3A_435, 0 {pack_format = #tpu.pack_format<interleaved>} : vector<32xbf16> -> vector<16xf32>
        %unpack3A_437 = tpu.unpack_subelements %mul3A_435, 1 {pack_format = #tpu.pack_format<interleaved>} : vector<32xbf16> -> vector<16xf32>
        %add3A_438 = arith.addf %add3A_422, %unpack3A_436 : vector<16xf32>
        %add3A_439 = arith.addf %add3A_438, %unpack3A_437 : vector<16xf32>
        %add3A_440 = arith.constant 4 : i32
        %add3A_441 = arith.addi %add3A_173, %add3A_440 : i32
        %get3A_442 = arith.index_cast %add3A_441 : i32 to index
        %get3A_443 = arith.constant 0 : index
        %get3A_444 = tpu.vector_load %arg13[%get3A_442, %get3A_443] {strides = array<i32>} : memref<200x64xi32, #tpu.memory_space<vmem>>, vector<16xi32>,
        %add3A_445 = arith.constant 4 : i32
        %add3A_446 = arith.addi %add3A_173, %add3A_445 : i32
        %get3A_447 = arith.index_cast %add3A_446 : i32 to index
        %get3A_448 = arith.constant 0 : index
        %get3A_449 = tpu.vector_load %arg14[%get3A_447, %get3A_448] {strides = array<i32>} : memref<200x64xi32, #tpu.memory_space<vmem>>, vector<16xi32>,
        %bitcast3A_450 = vector.bitcast %get3A_444 : vector<16xi32> to vector<32xbf16>
        %bitcast3A_451 = vector.bitcast %get3A_449 : vector<16xi32> to vector<32xbf16>
        %mul3A_452 = arith.mulf %bitcast3A_450, %bitcast3A_451 : vector<32xbf16>
        %unpack3A_453 = tpu.unpack_subelements %mul3A_452, 0 {pack_format = #tpu.pack_format<interleaved>} : vector<32xbf16> -> vector<16xf32>
        %unpack3A_454 = tpu.unpack_subelements %mul3A_452, 1 {pack_format = #tpu.pack_format<interleaved>} : vector<32xbf16> -> vector<16xf32>
        %add3A_455 = arith.addf %unpack3A_453, %unpack3A_454 : vector<16xf32>
        %add3A_456 = arith.constant 4 : i32
        %add3A_457 = arith.addi %add3A_173, %add3A_456 : i32
        %get3A_458 = arith.index_cast %add3A_457 : i32 to index
        %get3A_459 = arith.constant 16 : index
        %get3A_460 = tpu.vector_load %arg13[%get3A_458, %get3A_459] {strides = array<i32>} : memref<200x64xi32, #tpu.memory_space<vmem>>, vector<16xi32>,
        %add3A_461 = arith.constant 4 : i32
        %add3A_462 = arith.addi %add3A_173, %add3A_461 : i32
        %get3A_463 = arith.index_cast %add3A_462 : i32 to index
        %get3A_464 = arith.constant 16 : index
        %get3A_465 = tpu.vector_load %arg14[%get3A_463, %get3A_464] {strides = array<i32>} : memref<200x64xi32, #tpu.memory_space<vmem>>, vector<16xi32>,
        %bitcast3A_466 = vector.bitcast %get3A_460 : vector<16xi32> to vector<32xbf16>
        %bitcast3A_467 = vector.bitcast %get3A_465 : vector<16xi32> to vector<32xbf16>
        %mul3A_468 = arith.mulf %bitcast3A_466, %bitcast3A_467 : vector<32xbf16>
        %unpack3A_469 = tpu.unpack_subelements %mul3A_468, 0 {pack_format = #tpu.pack_format<interleaved>} : vector<32xbf16> -> vector<16xf32>
        %unpack3A_470 = tpu.unpack_subelements %mul3A_468, 1 {pack_format = #tpu.pack_format<interleaved>} : vector<32xbf16> -> vector<16xf32>
        %add3A_471 = arith.addf %add3A_455, %unpack3A_469 : vector<16xf32>
        %add3A_472 = arith.addf %add3A_471, %unpack3A_470 : vector<16xf32>
        %add3A_473 = arith.constant 4 : i32
        %add3A_474 = arith.addi %add3A_173, %add3A_473 : i32
        %get3A_475 = arith.index_cast %add3A_474 : i32 to index
        %get3A_476 = arith.constant 32 : index
        %get3A_477 = tpu.vector_load %arg13[%get3A_475, %get3A_476] {strides = array<i32>} : memref<200x64xi32, #tpu.memory_space<vmem>>, vector<16xi32>,
        %add3A_478 = arith.constant 4 : i32
        %add3A_479 = arith.addi %add3A_173, %add3A_478 : i32
        %get3A_480 = arith.index_cast %add3A_479 : i32 to index
        %get3A_481 = arith.constant 32 : index
        %get3A_482 = tpu.vector_load %arg14[%get3A_480, %get3A_481] {strides = array<i32>} : memref<200x64xi32, #tpu.memory_space<vmem>>, vector<16xi32>,
        %bitcast3A_483 = vector.bitcast %get3A_477 : vector<16xi32> to vector<32xbf16>
        %bitcast3A_484 = vector.bitcast %get3A_482 : vector<16xi32> to vector<32xbf16>
        %mul3A_485 = arith.mulf %bitcast3A_483, %bitcast3A_484 : vector<32xbf16>
        %unpack3A_486 = tpu.unpack_subelements %mul3A_485, 0 {pack_format = #tpu.pack_format<interleaved>} : vector<32xbf16> -> vector<16xf32>
        %unpack3A_487 = tpu.unpack_subelements %mul3A_485, 1 {pack_format = #tpu.pack_format<interleaved>} : vector<32xbf16> -> vector<16xf32>
        %add3A_488 = arith.addf %add3A_472, %unpack3A_486 : vector<16xf32>
        %add3A_489 = arith.addf %add3A_488, %unpack3A_487 : vector<16xf32>
        %add3A_490 = arith.constant 4 : i32
        %add3A_491 = arith.addi %add3A_173, %add3A_490 : i32
        %get3A_492 = arith.index_cast %add3A_491 : i32 to index
        %get3A_493 = arith.constant 48 : index
        %get3A_494 = tpu.vector_load %arg13[%get3A_492, %get3A_493] {strides = array<i32>} : memref<200x64xi32, #tpu.memory_space<vmem>>, vector<16xi32>,
        %add3A_495 = arith.constant 4 : i32
        %add3A_496 = arith.addi %add3A_173, %add3A_495 : i32
        %get3A_497 = arith.index_cast %add3A_496 : i32 to index
        %get3A_498 = arith.constant 48 : index
        %get3A_499 = tpu.vector_load %arg14[%get3A_497, %get3A_498] {strides = array<i32>} : memref<200x64xi32, #tpu.memory_space<vmem>>, vector<16xi32>,
        %bitcast3A_500 = vector.bitcast %get3A_494 : vector<16xi32> to vector<32xbf16>
        %bitcast3A_501 = vector.bitcast %get3A_499 : vector<16xi32> to vector<32xbf16>
        %mul3A_502 = arith.mulf %bitcast3A_500, %bitcast3A_501 : vector<32xbf16>
        %unpack3A_503 = tpu.unpack_subelements %mul3A_502, 0 {pack_format = #tpu.pack_format<interleaved>} : vector<32xbf16> -> vector<16xf32>
        %unpack3A_504 = tpu.unpack_subelements %mul3A_502, 1 {pack_format = #tpu.pack_format<interleaved>} : vector<32xbf16> -> vector<16xf32>
        %add3A_505 = arith.addf %add3A_489, %unpack3A_503 : vector<16xf32>
        %add3A_506 = arith.addf %add3A_505, %unpack3A_504 : vector<16xf32>
        %add3A_507 = arith.constant 5 : i32
        %add3A_508 = arith.addi %add3A_173, %add3A_507 : i32
        %get3A_509 = arith.index_cast %add3A_508 : i32 to index
        %get3A_510 = arith.constant 0 : index
        %get3A_511 = tpu.vector_load %arg13[%get3A_509, %get3A_510] {strides = array<i32>} : memref<200x64xi32, #tpu.memory_space<vmem>>, vector<16xi32>,
        %add3A_512 = arith.constant 5 : i32
        %add3A_513 = arith.addi %add3A_173, %add3A_512 : i32
        %get3A_514 = arith.index_cast %add3A_513 : i32 to index
        %get3A_515 = arith.constant 0 : index
        %get3A_516 = tpu.vector_load %arg14[%get3A_514, %get3A_515] {strides = array<i32>} : memref<200x64xi32, #tpu.memory_space<vmem>>, vector<16xi32>,
        %bitcast3A_517 = vector.bitcast %get3A_511 : vector<16xi32> to vector<32xbf16>
        %bitcast3A_518 = vector.bitcast %get3A_516 : vector<16xi32> to vector<32xbf16>
        %mul3A_519 = arith.mulf %bitcast3A_517, %bitcast3A_518 : vector<32xbf16>
        %unpack3A_520 = tpu.unpack_subelements %mul3A_519, 0 {pack_format = #tpu.pack_format<interleaved>} : vector<32xbf16> -> vector<16xf32>
        %unpack3A_521 = tpu.unpack_subelements %mul3A_519, 1 {pack_format = #tpu.pack_format<interleaved>} : vector<32xbf16> -> vector<16xf32>
        %add3A_522 = arith.addf %unpack3A_520, %unpack3A_521 : vector<16xf32>
        %add3A_523 = arith.constant 5 : i32
        %add3A_524 = arith.addi %add3A_173, %add3A_523 : i32
        %get3A_525 = arith.index_cast %add3A_524 : i32 to index
        %get3A_526 = arith.constant 16 : index
        %get3A_527 = tpu.vector_load %arg13[%get3A_525, %get3A_526] {strides = array<i32>} : memref<200x64xi32, #tpu.memory_space<vmem>>, vector<16xi32>,
        %add3A_528 = arith.constant 5 : i32
        %add3A_529 = arith.addi %add3A_173, %add3A_528 : i32
        %get3A_530 = arith.index_cast %add3A_529 : i32 to index
        %get3A_531 = arith.constant 16 : index
        %get3A_532 = tpu.vector_load %arg14[%get3A_530, %get3A_531] {strides = array<i32>} : memref<200x64xi32, #tpu.memory_space<vmem>>, vector<16xi32>,
        %bitcast3A_533 = vector.bitcast %get3A_527 : vector<16xi32> to vector<32xbf16>
        %bitcast3A_534 = vector.bitcast %get3A_532 : vector<16xi32> to vector<32xbf16>
        %mul3A_535 = arith.mulf %bitcast3A_533, %bitcast3A_534 : vector<32xbf16>
        %unpack3A_536 = tpu.unpack_subelements %mul3A_535, 0 {pack_format = #tpu.pack_format<interleaved>} : vector<32xbf16> -> vector<16xf32>
        %unpack3A_537 = tpu.unpack_subelements %mul3A_535, 1 {pack_format = #tpu.pack_format<interleaved>} : vector<32xbf16> -> vector<16xf32>
        %add3A_538 = arith.addf %add3A_522, %unpack3A_536 : vector<16xf32>
        %add3A_539 = arith.addf %add3A_538, %unpack3A_537 : vector<16xf32>
        %add3A_540 = arith.constant 5 : i32
        %add3A_541 = arith.addi %add3A_173, %add3A_540 : i32
        %get3A_542 = arith.index_cast %add3A_541 : i32 to index
        %get3A_543 = arith.constant 32 : index
        %get3A_544 = tpu.vector_load %arg13[%get3A_542, %get3A_543] {strides = array<i32>} : memref<200x64xi32, #tpu.memory_space<vmem>>, vector<16xi32>,
        %add3A_545 = arith.constant 5 : i32
        %add3A_546 = arith.addi %add3A_173, %add3A_545 : i32
        %get3A_547 = arith.index_cast %add3A_546 : i32 to index
        %get3A_548 = arith.constant 32 : index
        %get3A_549 = tpu.vector_load %arg14[%get3A_547, %get3A_548] {strides = array<i32>} : memref<200x64xi32, #tpu.memory_space<vmem>>, vector<16xi32>,
        %bitcast3A_550 = vector.bitcast %get3A_544 : vector<16xi32> to vector<32xbf16>
        %bitcast3A_551 = vector.bitcast %get3A_549 : vector<16xi32> to vector<32xbf16>
        %mul3A_552 = arith.mulf %bitcast3A_550, %bitcast3A_551 : vector<32xbf16>
        %unpack3A_553 = tpu.unpack_subelements %mul3A_552, 0 {pack_format = #tpu.pack_format<interleaved>} : vector<32xbf16> -> vector<16xf32>
        %unpack3A_554 = tpu.unpack_subelements %mul3A_552, 1 {pack_format = #tpu.pack_format<interleaved>} : vector<32xbf16> -> vector<16xf32>
        %add3A_555 = arith.addf %add3A_539, %unpack3A_553 : vector<16xf32>
        %add3A_556 = arith.addf %add3A_555, %unpack3A_554 : vector<16xf32>
        %add3A_557 = arith.constant 5 : i32
        %add3A_558 = arith.addi %add3A_173, %add3A_557 : i32
        %get3A_559 = arith.index_cast %add3A_558 : i32 to index
        %get3A_560 = arith.constant 48 : index
        %get3A_561 = tpu.vector_load %arg13[%get3A_559, %get3A_560] {strides = array<i32>} : memref<200x64xi32, #tpu.memory_space<vmem>>, vector<16xi32>,
        %add3A_562 = arith.constant 5 : i32
        %add3A_563 = arith.addi %add3A_173, %add3A_562 : i32
        %get3A_564 = arith.index_cast %add3A_563 : i32 to index
        %get3A_565 = arith.constant 48 : index
        %get3A_566 = tpu.vector_load %arg14[%get3A_564, %get3A_565] {strides = array<i32>} : memref<200x64xi32, #tpu.memory_space<vmem>>, vector<16xi32>,
        %bitcast3A_567 = vector.bitcast %get3A_561 : vector<16xi32> to vector<32xbf16>
        %bitcast3A_568 = vector.bitcast %get3A_566 : vector<16xi32> to vector<32xbf16>
        %mul3A_569 = arith.mulf %bitcast3A_567, %bitcast3A_568 : vector<32xbf16>
        %unpack3A_570 = tpu.unpack_subelements %mul3A_569, 0 {pack_format = #tpu.pack_format<interleaved>} : vector<32xbf16> -> vector<16xf32>
        %unpack3A_571 = tpu.unpack_subelements %mul3A_569, 1 {pack_format = #tpu.pack_format<interleaved>} : vector<32xbf16> -> vector<16xf32>
        %add3A_572 = arith.addf %add3A_556, %unpack3A_570 : vector<16xf32>
        %add3A_573 = arith.addf %add3A_572, %unpack3A_571 : vector<16xf32>
        %add3A_574 = arith.constant 6 : i32
        %add3A_575 = arith.addi %add3A_173, %add3A_574 : i32
        %get3A_576 = arith.index_cast %add3A_575 : i32 to index
        %get3A_577 = arith.constant 0 : index
        %get3A_578 = tpu.vector_load %arg13[%get3A_576, %get3A_577] {strides = array<i32>} : memref<200x64xi32, #tpu.memory_space<vmem>>, vector<16xi32>,
        %add3A_579 = arith.constant 6 : i32
        %add3A_580 = arith.addi %add3A_173, %add3A_579 : i32
        %get3A_581 = arith.index_cast %add3A_580 : i32 to index
        %get3A_582 = arith.constant 0 : index
        %get3A_583 = tpu.vector_load %arg14[%get3A_581, %get3A_582] {strides = array<i32>} : memref<200x64xi32, #tpu.memory_space<vmem>>, vector<16xi32>,
        %bitcast3A_584 = vector.bitcast %get3A_578 : vector<16xi32> to vector<32xbf16>
        %bitcast3A_585 = vector.bitcast %get3A_583 : vector<16xi32> to vector<32xbf16>
        %mul3A_586 = arith.mulf %bitcast3A_584, %bitcast3A_585 : vector<32xbf16>
        %unpack3A_587 = tpu.unpack_subelements %mul3A_586, 0 {pack_format = #tpu.pack_format<interleaved>} : vector<32xbf16> -> vector<16xf32>
        %unpack3A_588 = tpu.unpack_subelements %mul3A_586, 1 {pack_format = #tpu.pack_format<interleaved>} : vector<32xbf16> -> vector<16xf32>
        %add3A_589 = arith.addf %unpack3A_587, %unpack3A_588 : vector<16xf32>
        %add3A_590 = arith.constant 6 : i32
        %add3A_591 = arith.addi %add3A_173, %add3A_590 : i32
        %get3A_592 = arith.index_cast %add3A_591 : i32 to index
        %get3A_593 = arith.constant 16 : index
        %get3A_594 = tpu.vector_load %arg13[%get3A_592, %get3A_593] {strides = array<i32>} : memref<200x64xi32, #tpu.memory_space<vmem>>, vector<16xi32>,
        %add3A_595 = arith.constant 6 : i32
        %add3A_596 = arith.addi %add3A_173, %add3A_595 : i32
        %get3A_597 = arith.index_cast %add3A_596 : i32 to index
        %get3A_598 = arith.constant 16 : index
        %get3A_599 = tpu.vector_load %arg14[%get3A_597, %get3A_598] {strides = array<i32>} : memref<200x64xi32, #tpu.memory_space<vmem>>, vector<16xi32>,
        %bitcast3A_600 = vector.bitcast %get3A_594 : vector<16xi32> to vector<32xbf16>
        %bitcast3A_601 = vector.bitcast %get3A_599 : vector<16xi32> to vector<32xbf16>
        %mul3A_602 = arith.mulf %bitcast3A_600, %bitcast3A_601 : vector<32xbf16>
        %unpack3A_603 = tpu.unpack_subelements %mul3A_602, 0 {pack_format = #tpu.pack_format<interleaved>} : vector<32xbf16> -> vector<16xf32>
        %unpack3A_604 = tpu.unpack_subelements %mul3A_602, 1 {pack_format = #tpu.pack_format<interleaved>} : vector<32xbf16> -> vector<16xf32>
        %add3A_605 = arith.addf %add3A_589, %unpack3A_603 : vector<16xf32>
        %add3A_606 = arith.addf %add3A_605, %unpack3A_604 : vector<16xf32>
        %add3A_607 = arith.constant 6 : i32
        %add3A_608 = arith.addi %add3A_173, %add3A_607 : i32
        %get3A_609 = arith.index_cast %add3A_608 : i32 to index
        %get3A_610 = arith.constant 32 : index
        %get3A_611 = tpu.vector_load %arg13[%get3A_609, %get3A_610] {strides = array<i32>} : memref<200x64xi32, #tpu.memory_space<vmem>>, vector<16xi32>,
        %add3A_612 = arith.constant 6 : i32
        %add3A_613 = arith.addi %add3A_173, %add3A_612 : i32
        %get3A_614 = arith.index_cast %add3A_613 : i32 to index
        %get3A_615 = arith.constant 32 : index
        %get3A_616 = tpu.vector_load %arg14[%get3A_614, %get3A_615] {strides = array<i32>} : memref<200x64xi32, #tpu.memory_space<vmem>>, vector<16xi32>,
        %bitcast3A_617 = vector.bitcast %get3A_611 : vector<16xi32> to vector<32xbf16>
        %bitcast3A_618 = vector.bitcast %get3A_616 : vector<16xi32> to vector<32xbf16>
        %mul3A_619 = arith.mulf %bitcast3A_617, %bitcast3A_618 : vector<32xbf16>
        %unpack3A_620 = tpu.unpack_subelements %mul3A_619, 0 {pack_format = #tpu.pack_format<interleaved>} : vector<32xbf16> -> vector<16xf32>
        %unpack3A_621 = tpu.unpack_subelements %mul3A_619, 1 {pack_format = #tpu.pack_format<interleaved>} : vector<32xbf16> -> vector<16xf32>
        %add3A_622 = arith.addf %add3A_606, %unpack3A_620 : vector<16xf32>
        %add3A_623 = arith.addf %add3A_622, %unpack3A_621 : vector<16xf32>
        %add3A_624 = arith.constant 6 : i32
        %add3A_625 = arith.addi %add3A_173, %add3A_624 : i32
        %get3A_626 = arith.index_cast %add3A_625 : i32 to index
        %get3A_627 = arith.constant 48 : index
        %get3A_628 = tpu.vector_load %arg13[%get3A_626, %get3A_627] {strides = array<i32>} : memref<200x64xi32, #tpu.memory_space<vmem>>, vector<16xi32>,
        %add3A_629 = arith.constant 6 : i32
        %add3A_630 = arith.addi %add3A_173, %add3A_629 : i32
        %get3A_631 = arith.index_cast %add3A_630 : i32 to index
        %get3A_632 = arith.constant 48 : index
        %get3A_633 = tpu.vector_load %arg14[%get3A_631, %get3A_632] {strides = array<i32>} : memref<200x64xi32, #tpu.memory_space<vmem>>, vector<16xi32>,
        %bitcast3A_634 = vector.bitcast %get3A_628 : vector<16xi32> to vector<32xbf16>
        %bitcast3A_635 = vector.bitcast %get3A_633 : vector<16xi32> to vector<32xbf16>
        %mul3A_636 = arith.mulf %bitcast3A_634, %bitcast3A_635 : vector<32xbf16>
        %unpack3A_637 = tpu.unpack_subelements %mul3A_636, 0 {pack_format = #tpu.pack_format<interleaved>} : vector<32xbf16> -> vector<16xf32>
        %unpack3A_638 = tpu.unpack_subelements %mul3A_636, 1 {pack_format = #tpu.pack_format<interleaved>} : vector<32xbf16> -> vector<16xf32>
        %add3A_639 = arith.addf %add3A_623, %unpack3A_637 : vector<16xf32>
        %add3A_640 = arith.addf %add3A_639, %unpack3A_638 : vector<16xf32>
        %add3A_641 = arith.constant 7 : i32
        %add3A_642 = arith.addi %add3A_173, %add3A_641 : i32
        %get3A_643 = arith.index_cast %add3A_642 : i32 to index
        %get3A_644 = arith.constant 0 : index
        %get3A_645 = tpu.vector_load %arg13[%get3A_643, %get3A_644] {strides = array<i32>} : memref<200x64xi32, #tpu.memory_space<vmem>>, vector<16xi32>,
        %add3A_646 = arith.constant 7 : i32
        %add3A_647 = arith.addi %add3A_173, %add3A_646 : i32
        %get3A_648 = arith.index_cast %add3A_647 : i32 to index
        %get3A_649 = arith.constant 0 : index
        %get3A_650 = tpu.vector_load %arg14[%get3A_648, %get3A_649] {strides = array<i32>} : memref<200x64xi32, #tpu.memory_space<vmem>>, vector<16xi32>,
        %bitcast3A_651 = vector.bitcast %get3A_645 : vector<16xi32> to vector<32xbf16>
        %bitcast3A_652 = vector.bitcast %get3A_650 : vector<16xi32> to vector<32xbf16>
        %mul3A_653 = arith.mulf %bitcast3A_651, %bitcast3A_652 : vector<32xbf16>
        %unpack3A_654 = tpu.unpack_subelements %mul3A_653, 0 {pack_format = #tpu.pack_format<interleaved>} : vector<32xbf16> -> vector<16xf32>
        %unpack3A_655 = tpu.unpack_subelements %mul3A_653, 1 {pack_format = #tpu.pack_format<interleaved>} : vector<32xbf16> -> vector<16xf32>
        %add3A_656 = arith.addf %unpack3A_654, %unpack3A_655 : vector<16xf32>
        %add3A_657 = arith.constant 7 : i32
        %add3A_658 = arith.addi %add3A_173, %add3A_657 : i32
        %get3A_659 = arith.index_cast %add3A_658 : i32 to index
        %get3A_660 = arith.constant 16 : index
        %get3A_661 = tpu.vector_load %arg13[%get3A_659, %get3A_660] {strides = array<i32>} : memref<200x64xi32, #tpu.memory_space<vmem>>, vector<16xi32>,
        %add3A_662 = arith.constant 7 : i32
        %add3A_663 = arith.addi %add3A_173, %add3A_662 : i32
        %get3A_664 = arith.index_cast %add3A_663 : i32 to index
        %get3A_665 = arith.constant 16 : index
        %get3A_666 = tpu.vector_load %arg14[%get3A_664, %get3A_665] {strides = array<i32>} : memref<200x64xi32, #tpu.memory_space<vmem>>, vector<16xi32>,
        %bitcast3A_667 = vector.bitcast %get3A_661 : vector<16xi32> to vector<32xbf16>
        %bitcast3A_668 = vector.bitcast %get3A_666 : vector<16xi32> to vector<32xbf16>
        %mul3A_669 = arith.mulf %bitcast3A_667, %bitcast3A_668 : vector<32xbf16>
        %unpack3A_670 = tpu.unpack_subelements %mul3A_669, 0 {pack_format = #tpu.pack_format<interleaved>} : vector<32xbf16> -> vector<16xf32>
        %unpack3A_671 = tpu.unpack_subelements %mul3A_669, 1 {pack_format = #tpu.pack_format<interleaved>} : vector<32xbf16> -> vector<16xf32>
        %add3A_672 = arith.addf %add3A_656, %unpack3A_670 : vector<16xf32>
        %add3A_673 = arith.addf %add3A_672, %unpack3A_671 : vector<16xf32>
        %add3A_674 = arith.constant 7 : i32
        %add3A_675 = arith.addi %add3A_173, %add3A_674 : i32
        %get3A_676 = arith.index_cast %add3A_675 : i32 to index
        %get3A_677 = arith.constant 32 : index
        %get3A_678 = tpu.vector_load %arg13[%get3A_676, %get3A_677] {strides = array<i32>} : memref<200x64xi32, #tpu.memory_space<vmem>>, vector<16xi32>,
        %add3A_679 = arith.constant 7 : i32
        %add3A_680 = arith.addi %add3A_173, %add3A_679 : i32
        %get3A_681 = arith.index_cast %add3A_680 : i32 to index
        %get3A_682 = arith.constant 32 : index
        %get3A_683 = tpu.vector_load %arg14[%get3A_681, %get3A_682] {strides = array<i32>} : memref<200x64xi32, #tpu.memory_space<vmem>>, vector<16xi32>,
        %bitcast3A_684 = vector.bitcast %get3A_678 : vector<16xi32> to vector<32xbf16>
        %bitcast3A_685 = vector.bitcast %get3A_683 : vector<16xi32> to vector<32xbf16>
        %mul3A_686 = arith.mulf %bitcast3A_684, %bitcast3A_685 : vector<32xbf16>
        %unpack3A_687 = tpu.unpack_subelements %mul3A_686, 0 {pack_format = #tpu.pack_format<interleaved>} : vector<32xbf16> -> vector<16xf32>
        %unpack3A_688 = tpu.unpack_subelements %mul3A_686, 1 {pack_format = #tpu.pack_format<interleaved>} : vector<32xbf16> -> vector<16xf32>
        %add3A_689 = arith.addf %add3A_673, %unpack3A_687 : vector<16xf32>
        %add3A_690 = arith.addf %add3A_689, %unpack3A_688 : vector<16xf32>
        %add3A_691 = arith.constant 7 : i32
        %add3A_692 = arith.addi %add3A_173, %add3A_691 : i32
        %get3A_693 = arith.index_cast %add3A_692 : i32 to index
        %get3A_694 = arith.constant 48 : index
        %get3A_695 = tpu.vector_load %arg13[%get3A_693, %get3A_694] {strides = array<i32>} : memref<200x64xi32, #tpu.memory_space<vmem>>, vector<16xi32>,
        %add3A_696 = arith.constant 7 : i32
        %add3A_697 = arith.addi %add3A_173, %add3A_696 : i32
        %get3A_698 = arith.index_cast %add3A_697 : i32 to index
        %get3A_699 = arith.constant 48 : index
        %get3A_700 = tpu.vector_load %arg14[%get3A_698, %get3A_699] {strides = array<i32>} : memref<200x64xi32, #tpu.memory_space<vmem>>, vector<16xi32>,
        %bitcast3A_701 = vector.bitcast %get3A_695 : vector<16xi32> to vector<32xbf16>
        %bitcast3A_702 = vector.bitcast %get3A_700 : vector<16xi32> to vector<32xbf16>
        %mul3A_703 = arith.mulf %bitcast3A_701, %bitcast3A_702 : vector<32xbf16>
        %unpack3A_704 = tpu.unpack_subelements %mul3A_703, 0 {pack_format = #tpu.pack_format<interleaved>} : vector<32xbf16> -> vector<16xf32>
        %unpack3A_705 = tpu.unpack_subelements %mul3A_703, 1 {pack_format = #tpu.pack_format<interleaved>} : vector<32xbf16> -> vector<16xf32>
        %add3A_706 = arith.addf %add3A_690, %unpack3A_704 : vector<16xf32>
        %add3A_707 = arith.addf %add3A_706, %unpack3A_705 : vector<16xf32>
        %broadcast_in_dim3A = vector.shape_cast %xor3A_4 : vector<16xi32> to vector<16x1xi32>
        %gather3A = vector.shape_cast %broadcast_in_dim3A : vector<16x1xi32> to vector<16xi32>
        %gather3A_708 = tpu.dynamic_gather %add3A_238[%gather3A] in [0] : vector<16xf32>, vector<16xi32> -> vector<16xf32>
        %add3A_709 = arith.addf %add3A_238, %gather3A_708 : vector<16xf32>
        %broadcast_in_dim3A_710 = vector.shape_cast %xor3A_7 : vector<16xi32> to vector<16x1xi32>
        %gather3A_711 = vector.shape_cast %broadcast_in_dim3A_710 : vector<16x1xi32> to vector<16xi32>
        %gather3A_712 = tpu.dynamic_gather %add3A_709[%gather3A_711] in [0] : vector<16xf32>, vector<16xi32> -> vector<16xf32>
        %add3A_713 = arith.addf %add3A_709, %gather3A_712 : vector<16xf32>
        %broadcast_in_dim3A_714 = vector.shape_cast %xor3A_10 : vector<16xi32> to vector<16x1xi32>
        %gather3A_715 = vector.shape_cast %broadcast_in_dim3A_714 : vector<16x1xi32> to vector<16xi32>
        %gather3A_716 = tpu.dynamic_gather %add3A_713[%gather3A_715] in [0] : vector<16xf32>, vector<16xi32> -> vector<16xf32>
        %add3A_717 = arith.addf %add3A_713, %gather3A_716 : vector<16xf32>
        %broadcast_in_dim3A_718 = vector.shape_cast %xor3A_13 : vector<16xi32> to vector<16x1xi32>
        %gather3A_719 = vector.shape_cast %broadcast_in_dim3A_718 : vector<16x1xi32> to vector<16xi32>
        %gather3A_720 = tpu.dynamic_gather %add3A_717[%gather3A_719] in [0] : vector<16xf32>, vector<16xi32> -> vector<16xf32>
        %add3A_721 = arith.addf %add3A_717, %gather3A_720 : vector<16xf32>
        %add3A_722 = arith.constant 0 : i32
        %add3A_723 = arith.addi %add3A_174, %add3A_722 : i32
        %broadcast_in_dim3A_724 = vector.broadcast %add3A_723 : i32 to vector<16xi32>
        tpu.vector_store_idx %arg10[%broadcast_in_dim3A_724], %add3A_721 masked %eq3A_15 : memref<10000xf32, #tpu.memory_space<vmem>>[vector<16xi32>], vector<16xf32>, vector<16xi1>
        %broadcast_in_dim3A_725 = vector.shape_cast %xor3A_4 : vector<16xi32> to vector<16x1xi32>
        %gather3A_726 = vector.shape_cast %broadcast_in_dim3A_725 : vector<16x1xi32> to vector<16xi32>
        %gather3A_727 = tpu.dynamic_gather %add3A_305[%gather3A_726] in [0] : vector<16xf32>, vector<16xi32> -> vector<16xf32>
        %add3A_728 = arith.addf %add3A_305, %gather3A_727 : vector<16xf32>
        %broadcast_in_dim3A_729 = vector.shape_cast %xor3A_7 : vector<16xi32> to vector<16x1xi32>
        %gather3A_730 = vector.shape_cast %broadcast_in_dim3A_729 : vector<16x1xi32> to vector<16xi32>
        %gather3A_731 = tpu.dynamic_gather %add3A_728[%gather3A_730] in [0] : vector<16xf32>, vector<16xi32> -> vector<16xf32>
        %add3A_732 = arith.addf %add3A_728, %gather3A_731 : vector<16xf32>
        %broadcast_in_dim3A_733 = vector.shape_cast %xor3A_10 : vector<16xi32> to vector<16x1xi32>
        %gather3A_734 = vector.shape_cast %broadcast_in_dim3A_733 : vector<16x1xi32> to vector<16xi32>
        %gather3A_735 = tpu.dynamic_gather %add3A_732[%gather3A_734] in [0] : vector<16xf32>, vector<16xi32> -> vector<16xf32>
        %add3A_736 = arith.addf %add3A_732, %gather3A_735 : vector<16xf32>
        %broadcast_in_dim3A_737 = vector.shape_cast %xor3A_13 : vector<16xi32> to vector<16x1xi32>
        %gather3A_738 = vector.shape_cast %broadcast_in_dim3A_737 : vector<16x1xi32> to vector<16xi32>
        %gather3A_739 = tpu.dynamic_gather %add3A_736[%gather3A_738] in [0] : vector<16xf32>, vector<16xi32> -> vector<16xf32>
        %add3A_740 = arith.addf %add3A_736, %gather3A_739 : vector<16xf32>
        %add3A_741 = arith.constant 1 : i32
        %add3A_742 = arith.addi %add3A_174, %add3A_741 : i32
        %broadcast_in_dim3A_743 = vector.broadcast %add3A_742 : i32 to vector<16xi32>
        tpu.vector_store_idx %arg10[%broadcast_in_dim3A_743], %add3A_740 masked %eq3A_15 : memref<10000xf32, #tpu.memory_space<vmem>>[vector<16xi32>], vector<16xf32>, vector<16xi1>
        %broadcast_in_dim3A_744 = vector.shape_cast %xor3A_4 : vector<16xi32> to vector<16x1xi32>
        %gather3A_745 = vector.shape_cast %broadcast_in_dim3A_744 : vector<16x1xi32> to vector<16xi32>
        %gather3A_746 = tpu.dynamic_gather %add3A_372[%gather3A_745] in [0] : vector<16xf32>, vector<16xi32> -> vector<16xf32>
        %add3A_747 = arith.addf %add3A_372, %gather3A_746 : vector<16xf32>
        %broadcast_in_dim3A_748 = vector.shape_cast %xor3A_7 : vector<16xi32> to vector<16x1xi32>
        %gather3A_749 = vector.shape_cast %broadcast_in_dim3A_748 : vector<16x1xi32> to vector<16xi32>
        %gather3A_750 = tpu.dynamic_gather %add3A_747[%gather3A_749] in [0] : vector<16xf32>, vector<16xi32> -> vector<16xf32>
        %add3A_751 = arith.addf %add3A_747, %gather3A_750 : vector<16xf32>
        %broadcast_in_dim3A_752 = vector.shape_cast %xor3A_10 : vector<16xi32> to vector<16x1xi32>
        %gather3A_753 = vector.shape_cast %broadcast_in_dim3A_752 : vector<16x1xi32> to vector<16xi32>
        %gather3A_754 = tpu.dynamic_gather %add3A_751[%gather3A_753] in [0] : vector<16xf32>, vector<16xi32> -> vector<16xf32>
        %add3A_755 = arith.addf %add3A_751, %gather3A_754 : vector<16xf32>
        %broadcast_in_dim3A_756 = vector.shape_cast %xor3A_13 : vector<16xi32> to vector<16x1xi32>
        %gather3A_757 = vector.shape_cast %broadcast_in_dim3A_756 : vector<16x1xi32> to vector<16xi32>
        %gather3A_758 = tpu.dynamic_gather %add3A_755[%gather3A_757] in [0] : vector<16xf32>, vector<16xi32> -> vector<16xf32>
        %add3A_759 = arith.addf %add3A_755, %gather3A_758 : vector<16xf32>
        %add3A_760 = arith.constant 2 : i32
        %add3A_761 = arith.addi %add3A_174, %add3A_760 : i32
        %broadcast_in_dim3A_762 = vector.broadcast %add3A_761 : i32 to vector<16xi32>
        tpu.vector_store_idx %arg10[%broadcast_in_dim3A_762], %add3A_759 masked %eq3A_15 : memref<10000xf32, #tpu.memory_space<vmem>>[vector<16xi32>], vector<16xf32>, vector<16xi1>
        %broadcast_in_dim3A_763 = vector.shape_cast %xor3A_4 : vector<16xi32> to vector<16x1xi32>
        %gather3A_764 = vector.shape_cast %broadcast_in_dim3A_763 : vector<16x1xi32> to vector<16xi32>
        %gather3A_765 = tpu.dynamic_gather %add3A_439[%gather3A_764] in [0] : vector<16xf32>, vector<16xi32> -> vector<16xf32>
        %add3A_766 = arith.addf %add3A_439, %gather3A_765 : vector<16xf32>
        %broadcast_in_dim3A_767 = vector.shape_cast %xor3A_7 : vector<16xi32> to vector<16x1xi32>
        %gather3A_768 = vector.shape_cast %broadcast_in_dim3A_767 : vector<16x1xi32> to vector<16xi32>
        %gather3A_769 = tpu.dynamic_gather %add3A_766[%gather3A_768] in [0] : vector<16xf32>, vector<16xi32> -> vector<16xf32>
        %add3A_770 = arith.addf %add3A_766, %gather3A_769 : vector<16xf32>
        %broadcast_in_dim3A_771 = vector.shape_cast %xor3A_10 : vector<16xi32> to vector<16x1xi32>
        %gather3A_772 = vector.shape_cast %broadcast_in_dim3A_771 : vector<16x1xi32> to vector<16xi32>
        %gather3A_773 = tpu.dynamic_gather %add3A_770[%gather3A_772] in [0] : vector<16xf32>, vector<16xi32> -> vector<16xf32>
        %add3A_774 = arith.addf %add3A_770, %gather3A_773 : vector<16xf32>
        %broadcast_in_dim3A_775 = vector.shape_cast %xor3A_13 : vector<16xi32> to vector<16x1xi32>
        %gather3A_776 = vector.shape_cast %broadcast_in_dim3A_775 : vector<16x1xi32> to vector<16xi32>
        %gather3A_777 = tpu.dynamic_gather %add3A_774[%gather3A_776] in [0] : vector<16xf32>, vector<16xi32> -> vector<16xf32>
        %add3A_778 = arith.addf %add3A_774, %gather3A_777 : vector<16xf32>
        %add3A_779 = arith.constant 3 : i32
        %add3A_780 = arith.addi %add3A_174, %add3A_779 : i32
        %broadcast_in_dim3A_781 = vector.broadcast %add3A_780 : i32 to vector<16xi32>
        tpu.vector_store_idx %arg10[%broadcast_in_dim3A_781], %add3A_778 masked %eq3A_15 : memref<10000xf32, #tpu.memory_space<vmem>>[vector<16xi32>], vector<16xf32>, vector<16xi1>
        %broadcast_in_dim3A_782 = vector.shape_cast %xor3A_4 : vector<16xi32> to vector<16x1xi32>
        %gather3A_783 = vector.shape_cast %broadcast_in_dim3A_782 : vector<16x1xi32> to vector<16xi32>
        %gather3A_784 = tpu.dynamic_gather %add3A_506[%gather3A_783] in [0] : vector<16xf32>, vector<16xi32> -> vector<16xf32>
        %add3A_785 = arith.addf %add3A_506, %gather3A_784 : vector<16xf32>
        %broadcast_in_dim3A_786 = vector.shape_cast %xor3A_7 : vector<16xi32> to vector<16x1xi32>
        %gather3A_787 = vector.shape_cast %broadcast_in_dim3A_786 : vector<16x1xi32> to vector<16xi32>
        %gather3A_788 = tpu.dynamic_gather %add3A_785[%gather3A_787] in [0] : vector<16xf32>, vector<16xi32> -> vector<16xf32>
        %add3A_789 = arith.addf %add3A_785, %gather3A_788 : vector<16xf32>
        %broadcast_in_dim3A_790 = vector.shape_cast %xor3A_10 : vector<16xi32> to vector<16x1xi32>
        %gather3A_791 = vector.shape_cast %broadcast_in_dim3A_790 : vector<16x1xi32> to vector<16xi32>
        %gather3A_792 = tpu.dynamic_gather %add3A_789[%gather3A_791] in [0] : vector<16xf32>, vector<16xi32> -> vector<16xf32>
        %add3A_793 = arith.addf %add3A_789, %gather3A_792 : vector<16xf32>
        %broadcast_in_dim3A_794 = vector.shape_cast %xor3A_13 : vector<16xi32> to vector<16x1xi32>
        %gather3A_795 = vector.shape_cast %broadcast_in_dim3A_794 : vector<16x1xi32> to vector<16xi32>
        %gather3A_796 = tpu.dynamic_gather %add3A_793[%gather3A_795] in [0] : vector<16xf32>, vector<16xi32> -> vector<16xf32>
        %add3A_797 = arith.addf %add3A_793, %gather3A_796 : vector<16xf32>
        %add3A_798 = arith.constant 4 : i32
        %add3A_799 = arith.addi %add3A_174, %add3A_798 : i32
        %broadcast_in_dim3A_800 = vector.broadcast %add3A_799 : i32 to vector<16xi32>
        tpu.vector_store_idx %arg10[%broadcast_in_dim3A_800], %add3A_797 masked %eq3A_15 : memref<10000xf32, #tpu.memory_space<vmem>>[vector<16xi32>], vector<16xf32>, vector<16xi1>
        %broadcast_in_dim3A_801 = vector.shape_cast %xor3A_4 : vector<16xi32> to vector<16x1xi32>
        %gather3A_802 = vector.shape_cast %broadcast_in_dim3A_801 : vector<16x1xi32> to vector<16xi32>
        %gather3A_803 = tpu.dynamic_gather %add3A_573[%gather3A_802] in [0] : vector<16xf32>, vector<16xi32> -> vector<16xf32>
        %add3A_804 = arith.addf %add3A_573, %gather3A_803 : vector<16xf32>
        %broadcast_in_dim3A_805 = vector.shape_cast %xor3A_7 : vector<16xi32> to vector<16x1xi32>
        %gather3A_806 = vector.shape_cast %broadcast_in_dim3A_805 : vector<16x1xi32> to vector<16xi32>
        %gather3A_807 = tpu.dynamic_gather %add3A_804[%gather3A_806] in [0] : vector<16xf32>, vector<16xi32> -> vector<16xf32>
        %add3A_808 = arith.addf %add3A_804, %gather3A_807 : vector<16xf32>
        %broadcast_in_dim3A_809 = vector.shape_cast %xor3A_10 : vector<16xi32> to vector<16x1xi32>
        %gather3A_810 = vector.shape_cast %broadcast_in_dim3A_809 : vector<16x1xi32> to vector<16xi32>
        %gather3A_811 = tpu.dynamic_gather %add3A_808[%gather3A_810] in [0] : vector<16xf32>, vector<16xi32> -> vector<16xf32>
        %add3A_812 = arith.addf %add3A_808, %gather3A_811 : vector<16xf32>
        %broadcast_in_dim3A_813 = vector.shape_cast %xor3A_13 : vector<16xi32> to vector<16x1xi32>
        %gather3A_814 = vector.shape_cast %broadcast_in_dim3A_813 : vector<16x1xi32> to vector<16xi32>
        %gather3A_815 = tpu.dynamic_gather %add3A_812[%gather3A_814] in [0] : vector<16xf32>, vector<16xi32> -> vector<16xf32>
        %add3A_816 = arith.addf %add3A_812, %gather3A_815 : vector<16xf32>
        %add3A_817 = arith.constant 5 : i32
        %add3A_818 = arith.addi %add3A_174, %add3A_817 : i32
        %broadcast_in_dim3A_819 = vector.broadcast %add3A_818 : i32 to vector<16xi32>
        tpu.vector_store_idx %arg10[%broadcast_in_dim3A_819], %add3A_816 masked %eq3A_15 : memref<10000xf32, #tpu.memory_space<vmem>>[vector<16xi32>], vector<16xf32>, vector<16xi1>
        %broadcast_in_dim3A_820 = vector.shape_cast %xor3A_4 : vector<16xi32> to vector<16x1xi32>
        %gather3A_821 = vector.shape_cast %broadcast_in_dim3A_820 : vector<16x1xi32> to vector<16xi32>
        %gather3A_822 = tpu.dynamic_gather %add3A_640[%gather3A_821] in [0] : vector<16xf32>, vector<16xi32> -> vector<16xf32>
        %add3A_823 = arith.addf %add3A_640, %gather3A_822 : vector<16xf32>
        %broadcast_in_dim3A_824 = vector.shape_cast %xor3A_7 : vector<16xi32> to vector<16x1xi32>
        %gather3A_825 = vector.shape_cast %broadcast_in_dim3A_824 : vector<16x1xi32> to vector<16xi32>
        %gather3A_826 = tpu.dynamic_gather %add3A_823[%gather3A_825] in [0] : vector<16xf32>, vector<16xi32> -> vector<16xf32>
        %add3A_827 = arith.addf %add3A_823, %gather3A_826 : vector<16xf32>
        %broadcast_in_dim3A_828 = vector.shape_cast %xor3A_10 : vector<16xi32> to vector<16x1xi32>
        %gather3A_829 = vector.shape_cast %broadcast_in_dim3A_828 : vector<16x1xi32> to vector<16xi32>
        %gather3A_830 = tpu.dynamic_gather %add3A_827[%gather3A_829] in [0] : vector<16xf32>, vector<16xi32> -> vector<16xf32>
        %add3A_831 = arith.addf %add3A_827, %gather3A_830 : vector<16xf32>
        %broadcast_in_dim3A_832 = vector.shape_cast %xor3A_13 : vector<16xi32> to vector<16x1xi32>
        %gather3A_833 = vector.shape_cast %broadcast_in_dim3A_832 : vector<16x1xi32> to vector<16xi32>
        %gather3A_834 = tpu.dynamic_gather %add3A_831[%gather3A_833] in [0] : vector<16xf32>, vector<16xi32> -> vector<16xf32>
        %add3A_835 = arith.addf %add3A_831, %gather3A_834 : vector<16xf32>
        %add3A_836 = arith.constant 6 : i32
        %add3A_837 = arith.addi %add3A_174, %add3A_836 : i32
        %broadcast_in_dim3A_838 = vector.broadcast %add3A_837 : i32 to vector<16xi32>
        tpu.vector_store_idx %arg10[%broadcast_in_dim3A_838], %add3A_835 masked %eq3A_15 : memref<10000xf32, #tpu.memory_space<vmem>>[vector<16xi32>], vector<16xf32>, vector<16xi1>
        %broadcast_in_dim3A_839 = vector.shape_cast %xor3A_4 : vector<16xi32> to vector<16x1xi32>
        %gather3A_840 = vector.shape_cast %broadcast_in_dim3A_839 : vector<16x1xi32> to vector<16xi32>
        %gather3A_841 = tpu.dynamic_gather %add3A_707[%gather3A_840] in [0] : vector<16xf32>, vector<16xi32> -> vector<16xf32>
        %add3A_842 = arith.addf %add3A_707, %gather3A_841 : vector<16xf32>
        %broadcast_in_dim3A_843 = vector.shape_cast %xor3A_7 : vector<16xi32> to vector<16x1xi32>
        %gather3A_844 = vector.shape_cast %broadcast_in_dim3A_843 : vector<16x1xi32> to vector<16xi32>
        %gather3A_845 = tpu.dynamic_gather %add3A_842[%gather3A_844] in [0] : vector<16xf32>, vector<16xi32> -> vector<16xf32>
        %add3A_846 = arith.addf %add3A_842, %gather3A_845 : vector<16xf32>
        %broadcast_in_dim3A_847 = vector.shape_cast %xor3A_10 : vector<16xi32> to vector<16x1xi32>
        %gather3A_848 = vector.shape_cast %broadcast_in_dim3A_847 : vector<16x1xi32> to vector<16xi32>
        %gather3A_849 = tpu.dynamic_gather %add3A_846[%gather3A_848] in [0] : vector<16xf32>, vector<16xi32> -> vector<16xf32>
        %add3A_850 = arith.addf %add3A_846, %gather3A_849 : vector<16xf32>
        %broadcast_in_dim3A_851 = vector.shape_cast %xor3A_13 : vector<16xi32> to vector<16x1xi32>
        %gather3A_852 = vector.shape_cast %broadcast_in_dim3A_851 : vector<16x1xi32> to vector<16xi32>
        %gather3A_853 = tpu.dynamic_gather %add3A_850[%gather3A_852] in [0] : vector<16xf32>, vector<16xi32> -> vector<16xf32>
        %add3A_854 = arith.addf %add3A_850, %gather3A_853 : vector<16xf32>
        %add3A_855 = arith.constant 7 : i32
        %add3A_856 = arith.addi %add3A_174, %add3A_855 : i32
        %broadcast_in_dim3A_857 = vector.broadcast %add3A_856 : i32 to vector<16xi32>
        tpu.vector_store_idx %arg10[%broadcast_in_dim3A_857], %add3A_854 masked %eq3A_15 : memref<10000xf32, #tpu.memory_space<vmem>>[vector<16xi32>], vector<16xf32>, vector<16xi1>
      }
      %scan3A_137 = arith.constant 25 : i32
      %add3A_138 = arith.constant 4 : i32
      %add3A_139 = arith.addi %add3A_77, %add3A_138 : i32
      %mul3A_140 = arith.constant 200 : i32
      %mul3A_141 = arith.muli %add3A_139, %mul3A_140 : i32
      %dma_start3A_142 = tpu.memref_slice %arg8[%mul3A_141] : memref<10000xi32, #tpu.memory_space<vmem>> -> memref<200xi32, #tpu.memory_space<vmem>>
      %dma_start3A_143 = arith.constant 0 : i32
      %dma_start3A_144 = arith.constant 0 : i32
      %dma_start3A_145 = tpu.memref_slice %arg2[%dma_start3A_143, %dma_start3A_144] : memref<10000x64xi32, #tpu.memory_space<hbm>> -> memref<10000x64xi32, #tpu.memory_space<hbm>>
      tpu.enqueue_indirect_dma source(%dma_start3A_145 : memref<10000x64xi32, #tpu.memory_space<hbm>>) target(%arg13 : memref<200x64xi32, #tpu.memory_space<vmem>>) offsets(%dma_start3A_142 : memref<200xi32, #tpu.memory_space<vmem>>) semaphore(%arg19 : memref<!tpu.dma_semaphore, #tpu.memory_space<semaphore_mem>>)
      %dma_start3A_146 = tpu.memref_slice %arg9[%mul3A_141] : memref<10000xi32, #tpu.memory_space<vmem>> -> memref<200xi32, #tpu.memory_space<vmem>>
      %dma_start3A_147 = arith.constant 0 : i32
      %dma_start3A_148 = arith.constant 0 : i32
      %dma_start3A_149 = tpu.memref_slice %arg2[%dma_start3A_147, %dma_start3A_148] : memref<10000x64xi32, #tpu.memory_space<hbm>> -> memref<10000x64xi32, #tpu.memory_space<hbm>>
      tpu.enqueue_indirect_dma source(%dma_start3A_149 : memref<10000x64xi32, #tpu.memory_space<hbm>>) target(%arg14 : memref<200x64xi32, #tpu.memory_space<vmem>>) offsets(%dma_start3A_146 : memref<200xi32, #tpu.memory_space<vmem>>) semaphore(%arg20 : memref<!tpu.dma_semaphore, #tpu.memory_space<semaphore_mem>>)
      %add3A_150 = arith.constant 2 : i32
      %add3A_151 = arith.addi %add3A_77, %add3A_150 : i32
      %mul3A_152 = arith.constant 200 : i32
      %mul3A_153 = arith.muli %add3A_151, %mul3A_152 : i32
      %dma_wait3A_154 = tpu.memref_slice %arg8[%mul3A_153] : memref<10000xi32, #tpu.memory_space<vmem>> -> memref<200xi32, #tpu.memory_space<vmem>>
      %dma_wait3A_155 = arith.constant 0 : i32
      %dma_wait3A_156 = arith.constant 0 : i32
      %dma_wait3A_157 = tpu.memref_slice %arg2[%dma_wait3A_155, %dma_wait3A_156] : memref<10000x64xi32, #tpu.memory_space<hbm>> -> memref<10000x64xi32, #tpu.memory_space<hbm>>
      tpu.wait_indirect_dma semaphore(%arg21 : memref<!tpu.dma_semaphore, #tpu.memory_space<semaphore_mem>>) src(%dma_wait3A_157 : memref<10000x64xi32, #tpu.memory_space<hbm>>) dst(%arg15 : memref<200x64xi32, #tpu.memory_space<vmem>>)
      %dma_wait3A_158 = tpu.memref_slice %arg9[%mul3A_153] : memref<10000xi32, #tpu.memory_space<vmem>> -> memref<200xi32, #tpu.memory_space<vmem>>
      %dma_wait3A_159 = arith.constant 0 : i32
      %dma_wait3A_160 = arith.constant 0 : i32
      %dma_wait3A_161 = tpu.memref_slice %arg2[%dma_wait3A_159, %dma_wait3A_160] : memref<10000x64xi32, #tpu.memory_space<hbm>> -> memref<10000x64xi32, #tpu.memory_space<hbm>>
      tpu.wait_indirect_dma semaphore(%arg22 : memref<!tpu.dma_semaphore, #tpu.memory_space<semaphore_mem>>) src(%dma_wait3A_161 : memref<10000x64xi32, #tpu.memory_space<hbm>>) dst(%arg16 : memref<200x64xi32, #tpu.memory_space<vmem>>)
      %mul3A_162 = arith.constant 200 : i32
      %mul3A_163 = arith.muli %add3A_151, %mul3A_162 : i32
      %scan3A_164 = arith.constant 0 : i32
      %scan3A_165 = arith.constant 25 : i32
      %scan3A_166 = arith.addi %scan3A_164, %scan3A_165 : i32
      %scan3A_167 = arith.constant 1 : i32
      scf.for %scan3A_169 = %scan3A_164 to %scan3A_166 step %scan3A_167  : i32 {
        %mul3A_170 = arith.constant 8 : i32
        %mul3A_171 = arith.muli %scan3A_169, %mul3A_170 : i32
        %add3A_172 = arith.constant 0 : i32
        %add3A_173 = arith.addi %add3A_172, %mul3A_171 : i32
        %add3A_174 = arith.addi %mul3A_163, %add3A_173 : i32
        %add3A_175 = arith.constant 0 : i32
        %add3A_176 = arith.addi %add3A_173, %add3A_175 : i32
        %get3A = arith.index_cast %add3A_176 : i32 to index
        %get3A_177 = arith.constant 0 : index
        %get3A_178 = tpu.vector_load %arg15[%get3A, %get3A_177] {strides = array<i32>} : memref<200x64xi32, #tpu.memory_space<vmem>>, vector<16xi32>,
        %add3A_179 = arith.constant 0 : i32
        %add3A_180 = arith.addi %add3A_173, %add3A_179 : i32
        %get3A_181 = arith.index_cast %add3A_180 : i32 to index
        %get3A_182 = arith.constant 0 : index
        %get3A_183 = tpu.vector_load %arg16[%get3A_181, %get3A_182] {strides = array<i32>} : memref<200x64xi32, #tpu.memory_space<vmem>>, vector<16xi32>,
        %bitcast3A = vector.bitcast %get3A_178 : vector<16xi32> to vector<32xbf16>
        %bitcast3A_184 = vector.bitcast %get3A_183 : vector<16xi32> to vector<32xbf16>
        %mul3A_185 = arith.mulf %bitcast3A, %bitcast3A_184 : vector<32xbf16>
        %unpack3A = tpu.unpack_subelements %mul3A_185, 0 {pack_format = #tpu.pack_format<interleaved>} : vector<32xbf16> -> vector<16xf32>
        %unpack3A_186 = tpu.unpack_subelements %mul3A_185, 1 {pack_format = #tpu.pack_format<interleaved>} : vector<32xbf16> -> vector<16xf32>
        %add3A_187 = arith.addf %unpack3A, %unpack3A_186 : vector<16xf32>
        %add3A_188 = arith.constant 0 : i32
        %add3A_189 = arith.addi %add3A_173, %add3A_188 : i32
        %get3A_190 = arith.index_cast %add3A_189 : i32 to index
        %get3A_191 = arith.constant 16 : index
        %get3A_192 = tpu.vector_load %arg15[%get3A_190, %get3A_191] {strides = array<i32>} : memref<200x64xi32, #tpu.memory_space<vmem>>, vector<16xi32>,
        %add3A_193 = arith.constant 0 : i32
        %add3A_194 = arith.addi %add3A_173, %add3A_193 : i32
        %get3A_195 = arith.index_cast %add3A_194 : i32 to index
        %get3A_196 = arith.constant 16 : index
        %get3A_197 = tpu.vector_load %arg16[%get3A_195, %get3A_196] {strides = array<i32>} : memref<200x64xi32, #tpu.memory_space<vmem>>, vector<16xi32>,
        %bitcast3A_198 = vector.bitcast %get3A_192 : vector<16xi32> to vector<32xbf16>
        %bitcast3A_199 = vector.bitcast %get3A_197 : vector<16xi32> to vector<32xbf16>
        %mul3A_200 = arith.mulf %bitcast3A_198, %bitcast3A_199 : vector<32xbf16>
        %unpack3A_201 = tpu.unpack_subelements %mul3A_200, 0 {pack_format = #tpu.pack_format<interleaved>} : vector<32xbf16> -> vector<16xf32>
        %unpack3A_202 = tpu.unpack_subelements %mul3A_200, 1 {pack_format = #tpu.pack_format<interleaved>} : vector<32xbf16> -> vector<16xf32>
        %add3A_203 = arith.addf %add3A_187, %unpack3A_201 : vector<16xf32>
        %add3A_204 = arith.addf %add3A_203, %unpack3A_202 : vector<16xf32>
        %add3A_205 = arith.constant 0 : i32
        %add3A_206 = arith.addi %add3A_173, %add3A_205 : i32
        %get3A_207 = arith.index_cast %add3A_206 : i32 to index
        %get3A_208 = arith.constant 32 : index
        %get3A_209 = tpu.vector_load %arg15[%get3A_207, %get3A_208] {strides = array<i32>} : memref<200x64xi32, #tpu.memory_space<vmem>>, vector<16xi32>,
        %add3A_210 = arith.constant 0 : i32
        %add3A_211 = arith.addi %add3A_173, %add3A_210 : i32
        %get3A_212 = arith.index_cast %add3A_211 : i32 to index
        %get3A_213 = arith.constant 32 : index
        %get3A_214 = tpu.vector_load %arg16[%get3A_212, %get3A_213] {strides = array<i32>} : memref<200x64xi32, #tpu.memory_space<vmem>>, vector<16xi32>,
        %bitcast3A_215 = vector.bitcast %get3A_209 : vector<16xi32> to vector<32xbf16>
        %bitcast3A_216 = vector.bitcast %get3A_214 : vector<16xi32> to vector<32xbf16>
        %mul3A_217 = arith.mulf %bitcast3A_215, %bitcast3A_216 : vector<32xbf16>
        %unpack3A_218 = tpu.unpack_subelements %mul3A_217, 0 {pack_format = #tpu.pack_format<interleaved>} : vector<32xbf16> -> vector<16xf32>
        %unpack3A_219 = tpu.unpack_subelements %mul3A_217, 1 {pack_format = #tpu.pack_format<interleaved>} : vector<32xbf16> -> vector<16xf32>
        %add3A_220 = arith.addf %add3A_204, %unpack3A_218 : vector<16xf32>
        %add3A_221 = arith.addf %add3A_220, %unpack3A_219 : vector<16xf32>
        %add3A_222 = arith.constant 0 : i32
        %add3A_223 = arith.addi %add3A_173, %add3A_222 : i32
        %get3A_224 = arith.index_cast %add3A_223 : i32 to index
        %get3A_225 = arith.constant 48 : index
        %get3A_226 = tpu.vector_load %arg15[%get3A_224, %get3A_225] {strides = array<i32>} : memref<200x64xi32, #tpu.memory_space<vmem>>, vector<16xi32>,
        %add3A_227 = arith.constant 0 : i32
        %add3A_228 = arith.addi %add3A_173, %add3A_227 : i32
        %get3A_229 = arith.index_cast %add3A_228 : i32 to index
        %get3A_230 = arith.constant 48 : index
        %get3A_231 = tpu.vector_load %arg16[%get3A_229, %get3A_230] {strides = array<i32>} : memref<200x64xi32, #tpu.memory_space<vmem>>, vector<16xi32>,
        %bitcast3A_232 = vector.bitcast %get3A_226 : vector<16xi32> to vector<32xbf16>
        %bitcast3A_233 = vector.bitcast %get3A_231 : vector<16xi32> to vector<32xbf16>
        %mul3A_234 = arith.mulf %bitcast3A_232, %bitcast3A_233 : vector<32xbf16>
        %unpack3A_235 = tpu.unpack_subelements %mul3A_234, 0 {pack_format = #tpu.pack_format<interleaved>} : vector<32xbf16> -> vector<16xf32>
        %unpack3A_236 = tpu.unpack_subelements %mul3A_234, 1 {pack_format = #tpu.pack_format<interleaved>} : vector<32xbf16> -> vector<16xf32>
        %add3A_237 = arith.addf %add3A_221, %unpack3A_235 : vector<16xf32>
        %add3A_238 = arith.addf %add3A_237, %unpack3A_236 : vector<16xf32>
        %add3A_239 = arith.constant 1 : i32
        %add3A_240 = arith.addi %add3A_173, %add3A_239 : i32
        %get3A_241 = arith.index_cast %add3A_240 : i32 to index
        %get3A_242 = arith.constant 0 : index
        %get3A_243 = tpu.vector_load %arg15[%get3A_241, %get3A_242] {strides = array<i32>} : memref<200x64xi32, #tpu.memory_space<vmem>>, vector<16xi32>,
        %add3A_244 = arith.constant 1 : i32
        %add3A_245 = arith.addi %add3A_173, %add3A_244 : i32
        %get3A_246 = arith.index_cast %add3A_245 : i32 to index
        %get3A_247 = arith.constant 0 : index
        %get3A_248 = tpu.vector_load %arg16[%get3A_246, %get3A_247] {strides = array<i32>} : memref<200x64xi32, #tpu.memory_space<vmem>>, vector<16xi32>,
        %bitcast3A_249 = vector.bitcast %get3A_243 : vector<16xi32> to vector<32xbf16>
        %bitcast3A_250 = vector.bitcast %get3A_248 : vector<16xi32> to vector<32xbf16>
        %mul3A_251 = arith.mulf %bitcast3A_249, %bitcast3A_250 : vector<32xbf16>
        %unpack3A_252 = tpu.unpack_subelements %mul3A_251, 0 {pack_format = #tpu.pack_format<interleaved>} : vector<32xbf16> -> vector<16xf32>
        %unpack3A_253 = tpu.unpack_subelements %mul3A_251, 1 {pack_format = #tpu.pack_format<interleaved>} : vector<32xbf16> -> vector<16xf32>
        %add3A_254 = arith.addf %unpack3A_252, %unpack3A_253 : vector<16xf32>
        %add3A_255 = arith.constant 1 : i32
        %add3A_256 = arith.addi %add3A_173, %add3A_255 : i32
        %get3A_257 = arith.index_cast %add3A_256 : i32 to index
        %get3A_258 = arith.constant 16 : index
        %get3A_259 = tpu.vector_load %arg15[%get3A_257, %get3A_258] {strides = array<i32>} : memref<200x64xi32, #tpu.memory_space<vmem>>, vector<16xi32>,
        %add3A_260 = arith.constant 1 : i32
        %add3A_261 = arith.addi %add3A_173, %add3A_260 : i32
        %get3A_262 = arith.index_cast %add3A_261 : i32 to index
        %get3A_263 = arith.constant 16 : index
        %get3A_264 = tpu.vector_load %arg16[%get3A_262, %get3A_263] {strides = array<i32>} : memref<200x64xi32, #tpu.memory_space<vmem>>, vector<16xi32>,
        %bitcast3A_265 = vector.bitcast %get3A_259 : vector<16xi32> to vector<32xbf16>
        %bitcast3A_266 = vector.bitcast %get3A_264 : vector<16xi32> to vector<32xbf16>
        %mul3A_267 = arith.mulf %bitcast3A_265, %bitcast3A_266 : vector<32xbf16>
        %unpack3A_268 = tpu.unpack_subelements %mul3A_267, 0 {pack_format = #tpu.pack_format<interleaved>} : vector<32xbf16> -> vector<16xf32>
        %unpack3A_269 = tpu.unpack_subelements %mul3A_267, 1 {pack_format = #tpu.pack_format<interleaved>} : vector<32xbf16> -> vector<16xf32>
        %add3A_270 = arith.addf %add3A_254, %unpack3A_268 : vector<16xf32>
        %add3A_271 = arith.addf %add3A_270, %unpack3A_269 : vector<16xf32>
        %add3A_272 = arith.constant 1 : i32
        %add3A_273 = arith.addi %add3A_173, %add3A_272 : i32
        %get3A_274 = arith.index_cast %add3A_273 : i32 to index
        %get3A_275 = arith.constant 32 : index
        %get3A_276 = tpu.vector_load %arg15[%get3A_274, %get3A_275] {strides = array<i32>} : memref<200x64xi32, #tpu.memory_space<vmem>>, vector<16xi32>,
        %add3A_277 = arith.constant 1 : i32
        %add3A_278 = arith.addi %add3A_173, %add3A_277 : i32
        %get3A_279 = arith.index_cast %add3A_278 : i32 to index
        %get3A_280 = arith.constant 32 : index
        %get3A_281 = tpu.vector_load %arg16[%get3A_279, %get3A_280] {strides = array<i32>} : memref<200x64xi32, #tpu.memory_space<vmem>>, vector<16xi32>,
        %bitcast3A_282 = vector.bitcast %get3A_276 : vector<16xi32> to vector<32xbf16>
        %bitcast3A_283 = vector.bitcast %get3A_281 : vector<16xi32> to vector<32xbf16>
        %mul3A_284 = arith.mulf %bitcast3A_282, %bitcast3A_283 : vector<32xbf16>
        %unpack3A_285 = tpu.unpack_subelements %mul3A_284, 0 {pack_format = #tpu.pack_format<interleaved>} : vector<32xbf16> -> vector<16xf32>
        %unpack3A_286 = tpu.unpack_subelements %mul3A_284, 1 {pack_format = #tpu.pack_format<interleaved>} : vector<32xbf16> -> vector<16xf32>
        %add3A_287 = arith.addf %add3A_271, %unpack3A_285 : vector<16xf32>
        %add3A_288 = arith.addf %add3A_287, %unpack3A_286 : vector<16xf32>
        %add3A_289 = arith.constant 1 : i32
        %add3A_290 = arith.addi %add3A_173, %add3A_289 : i32
        %get3A_291 = arith.index_cast %add3A_290 : i32 to index
        %get3A_292 = arith.constant 48 : index
        %get3A_293 = tpu.vector_load %arg15[%get3A_291, %get3A_292] {strides = array<i32>} : memref<200x64xi32, #tpu.memory_space<vmem>>, vector<16xi32>,
        %add3A_294 = arith.constant 1 : i32
        %add3A_295 = arith.addi %add3A_173, %add3A_294 : i32
        %get3A_296 = arith.index_cast %add3A_295 : i32 to index
        %get3A_297 = arith.constant 48 : index
        %get3A_298 = tpu.vector_load %arg16[%get3A_296, %get3A_297] {strides = array<i32>} : memref<200x64xi32, #tpu.memory_space<vmem>>, vector<16xi32>,
        %bitcast3A_299 = vector.bitcast %get3A_293 : vector<16xi32> to vector<32xbf16>
        %bitcast3A_300 = vector.bitcast %get3A_298 : vector<16xi32> to vector<32xbf16>
        %mul3A_301 = arith.mulf %bitcast3A_299, %bitcast3A_300 : vector<32xbf16>
        %unpack3A_302 = tpu.unpack_subelements %mul3A_301, 0 {pack_format = #tpu.pack_format<interleaved>} : vector<32xbf16> -> vector<16xf32>
        %unpack3A_303 = tpu.unpack_subelements %mul3A_301, 1 {pack_format = #tpu.pack_format<interleaved>} : vector<32xbf16> -> vector<16xf32>
        %add3A_304 = arith.addf %add3A_288, %unpack3A_302 : vector<16xf32>
        %add3A_305 = arith.addf %add3A_304, %unpack3A_303 : vector<16xf32>
        %add3A_306 = arith.constant 2 : i32
        %add3A_307 = arith.addi %add3A_173, %add3A_306 : i32
        %get3A_308 = arith.index_cast %add3A_307 : i32 to index
        %get3A_309 = arith.constant 0 : index
        %get3A_310 = tpu.vector_load %arg15[%get3A_308, %get3A_309] {strides = array<i32>} : memref<200x64xi32, #tpu.memory_space<vmem>>, vector<16xi32>,
        %add3A_311 = arith.constant 2 : i32
        %add3A_312 = arith.addi %add3A_173, %add3A_311 : i32
        %get3A_313 = arith.index_cast %add3A_312 : i32 to index
        %get3A_314 = arith.constant 0 : index
        %get3A_315 = tpu.vector_load %arg16[%get3A_313, %get3A_314] {strides = array<i32>} : memref<200x64xi32, #tpu.memory_space<vmem>>, vector<16xi32>,
        %bitcast3A_316 = vector.bitcast %get3A_310 : vector<16xi32> to vector<32xbf16>
        %bitcast3A_317 = vector.bitcast %get3A_315 : vector<16xi32> to vector<32xbf16>
        %mul3A_318 = arith.mulf %bitcast3A_316, %bitcast3A_317 : vector<32xbf16>
        %unpack3A_319 = tpu.unpack_subelements %mul3A_318, 0 {pack_format = #tpu.pack_format<interleaved>} : vector<32xbf16> -> vector<16xf32>
        %unpack3A_320 = tpu.unpack_subelements %mul3A_318, 1 {pack_format = #tpu.pack_format<interleaved>} : vector<32xbf16> -> vector<16xf32>
        %add3A_321 = arith.addf %unpack3A_319, %unpack3A_320 : vector<16xf32>
        %add3A_322 = arith.constant 2 : i32
        %add3A_323 = arith.addi %add3A_173, %add3A_322 : i32
        %get3A_324 = arith.index_cast %add3A_323 : i32 to index
        %get3A_325 = arith.constant 16 : index
        %get3A_326 = tpu.vector_load %arg15[%get3A_324, %get3A_325] {strides = array<i32>} : memref<200x64xi32, #tpu.memory_space<vmem>>, vector<16xi32>,
        %add3A_327 = arith.constant 2 : i32
        %add3A_328 = arith.addi %add3A_173, %add3A_327 : i32
        %get3A_329 = arith.index_cast %add3A_328 : i32 to index
        %get3A_330 = arith.constant 16 : index
        %get3A_331 = tpu.vector_load %arg16[%get3A_329, %get3A_330] {strides = array<i32>} : memref<200x64xi32, #tpu.memory_space<vmem>>, vector<16xi32>,
        %bitcast3A_332 = vector.bitcast %get3A_326 : vector<16xi32> to vector<32xbf16>
        %bitcast3A_333 = vector.bitcast %get3A_331 : vector<16xi32> to vector<32xbf16>
        %mul3A_334 = arith.mulf %bitcast3A_332, %bitcast3A_333 : vector<32xbf16>
        %unpack3A_335 = tpu.unpack_subelements %mul3A_334, 0 {pack_format = #tpu.pack_format<interleaved>} : vector<32xbf16> -> vector<16xf32>
        %unpack3A_336 = tpu.unpack_subelements %mul3A_334, 1 {pack_format = #tpu.pack_format<interleaved>} : vector<32xbf16> -> vector<16xf32>
        %add3A_337 = arith.addf %add3A_321, %unpack3A_335 : vector<16xf32>
        %add3A_338 = arith.addf %add3A_337, %unpack3A_336 : vector<16xf32>
        %add3A_339 = arith.constant 2 : i32
        %add3A_340 = arith.addi %add3A_173, %add3A_339 : i32
        %get3A_341 = arith.index_cast %add3A_340 : i32 to index
        %get3A_342 = arith.constant 32 : index
        %get3A_343 = tpu.vector_load %arg15[%get3A_341, %get3A_342] {strides = array<i32>} : memref<200x64xi32, #tpu.memory_space<vmem>>, vector<16xi32>,
        %add3A_344 = arith.constant 2 : i32
        %add3A_345 = arith.addi %add3A_173, %add3A_344 : i32
        %get3A_346 = arith.index_cast %add3A_345 : i32 to index
        %get3A_347 = arith.constant 32 : index
        %get3A_348 = tpu.vector_load %arg16[%get3A_346, %get3A_347] {strides = array<i32>} : memref<200x64xi32, #tpu.memory_space<vmem>>, vector<16xi32>,
        %bitcast3A_349 = vector.bitcast %get3A_343 : vector<16xi32> to vector<32xbf16>
        %bitcast3A_350 = vector.bitcast %get3A_348 : vector<16xi32> to vector<32xbf16>
        %mul3A_351 = arith.mulf %bitcast3A_349, %bitcast3A_350 : vector<32xbf16>
        %unpack3A_352 = tpu.unpack_subelements %mul3A_351, 0 {pack_format = #tpu.pack_format<interleaved>} : vector<32xbf16> -> vector<16xf32>
        %unpack3A_353 = tpu.unpack_subelements %mul3A_351, 1 {pack_format = #tpu.pack_format<interleaved>} : vector<32xbf16> -> vector<16xf32>
        %add3A_354 = arith.addf %add3A_338, %unpack3A_352 : vector<16xf32>
        %add3A_355 = arith.addf %add3A_354, %unpack3A_353 : vector<16xf32>
        %add3A_356 = arith.constant 2 : i32
        %add3A_357 = arith.addi %add3A_173, %add3A_356 : i32
        %get3A_358 = arith.index_cast %add3A_357 : i32 to index
        %get3A_359 = arith.constant 48 : index
        %get3A_360 = tpu.vector_load %arg15[%get3A_358, %get3A_359] {strides = array<i32>} : memref<200x64xi32, #tpu.memory_space<vmem>>, vector<16xi32>,
        %add3A_361 = arith.constant 2 : i32
        %add3A_362 = arith.addi %add3A_173, %add3A_361 : i32
        %get3A_363 = arith.index_cast %add3A_362 : i32 to index
        %get3A_364 = arith.constant 48 : index
        %get3A_365 = tpu.vector_load %arg16[%get3A_363, %get3A_364] {strides = array<i32>} : memref<200x64xi32, #tpu.memory_space<vmem>>, vector<16xi32>,
        %bitcast3A_366 = vector.bitcast %get3A_360 : vector<16xi32> to vector<32xbf16>
        %bitcast3A_367 = vector.bitcast %get3A_365 : vector<16xi32> to vector<32xbf16>
        %mul3A_368 = arith.mulf %bitcast3A_366, %bitcast3A_367 : vector<32xbf16>
        %unpack3A_369 = tpu.unpack_subelements %mul3A_368, 0 {pack_format = #tpu.pack_format<interleaved>} : vector<32xbf16> -> vector<16xf32>
        %unpack3A_370 = tpu.unpack_subelements %mul3A_368, 1 {pack_format = #tpu.pack_format<interleaved>} : vector<32xbf16> -> vector<16xf32>
        %add3A_371 = arith.addf %add3A_355, %unpack3A_369 : vector<16xf32>
        %add3A_372 = arith.addf %add3A_371, %unpack3A_370 : vector<16xf32>
        %add3A_373 = arith.constant 3 : i32
        %add3A_374 = arith.addi %add3A_173, %add3A_373 : i32
        %get3A_375 = arith.index_cast %add3A_374 : i32 to index
        %get3A_376 = arith.constant 0 : index
        %get3A_377 = tpu.vector_load %arg15[%get3A_375, %get3A_376] {strides = array<i32>} : memref<200x64xi32, #tpu.memory_space<vmem>>, vector<16xi32>,
        %add3A_378 = arith.constant 3 : i32
        %add3A_379 = arith.addi %add3A_173, %add3A_378 : i32
        %get3A_380 = arith.index_cast %add3A_379 : i32 to index
        %get3A_381 = arith.constant 0 : index
        %get3A_382 = tpu.vector_load %arg16[%get3A_380, %get3A_381] {strides = array<i32>} : memref<200x64xi32, #tpu.memory_space<vmem>>, vector<16xi32>,
        %bitcast3A_383 = vector.bitcast %get3A_377 : vector<16xi32> to vector<32xbf16>
        %bitcast3A_384 = vector.bitcast %get3A_382 : vector<16xi32> to vector<32xbf16>
        %mul3A_385 = arith.mulf %bitcast3A_383, %bitcast3A_384 : vector<32xbf16>
        %unpack3A_386 = tpu.unpack_subelements %mul3A_385, 0 {pack_format = #tpu.pack_format<interleaved>} : vector<32xbf16> -> vector<16xf32>
        %unpack3A_387 = tpu.unpack_subelements %mul3A_385, 1 {pack_format = #tpu.pack_format<interleaved>} : vector<32xbf16> -> vector<16xf32>
        %add3A_388 = arith.addf %unpack3A_386, %unpack3A_387 : vector<16xf32>
        %add3A_389 = arith.constant 3 : i32
        %add3A_390 = arith.addi %add3A_173, %add3A_389 : i32
        %get3A_391 = arith.index_cast %add3A_390 : i32 to index
        %get3A_392 = arith.constant 16 : index
        %get3A_393 = tpu.vector_load %arg15[%get3A_391, %get3A_392] {strides = array<i32>} : memref<200x64xi32, #tpu.memory_space<vmem>>, vector<16xi32>,
        %add3A_394 = arith.constant 3 : i32
        %add3A_395 = arith.addi %add3A_173, %add3A_394 : i32
        %get3A_396 = arith.index_cast %add3A_395 : i32 to index
        %get3A_397 = arith.constant 16 : index
        %get3A_398 = tpu.vector_load %arg16[%get3A_396, %get3A_397] {strides = array<i32>} : memref<200x64xi32, #tpu.memory_space<vmem>>, vector<16xi32>,
        %bitcast3A_399 = vector.bitcast %get3A_393 : vector<16xi32> to vector<32xbf16>
        %bitcast3A_400 = vector.bitcast %get3A_398 : vector<16xi32> to vector<32xbf16>
        %mul3A_401 = arith.mulf %bitcast3A_399, %bitcast3A_400 : vector<32xbf16>
        %unpack3A_402 = tpu.unpack_subelements %mul3A_401, 0 {pack_format = #tpu.pack_format<interleaved>} : vector<32xbf16> -> vector<16xf32>
        %unpack3A_403 = tpu.unpack_subelements %mul3A_401, 1 {pack_format = #tpu.pack_format<interleaved>} : vector<32xbf16> -> vector<16xf32>
        %add3A_404 = arith.addf %add3A_388, %unpack3A_402 : vector<16xf32>
        %add3A_405 = arith.addf %add3A_404, %unpack3A_403 : vector<16xf32>
        %add3A_406 = arith.constant 3 : i32
        %add3A_407 = arith.addi %add3A_173, %add3A_406 : i32
        %get3A_408 = arith.index_cast %add3A_407 : i32 to index
        %get3A_409 = arith.constant 32 : index
        %get3A_410 = tpu.vector_load %arg15[%get3A_408, %get3A_409] {strides = array<i32>} : memref<200x64xi32, #tpu.memory_space<vmem>>, vector<16xi32>,
        %add3A_411 = arith.constant 3 : i32
        %add3A_412 = arith.addi %add3A_173, %add3A_411 : i32
        %get3A_413 = arith.index_cast %add3A_412 : i32 to index
        %get3A_414 = arith.constant 32 : index
        %get3A_415 = tpu.vector_load %arg16[%get3A_413, %get3A_414] {strides = array<i32>} : memref<200x64xi32, #tpu.memory_space<vmem>>, vector<16xi32>,
        %bitcast3A_416 = vector.bitcast %get3A_410 : vector<16xi32> to vector<32xbf16>
        %bitcast3A_417 = vector.bitcast %get3A_415 : vector<16xi32> to vector<32xbf16>
        %mul3A_418 = arith.mulf %bitcast3A_416, %bitcast3A_417 : vector<32xbf16>
        %unpack3A_419 = tpu.unpack_subelements %mul3A_418, 0 {pack_format = #tpu.pack_format<interleaved>} : vector<32xbf16> -> vector<16xf32>
        %unpack3A_420 = tpu.unpack_subelements %mul3A_418, 1 {pack_format = #tpu.pack_format<interleaved>} : vector<32xbf16> -> vector<16xf32>
        %add3A_421 = arith.addf %add3A_405, %unpack3A_419 : vector<16xf32>
        %add3A_422 = arith.addf %add3A_421, %unpack3A_420 : vector<16xf32>
        %add3A_423 = arith.constant 3 : i32
        %add3A_424 = arith.addi %add3A_173, %add3A_423 : i32
        %get3A_425 = arith.index_cast %add3A_424 : i32 to index
        %get3A_426 = arith.constant 48 : index
        %get3A_427 = tpu.vector_load %arg15[%get3A_425, %get3A_426] {strides = array<i32>} : memref<200x64xi32, #tpu.memory_space<vmem>>, vector<16xi32>,
        %add3A_428 = arith.constant 3 : i32
        %add3A_429 = arith.addi %add3A_173, %add3A_428 : i32
        %get3A_430 = arith.index_cast %add3A_429 : i32 to index
        %get3A_431 = arith.constant 48 : index
        %get3A_432 = tpu.vector_load %arg16[%get3A_430, %get3A_431] {strides = array<i32>} : memref<200x64xi32, #tpu.memory_space<vmem>>, vector<16xi32>,
        %bitcast3A_433 = vector.bitcast %get3A_427 : vector<16xi32> to vector<32xbf16>
        %bitcast3A_434 = vector.bitcast %get3A_432 : vector<16xi32> to vector<32xbf16>
        %mul3A_435 = arith.mulf %bitcast3A_433, %bitcast3A_434 : vector<32xbf16>
        %unpack3A_436 = tpu.unpack_subelements %mul3A_435, 0 {pack_format = #tpu.pack_format<interleaved>} : vector<32xbf16> -> vector<16xf32>
        %unpack3A_437 = tpu.unpack_subelements %mul3A_435, 1 {pack_format = #tpu.pack_format<interleaved>} : vector<32xbf16> -> vector<16xf32>
        %add3A_438 = arith.addf %add3A_422, %unpack3A_436 : vector<16xf32>
        %add3A_439 = arith.addf %add3A_438, %unpack3A_437 : vector<16xf32>
        %add3A_440 = arith.constant 4 : i32
        %add3A_441 = arith.addi %add3A_173, %add3A_440 : i32
        %get3A_442 = arith.index_cast %add3A_441 : i32 to index
        %get3A_443 = arith.constant 0 : index
        %get3A_444 = tpu.vector_load %arg15[%get3A_442, %get3A_443] {strides = array<i32>} : memref<200x64xi32, #tpu.memory_space<vmem>>, vector<16xi32>,
        %add3A_445 = arith.constant 4 : i32
        %add3A_446 = arith.addi %add3A_173, %add3A_445 : i32
        %get3A_447 = arith.index_cast %add3A_446 : i32 to index
        %get3A_448 = arith.constant 0 : index
        %get3A_449 = tpu.vector_load %arg16[%get3A_447, %get3A_448] {strides = array<i32>} : memref<200x64xi32, #tpu.memory_space<vmem>>, vector<16xi32>,
        %bitcast3A_450 = vector.bitcast %get3A_444 : vector<16xi32> to vector<32xbf16>
        %bitcast3A_451 = vector.bitcast %get3A_449 : vector<16xi32> to vector<32xbf16>
        %mul3A_452 = arith.mulf %bitcast3A_450, %bitcast3A_451 : vector<32xbf16>
        %unpack3A_453 = tpu.unpack_subelements %mul3A_452, 0 {pack_format = #tpu.pack_format<interleaved>} : vector<32xbf16> -> vector<16xf32>
        %unpack3A_454 = tpu.unpack_subelements %mul3A_452, 1 {pack_format = #tpu.pack_format<interleaved>} : vector<32xbf16> -> vector<16xf32>
        %add3A_455 = arith.addf %unpack3A_453, %unpack3A_454 : vector<16xf32>
        %add3A_456 = arith.constant 4 : i32
        %add3A_457 = arith.addi %add3A_173, %add3A_456 : i32
        %get3A_458 = arith.index_cast %add3A_457 : i32 to index
        %get3A_459 = arith.constant 16 : index
        %get3A_460 = tpu.vector_load %arg15[%get3A_458, %get3A_459] {strides = array<i32>} : memref<200x64xi32, #tpu.memory_space<vmem>>, vector<16xi32>,
        %add3A_461 = arith.constant 4 : i32
        %add3A_462 = arith.addi %add3A_173, %add3A_461 : i32
        %get3A_463 = arith.index_cast %add3A_462 : i32 to index
        %get3A_464 = arith.constant 16 : index
        %get3A_465 = tpu.vector_load %arg16[%get3A_463, %get3A_464] {strides = array<i32>} : memref<200x64xi32, #tpu.memory_space<vmem>>, vector<16xi32>,
        %bitcast3A_466 = vector.bitcast %get3A_460 : vector<16xi32> to vector<32xbf16>
        %bitcast3A_467 = vector.bitcast %get3A_465 : vector<16xi32> to vector<32xbf16>
        %mul3A_468 = arith.mulf %bitcast3A_466, %bitcast3A_467 : vector<32xbf16>
        %unpack3A_469 = tpu.unpack_subelements %mul3A_468, 0 {pack_format = #tpu.pack_format<interleaved>} : vector<32xbf16> -> vector<16xf32>
        %unpack3A_470 = tpu.unpack_subelements %mul3A_468, 1 {pack_format = #tpu.pack_format<interleaved>} : vector<32xbf16> -> vector<16xf32>
        %add3A_471 = arith.addf %add3A_455, %unpack3A_469 : vector<16xf32>
        %add3A_472 = arith.addf %add3A_471, %unpack3A_470 : vector<16xf32>
        %add3A_473 = arith.constant 4 : i32
        %add3A_474 = arith.addi %add3A_173, %add3A_473 : i32
        %get3A_475 = arith.index_cast %add3A_474 : i32 to index
        %get3A_476 = arith.constant 32 : index
        %get3A_477 = tpu.vector_load %arg15[%get3A_475, %get3A_476] {strides = array<i32>} : memref<200x64xi32, #tpu.memory_space<vmem>>, vector<16xi32>,
        %add3A_478 = arith.constant 4 : i32
        %add3A_479 = arith.addi %add3A_173, %add3A_478 : i32
        %get3A_480 = arith.index_cast %add3A_479 : i32 to index
        %get3A_481 = arith.constant 32 : index
        %get3A_482 = tpu.vector_load %arg16[%get3A_480, %get3A_481] {strides = array<i32>} : memref<200x64xi32, #tpu.memory_space<vmem>>, vector<16xi32>,
        %bitcast3A_483 = vector.bitcast %get3A_477 : vector<16xi32> to vector<32xbf16>
        %bitcast3A_484 = vector.bitcast %get3A_482 : vector<16xi32> to vector<32xbf16>
        %mul3A_485 = arith.mulf %bitcast3A_483, %bitcast3A_484 : vector<32xbf16>
        %unpack3A_486 = tpu.unpack_subelements %mul3A_485, 0 {pack_format = #tpu.pack_format<interleaved>} : vector<32xbf16> -> vector<16xf32>
        %unpack3A_487 = tpu.unpack_subelements %mul3A_485, 1 {pack_format = #tpu.pack_format<interleaved>} : vector<32xbf16> -> vector<16xf32>
        %add3A_488 = arith.addf %add3A_472, %unpack3A_486 : vector<16xf32>
        %add3A_489 = arith.addf %add3A_488, %unpack3A_487 : vector<16xf32>
        %add3A_490 = arith.constant 4 : i32
        %add3A_491 = arith.addi %add3A_173, %add3A_490 : i32
        %get3A_492 = arith.index_cast %add3A_491 : i32 to index
        %get3A_493 = arith.constant 48 : index
        %get3A_494 = tpu.vector_load %arg15[%get3A_492, %get3A_493] {strides = array<i32>} : memref<200x64xi32, #tpu.memory_space<vmem>>, vector<16xi32>,
        %add3A_495 = arith.constant 4 : i32
        %add3A_496 = arith.addi %add3A_173, %add3A_495 : i32
        %get3A_497 = arith.index_cast %add3A_496 : i32 to index
        %get3A_498 = arith.constant 48 : index
        %get3A_499 = tpu.vector_load %arg16[%get3A_497, %get3A_498] {strides = array<i32>} : memref<200x64xi32, #tpu.memory_space<vmem>>, vector<16xi32>,
        %bitcast3A_500 = vector.bitcast %get3A_494 : vector<16xi32> to vector<32xbf16>
        %bitcast3A_501 = vector.bitcast %get3A_499 : vector<16xi32> to vector<32xbf16>
        %mul3A_502 = arith.mulf %bitcast3A_500, %bitcast3A_501 : vector<32xbf16>
        %unpack3A_503 = tpu.unpack_subelements %mul3A_502, 0 {pack_format = #tpu.pack_format<interleaved>} : vector<32xbf16> -> vector<16xf32>
        %unpack3A_504 = tpu.unpack_subelements %mul3A_502, 1 {pack_format = #tpu.pack_format<interleaved>} : vector<32xbf16> -> vector<16xf32>
        %add3A_505 = arith.addf %add3A_489, %unpack3A_503 : vector<16xf32>
        %add3A_506 = arith.addf %add3A_505, %unpack3A_504 : vector<16xf32>
        %add3A_507 = arith.constant 5 : i32
        %add3A_508 = arith.addi %add3A_173, %add3A_507 : i32
        %get3A_509 = arith.index_cast %add3A_508 : i32 to index
        %get3A_510 = arith.constant 0 : index
        %get3A_511 = tpu.vector_load %arg15[%get3A_509, %get3A_510] {strides = array<i32>} : memref<200x64xi32, #tpu.memory_space<vmem>>, vector<16xi32>,
        %add3A_512 = arith.constant 5 : i32
        %add3A_513 = arith.addi %add3A_173, %add3A_512 : i32
        %get3A_514 = arith.index_cast %add3A_513 : i32 to index
        %get3A_515 = arith.constant 0 : index
        %get3A_516 = tpu.vector_load %arg16[%get3A_514, %get3A_515] {strides = array<i32>} : memref<200x64xi32, #tpu.memory_space<vmem>>, vector<16xi32>,
        %bitcast3A_517 = vector.bitcast %get3A_511 : vector<16xi32> to vector<32xbf16>
        %bitcast3A_518 = vector.bitcast %get3A_516 : vector<16xi32> to vector<32xbf16>
        %mul3A_519 = arith.mulf %bitcast3A_517, %bitcast3A_518 : vector<32xbf16>
        %unpack3A_520 = tpu.unpack_subelements %mul3A_519, 0 {pack_format = #tpu.pack_format<interleaved>} : vector<32xbf16> -> vector<16xf32>
        %unpack3A_521 = tpu.unpack_subelements %mul3A_519, 1 {pack_format = #tpu.pack_format<interleaved>} : vector<32xbf16> -> vector<16xf32>
        %add3A_522 = arith.addf %unpack3A_520, %unpack3A_521 : vector<16xf32>
        %add3A_523 = arith.constant 5 : i32
        %add3A_524 = arith.addi %add3A_173, %add3A_523 : i32
        %get3A_525 = arith.index_cast %add3A_524 : i32 to index
        %get3A_526 = arith.constant 16 : index
        %get3A_527 = tpu.vector_load %arg15[%get3A_525, %get3A_526] {strides = array<i32>} : memref<200x64xi32, #tpu.memory_space<vmem>>, vector<16xi32>,
        %add3A_528 = arith.constant 5 : i32
        %add3A_529 = arith.addi %add3A_173, %add3A_528 : i32
        %get3A_530 = arith.index_cast %add3A_529 : i32 to index
        %get3A_531 = arith.constant 16 : index
        %get3A_532 = tpu.vector_load %arg16[%get3A_530, %get3A_531] {strides = array<i32>} : memref<200x64xi32, #tpu.memory_space<vmem>>, vector<16xi32>,
        %bitcast3A_533 = vector.bitcast %get3A_527 : vector<16xi32> to vector<32xbf16>
        %bitcast3A_534 = vector.bitcast %get3A_532 : vector<16xi32> to vector<32xbf16>
        %mul3A_535 = arith.mulf %bitcast3A_533, %bitcast3A_534 : vector<32xbf16>
        %unpack3A_536 = tpu.unpack_subelements %mul3A_535, 0 {pack_format = #tpu.pack_format<interleaved>} : vector<32xbf16> -> vector<16xf32>
        %unpack3A_537 = tpu.unpack_subelements %mul3A_535, 1 {pack_format = #tpu.pack_format<interleaved>} : vector<32xbf16> -> vector<16xf32>
        %add3A_538 = arith.addf %add3A_522, %unpack3A_536 : vector<16xf32>
        %add3A_539 = arith.addf %add3A_538, %unpack3A_537 : vector<16xf32>
        %add3A_540 = arith.constant 5 : i32
        %add3A_541 = arith.addi %add3A_173, %add3A_540 : i32
        %get3A_542 = arith.index_cast %add3A_541 : i32 to index
        %get3A_543 = arith.constant 32 : index
        %get3A_544 = tpu.vector_load %arg15[%get3A_542, %get3A_543] {strides = array<i32>} : memref<200x64xi32, #tpu.memory_space<vmem>>, vector<16xi32>,
        %add3A_545 = arith.constant 5 : i32
        %add3A_546 = arith.addi %add3A_173, %add3A_545 : i32
        %get3A_547 = arith.index_cast %add3A_546 : i32 to index
        %get3A_548 = arith.constant 32 : index
        %get3A_549 = tpu.vector_load %arg16[%get3A_547, %get3A_548] {strides = array<i32>} : memref<200x64xi32, #tpu.memory_space<vmem>>, vector<16xi32>,
        %bitcast3A_550 = vector.bitcast %get3A_544 : vector<16xi32> to vector<32xbf16>
        %bitcast3A_551 = vector.bitcast %get3A_549 : vector<16xi32> to vector<32xbf16>
        %mul3A_552 = arith.mulf %bitcast3A_550, %bitcast3A_551 : vector<32xbf16>
        %unpack3A_553 = tpu.unpack_subelements %mul3A_552, 0 {pack_format = #tpu.pack_format<interleaved>} : vector<32xbf16> -> vector<16xf32>
        %unpack3A_554 = tpu.unpack_subelements %mul3A_552, 1 {pack_format = #tpu.pack_format<interleaved>} : vector<32xbf16> -> vector<16xf32>
        %add3A_555 = arith.addf %add3A_539, %unpack3A_553 : vector<16xf32>
        %add3A_556 = arith.addf %add3A_555, %unpack3A_554 : vector<16xf32>
        %add3A_557 = arith.constant 5 : i32
        %add3A_558 = arith.addi %add3A_173, %add3A_557 : i32
        %get3A_559 = arith.index_cast %add3A_558 : i32 to index
        %get3A_560 = arith.constant 48 : index
        %get3A_561 = tpu.vector_load %arg15[%get3A_559, %get3A_560] {strides = array<i32>} : memref<200x64xi32, #tpu.memory_space<vmem>>, vector<16xi32>,
        %add3A_562 = arith.constant 5 : i32
        %add3A_563 = arith.addi %add3A_173, %add3A_562 : i32
        %get3A_564 = arith.index_cast %add3A_563 : i32 to index
        %get3A_565 = arith.constant 48 : index
        %get3A_566 = tpu.vector_load %arg16[%get3A_564, %get3A_565] {strides = array<i32>} : memref<200x64xi32, #tpu.memory_space<vmem>>, vector<16xi32>,
        %bitcast3A_567 = vector.bitcast %get3A_561 : vector<16xi32> to vector<32xbf16>
        %bitcast3A_568 = vector.bitcast %get3A_566 : vector<16xi32> to vector<32xbf16>
        %mul3A_569 = arith.mulf %bitcast3A_567, %bitcast3A_568 : vector<32xbf16>
        %unpack3A_570 = tpu.unpack_subelements %mul3A_569, 0 {pack_format = #tpu.pack_format<interleaved>} : vector<32xbf16> -> vector<16xf32>
        %unpack3A_571 = tpu.unpack_subelements %mul3A_569, 1 {pack_format = #tpu.pack_format<interleaved>} : vector<32xbf16> -> vector<16xf32>
        %add3A_572 = arith.addf %add3A_556, %unpack3A_570 : vector<16xf32>
        %add3A_573 = arith.addf %add3A_572, %unpack3A_571 : vector<16xf32>
        %add3A_574 = arith.constant 6 : i32
        %add3A_575 = arith.addi %add3A_173, %add3A_574 : i32
        %get3A_576 = arith.index_cast %add3A_575 : i32 to index
        %get3A_577 = arith.constant 0 : index
        %get3A_578 = tpu.vector_load %arg15[%get3A_576, %get3A_577] {strides = array<i32>} : memref<200x64xi32, #tpu.memory_space<vmem>>, vector<16xi32>,
        %add3A_579 = arith.constant 6 : i32
        %add3A_580 = arith.addi %add3A_173, %add3A_579 : i32
        %get3A_581 = arith.index_cast %add3A_580 : i32 to index
        %get3A_582 = arith.constant 0 : index
        %get3A_583 = tpu.vector_load %arg16[%get3A_581, %get3A_582] {strides = array<i32>} : memref<200x64xi32, #tpu.memory_space<vmem>>, vector<16xi32>,
        %bitcast3A_584 = vector.bitcast %get3A_578 : vector<16xi32> to vector<32xbf16>
        %bitcast3A_585 = vector.bitcast %get3A_583 : vector<16xi32> to vector<32xbf16>
        %mul3A_586 = arith.mulf %bitcast3A_584, %bitcast3A_585 : vector<32xbf16>
        %unpack3A_587 = tpu.unpack_subelements %mul3A_586, 0 {pack_format = #tpu.pack_format<interleaved>} : vector<32xbf16> -> vector<16xf32>
        %unpack3A_588 = tpu.unpack_subelements %mul3A_586, 1 {pack_format = #tpu.pack_format<interleaved>} : vector<32xbf16> -> vector<16xf32>
        %add3A_589 = arith.addf %unpack3A_587, %unpack3A_588 : vector<16xf32>
        %add3A_590 = arith.constant 6 : i32
        %add3A_591 = arith.addi %add3A_173, %add3A_590 : i32
        %get3A_592 = arith.index_cast %add3A_591 : i32 to index
        %get3A_593 = arith.constant 16 : index
        %get3A_594 = tpu.vector_load %arg15[%get3A_592, %get3A_593] {strides = array<i32>} : memref<200x64xi32, #tpu.memory_space<vmem>>, vector<16xi32>,
        %add3A_595 = arith.constant 6 : i32
        %add3A_596 = arith.addi %add3A_173, %add3A_595 : i32
        %get3A_597 = arith.index_cast %add3A_596 : i32 to index
        %get3A_598 = arith.constant 16 : index
        %get3A_599 = tpu.vector_load %arg16[%get3A_597, %get3A_598] {strides = array<i32>} : memref<200x64xi32, #tpu.memory_space<vmem>>, vector<16xi32>,
        %bitcast3A_600 = vector.bitcast %get3A_594 : vector<16xi32> to vector<32xbf16>
        %bitcast3A_601 = vector.bitcast %get3A_599 : vector<16xi32> to vector<32xbf16>
        %mul3A_602 = arith.mulf %bitcast3A_600, %bitcast3A_601 : vector<32xbf16>
        %unpack3A_603 = tpu.unpack_subelements %mul3A_602, 0 {pack_format = #tpu.pack_format<interleaved>} : vector<32xbf16> -> vector<16xf32>
        %unpack3A_604 = tpu.unpack_subelements %mul3A_602, 1 {pack_format = #tpu.pack_format<interleaved>} : vector<32xbf16> -> vector<16xf32>
        %add3A_605 = arith.addf %add3A_589, %unpack3A_603 : vector<16xf32>
        %add3A_606 = arith.addf %add3A_605, %unpack3A_604 : vector<16xf32>
        %add3A_607 = arith.constant 6 : i32
        %add3A_608 = arith.addi %add3A_173, %add3A_607 : i32
        %get3A_609 = arith.index_cast %add3A_608 : i32 to index
        %get3A_610 = arith.constant 32 : index
        %get3A_611 = tpu.vector_load %arg15[%get3A_609, %get3A_610] {strides = array<i32>} : memref<200x64xi32, #tpu.memory_space<vmem>>, vector<16xi32>,
        %add3A_612 = arith.constant 6 : i32
        %add3A_613 = arith.addi %add3A_173, %add3A_612 : i32
        %get3A_614 = arith.index_cast %add3A_613 : i32 to index
        %get3A_615 = arith.constant 32 : index
        %get3A_616 = tpu.vector_load %arg16[%get3A_614, %get3A_615] {strides = array<i32>} : memref<200x64xi32, #tpu.memory_space<vmem>>, vector<16xi32>,
        %bitcast3A_617 = vector.bitcast %get3A_611 : vector<16xi32> to vector<32xbf16>
        %bitcast3A_618 = vector.bitcast %get3A_616 : vector<16xi32> to vector<32xbf16>
        %mul3A_619 = arith.mulf %bitcast3A_617, %bitcast3A_618 : vector<32xbf16>
        %unpack3A_620 = tpu.unpack_subelements %mul3A_619, 0 {pack_format = #tpu.pack_format<interleaved>} : vector<32xbf16> -> vector<16xf32>
        %unpack3A_621 = tpu.unpack_subelements %mul3A_619, 1 {pack_format = #tpu.pack_format<interleaved>} : vector<32xbf16> -> vector<16xf32>
        %add3A_622 = arith.addf %add3A_606, %unpack3A_620 : vector<16xf32>
        %add3A_623 = arith.addf %add3A_622, %unpack3A_621 : vector<16xf32>
        %add3A_624 = arith.constant 6 : i32
        %add3A_625 = arith.addi %add3A_173, %add3A_624 : i32
        %get3A_626 = arith.index_cast %add3A_625 : i32 to index
        %get3A_627 = arith.constant 48 : index
        %get3A_628 = tpu.vector_load %arg15[%get3A_626, %get3A_627] {strides = array<i32>} : memref<200x64xi32, #tpu.memory_space<vmem>>, vector<16xi32>,
        %add3A_629 = arith.constant 6 : i32
        %add3A_630 = arith.addi %add3A_173, %add3A_629 : i32
        %get3A_631 = arith.index_cast %add3A_630 : i32 to index
        %get3A_632 = arith.constant 48 : index
        %get3A_633 = tpu.vector_load %arg16[%get3A_631, %get3A_632] {strides = array<i32>} : memref<200x64xi32, #tpu.memory_space<vmem>>, vector<16xi32>,
        %bitcast3A_634 = vector.bitcast %get3A_628 : vector<16xi32> to vector<32xbf16>
        %bitcast3A_635 = vector.bitcast %get3A_633 : vector<16xi32> to vector<32xbf16>
        %mul3A_636 = arith.mulf %bitcast3A_634, %bitcast3A_635 : vector<32xbf16>
        %unpack3A_637 = tpu.unpack_subelements %mul3A_636, 0 {pack_format = #tpu.pack_format<interleaved>} : vector<32xbf16> -> vector<16xf32>
        %unpack3A_638 = tpu.unpack_subelements %mul3A_636, 1 {pack_format = #tpu.pack_format<interleaved>} : vector<32xbf16> -> vector<16xf32>
        %add3A_639 = arith.addf %add3A_623, %unpack3A_637 : vector<16xf32>
        %add3A_640 = arith.addf %add3A_639, %unpack3A_638 : vector<16xf32>
        %add3A_641 = arith.constant 7 : i32
        %add3A_642 = arith.addi %add3A_173, %add3A_641 : i32
        %get3A_643 = arith.index_cast %add3A_642 : i32 to index
        %get3A_644 = arith.constant 0 : index
        %get3A_645 = tpu.vector_load %arg15[%get3A_643, %get3A_644] {strides = array<i32>} : memref<200x64xi32, #tpu.memory_space<vmem>>, vector<16xi32>,
        %add3A_646 = arith.constant 7 : i32
        %add3A_647 = arith.addi %add3A_173, %add3A_646 : i32
        %get3A_648 = arith.index_cast %add3A_647 : i32 to index
        %get3A_649 = arith.constant 0 : index
        %get3A_650 = tpu.vector_load %arg16[%get3A_648, %get3A_649] {strides = array<i32>} : memref<200x64xi32, #tpu.memory_space<vmem>>, vector<16xi32>,
        %bitcast3A_651 = vector.bitcast %get3A_645 : vector<16xi32> to vector<32xbf16>
        %bitcast3A_652 = vector.bitcast %get3A_650 : vector<16xi32> to vector<32xbf16>
        %mul3A_653 = arith.mulf %bitcast3A_651, %bitcast3A_652 : vector<32xbf16>
        %unpack3A_654 = tpu.unpack_subelements %mul3A_653, 0 {pack_format = #tpu.pack_format<interleaved>} : vector<32xbf16> -> vector<16xf32>
        %unpack3A_655 = tpu.unpack_subelements %mul3A_653, 1 {pack_format = #tpu.pack_format<interleaved>} : vector<32xbf16> -> vector<16xf32>
        %add3A_656 = arith.addf %unpack3A_654, %unpack3A_655 : vector<16xf32>
        %add3A_657 = arith.constant 7 : i32
        %add3A_658 = arith.addi %add3A_173, %add3A_657 : i32
        %get3A_659 = arith.index_cast %add3A_658 : i32 to index
        %get3A_660 = arith.constant 16 : index
        %get3A_661 = tpu.vector_load %arg15[%get3A_659, %get3A_660] {strides = array<i32>} : memref<200x64xi32, #tpu.memory_space<vmem>>, vector<16xi32>,
        %add3A_662 = arith.constant 7 : i32
        %add3A_663 = arith.addi %add3A_173, %add3A_662 : i32
        %get3A_664 = arith.index_cast %add3A_663 : i32 to index
        %get3A_665 = arith.constant 16 : index
        %get3A_666 = tpu.vector_load %arg16[%get3A_664, %get3A_665] {strides = array<i32>} : memref<200x64xi32, #tpu.memory_space<vmem>>, vector<16xi32>,
        %bitcast3A_667 = vector.bitcast %get3A_661 : vector<16xi32> to vector<32xbf16>
        %bitcast3A_668 = vector.bitcast %get3A_666 : vector<16xi32> to vector<32xbf16>
        %mul3A_669 = arith.mulf %bitcast3A_667, %bitcast3A_668 : vector<32xbf16>
        %unpack3A_670 = tpu.unpack_subelements %mul3A_669, 0 {pack_format = #tpu.pack_format<interleaved>} : vector<32xbf16> -> vector<16xf32>
        %unpack3A_671 = tpu.unpack_subelements %mul3A_669, 1 {pack_format = #tpu.pack_format<interleaved>} : vector<32xbf16> -> vector<16xf32>
        %add3A_672 = arith.addf %add3A_656, %unpack3A_670 : vector<16xf32>
        %add3A_673 = arith.addf %add3A_672, %unpack3A_671 : vector<16xf32>
        %add3A_674 = arith.constant 7 : i32
        %add3A_675 = arith.addi %add3A_173, %add3A_674 : i32
        %get3A_676 = arith.index_cast %add3A_675 : i32 to index
        %get3A_677 = arith.constant 32 : index
        %get3A_678 = tpu.vector_load %arg15[%get3A_676, %get3A_677] {strides = array<i32>} : memref<200x64xi32, #tpu.memory_space<vmem>>, vector<16xi32>,
        %add3A_679 = arith.constant 7 : i32
        %add3A_680 = arith.addi %add3A_173, %add3A_679 : i32
        %get3A_681 = arith.index_cast %add3A_680 : i32 to index
        %get3A_682 = arith.constant 32 : index
        %get3A_683 = tpu.vector_load %arg16[%get3A_681, %get3A_682] {strides = array<i32>} : memref<200x64xi32, #tpu.memory_space<vmem>>, vector<16xi32>,
        %bitcast3A_684 = vector.bitcast %get3A_678 : vector<16xi32> to vector<32xbf16>
        %bitcast3A_685 = vector.bitcast %get3A_683 : vector<16xi32> to vector<32xbf16>
        %mul3A_686 = arith.mulf %bitcast3A_684, %bitcast3A_685 : vector<32xbf16>
        %unpack3A_687 = tpu.unpack_subelements %mul3A_686, 0 {pack_format = #tpu.pack_format<interleaved>} : vector<32xbf16> -> vector<16xf32>
        %unpack3A_688 = tpu.unpack_subelements %mul3A_686, 1 {pack_format = #tpu.pack_format<interleaved>} : vector<32xbf16> -> vector<16xf32>
        %add3A_689 = arith.addf %add3A_673, %unpack3A_687 : vector<16xf32>
        %add3A_690 = arith.addf %add3A_689, %unpack3A_688 : vector<16xf32>
        %add3A_691 = arith.constant 7 : i32
        %add3A_692 = arith.addi %add3A_173, %add3A_691 : i32
        %get3A_693 = arith.index_cast %add3A_692 : i32 to index
        %get3A_694 = arith.constant 48 : index
        %get3A_695 = tpu.vector_load %arg15[%get3A_693, %get3A_694] {strides = array<i32>} : memref<200x64xi32, #tpu.memory_space<vmem>>, vector<16xi32>,
        %add3A_696 = arith.constant 7 : i32
        %add3A_697 = arith.addi %add3A_173, %add3A_696 : i32
        %get3A_698 = arith.index_cast %add3A_697 : i32 to index
        %get3A_699 = arith.constant 48 : index
        %get3A_700 = tpu.vector_load %arg16[%get3A_698, %get3A_699] {strides = array<i32>} : memref<200x64xi32, #tpu.memory_space<vmem>>, vector<16xi32>,
        %bitcast3A_701 = vector.bitcast %get3A_695 : vector<16xi32> to vector<32xbf16>
        %bitcast3A_702 = vector.bitcast %get3A_700 : vector<16xi32> to vector<32xbf16>
        %mul3A_703 = arith.mulf %bitcast3A_701, %bitcast3A_702 : vector<32xbf16>
        %unpack3A_704 = tpu.unpack_subelements %mul3A_703, 0 {pack_format = #tpu.pack_format<interleaved>} : vector<32xbf16> -> vector<16xf32>
        %unpack3A_705 = tpu.unpack_subelements %mul3A_703, 1 {pack_format = #tpu.pack_format<interleaved>} : vector<32xbf16> -> vector<16xf32>
        %add3A_706 = arith.addf %add3A_690, %unpack3A_704 : vector<16xf32>
        %add3A_707 = arith.addf %add3A_706, %unpack3A_705 : vector<16xf32>
        %broadcast_in_dim3A = vector.shape_cast %xor3A_4 : vector<16xi32> to vector<16x1xi32>
        %gather3A = vector.shape_cast %broadcast_in_dim3A : vector<16x1xi32> to vector<16xi32>
        %gather3A_708 = tpu.dynamic_gather %add3A_238[%gather3A] in [0] : vector<16xf32>, vector<16xi32> -> vector<16xf32>
        %add3A_709 = arith.addf %add3A_238, %gather3A_708 : vector<16xf32>
        %broadcast_in_dim3A_710 = vector.shape_cast %xor3A_7 : vector<16xi32> to vector<16x1xi32>
        %gather3A_711 = vector.shape_cast %broadcast_in_dim3A_710 : vector<16x1xi32> to vector<16xi32>
        %gather3A_712 = tpu.dynamic_gather %add3A_709[%gather3A_711] in [0] : vector<16xf32>, vector<16xi32> -> vector<16xf32>
        %add3A_713 = arith.addf %add3A_709, %gather3A_712 : vector<16xf32>
        %broadcast_in_dim3A_714 = vector.shape_cast %xor3A_10 : vector<16xi32> to vector<16x1xi32>
        %gather3A_715 = vector.shape_cast %broadcast_in_dim3A_714 : vector<16x1xi32> to vector<16xi32>
        %gather3A_716 = tpu.dynamic_gather %add3A_713[%gather3A_715] in [0] : vector<16xf32>, vector<16xi32> -> vector<16xf32>
        %add3A_717 = arith.addf %add3A_713, %gather3A_716 : vector<16xf32>
        %broadcast_in_dim3A_718 = vector.shape_cast %xor3A_13 : vector<16xi32> to vector<16x1xi32>
        %gather3A_719 = vector.shape_cast %broadcast_in_dim3A_718 : vector<16x1xi32> to vector<16xi32>
        %gather3A_720 = tpu.dynamic_gather %add3A_717[%gather3A_719] in [0] : vector<16xf32>, vector<16xi32> -> vector<16xf32>
        %add3A_721 = arith.addf %add3A_717, %gather3A_720 : vector<16xf32>
        %add3A_722 = arith.constant 0 : i32
        %add3A_723 = arith.addi %add3A_174, %add3A_722 : i32
        %broadcast_in_dim3A_724 = vector.broadcast %add3A_723 : i32 to vector<16xi32>
        tpu.vector_store_idx %arg10[%broadcast_in_dim3A_724], %add3A_721 masked %eq3A_15 : memref<10000xf32, #tpu.memory_space<vmem>>[vector<16xi32>], vector<16xf32>, vector<16xi1>
        %broadcast_in_dim3A_725 = vector.shape_cast %xor3A_4 : vector<16xi32> to vector<16x1xi32>
        %gather3A_726 = vector.shape_cast %broadcast_in_dim3A_725 : vector<16x1xi32> to vector<16xi32>
        %gather3A_727 = tpu.dynamic_gather %add3A_305[%gather3A_726] in [0] : vector<16xf32>, vector<16xi32> -> vector<16xf32>
        %add3A_728 = arith.addf %add3A_305, %gather3A_727 : vector<16xf32>
        %broadcast_in_dim3A_729 = vector.shape_cast %xor3A_7 : vector<16xi32> to vector<16x1xi32>
        %gather3A_730 = vector.shape_cast %broadcast_in_dim3A_729 : vector<16x1xi32> to vector<16xi32>
        %gather3A_731 = tpu.dynamic_gather %add3A_728[%gather3A_730] in [0] : vector<16xf32>, vector<16xi32> -> vector<16xf32>
        %add3A_732 = arith.addf %add3A_728, %gather3A_731 : vector<16xf32>
        %broadcast_in_dim3A_733 = vector.shape_cast %xor3A_10 : vector<16xi32> to vector<16x1xi32>
        %gather3A_734 = vector.shape_cast %broadcast_in_dim3A_733 : vector<16x1xi32> to vector<16xi32>
        %gather3A_735 = tpu.dynamic_gather %add3A_732[%gather3A_734] in [0] : vector<16xf32>, vector<16xi32> -> vector<16xf32>
        %add3A_736 = arith.addf %add3A_732, %gather3A_735 : vector<16xf32>
        %broadcast_in_dim3A_737 = vector.shape_cast %xor3A_13 : vector<16xi32> to vector<16x1xi32>
        %gather3A_738 = vector.shape_cast %broadcast_in_dim3A_737 : vector<16x1xi32> to vector<16xi32>
        %gather3A_739 = tpu.dynamic_gather %add3A_736[%gather3A_738] in [0] : vector<16xf32>, vector<16xi32> -> vector<16xf32>
        %add3A_740 = arith.addf %add3A_736, %gather3A_739 : vector<16xf32>
        %add3A_741 = arith.constant 1 : i32
        %add3A_742 = arith.addi %add3A_174, %add3A_741 : i32
        %broadcast_in_dim3A_743 = vector.broadcast %add3A_742 : i32 to vector<16xi32>
        tpu.vector_store_idx %arg10[%broadcast_in_dim3A_743], %add3A_740 masked %eq3A_15 : memref<10000xf32, #tpu.memory_space<vmem>>[vector<16xi32>], vector<16xf32>, vector<16xi1>
        %broadcast_in_dim3A_744 = vector.shape_cast %xor3A_4 : vector<16xi32> to vector<16x1xi32>
        %gather3A_745 = vector.shape_cast %broadcast_in_dim3A_744 : vector<16x1xi32> to vector<16xi32>
        %gather3A_746 = tpu.dynamic_gather %add3A_372[%gather3A_745] in [0] : vector<16xf32>, vector<16xi32> -> vector<16xf32>
        %add3A_747 = arith.addf %add3A_372, %gather3A_746 : vector<16xf32>
        %broadcast_in_dim3A_748 = vector.shape_cast %xor3A_7 : vector<16xi32> to vector<16x1xi32>
        %gather3A_749 = vector.shape_cast %broadcast_in_dim3A_748 : vector<16x1xi32> to vector<16xi32>
        %gather3A_750 = tpu.dynamic_gather %add3A_747[%gather3A_749] in [0] : vector<16xf32>, vector<16xi32> -> vector<16xf32>
        %add3A_751 = arith.addf %add3A_747, %gather3A_750 : vector<16xf32>
        %broadcast_in_dim3A_752 = vector.shape_cast %xor3A_10 : vector<16xi32> to vector<16x1xi32>
        %gather3A_753 = vector.shape_cast %broadcast_in_dim3A_752 : vector<16x1xi32> to vector<16xi32>
        %gather3A_754 = tpu.dynamic_gather %add3A_751[%gather3A_753] in [0] : vector<16xf32>, vector<16xi32> -> vector<16xf32>
        %add3A_755 = arith.addf %add3A_751, %gather3A_754 : vector<16xf32>
        %broadcast_in_dim3A_756 = vector.shape_cast %xor3A_13 : vector<16xi32> to vector<16x1xi32>
        %gather3A_757 = vector.shape_cast %broadcast_in_dim3A_756 : vector<16x1xi32> to vector<16xi32>
        %gather3A_758 = tpu.dynamic_gather %add3A_755[%gather3A_757] in [0] : vector<16xf32>, vector<16xi32> -> vector<16xf32>
        %add3A_759 = arith.addf %add3A_755, %gather3A_758 : vector<16xf32>
        %add3A_760 = arith.constant 2 : i32
        %add3A_761 = arith.addi %add3A_174, %add3A_760 : i32
        %broadcast_in_dim3A_762 = vector.broadcast %add3A_761 : i32 to vector<16xi32>
        tpu.vector_store_idx %arg10[%broadcast_in_dim3A_762], %add3A_759 masked %eq3A_15 : memref<10000xf32, #tpu.memory_space<vmem>>[vector<16xi32>], vector<16xf32>, vector<16xi1>
        %broadcast_in_dim3A_763 = vector.shape_cast %xor3A_4 : vector<16xi32> to vector<16x1xi32>
        %gather3A_764 = vector.shape_cast %broadcast_in_dim3A_763 : vector<16x1xi32> to vector<16xi32>
        %gather3A_765 = tpu.dynamic_gather %add3A_439[%gather3A_764] in [0] : vector<16xf32>, vector<16xi32> -> vector<16xf32>
        %add3A_766 = arith.addf %add3A_439, %gather3A_765 : vector<16xf32>
        %broadcast_in_dim3A_767 = vector.shape_cast %xor3A_7 : vector<16xi32> to vector<16x1xi32>
        %gather3A_768 = vector.shape_cast %broadcast_in_dim3A_767 : vector<16x1xi32> to vector<16xi32>
        %gather3A_769 = tpu.dynamic_gather %add3A_766[%gather3A_768] in [0] : vector<16xf32>, vector<16xi32> -> vector<16xf32>
        %add3A_770 = arith.addf %add3A_766, %gather3A_769 : vector<16xf32>
        %broadcast_in_dim3A_771 = vector.shape_cast %xor3A_10 : vector<16xi32> to vector<16x1xi32>
        %gather3A_772 = vector.shape_cast %broadcast_in_dim3A_771 : vector<16x1xi32> to vector<16xi32>
        %gather3A_773 = tpu.dynamic_gather %add3A_770[%gather3A_772] in [0] : vector<16xf32>, vector<16xi32> -> vector<16xf32>
        %add3A_774 = arith.addf %add3A_770, %gather3A_773 : vector<16xf32>
        %broadcast_in_dim3A_775 = vector.shape_cast %xor3A_13 : vector<16xi32> to vector<16x1xi32>
        %gather3A_776 = vector.shape_cast %broadcast_in_dim3A_775 : vector<16x1xi32> to vector<16xi32>
        %gather3A_777 = tpu.dynamic_gather %add3A_774[%gather3A_776] in [0] : vector<16xf32>, vector<16xi32> -> vector<16xf32>
        %add3A_778 = arith.addf %add3A_774, %gather3A_777 : vector<16xf32>
        %add3A_779 = arith.constant 3 : i32
        %add3A_780 = arith.addi %add3A_174, %add3A_779 : i32
        %broadcast_in_dim3A_781 = vector.broadcast %add3A_780 : i32 to vector<16xi32>
        tpu.vector_store_idx %arg10[%broadcast_in_dim3A_781], %add3A_778 masked %eq3A_15 : memref<10000xf32, #tpu.memory_space<vmem>>[vector<16xi32>], vector<16xf32>, vector<16xi1>
        %broadcast_in_dim3A_782 = vector.shape_cast %xor3A_4 : vector<16xi32> to vector<16x1xi32>
        %gather3A_783 = vector.shape_cast %broadcast_in_dim3A_782 : vector<16x1xi32> to vector<16xi32>
        %gather3A_784 = tpu.dynamic_gather %add3A_506[%gather3A_783] in [0] : vector<16xf32>, vector<16xi32> -> vector<16xf32>
        %add3A_785 = arith.addf %add3A_506, %gather3A_784 : vector<16xf32>
        %broadcast_in_dim3A_786 = vector.shape_cast %xor3A_7 : vector<16xi32> to vector<16x1xi32>
        %gather3A_787 = vector.shape_cast %broadcast_in_dim3A_786 : vector<16x1xi32> to vector<16xi32>
        %gather3A_788 = tpu.dynamic_gather %add3A_785[%gather3A_787] in [0] : vector<16xf32>, vector<16xi32> -> vector<16xf32>
        %add3A_789 = arith.addf %add3A_785, %gather3A_788 : vector<16xf32>
        %broadcast_in_dim3A_790 = vector.shape_cast %xor3A_10 : vector<16xi32> to vector<16x1xi32>
        %gather3A_791 = vector.shape_cast %broadcast_in_dim3A_790 : vector<16x1xi32> to vector<16xi32>
        %gather3A_792 = tpu.dynamic_gather %add3A_789[%gather3A_791] in [0] : vector<16xf32>, vector<16xi32> -> vector<16xf32>
        %add3A_793 = arith.addf %add3A_789, %gather3A_792 : vector<16xf32>
        %broadcast_in_dim3A_794 = vector.shape_cast %xor3A_13 : vector<16xi32> to vector<16x1xi32>
        %gather3A_795 = vector.shape_cast %broadcast_in_dim3A_794 : vector<16x1xi32> to vector<16xi32>
        %gather3A_796 = tpu.dynamic_gather %add3A_793[%gather3A_795] in [0] : vector<16xf32>, vector<16xi32> -> vector<16xf32>
        %add3A_797 = arith.addf %add3A_793, %gather3A_796 : vector<16xf32>
        %add3A_798 = arith.constant 4 : i32
        %add3A_799 = arith.addi %add3A_174, %add3A_798 : i32
        %broadcast_in_dim3A_800 = vector.broadcast %add3A_799 : i32 to vector<16xi32>
        tpu.vector_store_idx %arg10[%broadcast_in_dim3A_800], %add3A_797 masked %eq3A_15 : memref<10000xf32, #tpu.memory_space<vmem>>[vector<16xi32>], vector<16xf32>, vector<16xi1>
        %broadcast_in_dim3A_801 = vector.shape_cast %xor3A_4 : vector<16xi32> to vector<16x1xi32>
        %gather3A_802 = vector.shape_cast %broadcast_in_dim3A_801 : vector<16x1xi32> to vector<16xi32>
        %gather3A_803 = tpu.dynamic_gather %add3A_573[%gather3A_802] in [0] : vector<16xf32>, vector<16xi32> -> vector<16xf32>
        %add3A_804 = arith.addf %add3A_573, %gather3A_803 : vector<16xf32>
        %broadcast_in_dim3A_805 = vector.shape_cast %xor3A_7 : vector<16xi32> to vector<16x1xi32>
        %gather3A_806 = vector.shape_cast %broadcast_in_dim3A_805 : vector<16x1xi32> to vector<16xi32>
        %gather3A_807 = tpu.dynamic_gather %add3A_804[%gather3A_806] in [0] : vector<16xf32>, vector<16xi32> -> vector<16xf32>
        %add3A_808 = arith.addf %add3A_804, %gather3A_807 : vector<16xf32>
        %broadcast_in_dim3A_809 = vector.shape_cast %xor3A_10 : vector<16xi32> to vector<16x1xi32>
        %gather3A_810 = vector.shape_cast %broadcast_in_dim3A_809 : vector<16x1xi32> to vector<16xi32>
        %gather3A_811 = tpu.dynamic_gather %add3A_808[%gather3A_810] in [0] : vector<16xf32>, vector<16xi32> -> vector<16xf32>
        %add3A_812 = arith.addf %add3A_808, %gather3A_811 : vector<16xf32>
        %broadcast_in_dim3A_813 = vector.shape_cast %xor3A_13 : vector<16xi32> to vector<16x1xi32>
        %gather3A_814 = vector.shape_cast %broadcast_in_dim3A_813 : vector<16x1xi32> to vector<16xi32>
        %gather3A_815 = tpu.dynamic_gather %add3A_812[%gather3A_814] in [0] : vector<16xf32>, vector<16xi32> -> vector<16xf32>
        %add3A_816 = arith.addf %add3A_812, %gather3A_815 : vector<16xf32>
        %add3A_817 = arith.constant 5 : i32
        %add3A_818 = arith.addi %add3A_174, %add3A_817 : i32
        %broadcast_in_dim3A_819 = vector.broadcast %add3A_818 : i32 to vector<16xi32>
        tpu.vector_store_idx %arg10[%broadcast_in_dim3A_819], %add3A_816 masked %eq3A_15 : memref<10000xf32, #tpu.memory_space<vmem>>[vector<16xi32>], vector<16xf32>, vector<16xi1>
        %broadcast_in_dim3A_820 = vector.shape_cast %xor3A_4 : vector<16xi32> to vector<16x1xi32>
        %gather3A_821 = vector.shape_cast %broadcast_in_dim3A_820 : vector<16x1xi32> to vector<16xi32>
        %gather3A_822 = tpu.dynamic_gather %add3A_640[%gather3A_821] in [0] : vector<16xf32>, vector<16xi32> -> vector<16xf32>
        %add3A_823 = arith.addf %add3A_640, %gather3A_822 : vector<16xf32>
        %broadcast_in_dim3A_824 = vector.shape_cast %xor3A_7 : vector<16xi32> to vector<16x1xi32>
        %gather3A_825 = vector.shape_cast %broadcast_in_dim3A_824 : vector<16x1xi32> to vector<16xi32>
        %gather3A_826 = tpu.dynamic_gather %add3A_823[%gather3A_825] in [0] : vector<16xf32>, vector<16xi32> -> vector<16xf32>
        %add3A_827 = arith.addf %add3A_823, %gather3A_826 : vector<16xf32>
        %broadcast_in_dim3A_828 = vector.shape_cast %xor3A_10 : vector<16xi32> to vector<16x1xi32>
        %gather3A_829 = vector.shape_cast %broadcast_in_dim3A_828 : vector<16x1xi32> to vector<16xi32>
        %gather3A_830 = tpu.dynamic_gather %add3A_827[%gather3A_829] in [0] : vector<16xf32>, vector<16xi32> -> vector<16xf32>
        %add3A_831 = arith.addf %add3A_827, %gather3A_830 : vector<16xf32>
        %broadcast_in_dim3A_832 = vector.shape_cast %xor3A_13 : vector<16xi32> to vector<16x1xi32>
        %gather3A_833 = vector.shape_cast %broadcast_in_dim3A_832 : vector<16x1xi32> to vector<16xi32>
        %gather3A_834 = tpu.dynamic_gather %add3A_831[%gather3A_833] in [0] : vector<16xf32>, vector<16xi32> -> vector<16xf32>
        %add3A_835 = arith.addf %add3A_831, %gather3A_834 : vector<16xf32>
        %add3A_836 = arith.constant 6 : i32
        %add3A_837 = arith.addi %add3A_174, %add3A_836 : i32
        %broadcast_in_dim3A_838 = vector.broadcast %add3A_837 : i32 to vector<16xi32>
        tpu.vector_store_idx %arg10[%broadcast_in_dim3A_838], %add3A_835 masked %eq3A_15 : memref<10000xf32, #tpu.memory_space<vmem>>[vector<16xi32>], vector<16xf32>, vector<16xi1>
        %broadcast_in_dim3A_839 = vector.shape_cast %xor3A_4 : vector<16xi32> to vector<16x1xi32>
        %gather3A_840 = vector.shape_cast %broadcast_in_dim3A_839 : vector<16x1xi32> to vector<16xi32>
        %gather3A_841 = tpu.dynamic_gather %add3A_707[%gather3A_840] in [0] : vector<16xf32>, vector<16xi32> -> vector<16xf32>
        %add3A_842 = arith.addf %add3A_707, %gather3A_841 : vector<16xf32>
        %broadcast_in_dim3A_843 = vector.shape_cast %xor3A_7 : vector<16xi32> to vector<16x1xi32>
        %gather3A_844 = vector.shape_cast %broadcast_in_dim3A_843 : vector<16x1xi32> to vector<16xi32>
        %gather3A_845 = tpu.dynamic_gather %add3A_842[%gather3A_844] in [0] : vector<16xf32>, vector<16xi32> -> vector<16xf32>
        %add3A_846 = arith.addf %add3A_842, %gather3A_845 : vector<16xf32>
        %broadcast_in_dim3A_847 = vector.shape_cast %xor3A_10 : vector<16xi32> to vector<16x1xi32>
        %gather3A_848 = vector.shape_cast %broadcast_in_dim3A_847 : vector<16x1xi32> to vector<16xi32>
        %gather3A_849 = tpu.dynamic_gather %add3A_846[%gather3A_848] in [0] : vector<16xf32>, vector<16xi32> -> vector<16xf32>
        %add3A_850 = arith.addf %add3A_846, %gather3A_849 : vector<16xf32>
        %broadcast_in_dim3A_851 = vector.shape_cast %xor3A_13 : vector<16xi32> to vector<16x1xi32>
        %gather3A_852 = vector.shape_cast %broadcast_in_dim3A_851 : vector<16x1xi32> to vector<16xi32>
        %gather3A_853 = tpu.dynamic_gather %add3A_850[%gather3A_852] in [0] : vector<16xf32>, vector<16xi32> -> vector<16xf32>
        %add3A_854 = arith.addf %add3A_850, %gather3A_853 : vector<16xf32>
        %add3A_855 = arith.constant 7 : i32
        %add3A_856 = arith.addi %add3A_174, %add3A_855 : i32
        %broadcast_in_dim3A_857 = vector.broadcast %add3A_856 : i32 to vector<16xi32>
        tpu.vector_store_idx %arg10[%broadcast_in_dim3A_857], %add3A_854 masked %eq3A_15 : memref<10000xf32, #tpu.memory_space<vmem>>[vector<16xi32>], vector<16xf32>, vector<16xi1>
      }
      %scan3A_168 = arith.constant 25 : i32
    }
    %scan3A_38 = arith.constant 16 : i32
    %dma_wait3A = arith.constant 9600 : i32
    %dma_wait3A_39 = tpu.memref_slice %arg8[%dma_wait3A] : memref<10000xi32, #tpu.memory_space<vmem>> -> memref<200xi32, #tpu.memory_space<vmem>>
    %dma_wait3A_40 = arith.constant 0 : i32
    %dma_wait3A_41 = arith.constant 0 : i32
    %dma_wait3A_42 = tpu.memref_slice %arg2[%dma_wait3A_40, %dma_wait3A_41] : memref<10000x64xi32, #tpu.memory_space<hbm>> -> memref<10000x64xi32, #tpu.memory_space<hbm>>
    tpu.wait_indirect_dma semaphore(%arg17 : memref<!tpu.dma_semaphore, #tpu.memory_space<semaphore_mem>>) src(%dma_wait3A_42 : memref<10000x64xi32, #tpu.memory_space<hbm>>) dst(%arg11 : memref<200x64xi32, #tpu.memory_space<vmem>>)
    %dma_wait3A_43 = arith.constant 9600 : i32
    %dma_wait3A_44 = tpu.memref_slice %arg9[%dma_wait3A_43] : memref<10000xi32, #tpu.memory_space<vmem>> -> memref<200xi32, #tpu.memory_space<vmem>>
    %dma_wait3A_45 = arith.constant 0 : i32
    %dma_wait3A_46 = arith.constant 0 : i32
    %dma_wait3A_47 = tpu.memref_slice %arg2[%dma_wait3A_45, %dma_wait3A_46] : memref<10000x64xi32, #tpu.memory_space<hbm>> -> memref<10000x64xi32, #tpu.memory_space<hbm>>
    tpu.wait_indirect_dma semaphore(%arg18 : memref<!tpu.dma_semaphore, #tpu.memory_space<semaphore_mem>>) src(%dma_wait3A_47 : memref<10000x64xi32, #tpu.memory_space<hbm>>) dst(%arg12 : memref<200x64xi32, #tpu.memory_space<vmem>>)
    %scan3A_48 = arith.constant 0 : i32
    %scan3A_49 = arith.constant 25 : i32
    %scan3A_50 = arith.addi %scan3A_48, %scan3A_49 : i32
    %scan3A_51 = arith.constant 1 : i32
    scf.for %scan3A_73 = %scan3A_48 to %scan3A_50 step %scan3A_51  : i32 {
      %mul3A_74 = arith.constant 8 : i32
      %mul3A_75 = arith.muli %scan3A_73, %mul3A_74 : i32
      %add3A_76 = arith.constant 0 : i32
      %add3A_77 = arith.addi %add3A_76, %mul3A_75 : i32
      %add3A_78 = arith.constant 9600 : i32
      %add3A_79 = arith.addi %add3A_78, %add3A_77 : i32
      %add3A_80 = arith.constant 0 : i32
      %add3A_81 = arith.addi %add3A_77, %add3A_80 : i32
      %get3A = arith.index_cast %add3A_81 : i32 to index
      %get3A_82 = arith.constant 0 : index
      %get3A_83 = tpu.vector_load %arg11[%get3A, %get3A_82] {strides = array<i32>} : memref<200x64xi32, #tpu.memory_space<vmem>>, vector<16xi32>,
      %add3A_84 = arith.constant 0 : i32
      %add3A_85 = arith.addi %add3A_77, %add3A_84 : i32
      %get3A_86 = arith.index_cast %add3A_85 : i32 to index
      %get3A_87 = arith.constant 0 : index
      %get3A_88 = tpu.vector_load %arg12[%get3A_86, %get3A_87] {strides = array<i32>} : memref<200x64xi32, #tpu.memory_space<vmem>>, vector<16xi32>,
      %bitcast3A = vector.bitcast %get3A_83 : vector<16xi32> to vector<32xbf16>
      %bitcast3A_89 = vector.bitcast %get3A_88 : vector<16xi32> to vector<32xbf16>
      %mul3A_90 = arith.mulf %bitcast3A, %bitcast3A_89 : vector<32xbf16>
      %unpack3A = tpu.unpack_subelements %mul3A_90, 0 {pack_format = #tpu.pack_format<interleaved>} : vector<32xbf16> -> vector<16xf32>
      %unpack3A_91 = tpu.unpack_subelements %mul3A_90, 1 {pack_format = #tpu.pack_format<interleaved>} : vector<32xbf16> -> vector<16xf32>
      %add3A_92 = arith.addf %unpack3A, %unpack3A_91 : vector<16xf32>
      %add3A_93 = arith.constant 0 : i32
      %add3A_94 = arith.addi %add3A_77, %add3A_93 : i32
      %get3A_95 = arith.index_cast %add3A_94 : i32 to index
      %get3A_96 = arith.constant 16 : index
      %get3A_97 = tpu.vector_load %arg11[%get3A_95, %get3A_96] {strides = array<i32>} : memref<200x64xi32, #tpu.memory_space<vmem>>, vector<16xi32>,
      %add3A_98 = arith.constant 0 : i32
      %add3A_99 = arith.addi %add3A_77, %add3A_98 : i32
      %get3A_100 = arith.index_cast %add3A_99 : i32 to index
      %get3A_101 = arith.constant 16 : index
      %get3A_102 = tpu.vector_load %arg12[%get3A_100, %get3A_101] {strides = array<i32>} : memref<200x64xi32, #tpu.memory_space<vmem>>, vector<16xi32>,
      %bitcast3A_103 = vector.bitcast %get3A_97 : vector<16xi32> to vector<32xbf16>
      %bitcast3A_104 = vector.bitcast %get3A_102 : vector<16xi32> to vector<32xbf16>
      %mul3A_105 = arith.mulf %bitcast3A_103, %bitcast3A_104 : vector<32xbf16>
      %unpack3A_106 = tpu.unpack_subelements %mul3A_105, 0 {pack_format = #tpu.pack_format<interleaved>} : vector<32xbf16> -> vector<16xf32>
      %unpack3A_107 = tpu.unpack_subelements %mul3A_105, 1 {pack_format = #tpu.pack_format<interleaved>} : vector<32xbf16> -> vector<16xf32>
      %add3A_108 = arith.addf %add3A_92, %unpack3A_106 : vector<16xf32>
      %add3A_109 = arith.addf %add3A_108, %unpack3A_107 : vector<16xf32>
      %add3A_110 = arith.constant 0 : i32
      %add3A_111 = arith.addi %add3A_77, %add3A_110 : i32
      %get3A_112 = arith.index_cast %add3A_111 : i32 to index
      %get3A_113 = arith.constant 32 : index
      %get3A_114 = tpu.vector_load %arg11[%get3A_112, %get3A_113] {strides = array<i32>} : memref<200x64xi32, #tpu.memory_space<vmem>>, vector<16xi32>,
      %add3A_115 = arith.constant 0 : i32
      %add3A_116 = arith.addi %add3A_77, %add3A_115 : i32
      %get3A_117 = arith.index_cast %add3A_116 : i32 to index
      %get3A_118 = arith.constant 32 : index
      %get3A_119 = tpu.vector_load %arg12[%get3A_117, %get3A_118] {strides = array<i32>} : memref<200x64xi32, #tpu.memory_space<vmem>>, vector<16xi32>,
      %bitcast3A_120 = vector.bitcast %get3A_114 : vector<16xi32> to vector<32xbf16>
      %bitcast3A_121 = vector.bitcast %get3A_119 : vector<16xi32> to vector<32xbf16>
      %mul3A_122 = arith.mulf %bitcast3A_120, %bitcast3A_121 : vector<32xbf16>
      %unpack3A_123 = tpu.unpack_subelements %mul3A_122, 0 {pack_format = #tpu.pack_format<interleaved>} : vector<32xbf16> -> vector<16xf32>
      %unpack3A_124 = tpu.unpack_subelements %mul3A_122, 1 {pack_format = #tpu.pack_format<interleaved>} : vector<32xbf16> -> vector<16xf32>
      %add3A_125 = arith.addf %add3A_109, %unpack3A_123 : vector<16xf32>
      %add3A_126 = arith.addf %add3A_125, %unpack3A_124 : vector<16xf32>
      %add3A_127 = arith.constant 0 : i32
      %add3A_128 = arith.addi %add3A_77, %add3A_127 : i32
      %get3A_129 = arith.index_cast %add3A_128 : i32 to index
      %get3A_130 = arith.constant 48 : index
      %get3A_131 = tpu.vector_load %arg11[%get3A_129, %get3A_130] {strides = array<i32>} : memref<200x64xi32, #tpu.memory_space<vmem>>, vector<16xi32>,
      %add3A_132 = arith.constant 0 : i32
      %add3A_133 = arith.addi %add3A_77, %add3A_132 : i32
      %get3A_134 = arith.index_cast %add3A_133 : i32 to index
      %get3A_135 = arith.constant 48 : index
      %get3A_136 = tpu.vector_load %arg12[%get3A_134, %get3A_135] {strides = array<i32>} : memref<200x64xi32, #tpu.memory_space<vmem>>, vector<16xi32>,
      %bitcast3A_137 = vector.bitcast %get3A_131 : vector<16xi32> to vector<32xbf16>
      %bitcast3A_138 = vector.bitcast %get3A_136 : vector<16xi32> to vector<32xbf16>
      %mul3A_139 = arith.mulf %bitcast3A_137, %bitcast3A_138 : vector<32xbf16>
      %unpack3A_140 = tpu.unpack_subelements %mul3A_139, 0 {pack_format = #tpu.pack_format<interleaved>} : vector<32xbf16> -> vector<16xf32>
      %unpack3A_141 = tpu.unpack_subelements %mul3A_139, 1 {pack_format = #tpu.pack_format<interleaved>} : vector<32xbf16> -> vector<16xf32>
      %add3A_142 = arith.addf %add3A_126, %unpack3A_140 : vector<16xf32>
      %add3A_143 = arith.addf %add3A_142, %unpack3A_141 : vector<16xf32>
      %add3A_144 = arith.constant 1 : i32
      %add3A_145 = arith.addi %add3A_77, %add3A_144 : i32
      %get3A_146 = arith.index_cast %add3A_145 : i32 to index
      %get3A_147 = arith.constant 0 : index
      %get3A_148 = tpu.vector_load %arg11[%get3A_146, %get3A_147] {strides = array<i32>} : memref<200x64xi32, #tpu.memory_space<vmem>>, vector<16xi32>,
      %add3A_149 = arith.constant 1 : i32
      %add3A_150 = arith.addi %add3A_77, %add3A_149 : i32
      %get3A_151 = arith.index_cast %add3A_150 : i32 to index
      %get3A_152 = arith.constant 0 : index
      %get3A_153 = tpu.vector_load %arg12[%get3A_151, %get3A_152] {strides = array<i32>} : memref<200x64xi32, #tpu.memory_space<vmem>>, vector<16xi32>,
      %bitcast3A_154 = vector.bitcast %get3A_148 : vector<16xi32> to vector<32xbf16>
      %bitcast3A_155 = vector.bitcast %get3A_153 : vector<16xi32> to vector<32xbf16>
      %mul3A_156 = arith.mulf %bitcast3A_154, %bitcast3A_155 : vector<32xbf16>
      %unpack3A_157 = tpu.unpack_subelements %mul3A_156, 0 {pack_format = #tpu.pack_format<interleaved>} : vector<32xbf16> -> vector<16xf32>
      %unpack3A_158 = tpu.unpack_subelements %mul3A_156, 1 {pack_format = #tpu.pack_format<interleaved>} : vector<32xbf16> -> vector<16xf32>
      %add3A_159 = arith.addf %unpack3A_157, %unpack3A_158 : vector<16xf32>
      %add3A_160 = arith.constant 1 : i32
      %add3A_161 = arith.addi %add3A_77, %add3A_160 : i32
      %get3A_162 = arith.index_cast %add3A_161 : i32 to index
      %get3A_163 = arith.constant 16 : index
      %get3A_164 = tpu.vector_load %arg11[%get3A_162, %get3A_163] {strides = array<i32>} : memref<200x64xi32, #tpu.memory_space<vmem>>, vector<16xi32>,
      %add3A_165 = arith.constant 1 : i32
      %add3A_166 = arith.addi %add3A_77, %add3A_165 : i32
      %get3A_167 = arith.index_cast %add3A_166 : i32 to index
      %get3A_168 = arith.constant 16 : index
      %get3A_169 = tpu.vector_load %arg12[%get3A_167, %get3A_168] {strides = array<i32>} : memref<200x64xi32, #tpu.memory_space<vmem>>, vector<16xi32>,
      %bitcast3A_170 = vector.bitcast %get3A_164 : vector<16xi32> to vector<32xbf16>
      %bitcast3A_171 = vector.bitcast %get3A_169 : vector<16xi32> to vector<32xbf16>
      %mul3A_172 = arith.mulf %bitcast3A_170, %bitcast3A_171 : vector<32xbf16>
      %unpack3A_173 = tpu.unpack_subelements %mul3A_172, 0 {pack_format = #tpu.pack_format<interleaved>} : vector<32xbf16> -> vector<16xf32>
      %unpack3A_174 = tpu.unpack_subelements %mul3A_172, 1 {pack_format = #tpu.pack_format<interleaved>} : vector<32xbf16> -> vector<16xf32>
      %add3A_175 = arith.addf %add3A_159, %unpack3A_173 : vector<16xf32>
      %add3A_176 = arith.addf %add3A_175, %unpack3A_174 : vector<16xf32>
      %add3A_177 = arith.constant 1 : i32
      %add3A_178 = arith.addi %add3A_77, %add3A_177 : i32
      %get3A_179 = arith.index_cast %add3A_178 : i32 to index
      %get3A_180 = arith.constant 32 : index
      %get3A_181 = tpu.vector_load %arg11[%get3A_179, %get3A_180] {strides = array<i32>} : memref<200x64xi32, #tpu.memory_space<vmem>>, vector<16xi32>,
      %add3A_182 = arith.constant 1 : i32
      %add3A_183 = arith.addi %add3A_77, %add3A_182 : i32
      %get3A_184 = arith.index_cast %add3A_183 : i32 to index
      %get3A_185 = arith.constant 32 : index
      %get3A_186 = tpu.vector_load %arg12[%get3A_184, %get3A_185] {strides = array<i32>} : memref<200x64xi32, #tpu.memory_space<vmem>>, vector<16xi32>,
      %bitcast3A_187 = vector.bitcast %get3A_181 : vector<16xi32> to vector<32xbf16>
      %bitcast3A_188 = vector.bitcast %get3A_186 : vector<16xi32> to vector<32xbf16>
      %mul3A_189 = arith.mulf %bitcast3A_187, %bitcast3A_188 : vector<32xbf16>
      %unpack3A_190 = tpu.unpack_subelements %mul3A_189, 0 {pack_format = #tpu.pack_format<interleaved>} : vector<32xbf16> -> vector<16xf32>
      %unpack3A_191 = tpu.unpack_subelements %mul3A_189, 1 {pack_format = #tpu.pack_format<interleaved>} : vector<32xbf16> -> vector<16xf32>
      %add3A_192 = arith.addf %add3A_176, %unpack3A_190 : vector<16xf32>
      %add3A_193 = arith.addf %add3A_192, %unpack3A_191 : vector<16xf32>
      %add3A_194 = arith.constant 1 : i32
      %add3A_195 = arith.addi %add3A_77, %add3A_194 : i32
      %get3A_196 = arith.index_cast %add3A_195 : i32 to index
      %get3A_197 = arith.constant 48 : index
      %get3A_198 = tpu.vector_load %arg11[%get3A_196, %get3A_197] {strides = array<i32>} : memref<200x64xi32, #tpu.memory_space<vmem>>, vector<16xi32>,
      %add3A_199 = arith.constant 1 : i32
      %add3A_200 = arith.addi %add3A_77, %add3A_199 : i32
      %get3A_201 = arith.index_cast %add3A_200 : i32 to index
      %get3A_202 = arith.constant 48 : index
      %get3A_203 = tpu.vector_load %arg12[%get3A_201, %get3A_202] {strides = array<i32>} : memref<200x64xi32, #tpu.memory_space<vmem>>, vector<16xi32>,
      %bitcast3A_204 = vector.bitcast %get3A_198 : vector<16xi32> to vector<32xbf16>
      %bitcast3A_205 = vector.bitcast %get3A_203 : vector<16xi32> to vector<32xbf16>
      %mul3A_206 = arith.mulf %bitcast3A_204, %bitcast3A_205 : vector<32xbf16>
      %unpack3A_207 = tpu.unpack_subelements %mul3A_206, 0 {pack_format = #tpu.pack_format<interleaved>} : vector<32xbf16> -> vector<16xf32>
      %unpack3A_208 = tpu.unpack_subelements %mul3A_206, 1 {pack_format = #tpu.pack_format<interleaved>} : vector<32xbf16> -> vector<16xf32>
      %add3A_209 = arith.addf %add3A_193, %unpack3A_207 : vector<16xf32>
      %add3A_210 = arith.addf %add3A_209, %unpack3A_208 : vector<16xf32>
      %add3A_211 = arith.constant 2 : i32
      %add3A_212 = arith.addi %add3A_77, %add3A_211 : i32
      %get3A_213 = arith.index_cast %add3A_212 : i32 to index
      %get3A_214 = arith.constant 0 : index
      %get3A_215 = tpu.vector_load %arg11[%get3A_213, %get3A_214] {strides = array<i32>} : memref<200x64xi32, #tpu.memory_space<vmem>>, vector<16xi32>,
      %add3A_216 = arith.constant 2 : i32
      %add3A_217 = arith.addi %add3A_77, %add3A_216 : i32
      %get3A_218 = arith.index_cast %add3A_217 : i32 to index
      %get3A_219 = arith.constant 0 : index
      %get3A_220 = tpu.vector_load %arg12[%get3A_218, %get3A_219] {strides = array<i32>} : memref<200x64xi32, #tpu.memory_space<vmem>>, vector<16xi32>,
      %bitcast3A_221 = vector.bitcast %get3A_215 : vector<16xi32> to vector<32xbf16>
      %bitcast3A_222 = vector.bitcast %get3A_220 : vector<16xi32> to vector<32xbf16>
      %mul3A_223 = arith.mulf %bitcast3A_221, %bitcast3A_222 : vector<32xbf16>
      %unpack3A_224 = tpu.unpack_subelements %mul3A_223, 0 {pack_format = #tpu.pack_format<interleaved>} : vector<32xbf16> -> vector<16xf32>
      %unpack3A_225 = tpu.unpack_subelements %mul3A_223, 1 {pack_format = #tpu.pack_format<interleaved>} : vector<32xbf16> -> vector<16xf32>
      %add3A_226 = arith.addf %unpack3A_224, %unpack3A_225 : vector<16xf32>
      %add3A_227 = arith.constant 2 : i32
      %add3A_228 = arith.addi %add3A_77, %add3A_227 : i32
      %get3A_229 = arith.index_cast %add3A_228 : i32 to index
      %get3A_230 = arith.constant 16 : index
      %get3A_231 = tpu.vector_load %arg11[%get3A_229, %get3A_230] {strides = array<i32>} : memref<200x64xi32, #tpu.memory_space<vmem>>, vector<16xi32>,
      %add3A_232 = arith.constant 2 : i32
      %add3A_233 = arith.addi %add3A_77, %add3A_232 : i32
      %get3A_234 = arith.index_cast %add3A_233 : i32 to index
      %get3A_235 = arith.constant 16 : index
      %get3A_236 = tpu.vector_load %arg12[%get3A_234, %get3A_235] {strides = array<i32>} : memref<200x64xi32, #tpu.memory_space<vmem>>, vector<16xi32>,
      %bitcast3A_237 = vector.bitcast %get3A_231 : vector<16xi32> to vector<32xbf16>
      %bitcast3A_238 = vector.bitcast %get3A_236 : vector<16xi32> to vector<32xbf16>
      %mul3A_239 = arith.mulf %bitcast3A_237, %bitcast3A_238 : vector<32xbf16>
      %unpack3A_240 = tpu.unpack_subelements %mul3A_239, 0 {pack_format = #tpu.pack_format<interleaved>} : vector<32xbf16> -> vector<16xf32>
      %unpack3A_241 = tpu.unpack_subelements %mul3A_239, 1 {pack_format = #tpu.pack_format<interleaved>} : vector<32xbf16> -> vector<16xf32>
      %add3A_242 = arith.addf %add3A_226, %unpack3A_240 : vector<16xf32>
      %add3A_243 = arith.addf %add3A_242, %unpack3A_241 : vector<16xf32>
      %add3A_244 = arith.constant 2 : i32
      %add3A_245 = arith.addi %add3A_77, %add3A_244 : i32
      %get3A_246 = arith.index_cast %add3A_245 : i32 to index
      %get3A_247 = arith.constant 32 : index
      %get3A_248 = tpu.vector_load %arg11[%get3A_246, %get3A_247] {strides = array<i32>} : memref<200x64xi32, #tpu.memory_space<vmem>>, vector<16xi32>,
      %add3A_249 = arith.constant 2 : i32
      %add3A_250 = arith.addi %add3A_77, %add3A_249 : i32
      %get3A_251 = arith.index_cast %add3A_250 : i32 to index
      %get3A_252 = arith.constant 32 : index
      %get3A_253 = tpu.vector_load %arg12[%get3A_251, %get3A_252] {strides = array<i32>} : memref<200x64xi32, #tpu.memory_space<vmem>>, vector<16xi32>,
      %bitcast3A_254 = vector.bitcast %get3A_248 : vector<16xi32> to vector<32xbf16>
      %bitcast3A_255 = vector.bitcast %get3A_253 : vector<16xi32> to vector<32xbf16>
      %mul3A_256 = arith.mulf %bitcast3A_254, %bitcast3A_255 : vector<32xbf16>
      %unpack3A_257 = tpu.unpack_subelements %mul3A_256, 0 {pack_format = #tpu.pack_format<interleaved>} : vector<32xbf16> -> vector<16xf32>
      %unpack3A_258 = tpu.unpack_subelements %mul3A_256, 1 {pack_format = #tpu.pack_format<interleaved>} : vector<32xbf16> -> vector<16xf32>
      %add3A_259 = arith.addf %add3A_243, %unpack3A_257 : vector<16xf32>
      %add3A_260 = arith.addf %add3A_259, %unpack3A_258 : vector<16xf32>
      %add3A_261 = arith.constant 2 : i32
      %add3A_262 = arith.addi %add3A_77, %add3A_261 : i32
      %get3A_263 = arith.index_cast %add3A_262 : i32 to index
      %get3A_264 = arith.constant 48 : index
      %get3A_265 = tpu.vector_load %arg11[%get3A_263, %get3A_264] {strides = array<i32>} : memref<200x64xi32, #tpu.memory_space<vmem>>, vector<16xi32>,
      %add3A_266 = arith.constant 2 : i32
      %add3A_267 = arith.addi %add3A_77, %add3A_266 : i32
      %get3A_268 = arith.index_cast %add3A_267 : i32 to index
      %get3A_269 = arith.constant 48 : index
      %get3A_270 = tpu.vector_load %arg12[%get3A_268, %get3A_269] {strides = array<i32>} : memref<200x64xi32, #tpu.memory_space<vmem>>, vector<16xi32>,
      %bitcast3A_271 = vector.bitcast %get3A_265 : vector<16xi32> to vector<32xbf16>
      %bitcast3A_272 = vector.bitcast %get3A_270 : vector<16xi32> to vector<32xbf16>
      %mul3A_273 = arith.mulf %bitcast3A_271, %bitcast3A_272 : vector<32xbf16>
      %unpack3A_274 = tpu.unpack_subelements %mul3A_273, 0 {pack_format = #tpu.pack_format<interleaved>} : vector<32xbf16> -> vector<16xf32>
      %unpack3A_275 = tpu.unpack_subelements %mul3A_273, 1 {pack_format = #tpu.pack_format<interleaved>} : vector<32xbf16> -> vector<16xf32>
      %add3A_276 = arith.addf %add3A_260, %unpack3A_274 : vector<16xf32>
      %add3A_277 = arith.addf %add3A_276, %unpack3A_275 : vector<16xf32>
      %add3A_278 = arith.constant 3 : i32
      %add3A_279 = arith.addi %add3A_77, %add3A_278 : i32
      %get3A_280 = arith.index_cast %add3A_279 : i32 to index
      %get3A_281 = arith.constant 0 : index
      %get3A_282 = tpu.vector_load %arg11[%get3A_280, %get3A_281] {strides = array<i32>} : memref<200x64xi32, #tpu.memory_space<vmem>>, vector<16xi32>,
      %add3A_283 = arith.constant 3 : i32
      %add3A_284 = arith.addi %add3A_77, %add3A_283 : i32
      %get3A_285 = arith.index_cast %add3A_284 : i32 to index
      %get3A_286 = arith.constant 0 : index
      %get3A_287 = tpu.vector_load %arg12[%get3A_285, %get3A_286] {strides = array<i32>} : memref<200x64xi32, #tpu.memory_space<vmem>>, vector<16xi32>,
      %bitcast3A_288 = vector.bitcast %get3A_282 : vector<16xi32> to vector<32xbf16>
      %bitcast3A_289 = vector.bitcast %get3A_287 : vector<16xi32> to vector<32xbf16>
      %mul3A_290 = arith.mulf %bitcast3A_288, %bitcast3A_289 : vector<32xbf16>
      %unpack3A_291 = tpu.unpack_subelements %mul3A_290, 0 {pack_format = #tpu.pack_format<interleaved>} : vector<32xbf16> -> vector<16xf32>
      %unpack3A_292 = tpu.unpack_subelements %mul3A_290, 1 {pack_format = #tpu.pack_format<interleaved>} : vector<32xbf16> -> vector<16xf32>
      %add3A_293 = arith.addf %unpack3A_291, %unpack3A_292 : vector<16xf32>
      %add3A_294 = arith.constant 3 : i32
      %add3A_295 = arith.addi %add3A_77, %add3A_294 : i32
      %get3A_296 = arith.index_cast %add3A_295 : i32 to index
      %get3A_297 = arith.constant 16 : index
      %get3A_298 = tpu.vector_load %arg11[%get3A_296, %get3A_297] {strides = array<i32>} : memref<200x64xi32, #tpu.memory_space<vmem>>, vector<16xi32>,
      %add3A_299 = arith.constant 3 : i32
      %add3A_300 = arith.addi %add3A_77, %add3A_299 : i32
      %get3A_301 = arith.index_cast %add3A_300 : i32 to index
      %get3A_302 = arith.constant 16 : index
      %get3A_303 = tpu.vector_load %arg12[%get3A_301, %get3A_302] {strides = array<i32>} : memref<200x64xi32, #tpu.memory_space<vmem>>, vector<16xi32>,
      %bitcast3A_304 = vector.bitcast %get3A_298 : vector<16xi32> to vector<32xbf16>
      %bitcast3A_305 = vector.bitcast %get3A_303 : vector<16xi32> to vector<32xbf16>
      %mul3A_306 = arith.mulf %bitcast3A_304, %bitcast3A_305 : vector<32xbf16>
      %unpack3A_307 = tpu.unpack_subelements %mul3A_306, 0 {pack_format = #tpu.pack_format<interleaved>} : vector<32xbf16> -> vector<16xf32>
      %unpack3A_308 = tpu.unpack_subelements %mul3A_306, 1 {pack_format = #tpu.pack_format<interleaved>} : vector<32xbf16> -> vector<16xf32>
      %add3A_309 = arith.addf %add3A_293, %unpack3A_307 : vector<16xf32>
      %add3A_310 = arith.addf %add3A_309, %unpack3A_308 : vector<16xf32>
      %add3A_311 = arith.constant 3 : i32
      %add3A_312 = arith.addi %add3A_77, %add3A_311 : i32
      %get3A_313 = arith.index_cast %add3A_312 : i32 to index
      %get3A_314 = arith.constant 32 : index
      %get3A_315 = tpu.vector_load %arg11[%get3A_313, %get3A_314] {strides = array<i32>} : memref<200x64xi32, #tpu.memory_space<vmem>>, vector<16xi32>,
      %add3A_316 = arith.constant 3 : i32
      %add3A_317 = arith.addi %add3A_77, %add3A_316 : i32
      %get3A_318 = arith.index_cast %add3A_317 : i32 to index
      %get3A_319 = arith.constant 32 : index
      %get3A_320 = tpu.vector_load %arg12[%get3A_318, %get3A_319] {strides = array<i32>} : memref<200x64xi32, #tpu.memory_space<vmem>>, vector<16xi32>,
      %bitcast3A_321 = vector.bitcast %get3A_315 : vector<16xi32> to vector<32xbf16>
      %bitcast3A_322 = vector.bitcast %get3A_320 : vector<16xi32> to vector<32xbf16>
      %mul3A_323 = arith.mulf %bitcast3A_321, %bitcast3A_322 : vector<32xbf16>
      %unpack3A_324 = tpu.unpack_subelements %mul3A_323, 0 {pack_format = #tpu.pack_format<interleaved>} : vector<32xbf16> -> vector<16xf32>
      %unpack3A_325 = tpu.unpack_subelements %mul3A_323, 1 {pack_format = #tpu.pack_format<interleaved>} : vector<32xbf16> -> vector<16xf32>
      %add3A_326 = arith.addf %add3A_310, %unpack3A_324 : vector<16xf32>
      %add3A_327 = arith.addf %add3A_326, %unpack3A_325 : vector<16xf32>
      %add3A_328 = arith.constant 3 : i32
      %add3A_329 = arith.addi %add3A_77, %add3A_328 : i32
      %get3A_330 = arith.index_cast %add3A_329 : i32 to index
      %get3A_331 = arith.constant 48 : index
      %get3A_332 = tpu.vector_load %arg11[%get3A_330, %get3A_331] {strides = array<i32>} : memref<200x64xi32, #tpu.memory_space<vmem>>, vector<16xi32>,
      %add3A_333 = arith.constant 3 : i32
      %add3A_334 = arith.addi %add3A_77, %add3A_333 : i32
      %get3A_335 = arith.index_cast %add3A_334 : i32 to index
      %get3A_336 = arith.constant 48 : index
      %get3A_337 = tpu.vector_load %arg12[%get3A_335, %get3A_336] {strides = array<i32>} : memref<200x64xi32, #tpu.memory_space<vmem>>, vector<16xi32>,
      %bitcast3A_338 = vector.bitcast %get3A_332 : vector<16xi32> to vector<32xbf16>
      %bitcast3A_339 = vector.bitcast %get3A_337 : vector<16xi32> to vector<32xbf16>
      %mul3A_340 = arith.mulf %bitcast3A_338, %bitcast3A_339 : vector<32xbf16>
      %unpack3A_341 = tpu.unpack_subelements %mul3A_340, 0 {pack_format = #tpu.pack_format<interleaved>} : vector<32xbf16> -> vector<16xf32>
      %unpack3A_342 = tpu.unpack_subelements %mul3A_340, 1 {pack_format = #tpu.pack_format<interleaved>} : vector<32xbf16> -> vector<16xf32>
      %add3A_343 = arith.addf %add3A_327, %unpack3A_341 : vector<16xf32>
      %add3A_344 = arith.addf %add3A_343, %unpack3A_342 : vector<16xf32>
      %add3A_345 = arith.constant 4 : i32
      %add3A_346 = arith.addi %add3A_77, %add3A_345 : i32
      %get3A_347 = arith.index_cast %add3A_346 : i32 to index
      %get3A_348 = arith.constant 0 : index
      %get3A_349 = tpu.vector_load %arg11[%get3A_347, %get3A_348] {strides = array<i32>} : memref<200x64xi32, #tpu.memory_space<vmem>>, vector<16xi32>,
      %add3A_350 = arith.constant 4 : i32
      %add3A_351 = arith.addi %add3A_77, %add3A_350 : i32
      %get3A_352 = arith.index_cast %add3A_351 : i32 to index
      %get3A_353 = arith.constant 0 : index
      %get3A_354 = tpu.vector_load %arg12[%get3A_352, %get3A_353] {strides = array<i32>} : memref<200x64xi32, #tpu.memory_space<vmem>>, vector<16xi32>,
      %bitcast3A_355 = vector.bitcast %get3A_349 : vector<16xi32> to vector<32xbf16>
      %bitcast3A_356 = vector.bitcast %get3A_354 : vector<16xi32> to vector<32xbf16>
      %mul3A_357 = arith.mulf %bitcast3A_355, %bitcast3A_356 : vector<32xbf16>
      %unpack3A_358 = tpu.unpack_subelements %mul3A_357, 0 {pack_format = #tpu.pack_format<interleaved>} : vector<32xbf16> -> vector<16xf32>
      %unpack3A_359 = tpu.unpack_subelements %mul3A_357, 1 {pack_format = #tpu.pack_format<interleaved>} : vector<32xbf16> -> vector<16xf32>
      %add3A_360 = arith.addf %unpack3A_358, %unpack3A_359 : vector<16xf32>
      %add3A_361 = arith.constant 4 : i32
      %add3A_362 = arith.addi %add3A_77, %add3A_361 : i32
      %get3A_363 = arith.index_cast %add3A_362 : i32 to index
      %get3A_364 = arith.constant 16 : index
      %get3A_365 = tpu.vector_load %arg11[%get3A_363, %get3A_364] {strides = array<i32>} : memref<200x64xi32, #tpu.memory_space<vmem>>, vector<16xi32>,
      %add3A_366 = arith.constant 4 : i32
      %add3A_367 = arith.addi %add3A_77, %add3A_366 : i32
      %get3A_368 = arith.index_cast %add3A_367 : i32 to index
      %get3A_369 = arith.constant 16 : index
      %get3A_370 = tpu.vector_load %arg12[%get3A_368, %get3A_369] {strides = array<i32>} : memref<200x64xi32, #tpu.memory_space<vmem>>, vector<16xi32>,
      %bitcast3A_371 = vector.bitcast %get3A_365 : vector<16xi32> to vector<32xbf16>
      %bitcast3A_372 = vector.bitcast %get3A_370 : vector<16xi32> to vector<32xbf16>
      %mul3A_373 = arith.mulf %bitcast3A_371, %bitcast3A_372 : vector<32xbf16>
      %unpack3A_374 = tpu.unpack_subelements %mul3A_373, 0 {pack_format = #tpu.pack_format<interleaved>} : vector<32xbf16> -> vector<16xf32>
      %unpack3A_375 = tpu.unpack_subelements %mul3A_373, 1 {pack_format = #tpu.pack_format<interleaved>} : vector<32xbf16> -> vector<16xf32>
      %add3A_376 = arith.addf %add3A_360, %unpack3A_374 : vector<16xf32>
      %add3A_377 = arith.addf %add3A_376, %unpack3A_375 : vector<16xf32>
      %add3A_378 = arith.constant 4 : i32
      %add3A_379 = arith.addi %add3A_77, %add3A_378 : i32
      %get3A_380 = arith.index_cast %add3A_379 : i32 to index
      %get3A_381 = arith.constant 32 : index
      %get3A_382 = tpu.vector_load %arg11[%get3A_380, %get3A_381] {strides = array<i32>} : memref<200x64xi32, #tpu.memory_space<vmem>>, vector<16xi32>,
      %add3A_383 = arith.constant 4 : i32
      %add3A_384 = arith.addi %add3A_77, %add3A_383 : i32
      %get3A_385 = arith.index_cast %add3A_384 : i32 to index
      %get3A_386 = arith.constant 32 : index
      %get3A_387 = tpu.vector_load %arg12[%get3A_385, %get3A_386] {strides = array<i32>} : memref<200x64xi32, #tpu.memory_space<vmem>>, vector<16xi32>,
      %bitcast3A_388 = vector.bitcast %get3A_382 : vector<16xi32> to vector<32xbf16>
      %bitcast3A_389 = vector.bitcast %get3A_387 : vector<16xi32> to vector<32xbf16>
      %mul3A_390 = arith.mulf %bitcast3A_388, %bitcast3A_389 : vector<32xbf16>
      %unpack3A_391 = tpu.unpack_subelements %mul3A_390, 0 {pack_format = #tpu.pack_format<interleaved>} : vector<32xbf16> -> vector<16xf32>
      %unpack3A_392 = tpu.unpack_subelements %mul3A_390, 1 {pack_format = #tpu.pack_format<interleaved>} : vector<32xbf16> -> vector<16xf32>
      %add3A_393 = arith.addf %add3A_377, %unpack3A_391 : vector<16xf32>
      %add3A_394 = arith.addf %add3A_393, %unpack3A_392 : vector<16xf32>
      %add3A_395 = arith.constant 4 : i32
      %add3A_396 = arith.addi %add3A_77, %add3A_395 : i32
      %get3A_397 = arith.index_cast %add3A_396 : i32 to index
      %get3A_398 = arith.constant 48 : index
      %get3A_399 = tpu.vector_load %arg11[%get3A_397, %get3A_398] {strides = array<i32>} : memref<200x64xi32, #tpu.memory_space<vmem>>, vector<16xi32>,
      %add3A_400 = arith.constant 4 : i32
      %add3A_401 = arith.addi %add3A_77, %add3A_400 : i32
      %get3A_402 = arith.index_cast %add3A_401 : i32 to index
      %get3A_403 = arith.constant 48 : index
      %get3A_404 = tpu.vector_load %arg12[%get3A_402, %get3A_403] {strides = array<i32>} : memref<200x64xi32, #tpu.memory_space<vmem>>, vector<16xi32>,
      %bitcast3A_405 = vector.bitcast %get3A_399 : vector<16xi32> to vector<32xbf16>
      %bitcast3A_406 = vector.bitcast %get3A_404 : vector<16xi32> to vector<32xbf16>
      %mul3A_407 = arith.mulf %bitcast3A_405, %bitcast3A_406 : vector<32xbf16>
      %unpack3A_408 = tpu.unpack_subelements %mul3A_407, 0 {pack_format = #tpu.pack_format<interleaved>} : vector<32xbf16> -> vector<16xf32>
      %unpack3A_409 = tpu.unpack_subelements %mul3A_407, 1 {pack_format = #tpu.pack_format<interleaved>} : vector<32xbf16> -> vector<16xf32>
      %add3A_410 = arith.addf %add3A_394, %unpack3A_408 : vector<16xf32>
      %add3A_411 = arith.addf %add3A_410, %unpack3A_409 : vector<16xf32>
      %add3A_412 = arith.constant 5 : i32
      %add3A_413 = arith.addi %add3A_77, %add3A_412 : i32
      %get3A_414 = arith.index_cast %add3A_413 : i32 to index
      %get3A_415 = arith.constant 0 : index
      %get3A_416 = tpu.vector_load %arg11[%get3A_414, %get3A_415] {strides = array<i32>} : memref<200x64xi32, #tpu.memory_space<vmem>>, vector<16xi32>,
      %add3A_417 = arith.constant 5 : i32
      %add3A_418 = arith.addi %add3A_77, %add3A_417 : i32
      %get3A_419 = arith.index_cast %add3A_418 : i32 to index
      %get3A_420 = arith.constant 0 : index
      %get3A_421 = tpu.vector_load %arg12[%get3A_419, %get3A_420] {strides = array<i32>} : memref<200x64xi32, #tpu.memory_space<vmem>>, vector<16xi32>,
      %bitcast3A_422 = vector.bitcast %get3A_416 : vector<16xi32> to vector<32xbf16>
      %bitcast3A_423 = vector.bitcast %get3A_421 : vector<16xi32> to vector<32xbf16>
      %mul3A_424 = arith.mulf %bitcast3A_422, %bitcast3A_423 : vector<32xbf16>
      %unpack3A_425 = tpu.unpack_subelements %mul3A_424, 0 {pack_format = #tpu.pack_format<interleaved>} : vector<32xbf16> -> vector<16xf32>
      %unpack3A_426 = tpu.unpack_subelements %mul3A_424, 1 {pack_format = #tpu.pack_format<interleaved>} : vector<32xbf16> -> vector<16xf32>
      %add3A_427 = arith.addf %unpack3A_425, %unpack3A_426 : vector<16xf32>
      %add3A_428 = arith.constant 5 : i32
      %add3A_429 = arith.addi %add3A_77, %add3A_428 : i32
      %get3A_430 = arith.index_cast %add3A_429 : i32 to index
      %get3A_431 = arith.constant 16 : index
      %get3A_432 = tpu.vector_load %arg11[%get3A_430, %get3A_431] {strides = array<i32>} : memref<200x64xi32, #tpu.memory_space<vmem>>, vector<16xi32>,
      %add3A_433 = arith.constant 5 : i32
      %add3A_434 = arith.addi %add3A_77, %add3A_433 : i32
      %get3A_435 = arith.index_cast %add3A_434 : i32 to index
      %get3A_436 = arith.constant 16 : index
      %get3A_437 = tpu.vector_load %arg12[%get3A_435, %get3A_436] {strides = array<i32>} : memref<200x64xi32, #tpu.memory_space<vmem>>, vector<16xi32>,
      %bitcast3A_438 = vector.bitcast %get3A_432 : vector<16xi32> to vector<32xbf16>
      %bitcast3A_439 = vector.bitcast %get3A_437 : vector<16xi32> to vector<32xbf16>
      %mul3A_440 = arith.mulf %bitcast3A_438, %bitcast3A_439 : vector<32xbf16>
      %unpack3A_441 = tpu.unpack_subelements %mul3A_440, 0 {pack_format = #tpu.pack_format<interleaved>} : vector<32xbf16> -> vector<16xf32>
      %unpack3A_442 = tpu.unpack_subelements %mul3A_440, 1 {pack_format = #tpu.pack_format<interleaved>} : vector<32xbf16> -> vector<16xf32>
      %add3A_443 = arith.addf %add3A_427, %unpack3A_441 : vector<16xf32>
      %add3A_444 = arith.addf %add3A_443, %unpack3A_442 : vector<16xf32>
      %add3A_445 = arith.constant 5 : i32
      %add3A_446 = arith.addi %add3A_77, %add3A_445 : i32
      %get3A_447 = arith.index_cast %add3A_446 : i32 to index
      %get3A_448 = arith.constant 32 : index
      %get3A_449 = tpu.vector_load %arg11[%get3A_447, %get3A_448] {strides = array<i32>} : memref<200x64xi32, #tpu.memory_space<vmem>>, vector<16xi32>,
      %add3A_450 = arith.constant 5 : i32
      %add3A_451 = arith.addi %add3A_77, %add3A_450 : i32
      %get3A_452 = arith.index_cast %add3A_451 : i32 to index
      %get3A_453 = arith.constant 32 : index
      %get3A_454 = tpu.vector_load %arg12[%get3A_452, %get3A_453] {strides = array<i32>} : memref<200x64xi32, #tpu.memory_space<vmem>>, vector<16xi32>,
      %bitcast3A_455 = vector.bitcast %get3A_449 : vector<16xi32> to vector<32xbf16>
      %bitcast3A_456 = vector.bitcast %get3A_454 : vector<16xi32> to vector<32xbf16>
      %mul3A_457 = arith.mulf %bitcast3A_455, %bitcast3A_456 : vector<32xbf16>
      %unpack3A_458 = tpu.unpack_subelements %mul3A_457, 0 {pack_format = #tpu.pack_format<interleaved>} : vector<32xbf16> -> vector<16xf32>
      %unpack3A_459 = tpu.unpack_subelements %mul3A_457, 1 {pack_format = #tpu.pack_format<interleaved>} : vector<32xbf16> -> vector<16xf32>
      %add3A_460 = arith.addf %add3A_444, %unpack3A_458 : vector<16xf32>
      %add3A_461 = arith.addf %add3A_460, %unpack3A_459 : vector<16xf32>
      %add3A_462 = arith.constant 5 : i32
      %add3A_463 = arith.addi %add3A_77, %add3A_462 : i32
      %get3A_464 = arith.index_cast %add3A_463 : i32 to index
      %get3A_465 = arith.constant 48 : index
      %get3A_466 = tpu.vector_load %arg11[%get3A_464, %get3A_465] {strides = array<i32>} : memref<200x64xi32, #tpu.memory_space<vmem>>, vector<16xi32>,
      %add3A_467 = arith.constant 5 : i32
      %add3A_468 = arith.addi %add3A_77, %add3A_467 : i32
      %get3A_469 = arith.index_cast %add3A_468 : i32 to index
      %get3A_470 = arith.constant 48 : index
      %get3A_471 = tpu.vector_load %arg12[%get3A_469, %get3A_470] {strides = array<i32>} : memref<200x64xi32, #tpu.memory_space<vmem>>, vector<16xi32>,
      %bitcast3A_472 = vector.bitcast %get3A_466 : vector<16xi32> to vector<32xbf16>
      %bitcast3A_473 = vector.bitcast %get3A_471 : vector<16xi32> to vector<32xbf16>
      %mul3A_474 = arith.mulf %bitcast3A_472, %bitcast3A_473 : vector<32xbf16>
      %unpack3A_475 = tpu.unpack_subelements %mul3A_474, 0 {pack_format = #tpu.pack_format<interleaved>} : vector<32xbf16> -> vector<16xf32>
      %unpack3A_476 = tpu.unpack_subelements %mul3A_474, 1 {pack_format = #tpu.pack_format<interleaved>} : vector<32xbf16> -> vector<16xf32>
      %add3A_477 = arith.addf %add3A_461, %unpack3A_475 : vector<16xf32>
      %add3A_478 = arith.addf %add3A_477, %unpack3A_476 : vector<16xf32>
      %add3A_479 = arith.constant 6 : i32
      %add3A_480 = arith.addi %add3A_77, %add3A_479 : i32
      %get3A_481 = arith.index_cast %add3A_480 : i32 to index
      %get3A_482 = arith.constant 0 : index
      %get3A_483 = tpu.vector_load %arg11[%get3A_481, %get3A_482] {strides = array<i32>} : memref<200x64xi32, #tpu.memory_space<vmem>>, vector<16xi32>,
      %add3A_484 = arith.constant 6 : i32
      %add3A_485 = arith.addi %add3A_77, %add3A_484 : i32
      %get3A_486 = arith.index_cast %add3A_485 : i32 to index
      %get3A_487 = arith.constant 0 : index
      %get3A_488 = tpu.vector_load %arg12[%get3A_486, %get3A_487] {strides = array<i32>} : memref<200x64xi32, #tpu.memory_space<vmem>>, vector<16xi32>,
      %bitcast3A_489 = vector.bitcast %get3A_483 : vector<16xi32> to vector<32xbf16>
      %bitcast3A_490 = vector.bitcast %get3A_488 : vector<16xi32> to vector<32xbf16>
      %mul3A_491 = arith.mulf %bitcast3A_489, %bitcast3A_490 : vector<32xbf16>
      %unpack3A_492 = tpu.unpack_subelements %mul3A_491, 0 {pack_format = #tpu.pack_format<interleaved>} : vector<32xbf16> -> vector<16xf32>
      %unpack3A_493 = tpu.unpack_subelements %mul3A_491, 1 {pack_format = #tpu.pack_format<interleaved>} : vector<32xbf16> -> vector<16xf32>
      %add3A_494 = arith.addf %unpack3A_492, %unpack3A_493 : vector<16xf32>
      %add3A_495 = arith.constant 6 : i32
      %add3A_496 = arith.addi %add3A_77, %add3A_495 : i32
      %get3A_497 = arith.index_cast %add3A_496 : i32 to index
      %get3A_498 = arith.constant 16 : index
      %get3A_499 = tpu.vector_load %arg11[%get3A_497, %get3A_498] {strides = array<i32>} : memref<200x64xi32, #tpu.memory_space<vmem>>, vector<16xi32>,
      %add3A_500 = arith.constant 6 : i32
      %add3A_501 = arith.addi %add3A_77, %add3A_500 : i32
      %get3A_502 = arith.index_cast %add3A_501 : i32 to index
      %get3A_503 = arith.constant 16 : index
      %get3A_504 = tpu.vector_load %arg12[%get3A_502, %get3A_503] {strides = array<i32>} : memref<200x64xi32, #tpu.memory_space<vmem>>, vector<16xi32>,
      %bitcast3A_505 = vector.bitcast %get3A_499 : vector<16xi32> to vector<32xbf16>
      %bitcast3A_506 = vector.bitcast %get3A_504 : vector<16xi32> to vector<32xbf16>
      %mul3A_507 = arith.mulf %bitcast3A_505, %bitcast3A_506 : vector<32xbf16>
      %unpack3A_508 = tpu.unpack_subelements %mul3A_507, 0 {pack_format = #tpu.pack_format<interleaved>} : vector<32xbf16> -> vector<16xf32>
      %unpack3A_509 = tpu.unpack_subelements %mul3A_507, 1 {pack_format = #tpu.pack_format<interleaved>} : vector<32xbf16> -> vector<16xf32>
      %add3A_510 = arith.addf %add3A_494, %unpack3A_508 : vector<16xf32>
      %add3A_511 = arith.addf %add3A_510, %unpack3A_509 : vector<16xf32>
      %add3A_512 = arith.constant 6 : i32
      %add3A_513 = arith.addi %add3A_77, %add3A_512 : i32
      %get3A_514 = arith.index_cast %add3A_513 : i32 to index
      %get3A_515 = arith.constant 32 : index
      %get3A_516 = tpu.vector_load %arg11[%get3A_514, %get3A_515] {strides = array<i32>} : memref<200x64xi32, #tpu.memory_space<vmem>>, vector<16xi32>,
      %add3A_517 = arith.constant 6 : i32
      %add3A_518 = arith.addi %add3A_77, %add3A_517 : i32
      %get3A_519 = arith.index_cast %add3A_518 : i32 to index
      %get3A_520 = arith.constant 32 : index
      %get3A_521 = tpu.vector_load %arg12[%get3A_519, %get3A_520] {strides = array<i32>} : memref<200x64xi32, #tpu.memory_space<vmem>>, vector<16xi32>,
      %bitcast3A_522 = vector.bitcast %get3A_516 : vector<16xi32> to vector<32xbf16>
      %bitcast3A_523 = vector.bitcast %get3A_521 : vector<16xi32> to vector<32xbf16>
      %mul3A_524 = arith.mulf %bitcast3A_522, %bitcast3A_523 : vector<32xbf16>
      %unpack3A_525 = tpu.unpack_subelements %mul3A_524, 0 {pack_format = #tpu.pack_format<interleaved>} : vector<32xbf16> -> vector<16xf32>
      %unpack3A_526 = tpu.unpack_subelements %mul3A_524, 1 {pack_format = #tpu.pack_format<interleaved>} : vector<32xbf16> -> vector<16xf32>
      %add3A_527 = arith.addf %add3A_511, %unpack3A_525 : vector<16xf32>
      %add3A_528 = arith.addf %add3A_527, %unpack3A_526 : vector<16xf32>
      %add3A_529 = arith.constant 6 : i32
      %add3A_530 = arith.addi %add3A_77, %add3A_529 : i32
      %get3A_531 = arith.index_cast %add3A_530 : i32 to index
      %get3A_532 = arith.constant 48 : index
      %get3A_533 = tpu.vector_load %arg11[%get3A_531, %get3A_532] {strides = array<i32>} : memref<200x64xi32, #tpu.memory_space<vmem>>, vector<16xi32>,
      %add3A_534 = arith.constant 6 : i32
      %add3A_535 = arith.addi %add3A_77, %add3A_534 : i32
      %get3A_536 = arith.index_cast %add3A_535 : i32 to index
      %get3A_537 = arith.constant 48 : index
      %get3A_538 = tpu.vector_load %arg12[%get3A_536, %get3A_537] {strides = array<i32>} : memref<200x64xi32, #tpu.memory_space<vmem>>, vector<16xi32>,
      %bitcast3A_539 = vector.bitcast %get3A_533 : vector<16xi32> to vector<32xbf16>
      %bitcast3A_540 = vector.bitcast %get3A_538 : vector<16xi32> to vector<32xbf16>
      %mul3A_541 = arith.mulf %bitcast3A_539, %bitcast3A_540 : vector<32xbf16>
      %unpack3A_542 = tpu.unpack_subelements %mul3A_541, 0 {pack_format = #tpu.pack_format<interleaved>} : vector<32xbf16> -> vector<16xf32>
      %unpack3A_543 = tpu.unpack_subelements %mul3A_541, 1 {pack_format = #tpu.pack_format<interleaved>} : vector<32xbf16> -> vector<16xf32>
      %add3A_544 = arith.addf %add3A_528, %unpack3A_542 : vector<16xf32>
      %add3A_545 = arith.addf %add3A_544, %unpack3A_543 : vector<16xf32>
      %add3A_546 = arith.constant 7 : i32
      %add3A_547 = arith.addi %add3A_77, %add3A_546 : i32
      %get3A_548 = arith.index_cast %add3A_547 : i32 to index
      %get3A_549 = arith.constant 0 : index
      %get3A_550 = tpu.vector_load %arg11[%get3A_548, %get3A_549] {strides = array<i32>} : memref<200x64xi32, #tpu.memory_space<vmem>>, vector<16xi32>,
      %add3A_551 = arith.constant 7 : i32
      %add3A_552 = arith.addi %add3A_77, %add3A_551 : i32
      %get3A_553 = arith.index_cast %add3A_552 : i32 to index
      %get3A_554 = arith.constant 0 : index
      %get3A_555 = tpu.vector_load %arg12[%get3A_553, %get3A_554] {strides = array<i32>} : memref<200x64xi32, #tpu.memory_space<vmem>>, vector<16xi32>,
      %bitcast3A_556 = vector.bitcast %get3A_550 : vector<16xi32> to vector<32xbf16>
      %bitcast3A_557 = vector.bitcast %get3A_555 : vector<16xi32> to vector<32xbf16>
      %mul3A_558 = arith.mulf %bitcast3A_556, %bitcast3A_557 : vector<32xbf16>
      %unpack3A_559 = tpu.unpack_subelements %mul3A_558, 0 {pack_format = #tpu.pack_format<interleaved>} : vector<32xbf16> -> vector<16xf32>
      %unpack3A_560 = tpu.unpack_subelements %mul3A_558, 1 {pack_format = #tpu.pack_format<interleaved>} : vector<32xbf16> -> vector<16xf32>
      %add3A_561 = arith.addf %unpack3A_559, %unpack3A_560 : vector<16xf32>
      %add3A_562 = arith.constant 7 : i32
      %add3A_563 = arith.addi %add3A_77, %add3A_562 : i32
      %get3A_564 = arith.index_cast %add3A_563 : i32 to index
      %get3A_565 = arith.constant 16 : index
      %get3A_566 = tpu.vector_load %arg11[%get3A_564, %get3A_565] {strides = array<i32>} : memref<200x64xi32, #tpu.memory_space<vmem>>, vector<16xi32>,
      %add3A_567 = arith.constant 7 : i32
      %add3A_568 = arith.addi %add3A_77, %add3A_567 : i32
      %get3A_569 = arith.index_cast %add3A_568 : i32 to index
      %get3A_570 = arith.constant 16 : index
      %get3A_571 = tpu.vector_load %arg12[%get3A_569, %get3A_570] {strides = array<i32>} : memref<200x64xi32, #tpu.memory_space<vmem>>, vector<16xi32>,
      %bitcast3A_572 = vector.bitcast %get3A_566 : vector<16xi32> to vector<32xbf16>
      %bitcast3A_573 = vector.bitcast %get3A_571 : vector<16xi32> to vector<32xbf16>
      %mul3A_574 = arith.mulf %bitcast3A_572, %bitcast3A_573 : vector<32xbf16>
      %unpack3A_575 = tpu.unpack_subelements %mul3A_574, 0 {pack_format = #tpu.pack_format<interleaved>} : vector<32xbf16> -> vector<16xf32>
      %unpack3A_576 = tpu.unpack_subelements %mul3A_574, 1 {pack_format = #tpu.pack_format<interleaved>} : vector<32xbf16> -> vector<16xf32>
      %add3A_577 = arith.addf %add3A_561, %unpack3A_575 : vector<16xf32>
      %add3A_578 = arith.addf %add3A_577, %unpack3A_576 : vector<16xf32>
      %add3A_579 = arith.constant 7 : i32
      %add3A_580 = arith.addi %add3A_77, %add3A_579 : i32
      %get3A_581 = arith.index_cast %add3A_580 : i32 to index
      %get3A_582 = arith.constant 32 : index
      %get3A_583 = tpu.vector_load %arg11[%get3A_581, %get3A_582] {strides = array<i32>} : memref<200x64xi32, #tpu.memory_space<vmem>>, vector<16xi32>,
      %add3A_584 = arith.constant 7 : i32
      %add3A_585 = arith.addi %add3A_77, %add3A_584 : i32
      %get3A_586 = arith.index_cast %add3A_585 : i32 to index
      %get3A_587 = arith.constant 32 : index
      %get3A_588 = tpu.vector_load %arg12[%get3A_586, %get3A_587] {strides = array<i32>} : memref<200x64xi32, #tpu.memory_space<vmem>>, vector<16xi32>,
      %bitcast3A_589 = vector.bitcast %get3A_583 : vector<16xi32> to vector<32xbf16>
      %bitcast3A_590 = vector.bitcast %get3A_588 : vector<16xi32> to vector<32xbf16>
      %mul3A_591 = arith.mulf %bitcast3A_589, %bitcast3A_590 : vector<32xbf16>
      %unpack3A_592 = tpu.unpack_subelements %mul3A_591, 0 {pack_format = #tpu.pack_format<interleaved>} : vector<32xbf16> -> vector<16xf32>
      %unpack3A_593 = tpu.unpack_subelements %mul3A_591, 1 {pack_format = #tpu.pack_format<interleaved>} : vector<32xbf16> -> vector<16xf32>
      %add3A_594 = arith.addf %add3A_578, %unpack3A_592 : vector<16xf32>
      %add3A_595 = arith.addf %add3A_594, %unpack3A_593 : vector<16xf32>
      %add3A_596 = arith.constant 7 : i32
      %add3A_597 = arith.addi %add3A_77, %add3A_596 : i32
      %get3A_598 = arith.index_cast %add3A_597 : i32 to index
      %get3A_599 = arith.constant 48 : index
      %get3A_600 = tpu.vector_load %arg11[%get3A_598, %get3A_599] {strides = array<i32>} : memref<200x64xi32, #tpu.memory_space<vmem>>, vector<16xi32>,
      %add3A_601 = arith.constant 7 : i32
      %add3A_602 = arith.addi %add3A_77, %add3A_601 : i32
      %get3A_603 = arith.index_cast %add3A_602 : i32 to index
      %get3A_604 = arith.constant 48 : index
      %get3A_605 = tpu.vector_load %arg12[%get3A_603, %get3A_604] {strides = array<i32>} : memref<200x64xi32, #tpu.memory_space<vmem>>, vector<16xi32>,
      %bitcast3A_606 = vector.bitcast %get3A_600 : vector<16xi32> to vector<32xbf16>
      %bitcast3A_607 = vector.bitcast %get3A_605 : vector<16xi32> to vector<32xbf16>
      %mul3A_608 = arith.mulf %bitcast3A_606, %bitcast3A_607 : vector<32xbf16>
      %unpack3A_609 = tpu.unpack_subelements %mul3A_608, 0 {pack_format = #tpu.pack_format<interleaved>} : vector<32xbf16> -> vector<16xf32>
      %unpack3A_610 = tpu.unpack_subelements %mul3A_608, 1 {pack_format = #tpu.pack_format<interleaved>} : vector<32xbf16> -> vector<16xf32>
      %add3A_611 = arith.addf %add3A_595, %unpack3A_609 : vector<16xf32>
      %add3A_612 = arith.addf %add3A_611, %unpack3A_610 : vector<16xf32>
      %broadcast_in_dim3A = vector.shape_cast %xor3A_4 : vector<16xi32> to vector<16x1xi32>
      %gather3A = vector.shape_cast %broadcast_in_dim3A : vector<16x1xi32> to vector<16xi32>
      %gather3A_613 = tpu.dynamic_gather %add3A_143[%gather3A] in [0] : vector<16xf32>, vector<16xi32> -> vector<16xf32>
      %add3A_614 = arith.addf %add3A_143, %gather3A_613 : vector<16xf32>
      %broadcast_in_dim3A_615 = vector.shape_cast %xor3A_7 : vector<16xi32> to vector<16x1xi32>
      %gather3A_616 = vector.shape_cast %broadcast_in_dim3A_615 : vector<16x1xi32> to vector<16xi32>
      %gather3A_617 = tpu.dynamic_gather %add3A_614[%gather3A_616] in [0] : vector<16xf32>, vector<16xi32> -> vector<16xf32>
      %add3A_618 = arith.addf %add3A_614, %gather3A_617 : vector<16xf32>
      %broadcast_in_dim3A_619 = vector.shape_cast %xor3A_10 : vector<16xi32> to vector<16x1xi32>
      %gather3A_620 = vector.shape_cast %broadcast_in_dim3A_619 : vector<16x1xi32> to vector<16xi32>
      %gather3A_621 = tpu.dynamic_gather %add3A_618[%gather3A_620] in [0] : vector<16xf32>, vector<16xi32> -> vector<16xf32>
      %add3A_622 = arith.addf %add3A_618, %gather3A_621 : vector<16xf32>
      %broadcast_in_dim3A_623 = vector.shape_cast %xor3A_13 : vector<16xi32> to vector<16x1xi32>
      %gather3A_624 = vector.shape_cast %broadcast_in_dim3A_623 : vector<16x1xi32> to vector<16xi32>
      %gather3A_625 = tpu.dynamic_gather %add3A_622[%gather3A_624] in [0] : vector<16xf32>, vector<16xi32> -> vector<16xf32>
      %add3A_626 = arith.addf %add3A_622, %gather3A_625 : vector<16xf32>
      %add3A_627 = arith.constant 0 : i32
      %add3A_628 = arith.addi %add3A_79, %add3A_627 : i32
      %broadcast_in_dim3A_629 = vector.broadcast %add3A_628 : i32 to vector<16xi32>
      tpu.vector_store_idx %arg10[%broadcast_in_dim3A_629], %add3A_626 masked %eq3A_15 : memref<10000xf32, #tpu.memory_space<vmem>>[vector<16xi32>], vector<16xf32>, vector<16xi1>
      %broadcast_in_dim3A_630 = vector.shape_cast %xor3A_4 : vector<16xi32> to vector<16x1xi32>
      %gather3A_631 = vector.shape_cast %broadcast_in_dim3A_630 : vector<16x1xi32> to vector<16xi32>
      %gather3A_632 = tpu.dynamic_gather %add3A_210[%gather3A_631] in [0] : vector<16xf32>, vector<16xi32> -> vector<16xf32>
      %add3A_633 = arith.addf %add3A_210, %gather3A_632 : vector<16xf32>
      %broadcast_in_dim3A_634 = vector.shape_cast %xor3A_7 : vector<16xi32> to vector<16x1xi32>
      %gather3A_635 = vector.shape_cast %broadcast_in_dim3A_634 : vector<16x1xi32> to vector<16xi32>
      %gather3A_636 = tpu.dynamic_gather %add3A_633[%gather3A_635] in [0] : vector<16xf32>, vector<16xi32> -> vector<16xf32>
      %add3A_637 = arith.addf %add3A_633, %gather3A_636 : vector<16xf32>
      %broadcast_in_dim3A_638 = vector.shape_cast %xor3A_10 : vector<16xi32> to vector<16x1xi32>
      %gather3A_639 = vector.shape_cast %broadcast_in_dim3A_638 : vector<16x1xi32> to vector<16xi32>
      %gather3A_640 = tpu.dynamic_gather %add3A_637[%gather3A_639] in [0] : vector<16xf32>, vector<16xi32> -> vector<16xf32>
      %add3A_641 = arith.addf %add3A_637, %gather3A_640 : vector<16xf32>
      %broadcast_in_dim3A_642 = vector.shape_cast %xor3A_13 : vector<16xi32> to vector<16x1xi32>
      %gather3A_643 = vector.shape_cast %broadcast_in_dim3A_642 : vector<16x1xi32> to vector<16xi32>
      %gather3A_644 = tpu.dynamic_gather %add3A_641[%gather3A_643] in [0] : vector<16xf32>, vector<16xi32> -> vector<16xf32>
      %add3A_645 = arith.addf %add3A_641, %gather3A_644 : vector<16xf32>
      %add3A_646 = arith.constant 1 : i32
      %add3A_647 = arith.addi %add3A_79, %add3A_646 : i32
      %broadcast_in_dim3A_648 = vector.broadcast %add3A_647 : i32 to vector<16xi32>
      tpu.vector_store_idx %arg10[%broadcast_in_dim3A_648], %add3A_645 masked %eq3A_15 : memref<10000xf32, #tpu.memory_space<vmem>>[vector<16xi32>], vector<16xf32>, vector<16xi1>
      %broadcast_in_dim3A_649 = vector.shape_cast %xor3A_4 : vector<16xi32> to vector<16x1xi32>
      %gather3A_650 = vector.shape_cast %broadcast_in_dim3A_649 : vector<16x1xi32> to vector<16xi32>
      %gather3A_651 = tpu.dynamic_gather %add3A_277[%gather3A_650] in [0] : vector<16xf32>, vector<16xi32> -> vector<16xf32>
      %add3A_652 = arith.addf %add3A_277, %gather3A_651 : vector<16xf32>
      %broadcast_in_dim3A_653 = vector.shape_cast %xor3A_7 : vector<16xi32> to vector<16x1xi32>
      %gather3A_654 = vector.shape_cast %broadcast_in_dim3A_653 : vector<16x1xi32> to vector<16xi32>
      %gather3A_655 = tpu.dynamic_gather %add3A_652[%gather3A_654] in [0] : vector<16xf32>, vector<16xi32> -> vector<16xf32>
      %add3A_656 = arith.addf %add3A_652, %gather3A_655 : vector<16xf32>
      %broadcast_in_dim3A_657 = vector.shape_cast %xor3A_10 : vector<16xi32> to vector<16x1xi32>
      %gather3A_658 = vector.shape_cast %broadcast_in_dim3A_657 : vector<16x1xi32> to vector<16xi32>
      %gather3A_659 = tpu.dynamic_gather %add3A_656[%gather3A_658] in [0] : vector<16xf32>, vector<16xi32> -> vector<16xf32>
      %add3A_660 = arith.addf %add3A_656, %gather3A_659 : vector<16xf32>
      %broadcast_in_dim3A_661 = vector.shape_cast %xor3A_13 : vector<16xi32> to vector<16x1xi32>
      %gather3A_662 = vector.shape_cast %broadcast_in_dim3A_661 : vector<16x1xi32> to vector<16xi32>
      %gather3A_663 = tpu.dynamic_gather %add3A_660[%gather3A_662] in [0] : vector<16xf32>, vector<16xi32> -> vector<16xf32>
      %add3A_664 = arith.addf %add3A_660, %gather3A_663 : vector<16xf32>
      %add3A_665 = arith.constant 2 : i32
      %add3A_666 = arith.addi %add3A_79, %add3A_665 : i32
      %broadcast_in_dim3A_667 = vector.broadcast %add3A_666 : i32 to vector<16xi32>
      tpu.vector_store_idx %arg10[%broadcast_in_dim3A_667], %add3A_664 masked %eq3A_15 : memref<10000xf32, #tpu.memory_space<vmem>>[vector<16xi32>], vector<16xf32>, vector<16xi1>
      %broadcast_in_dim3A_668 = vector.shape_cast %xor3A_4 : vector<16xi32> to vector<16x1xi32>
      %gather3A_669 = vector.shape_cast %broadcast_in_dim3A_668 : vector<16x1xi32> to vector<16xi32>
      %gather3A_670 = tpu.dynamic_gather %add3A_344[%gather3A_669] in [0] : vector<16xf32>, vector<16xi32> -> vector<16xf32>
      %add3A_671 = arith.addf %add3A_344, %gather3A_670 : vector<16xf32>
      %broadcast_in_dim3A_672 = vector.shape_cast %xor3A_7 : vector<16xi32> to vector<16x1xi32>
      %gather3A_673 = vector.shape_cast %broadcast_in_dim3A_672 : vector<16x1xi32> to vector<16xi32>
      %gather3A_674 = tpu.dynamic_gather %add3A_671[%gather3A_673] in [0] : vector<16xf32>, vector<16xi32> -> vector<16xf32>
      %add3A_675 = arith.addf %add3A_671, %gather3A_674 : vector<16xf32>
      %broadcast_in_dim3A_676 = vector.shape_cast %xor3A_10 : vector<16xi32> to vector<16x1xi32>
      %gather3A_677 = vector.shape_cast %broadcast_in_dim3A_676 : vector<16x1xi32> to vector<16xi32>
      %gather3A_678 = tpu.dynamic_gather %add3A_675[%gather3A_677] in [0] : vector<16xf32>, vector<16xi32> -> vector<16xf32>
      %add3A_679 = arith.addf %add3A_675, %gather3A_678 : vector<16xf32>
      %broadcast_in_dim3A_680 = vector.shape_cast %xor3A_13 : vector<16xi32> to vector<16x1xi32>
      %gather3A_681 = vector.shape_cast %broadcast_in_dim3A_680 : vector<16x1xi32> to vector<16xi32>
      %gather3A_682 = tpu.dynamic_gather %add3A_679[%gather3A_681] in [0] : vector<16xf32>, vector<16xi32> -> vector<16xf32>
      %add3A_683 = arith.addf %add3A_679, %gather3A_682 : vector<16xf32>
      %add3A_684 = arith.constant 3 : i32
      %add3A_685 = arith.addi %add3A_79, %add3A_684 : i32
      %broadcast_in_dim3A_686 = vector.broadcast %add3A_685 : i32 to vector<16xi32>
      tpu.vector_store_idx %arg10[%broadcast_in_dim3A_686], %add3A_683 masked %eq3A_15 : memref<10000xf32, #tpu.memory_space<vmem>>[vector<16xi32>], vector<16xf32>, vector<16xi1>
      %broadcast_in_dim3A_687 = vector.shape_cast %xor3A_4 : vector<16xi32> to vector<16x1xi32>
      %gather3A_688 = vector.shape_cast %broadcast_in_dim3A_687 : vector<16x1xi32> to vector<16xi32>
      %gather3A_689 = tpu.dynamic_gather %add3A_411[%gather3A_688] in [0] : vector<16xf32>, vector<16xi32> -> vector<16xf32>
      %add3A_690 = arith.addf %add3A_411, %gather3A_689 : vector<16xf32>
      %broadcast_in_dim3A_691 = vector.shape_cast %xor3A_7 : vector<16xi32> to vector<16x1xi32>
      %gather3A_692 = vector.shape_cast %broadcast_in_dim3A_691 : vector<16x1xi32> to vector<16xi32>
      %gather3A_693 = tpu.dynamic_gather %add3A_690[%gather3A_692] in [0] : vector<16xf32>, vector<16xi32> -> vector<16xf32>
      %add3A_694 = arith.addf %add3A_690, %gather3A_693 : vector<16xf32>
      %broadcast_in_dim3A_695 = vector.shape_cast %xor3A_10 : vector<16xi32> to vector<16x1xi32>
      %gather3A_696 = vector.shape_cast %broadcast_in_dim3A_695 : vector<16x1xi32> to vector<16xi32>
      %gather3A_697 = tpu.dynamic_gather %add3A_694[%gather3A_696] in [0] : vector<16xf32>, vector<16xi32> -> vector<16xf32>
      %add3A_698 = arith.addf %add3A_694, %gather3A_697 : vector<16xf32>
      %broadcast_in_dim3A_699 = vector.shape_cast %xor3A_13 : vector<16xi32> to vector<16x1xi32>
      %gather3A_700 = vector.shape_cast %broadcast_in_dim3A_699 : vector<16x1xi32> to vector<16xi32>
      %gather3A_701 = tpu.dynamic_gather %add3A_698[%gather3A_700] in [0] : vector<16xf32>, vector<16xi32> -> vector<16xf32>
      %add3A_702 = arith.addf %add3A_698, %gather3A_701 : vector<16xf32>
      %add3A_703 = arith.constant 4 : i32
      %add3A_704 = arith.addi %add3A_79, %add3A_703 : i32
      %broadcast_in_dim3A_705 = vector.broadcast %add3A_704 : i32 to vector<16xi32>
      tpu.vector_store_idx %arg10[%broadcast_in_dim3A_705], %add3A_702 masked %eq3A_15 : memref<10000xf32, #tpu.memory_space<vmem>>[vector<16xi32>], vector<16xf32>, vector<16xi1>
      %broadcast_in_dim3A_706 = vector.shape_cast %xor3A_4 : vector<16xi32> to vector<16x1xi32>
      %gather3A_707 = vector.shape_cast %broadcast_in_dim3A_706 : vector<16x1xi32> to vector<16xi32>
      %gather3A_708 = tpu.dynamic_gather %add3A_478[%gather3A_707] in [0] : vector<16xf32>, vector<16xi32> -> vector<16xf32>
      %add3A_709 = arith.addf %add3A_478, %gather3A_708 : vector<16xf32>
      %broadcast_in_dim3A_710 = vector.shape_cast %xor3A_7 : vector<16xi32> to vector<16x1xi32>
      %gather3A_711 = vector.shape_cast %broadcast_in_dim3A_710 : vector<16x1xi32> to vector<16xi32>
      %gather3A_712 = tpu.dynamic_gather %add3A_709[%gather3A_711] in [0] : vector<16xf32>, vector<16xi32> -> vector<16xf32>
      %add3A_713 = arith.addf %add3A_709, %gather3A_712 : vector<16xf32>
      %broadcast_in_dim3A_714 = vector.shape_cast %xor3A_10 : vector<16xi32> to vector<16x1xi32>
      %gather3A_715 = vector.shape_cast %broadcast_in_dim3A_714 : vector<16x1xi32> to vector<16xi32>
      %gather3A_716 = tpu.dynamic_gather %add3A_713[%gather3A_715] in [0] : vector<16xf32>, vector<16xi32> -> vector<16xf32>
      %add3A_717 = arith.addf %add3A_713, %gather3A_716 : vector<16xf32>
      %broadcast_in_dim3A_718 = vector.shape_cast %xor3A_13 : vector<16xi32> to vector<16x1xi32>
      %gather3A_719 = vector.shape_cast %broadcast_in_dim3A_718 : vector<16x1xi32> to vector<16xi32>
      %gather3A_720 = tpu.dynamic_gather %add3A_717[%gather3A_719] in [0] : vector<16xf32>, vector<16xi32> -> vector<16xf32>
      %add3A_721 = arith.addf %add3A_717, %gather3A_720 : vector<16xf32>
      %add3A_722 = arith.constant 5 : i32
      %add3A_723 = arith.addi %add3A_79, %add3A_722 : i32
      %broadcast_in_dim3A_724 = vector.broadcast %add3A_723 : i32 to vector<16xi32>
      tpu.vector_store_idx %arg10[%broadcast_in_dim3A_724], %add3A_721 masked %eq3A_15 : memref<10000xf32, #tpu.memory_space<vmem>>[vector<16xi32>], vector<16xf32>, vector<16xi1>
      %broadcast_in_dim3A_725 = vector.shape_cast %xor3A_4 : vector<16xi32> to vector<16x1xi32>
      %gather3A_726 = vector.shape_cast %broadcast_in_dim3A_725 : vector<16x1xi32> to vector<16xi32>
      %gather3A_727 = tpu.dynamic_gather %add3A_545[%gather3A_726] in [0] : vector<16xf32>, vector<16xi32> -> vector<16xf32>
      %add3A_728 = arith.addf %add3A_545, %gather3A_727 : vector<16xf32>
      %broadcast_in_dim3A_729 = vector.shape_cast %xor3A_7 : vector<16xi32> to vector<16x1xi32>
      %gather3A_730 = vector.shape_cast %broadcast_in_dim3A_729 : vector<16x1xi32> to vector<16xi32>
      %gather3A_731 = tpu.dynamic_gather %add3A_728[%gather3A_730] in [0] : vector<16xf32>, vector<16xi32> -> vector<16xf32>
      %add3A_732 = arith.addf %add3A_728, %gather3A_731 : vector<16xf32>
      %broadcast_in_dim3A_733 = vector.shape_cast %xor3A_10 : vector<16xi32> to vector<16x1xi32>
      %gather3A_734 = vector.shape_cast %broadcast_in_dim3A_733 : vector<16x1xi32> to vector<16xi32>
      %gather3A_735 = tpu.dynamic_gather %add3A_732[%gather3A_734] in [0] : vector<16xf32>, vector<16xi32> -> vector<16xf32>
      %add3A_736 = arith.addf %add3A_732, %gather3A_735 : vector<16xf32>
      %broadcast_in_dim3A_737 = vector.shape_cast %xor3A_13 : vector<16xi32> to vector<16x1xi32>
      %gather3A_738 = vector.shape_cast %broadcast_in_dim3A_737 : vector<16x1xi32> to vector<16xi32>
      %gather3A_739 = tpu.dynamic_gather %add3A_736[%gather3A_738] in [0] : vector<16xf32>, vector<16xi32> -> vector<16xf32>
      %add3A_740 = arith.addf %add3A_736, %gather3A_739 : vector<16xf32>
      %add3A_741 = arith.constant 6 : i32
      %add3A_742 = arith.addi %add3A_79, %add3A_741 : i32
      %broadcast_in_dim3A_743 = vector.broadcast %add3A_742 : i32 to vector<16xi32>
      tpu.vector_store_idx %arg10[%broadcast_in_dim3A_743], %add3A_740 masked %eq3A_15 : memref<10000xf32, #tpu.memory_space<vmem>>[vector<16xi32>], vector<16xf32>, vector<16xi1>
      %broadcast_in_dim3A_744 = vector.shape_cast %xor3A_4 : vector<16xi32> to vector<16x1xi32>
      %gather3A_745 = vector.shape_cast %broadcast_in_dim3A_744 : vector<16x1xi32> to vector<16xi32>
      %gather3A_746 = tpu.dynamic_gather %add3A_612[%gather3A_745] in [0] : vector<16xf32>, vector<16xi32> -> vector<16xf32>
      %add3A_747 = arith.addf %add3A_612, %gather3A_746 : vector<16xf32>
      %broadcast_in_dim3A_748 = vector.shape_cast %xor3A_7 : vector<16xi32> to vector<16x1xi32>
      %gather3A_749 = vector.shape_cast %broadcast_in_dim3A_748 : vector<16x1xi32> to vector<16xi32>
      %gather3A_750 = tpu.dynamic_gather %add3A_747[%gather3A_749] in [0] : vector<16xf32>, vector<16xi32> -> vector<16xf32>
      %add3A_751 = arith.addf %add3A_747, %gather3A_750 : vector<16xf32>
      %broadcast_in_dim3A_752 = vector.shape_cast %xor3A_10 : vector<16xi32> to vector<16x1xi32>
      %gather3A_753 = vector.shape_cast %broadcast_in_dim3A_752 : vector<16x1xi32> to vector<16xi32>
      %gather3A_754 = tpu.dynamic_gather %add3A_751[%gather3A_753] in [0] : vector<16xf32>, vector<16xi32> -> vector<16xf32>
      %add3A_755 = arith.addf %add3A_751, %gather3A_754 : vector<16xf32>
      %broadcast_in_dim3A_756 = vector.shape_cast %xor3A_13 : vector<16xi32> to vector<16x1xi32>
      %gather3A_757 = vector.shape_cast %broadcast_in_dim3A_756 : vector<16x1xi32> to vector<16xi32>
      %gather3A_758 = tpu.dynamic_gather %add3A_755[%gather3A_757] in [0] : vector<16xf32>, vector<16xi32> -> vector<16xf32>
      %add3A_759 = arith.addf %add3A_755, %gather3A_758 : vector<16xf32>
      %add3A_760 = arith.constant 7 : i32
      %add3A_761 = arith.addi %add3A_79, %add3A_760 : i32
      %broadcast_in_dim3A_762 = vector.broadcast %add3A_761 : i32 to vector<16xi32>
      tpu.vector_store_idx %arg10[%broadcast_in_dim3A_762], %add3A_759 masked %eq3A_15 : memref<10000xf32, #tpu.memory_space<vmem>>[vector<16xi32>], vector<16xf32>, vector<16xi1>
    }
    %scan3A_52 = arith.constant 25 : i32
    %dma_wait3A_53 = arith.constant 9800 : i32
    %dma_wait3A_54 = tpu.memref_slice %arg8[%dma_wait3A_53] : memref<10000xi32, #tpu.memory_space<vmem>> -> memref<200xi32, #tpu.memory_space<vmem>>
    %dma_wait3A_55 = arith.constant 0 : i32
    %dma_wait3A_56 = arith.constant 0 : i32
    %dma_wait3A_57 = tpu.memref_slice %arg2[%dma_wait3A_55, %dma_wait3A_56] : memref<10000x64xi32, #tpu.memory_space<hbm>> -> memref<10000x64xi32, #tpu.memory_space<hbm>>
    tpu.wait_indirect_dma semaphore(%arg19 : memref<!tpu.dma_semaphore, #tpu.memory_space<semaphore_mem>>) src(%dma_wait3A_57 : memref<10000x64xi32, #tpu.memory_space<hbm>>) dst(%arg13 : memref<200x64xi32, #tpu.memory_space<vmem>>)
    %dma_wait3A_58 = arith.constant 9800 : i32
    %dma_wait3A_59 = tpu.memref_slice %arg9[%dma_wait3A_58] : memref<10000xi32, #tpu.memory_space<vmem>> -> memref<200xi32, #tpu.memory_space<vmem>>
    %dma_wait3A_60 = arith.constant 0 : i32
    %dma_wait3A_61 = arith.constant 0 : i32
    %dma_wait3A_62 = tpu.memref_slice %arg2[%dma_wait3A_60, %dma_wait3A_61] : memref<10000x64xi32, #tpu.memory_space<hbm>> -> memref<10000x64xi32, #tpu.memory_space<hbm>>
    tpu.wait_indirect_dma semaphore(%arg20 : memref<!tpu.dma_semaphore, #tpu.memory_space<semaphore_mem>>) src(%dma_wait3A_62 : memref<10000x64xi32, #tpu.memory_space<hbm>>) dst(%arg14 : memref<200x64xi32, #tpu.memory_space<vmem>>)
    %scan3A_63 = arith.constant 0 : i32
    %scan3A_64 = arith.constant 25 : i32
    %scan3A_65 = arith.addi %scan3A_63, %scan3A_64 : i32
    %scan3A_66 = arith.constant 1 : i32
    scf.for %scan3A_73 = %scan3A_63 to %scan3A_65 step %scan3A_66  : i32 {
      %mul3A_74 = arith.constant 8 : i32
      %mul3A_75 = arith.muli %scan3A_73, %mul3A_74 : i32
      %add3A_76 = arith.constant 0 : i32
      %add3A_77 = arith.addi %add3A_76, %mul3A_75 : i32
      %add3A_78 = arith.constant 9800 : i32
      %add3A_79 = arith.addi %add3A_78, %add3A_77 : i32
      %add3A_80 = arith.constant 0 : i32
      %add3A_81 = arith.addi %add3A_77, %add3A_80 : i32
      %get3A = arith.index_cast %add3A_81 : i32 to index
      %get3A_82 = arith.constant 0 : index
      %get3A_83 = tpu.vector_load %arg13[%get3A, %get3A_82] {strides = array<i32>} : memref<200x64xi32, #tpu.memory_space<vmem>>, vector<16xi32>,
      %add3A_84 = arith.constant 0 : i32
      %add3A_85 = arith.addi %add3A_77, %add3A_84 : i32
      %get3A_86 = arith.index_cast %add3A_85 : i32 to index
      %get3A_87 = arith.constant 0 : index
      %get3A_88 = tpu.vector_load %arg14[%get3A_86, %get3A_87] {strides = array<i32>} : memref<200x64xi32, #tpu.memory_space<vmem>>, vector<16xi32>,
      %bitcast3A = vector.bitcast %get3A_83 : vector<16xi32> to vector<32xbf16>
      %bitcast3A_89 = vector.bitcast %get3A_88 : vector<16xi32> to vector<32xbf16>
      %mul3A_90 = arith.mulf %bitcast3A, %bitcast3A_89 : vector<32xbf16>
      %unpack3A = tpu.unpack_subelements %mul3A_90, 0 {pack_format = #tpu.pack_format<interleaved>} : vector<32xbf16> -> vector<16xf32>
      %unpack3A_91 = tpu.unpack_subelements %mul3A_90, 1 {pack_format = #tpu.pack_format<interleaved>} : vector<32xbf16> -> vector<16xf32>
      %add3A_92 = arith.addf %unpack3A, %unpack3A_91 : vector<16xf32>
      %add3A_93 = arith.constant 0 : i32
      %add3A_94 = arith.addi %add3A_77, %add3A_93 : i32
      %get3A_95 = arith.index_cast %add3A_94 : i32 to index
      %get3A_96 = arith.constant 16 : index
      %get3A_97 = tpu.vector_load %arg13[%get3A_95, %get3A_96] {strides = array<i32>} : memref<200x64xi32, #tpu.memory_space<vmem>>, vector<16xi32>,
      %add3A_98 = arith.constant 0 : i32
      %add3A_99 = arith.addi %add3A_77, %add3A_98 : i32
      %get3A_100 = arith.index_cast %add3A_99 : i32 to index
      %get3A_101 = arith.constant 16 : index
      %get3A_102 = tpu.vector_load %arg14[%get3A_100, %get3A_101] {strides = array<i32>} : memref<200x64xi32, #tpu.memory_space<vmem>>, vector<16xi32>,
      %bitcast3A_103 = vector.bitcast %get3A_97 : vector<16xi32> to vector<32xbf16>
      %bitcast3A_104 = vector.bitcast %get3A_102 : vector<16xi32> to vector<32xbf16>
      %mul3A_105 = arith.mulf %bitcast3A_103, %bitcast3A_104 : vector<32xbf16>
      %unpack3A_106 = tpu.unpack_subelements %mul3A_105, 0 {pack_format = #tpu.pack_format<interleaved>} : vector<32xbf16> -> vector<16xf32>
      %unpack3A_107 = tpu.unpack_subelements %mul3A_105, 1 {pack_format = #tpu.pack_format<interleaved>} : vector<32xbf16> -> vector<16xf32>
      %add3A_108 = arith.addf %add3A_92, %unpack3A_106 : vector<16xf32>
      %add3A_109 = arith.addf %add3A_108, %unpack3A_107 : vector<16xf32>
      %add3A_110 = arith.constant 0 : i32
      %add3A_111 = arith.addi %add3A_77, %add3A_110 : i32
      %get3A_112 = arith.index_cast %add3A_111 : i32 to index
      %get3A_113 = arith.constant 32 : index
      %get3A_114 = tpu.vector_load %arg13[%get3A_112, %get3A_113] {strides = array<i32>} : memref<200x64xi32, #tpu.memory_space<vmem>>, vector<16xi32>,
      %add3A_115 = arith.constant 0 : i32
      %add3A_116 = arith.addi %add3A_77, %add3A_115 : i32
      %get3A_117 = arith.index_cast %add3A_116 : i32 to index
      %get3A_118 = arith.constant 32 : index
      %get3A_119 = tpu.vector_load %arg14[%get3A_117, %get3A_118] {strides = array<i32>} : memref<200x64xi32, #tpu.memory_space<vmem>>, vector<16xi32>,
      %bitcast3A_120 = vector.bitcast %get3A_114 : vector<16xi32> to vector<32xbf16>
      %bitcast3A_121 = vector.bitcast %get3A_119 : vector<16xi32> to vector<32xbf16>
      %mul3A_122 = arith.mulf %bitcast3A_120, %bitcast3A_121 : vector<32xbf16>
      %unpack3A_123 = tpu.unpack_subelements %mul3A_122, 0 {pack_format = #tpu.pack_format<interleaved>} : vector<32xbf16> -> vector<16xf32>
      %unpack3A_124 = tpu.unpack_subelements %mul3A_122, 1 {pack_format = #tpu.pack_format<interleaved>} : vector<32xbf16> -> vector<16xf32>
      %add3A_125 = arith.addf %add3A_109, %unpack3A_123 : vector<16xf32>
      %add3A_126 = arith.addf %add3A_125, %unpack3A_124 : vector<16xf32>
      %add3A_127 = arith.constant 0 : i32
      %add3A_128 = arith.addi %add3A_77, %add3A_127 : i32
      %get3A_129 = arith.index_cast %add3A_128 : i32 to index
      %get3A_130 = arith.constant 48 : index
      %get3A_131 = tpu.vector_load %arg13[%get3A_129, %get3A_130] {strides = array<i32>} : memref<200x64xi32, #tpu.memory_space<vmem>>, vector<16xi32>,
      %add3A_132 = arith.constant 0 : i32
      %add3A_133 = arith.addi %add3A_77, %add3A_132 : i32
      %get3A_134 = arith.index_cast %add3A_133 : i32 to index
      %get3A_135 = arith.constant 48 : index
      %get3A_136 = tpu.vector_load %arg14[%get3A_134, %get3A_135] {strides = array<i32>} : memref<200x64xi32, #tpu.memory_space<vmem>>, vector<16xi32>,
      %bitcast3A_137 = vector.bitcast %get3A_131 : vector<16xi32> to vector<32xbf16>
      %bitcast3A_138 = vector.bitcast %get3A_136 : vector<16xi32> to vector<32xbf16>
      %mul3A_139 = arith.mulf %bitcast3A_137, %bitcast3A_138 : vector<32xbf16>
      %unpack3A_140 = tpu.unpack_subelements %mul3A_139, 0 {pack_format = #tpu.pack_format<interleaved>} : vector<32xbf16> -> vector<16xf32>
      %unpack3A_141 = tpu.unpack_subelements %mul3A_139, 1 {pack_format = #tpu.pack_format<interleaved>} : vector<32xbf16> -> vector<16xf32>
      %add3A_142 = arith.addf %add3A_126, %unpack3A_140 : vector<16xf32>
      %add3A_143 = arith.addf %add3A_142, %unpack3A_141 : vector<16xf32>
      %add3A_144 = arith.constant 1 : i32
      %add3A_145 = arith.addi %add3A_77, %add3A_144 : i32
      %get3A_146 = arith.index_cast %add3A_145 : i32 to index
      %get3A_147 = arith.constant 0 : index
      %get3A_148 = tpu.vector_load %arg13[%get3A_146, %get3A_147] {strides = array<i32>} : memref<200x64xi32, #tpu.memory_space<vmem>>, vector<16xi32>,
      %add3A_149 = arith.constant 1 : i32
      %add3A_150 = arith.addi %add3A_77, %add3A_149 : i32
      %get3A_151 = arith.index_cast %add3A_150 : i32 to index
      %get3A_152 = arith.constant 0 : index
      %get3A_153 = tpu.vector_load %arg14[%get3A_151, %get3A_152] {strides = array<i32>} : memref<200x64xi32, #tpu.memory_space<vmem>>, vector<16xi32>,
      %bitcast3A_154 = vector.bitcast %get3A_148 : vector<16xi32> to vector<32xbf16>
      %bitcast3A_155 = vector.bitcast %get3A_153 : vector<16xi32> to vector<32xbf16>
      %mul3A_156 = arith.mulf %bitcast3A_154, %bitcast3A_155 : vector<32xbf16>
      %unpack3A_157 = tpu.unpack_subelements %mul3A_156, 0 {pack_format = #tpu.pack_format<interleaved>} : vector<32xbf16> -> vector<16xf32>
      %unpack3A_158 = tpu.unpack_subelements %mul3A_156, 1 {pack_format = #tpu.pack_format<interleaved>} : vector<32xbf16> -> vector<16xf32>
      %add3A_159 = arith.addf %unpack3A_157, %unpack3A_158 : vector<16xf32>
      %add3A_160 = arith.constant 1 : i32
      %add3A_161 = arith.addi %add3A_77, %add3A_160 : i32
      %get3A_162 = arith.index_cast %add3A_161 : i32 to index
      %get3A_163 = arith.constant 16 : index
      %get3A_164 = tpu.vector_load %arg13[%get3A_162, %get3A_163] {strides = array<i32>} : memref<200x64xi32, #tpu.memory_space<vmem>>, vector<16xi32>,
      %add3A_165 = arith.constant 1 : i32
      %add3A_166 = arith.addi %add3A_77, %add3A_165 : i32
      %get3A_167 = arith.index_cast %add3A_166 : i32 to index
      %get3A_168 = arith.constant 16 : index
      %get3A_169 = tpu.vector_load %arg14[%get3A_167, %get3A_168] {strides = array<i32>} : memref<200x64xi32, #tpu.memory_space<vmem>>, vector<16xi32>,
      %bitcast3A_170 = vector.bitcast %get3A_164 : vector<16xi32> to vector<32xbf16>
      %bitcast3A_171 = vector.bitcast %get3A_169 : vector<16xi32> to vector<32xbf16>
      %mul3A_172 = arith.mulf %bitcast3A_170, %bitcast3A_171 : vector<32xbf16>
      %unpack3A_173 = tpu.unpack_subelements %mul3A_172, 0 {pack_format = #tpu.pack_format<interleaved>} : vector<32xbf16> -> vector<16xf32>
      %unpack3A_174 = tpu.unpack_subelements %mul3A_172, 1 {pack_format = #tpu.pack_format<interleaved>} : vector<32xbf16> -> vector<16xf32>
      %add3A_175 = arith.addf %add3A_159, %unpack3A_173 : vector<16xf32>
      %add3A_176 = arith.addf %add3A_175, %unpack3A_174 : vector<16xf32>
      %add3A_177 = arith.constant 1 : i32
      %add3A_178 = arith.addi %add3A_77, %add3A_177 : i32
      %get3A_179 = arith.index_cast %add3A_178 : i32 to index
      %get3A_180 = arith.constant 32 : index
      %get3A_181 = tpu.vector_load %arg13[%get3A_179, %get3A_180] {strides = array<i32>} : memref<200x64xi32, #tpu.memory_space<vmem>>, vector<16xi32>,
      %add3A_182 = arith.constant 1 : i32
      %add3A_183 = arith.addi %add3A_77, %add3A_182 : i32
      %get3A_184 = arith.index_cast %add3A_183 : i32 to index
      %get3A_185 = arith.constant 32 : index
      %get3A_186 = tpu.vector_load %arg14[%get3A_184, %get3A_185] {strides = array<i32>} : memref<200x64xi32, #tpu.memory_space<vmem>>, vector<16xi32>,
      %bitcast3A_187 = vector.bitcast %get3A_181 : vector<16xi32> to vector<32xbf16>
      %bitcast3A_188 = vector.bitcast %get3A_186 : vector<16xi32> to vector<32xbf16>
      %mul3A_189 = arith.mulf %bitcast3A_187, %bitcast3A_188 : vector<32xbf16>
      %unpack3A_190 = tpu.unpack_subelements %mul3A_189, 0 {pack_format = #tpu.pack_format<interleaved>} : vector<32xbf16> -> vector<16xf32>
      %unpack3A_191 = tpu.unpack_subelements %mul3A_189, 1 {pack_format = #tpu.pack_format<interleaved>} : vector<32xbf16> -> vector<16xf32>
      %add3A_192 = arith.addf %add3A_176, %unpack3A_190 : vector<16xf32>
      %add3A_193 = arith.addf %add3A_192, %unpack3A_191 : vector<16xf32>
      %add3A_194 = arith.constant 1 : i32
      %add3A_195 = arith.addi %add3A_77, %add3A_194 : i32
      %get3A_196 = arith.index_cast %add3A_195 : i32 to index
      %get3A_197 = arith.constant 48 : index
      %get3A_198 = tpu.vector_load %arg13[%get3A_196, %get3A_197] {strides = array<i32>} : memref<200x64xi32, #tpu.memory_space<vmem>>, vector<16xi32>,
      %add3A_199 = arith.constant 1 : i32
      %add3A_200 = arith.addi %add3A_77, %add3A_199 : i32
      %get3A_201 = arith.index_cast %add3A_200 : i32 to index
      %get3A_202 = arith.constant 48 : index
      %get3A_203 = tpu.vector_load %arg14[%get3A_201, %get3A_202] {strides = array<i32>} : memref<200x64xi32, #tpu.memory_space<vmem>>, vector<16xi32>,
      %bitcast3A_204 = vector.bitcast %get3A_198 : vector<16xi32> to vector<32xbf16>
      %bitcast3A_205 = vector.bitcast %get3A_203 : vector<16xi32> to vector<32xbf16>
      %mul3A_206 = arith.mulf %bitcast3A_204, %bitcast3A_205 : vector<32xbf16>
      %unpack3A_207 = tpu.unpack_subelements %mul3A_206, 0 {pack_format = #tpu.pack_format<interleaved>} : vector<32xbf16> -> vector<16xf32>
      %unpack3A_208 = tpu.unpack_subelements %mul3A_206, 1 {pack_format = #tpu.pack_format<interleaved>} : vector<32xbf16> -> vector<16xf32>
      %add3A_209 = arith.addf %add3A_193, %unpack3A_207 : vector<16xf32>
      %add3A_210 = arith.addf %add3A_209, %unpack3A_208 : vector<16xf32>
      %add3A_211 = arith.constant 2 : i32
      %add3A_212 = arith.addi %add3A_77, %add3A_211 : i32
      %get3A_213 = arith.index_cast %add3A_212 : i32 to index
      %get3A_214 = arith.constant 0 : index
      %get3A_215 = tpu.vector_load %arg13[%get3A_213, %get3A_214] {strides = array<i32>} : memref<200x64xi32, #tpu.memory_space<vmem>>, vector<16xi32>,
      %add3A_216 = arith.constant 2 : i32
      %add3A_217 = arith.addi %add3A_77, %add3A_216 : i32
      %get3A_218 = arith.index_cast %add3A_217 : i32 to index
      %get3A_219 = arith.constant 0 : index
      %get3A_220 = tpu.vector_load %arg14[%get3A_218, %get3A_219] {strides = array<i32>} : memref<200x64xi32, #tpu.memory_space<vmem>>, vector<16xi32>,
      %bitcast3A_221 = vector.bitcast %get3A_215 : vector<16xi32> to vector<32xbf16>
      %bitcast3A_222 = vector.bitcast %get3A_220 : vector<16xi32> to vector<32xbf16>
      %mul3A_223 = arith.mulf %bitcast3A_221, %bitcast3A_222 : vector<32xbf16>
      %unpack3A_224 = tpu.unpack_subelements %mul3A_223, 0 {pack_format = #tpu.pack_format<interleaved>} : vector<32xbf16> -> vector<16xf32>
      %unpack3A_225 = tpu.unpack_subelements %mul3A_223, 1 {pack_format = #tpu.pack_format<interleaved>} : vector<32xbf16> -> vector<16xf32>
      %add3A_226 = arith.addf %unpack3A_224, %unpack3A_225 : vector<16xf32>
      %add3A_227 = arith.constant 2 : i32
      %add3A_228 = arith.addi %add3A_77, %add3A_227 : i32
      %get3A_229 = arith.index_cast %add3A_228 : i32 to index
      %get3A_230 = arith.constant 16 : index
      %get3A_231 = tpu.vector_load %arg13[%get3A_229, %get3A_230] {strides = array<i32>} : memref<200x64xi32, #tpu.memory_space<vmem>>, vector<16xi32>,
      %add3A_232 = arith.constant 2 : i32
      %add3A_233 = arith.addi %add3A_77, %add3A_232 : i32
      %get3A_234 = arith.index_cast %add3A_233 : i32 to index
      %get3A_235 = arith.constant 16 : index
      %get3A_236 = tpu.vector_load %arg14[%get3A_234, %get3A_235] {strides = array<i32>} : memref<200x64xi32, #tpu.memory_space<vmem>>, vector<16xi32>,
      %bitcast3A_237 = vector.bitcast %get3A_231 : vector<16xi32> to vector<32xbf16>
      %bitcast3A_238 = vector.bitcast %get3A_236 : vector<16xi32> to vector<32xbf16>
      %mul3A_239 = arith.mulf %bitcast3A_237, %bitcast3A_238 : vector<32xbf16>
      %unpack3A_240 = tpu.unpack_subelements %mul3A_239, 0 {pack_format = #tpu.pack_format<interleaved>} : vector<32xbf16> -> vector<16xf32>
      %unpack3A_241 = tpu.unpack_subelements %mul3A_239, 1 {pack_format = #tpu.pack_format<interleaved>} : vector<32xbf16> -> vector<16xf32>
      %add3A_242 = arith.addf %add3A_226, %unpack3A_240 : vector<16xf32>
      %add3A_243 = arith.addf %add3A_242, %unpack3A_241 : vector<16xf32>
      %add3A_244 = arith.constant 2 : i32
      %add3A_245 = arith.addi %add3A_77, %add3A_244 : i32
      %get3A_246 = arith.index_cast %add3A_245 : i32 to index
      %get3A_247 = arith.constant 32 : index
      %get3A_248 = tpu.vector_load %arg13[%get3A_246, %get3A_247] {strides = array<i32>} : memref<200x64xi32, #tpu.memory_space<vmem>>, vector<16xi32>,
      %add3A_249 = arith.constant 2 : i32
      %add3A_250 = arith.addi %add3A_77, %add3A_249 : i32
      %get3A_251 = arith.index_cast %add3A_250 : i32 to index
      %get3A_252 = arith.constant 32 : index
      %get3A_253 = tpu.vector_load %arg14[%get3A_251, %get3A_252] {strides = array<i32>} : memref<200x64xi32, #tpu.memory_space<vmem>>, vector<16xi32>,
      %bitcast3A_254 = vector.bitcast %get3A_248 : vector<16xi32> to vector<32xbf16>
      %bitcast3A_255 = vector.bitcast %get3A_253 : vector<16xi32> to vector<32xbf16>
      %mul3A_256 = arith.mulf %bitcast3A_254, %bitcast3A_255 : vector<32xbf16>
      %unpack3A_257 = tpu.unpack_subelements %mul3A_256, 0 {pack_format = #tpu.pack_format<interleaved>} : vector<32xbf16> -> vector<16xf32>
      %unpack3A_258 = tpu.unpack_subelements %mul3A_256, 1 {pack_format = #tpu.pack_format<interleaved>} : vector<32xbf16> -> vector<16xf32>
      %add3A_259 = arith.addf %add3A_243, %unpack3A_257 : vector<16xf32>
      %add3A_260 = arith.addf %add3A_259, %unpack3A_258 : vector<16xf32>
      %add3A_261 = arith.constant 2 : i32
      %add3A_262 = arith.addi %add3A_77, %add3A_261 : i32
      %get3A_263 = arith.index_cast %add3A_262 : i32 to index
      %get3A_264 = arith.constant 48 : index
      %get3A_265 = tpu.vector_load %arg13[%get3A_263, %get3A_264] {strides = array<i32>} : memref<200x64xi32, #tpu.memory_space<vmem>>, vector<16xi32>,
      %add3A_266 = arith.constant 2 : i32
      %add3A_267 = arith.addi %add3A_77, %add3A_266 : i32
      %get3A_268 = arith.index_cast %add3A_267 : i32 to index
      %get3A_269 = arith.constant 48 : index
      %get3A_270 = tpu.vector_load %arg14[%get3A_268, %get3A_269] {strides = array<i32>} : memref<200x64xi32, #tpu.memory_space<vmem>>, vector<16xi32>,
      %bitcast3A_271 = vector.bitcast %get3A_265 : vector<16xi32> to vector<32xbf16>
      %bitcast3A_272 = vector.bitcast %get3A_270 : vector<16xi32> to vector<32xbf16>
      %mul3A_273 = arith.mulf %bitcast3A_271, %bitcast3A_272 : vector<32xbf16>
      %unpack3A_274 = tpu.unpack_subelements %mul3A_273, 0 {pack_format = #tpu.pack_format<interleaved>} : vector<32xbf16> -> vector<16xf32>
      %unpack3A_275 = tpu.unpack_subelements %mul3A_273, 1 {pack_format = #tpu.pack_format<interleaved>} : vector<32xbf16> -> vector<16xf32>
      %add3A_276 = arith.addf %add3A_260, %unpack3A_274 : vector<16xf32>
      %add3A_277 = arith.addf %add3A_276, %unpack3A_275 : vector<16xf32>
      %add3A_278 = arith.constant 3 : i32
      %add3A_279 = arith.addi %add3A_77, %add3A_278 : i32
      %get3A_280 = arith.index_cast %add3A_279 : i32 to index
      %get3A_281 = arith.constant 0 : index
      %get3A_282 = tpu.vector_load %arg13[%get3A_280, %get3A_281] {strides = array<i32>} : memref<200x64xi32, #tpu.memory_space<vmem>>, vector<16xi32>,
      %add3A_283 = arith.constant 3 : i32
      %add3A_284 = arith.addi %add3A_77, %add3A_283 : i32
      %get3A_285 = arith.index_cast %add3A_284 : i32 to index
      %get3A_286 = arith.constant 0 : index
      %get3A_287 = tpu.vector_load %arg14[%get3A_285, %get3A_286] {strides = array<i32>} : memref<200x64xi32, #tpu.memory_space<vmem>>, vector<16xi32>,
      %bitcast3A_288 = vector.bitcast %get3A_282 : vector<16xi32> to vector<32xbf16>
      %bitcast3A_289 = vector.bitcast %get3A_287 : vector<16xi32> to vector<32xbf16>
      %mul3A_290 = arith.mulf %bitcast3A_288, %bitcast3A_289 : vector<32xbf16>
      %unpack3A_291 = tpu.unpack_subelements %mul3A_290, 0 {pack_format = #tpu.pack_format<interleaved>} : vector<32xbf16> -> vector<16xf32>
      %unpack3A_292 = tpu.unpack_subelements %mul3A_290, 1 {pack_format = #tpu.pack_format<interleaved>} : vector<32xbf16> -> vector<16xf32>
      %add3A_293 = arith.addf %unpack3A_291, %unpack3A_292 : vector<16xf32>
      %add3A_294 = arith.constant 3 : i32
      %add3A_295 = arith.addi %add3A_77, %add3A_294 : i32
      %get3A_296 = arith.index_cast %add3A_295 : i32 to index
      %get3A_297 = arith.constant 16 : index
      %get3A_298 = tpu.vector_load %arg13[%get3A_296, %get3A_297] {strides = array<i32>} : memref<200x64xi32, #tpu.memory_space<vmem>>, vector<16xi32>,
      %add3A_299 = arith.constant 3 : i32
      %add3A_300 = arith.addi %add3A_77, %add3A_299 : i32
      %get3A_301 = arith.index_cast %add3A_300 : i32 to index
      %get3A_302 = arith.constant 16 : index
      %get3A_303 = tpu.vector_load %arg14[%get3A_301, %get3A_302] {strides = array<i32>} : memref<200x64xi32, #tpu.memory_space<vmem>>, vector<16xi32>,
      %bitcast3A_304 = vector.bitcast %get3A_298 : vector<16xi32> to vector<32xbf16>
      %bitcast3A_305 = vector.bitcast %get3A_303 : vector<16xi32> to vector<32xbf16>
      %mul3A_306 = arith.mulf %bitcast3A_304, %bitcast3A_305 : vector<32xbf16>
      %unpack3A_307 = tpu.unpack_subelements %mul3A_306, 0 {pack_format = #tpu.pack_format<interleaved>} : vector<32xbf16> -> vector<16xf32>
      %unpack3A_308 = tpu.unpack_subelements %mul3A_306, 1 {pack_format = #tpu.pack_format<interleaved>} : vector<32xbf16> -> vector<16xf32>
      %add3A_309 = arith.addf %add3A_293, %unpack3A_307 : vector<16xf32>
      %add3A_310 = arith.addf %add3A_309, %unpack3A_308 : vector<16xf32>
      %add3A_311 = arith.constant 3 : i32
      %add3A_312 = arith.addi %add3A_77, %add3A_311 : i32
      %get3A_313 = arith.index_cast %add3A_312 : i32 to index
      %get3A_314 = arith.constant 32 : index
      %get3A_315 = tpu.vector_load %arg13[%get3A_313, %get3A_314] {strides = array<i32>} : memref<200x64xi32, #tpu.memory_space<vmem>>, vector<16xi32>,
      %add3A_316 = arith.constant 3 : i32
      %add3A_317 = arith.addi %add3A_77, %add3A_316 : i32
      %get3A_318 = arith.index_cast %add3A_317 : i32 to index
      %get3A_319 = arith.constant 32 : index
      %get3A_320 = tpu.vector_load %arg14[%get3A_318, %get3A_319] {strides = array<i32>} : memref<200x64xi32, #tpu.memory_space<vmem>>, vector<16xi32>,
      %bitcast3A_321 = vector.bitcast %get3A_315 : vector<16xi32> to vector<32xbf16>
      %bitcast3A_322 = vector.bitcast %get3A_320 : vector<16xi32> to vector<32xbf16>
      %mul3A_323 = arith.mulf %bitcast3A_321, %bitcast3A_322 : vector<32xbf16>
      %unpack3A_324 = tpu.unpack_subelements %mul3A_323, 0 {pack_format = #tpu.pack_format<interleaved>} : vector<32xbf16> -> vector<16xf32>
      %unpack3A_325 = tpu.unpack_subelements %mul3A_323, 1 {pack_format = #tpu.pack_format<interleaved>} : vector<32xbf16> -> vector<16xf32>
      %add3A_326 = arith.addf %add3A_310, %unpack3A_324 : vector<16xf32>
      %add3A_327 = arith.addf %add3A_326, %unpack3A_325 : vector<16xf32>
      %add3A_328 = arith.constant 3 : i32
      %add3A_329 = arith.addi %add3A_77, %add3A_328 : i32
      %get3A_330 = arith.index_cast %add3A_329 : i32 to index
      %get3A_331 = arith.constant 48 : index
      %get3A_332 = tpu.vector_load %arg13[%get3A_330, %get3A_331] {strides = array<i32>} : memref<200x64xi32, #tpu.memory_space<vmem>>, vector<16xi32>,
      %add3A_333 = arith.constant 3 : i32
      %add3A_334 = arith.addi %add3A_77, %add3A_333 : i32
      %get3A_335 = arith.index_cast %add3A_334 : i32 to index
      %get3A_336 = arith.constant 48 : index
      %get3A_337 = tpu.vector_load %arg14[%get3A_335, %get3A_336] {strides = array<i32>} : memref<200x64xi32, #tpu.memory_space<vmem>>, vector<16xi32>,
      %bitcast3A_338 = vector.bitcast %get3A_332 : vector<16xi32> to vector<32xbf16>
      %bitcast3A_339 = vector.bitcast %get3A_337 : vector<16xi32> to vector<32xbf16>
      %mul3A_340 = arith.mulf %bitcast3A_338, %bitcast3A_339 : vector<32xbf16>
      %unpack3A_341 = tpu.unpack_subelements %mul3A_340, 0 {pack_format = #tpu.pack_format<interleaved>} : vector<32xbf16> -> vector<16xf32>
      %unpack3A_342 = tpu.unpack_subelements %mul3A_340, 1 {pack_format = #tpu.pack_format<interleaved>} : vector<32xbf16> -> vector<16xf32>
      %add3A_343 = arith.addf %add3A_327, %unpack3A_341 : vector<16xf32>
      %add3A_344 = arith.addf %add3A_343, %unpack3A_342 : vector<16xf32>
      %add3A_345 = arith.constant 4 : i32
      %add3A_346 = arith.addi %add3A_77, %add3A_345 : i32
      %get3A_347 = arith.index_cast %add3A_346 : i32 to index
      %get3A_348 = arith.constant 0 : index
      %get3A_349 = tpu.vector_load %arg13[%get3A_347, %get3A_348] {strides = array<i32>} : memref<200x64xi32, #tpu.memory_space<vmem>>, vector<16xi32>,
      %add3A_350 = arith.constant 4 : i32
      %add3A_351 = arith.addi %add3A_77, %add3A_350 : i32
      %get3A_352 = arith.index_cast %add3A_351 : i32 to index
      %get3A_353 = arith.constant 0 : index
      %get3A_354 = tpu.vector_load %arg14[%get3A_352, %get3A_353] {strides = array<i32>} : memref<200x64xi32, #tpu.memory_space<vmem>>, vector<16xi32>,
      %bitcast3A_355 = vector.bitcast %get3A_349 : vector<16xi32> to vector<32xbf16>
      %bitcast3A_356 = vector.bitcast %get3A_354 : vector<16xi32> to vector<32xbf16>
      %mul3A_357 = arith.mulf %bitcast3A_355, %bitcast3A_356 : vector<32xbf16>
      %unpack3A_358 = tpu.unpack_subelements %mul3A_357, 0 {pack_format = #tpu.pack_format<interleaved>} : vector<32xbf16> -> vector<16xf32>
      %unpack3A_359 = tpu.unpack_subelements %mul3A_357, 1 {pack_format = #tpu.pack_format<interleaved>} : vector<32xbf16> -> vector<16xf32>
      %add3A_360 = arith.addf %unpack3A_358, %unpack3A_359 : vector<16xf32>
      %add3A_361 = arith.constant 4 : i32
      %add3A_362 = arith.addi %add3A_77, %add3A_361 : i32
      %get3A_363 = arith.index_cast %add3A_362 : i32 to index
      %get3A_364 = arith.constant 16 : index
      %get3A_365 = tpu.vector_load %arg13[%get3A_363, %get3A_364] {strides = array<i32>} : memref<200x64xi32, #tpu.memory_space<vmem>>, vector<16xi32>,
      %add3A_366 = arith.constant 4 : i32
      %add3A_367 = arith.addi %add3A_77, %add3A_366 : i32
      %get3A_368 = arith.index_cast %add3A_367 : i32 to index
      %get3A_369 = arith.constant 16 : index
      %get3A_370 = tpu.vector_load %arg14[%get3A_368, %get3A_369] {strides = array<i32>} : memref<200x64xi32, #tpu.memory_space<vmem>>, vector<16xi32>,
      %bitcast3A_371 = vector.bitcast %get3A_365 : vector<16xi32> to vector<32xbf16>
      %bitcast3A_372 = vector.bitcast %get3A_370 : vector<16xi32> to vector<32xbf16>
      %mul3A_373 = arith.mulf %bitcast3A_371, %bitcast3A_372 : vector<32xbf16>
      %unpack3A_374 = tpu.unpack_subelements %mul3A_373, 0 {pack_format = #tpu.pack_format<interleaved>} : vector<32xbf16> -> vector<16xf32>
      %unpack3A_375 = tpu.unpack_subelements %mul3A_373, 1 {pack_format = #tpu.pack_format<interleaved>} : vector<32xbf16> -> vector<16xf32>
      %add3A_376 = arith.addf %add3A_360, %unpack3A_374 : vector<16xf32>
      %add3A_377 = arith.addf %add3A_376, %unpack3A_375 : vector<16xf32>
      %add3A_378 = arith.constant 4 : i32
      %add3A_379 = arith.addi %add3A_77, %add3A_378 : i32
      %get3A_380 = arith.index_cast %add3A_379 : i32 to index
      %get3A_381 = arith.constant 32 : index
      %get3A_382 = tpu.vector_load %arg13[%get3A_380, %get3A_381] {strides = array<i32>} : memref<200x64xi32, #tpu.memory_space<vmem>>, vector<16xi32>,
      %add3A_383 = arith.constant 4 : i32
      %add3A_384 = arith.addi %add3A_77, %add3A_383 : i32
      %get3A_385 = arith.index_cast %add3A_384 : i32 to index
      %get3A_386 = arith.constant 32 : index
      %get3A_387 = tpu.vector_load %arg14[%get3A_385, %get3A_386] {strides = array<i32>} : memref<200x64xi32, #tpu.memory_space<vmem>>, vector<16xi32>,
      %bitcast3A_388 = vector.bitcast %get3A_382 : vector<16xi32> to vector<32xbf16>
      %bitcast3A_389 = vector.bitcast %get3A_387 : vector<16xi32> to vector<32xbf16>
      %mul3A_390 = arith.mulf %bitcast3A_388, %bitcast3A_389 : vector<32xbf16>
      %unpack3A_391 = tpu.unpack_subelements %mul3A_390, 0 {pack_format = #tpu.pack_format<interleaved>} : vector<32xbf16> -> vector<16xf32>
      %unpack3A_392 = tpu.unpack_subelements %mul3A_390, 1 {pack_format = #tpu.pack_format<interleaved>} : vector<32xbf16> -> vector<16xf32>
      %add3A_393 = arith.addf %add3A_377, %unpack3A_391 : vector<16xf32>
      %add3A_394 = arith.addf %add3A_393, %unpack3A_392 : vector<16xf32>
      %add3A_395 = arith.constant 4 : i32
      %add3A_396 = arith.addi %add3A_77, %add3A_395 : i32
      %get3A_397 = arith.index_cast %add3A_396 : i32 to index
      %get3A_398 = arith.constant 48 : index
      %get3A_399 = tpu.vector_load %arg13[%get3A_397, %get3A_398] {strides = array<i32>} : memref<200x64xi32, #tpu.memory_space<vmem>>, vector<16xi32>,
      %add3A_400 = arith.constant 4 : i32
      %add3A_401 = arith.addi %add3A_77, %add3A_400 : i32
      %get3A_402 = arith.index_cast %add3A_401 : i32 to index
      %get3A_403 = arith.constant 48 : index
      %get3A_404 = tpu.vector_load %arg14[%get3A_402, %get3A_403] {strides = array<i32>} : memref<200x64xi32, #tpu.memory_space<vmem>>, vector<16xi32>,
      %bitcast3A_405 = vector.bitcast %get3A_399 : vector<16xi32> to vector<32xbf16>
      %bitcast3A_406 = vector.bitcast %get3A_404 : vector<16xi32> to vector<32xbf16>
      %mul3A_407 = arith.mulf %bitcast3A_405, %bitcast3A_406 : vector<32xbf16>
      %unpack3A_408 = tpu.unpack_subelements %mul3A_407, 0 {pack_format = #tpu.pack_format<interleaved>} : vector<32xbf16> -> vector<16xf32>
      %unpack3A_409 = tpu.unpack_subelements %mul3A_407, 1 {pack_format = #tpu.pack_format<interleaved>} : vector<32xbf16> -> vector<16xf32>
      %add3A_410 = arith.addf %add3A_394, %unpack3A_408 : vector<16xf32>
      %add3A_411 = arith.addf %add3A_410, %unpack3A_409 : vector<16xf32>
      %add3A_412 = arith.constant 5 : i32
      %add3A_413 = arith.addi %add3A_77, %add3A_412 : i32
      %get3A_414 = arith.index_cast %add3A_413 : i32 to index
      %get3A_415 = arith.constant 0 : index
      %get3A_416 = tpu.vector_load %arg13[%get3A_414, %get3A_415] {strides = array<i32>} : memref<200x64xi32, #tpu.memory_space<vmem>>, vector<16xi32>,
      %add3A_417 = arith.constant 5 : i32
      %add3A_418 = arith.addi %add3A_77, %add3A_417 : i32
      %get3A_419 = arith.index_cast %add3A_418 : i32 to index
      %get3A_420 = arith.constant 0 : index
      %get3A_421 = tpu.vector_load %arg14[%get3A_419, %get3A_420] {strides = array<i32>} : memref<200x64xi32, #tpu.memory_space<vmem>>, vector<16xi32>,
      %bitcast3A_422 = vector.bitcast %get3A_416 : vector<16xi32> to vector<32xbf16>
      %bitcast3A_423 = vector.bitcast %get3A_421 : vector<16xi32> to vector<32xbf16>
      %mul3A_424 = arith.mulf %bitcast3A_422, %bitcast3A_423 : vector<32xbf16>
      %unpack3A_425 = tpu.unpack_subelements %mul3A_424, 0 {pack_format = #tpu.pack_format<interleaved>} : vector<32xbf16> -> vector<16xf32>
      %unpack3A_426 = tpu.unpack_subelements %mul3A_424, 1 {pack_format = #tpu.pack_format<interleaved>} : vector<32xbf16> -> vector<16xf32>
      %add3A_427 = arith.addf %unpack3A_425, %unpack3A_426 : vector<16xf32>
      %add3A_428 = arith.constant 5 : i32
      %add3A_429 = arith.addi %add3A_77, %add3A_428 : i32
      %get3A_430 = arith.index_cast %add3A_429 : i32 to index
      %get3A_431 = arith.constant 16 : index
      %get3A_432 = tpu.vector_load %arg13[%get3A_430, %get3A_431] {strides = array<i32>} : memref<200x64xi32, #tpu.memory_space<vmem>>, vector<16xi32>,
      %add3A_433 = arith.constant 5 : i32
      %add3A_434 = arith.addi %add3A_77, %add3A_433 : i32
      %get3A_435 = arith.index_cast %add3A_434 : i32 to index
      %get3A_436 = arith.constant 16 : index
      %get3A_437 = tpu.vector_load %arg14[%get3A_435, %get3A_436] {strides = array<i32>} : memref<200x64xi32, #tpu.memory_space<vmem>>, vector<16xi32>,
      %bitcast3A_438 = vector.bitcast %get3A_432 : vector<16xi32> to vector<32xbf16>
      %bitcast3A_439 = vector.bitcast %get3A_437 : vector<16xi32> to vector<32xbf16>
      %mul3A_440 = arith.mulf %bitcast3A_438, %bitcast3A_439 : vector<32xbf16>
      %unpack3A_441 = tpu.unpack_subelements %mul3A_440, 0 {pack_format = #tpu.pack_format<interleaved>} : vector<32xbf16> -> vector<16xf32>
      %unpack3A_442 = tpu.unpack_subelements %mul3A_440, 1 {pack_format = #tpu.pack_format<interleaved>} : vector<32xbf16> -> vector<16xf32>
      %add3A_443 = arith.addf %add3A_427, %unpack3A_441 : vector<16xf32>
      %add3A_444 = arith.addf %add3A_443, %unpack3A_442 : vector<16xf32>
      %add3A_445 = arith.constant 5 : i32
      %add3A_446 = arith.addi %add3A_77, %add3A_445 : i32
      %get3A_447 = arith.index_cast %add3A_446 : i32 to index
      %get3A_448 = arith.constant 32 : index
      %get3A_449 = tpu.vector_load %arg13[%get3A_447, %get3A_448] {strides = array<i32>} : memref<200x64xi32, #tpu.memory_space<vmem>>, vector<16xi32>,
      %add3A_450 = arith.constant 5 : i32
      %add3A_451 = arith.addi %add3A_77, %add3A_450 : i32
      %get3A_452 = arith.index_cast %add3A_451 : i32 to index
      %get3A_453 = arith.constant 32 : index
      %get3A_454 = tpu.vector_load %arg14[%get3A_452, %get3A_453] {strides = array<i32>} : memref<200x64xi32, #tpu.memory_space<vmem>>, vector<16xi32>,
      %bitcast3A_455 = vector.bitcast %get3A_449 : vector<16xi32> to vector<32xbf16>
      %bitcast3A_456 = vector.bitcast %get3A_454 : vector<16xi32> to vector<32xbf16>
      %mul3A_457 = arith.mulf %bitcast3A_455, %bitcast3A_456 : vector<32xbf16>
      %unpack3A_458 = tpu.unpack_subelements %mul3A_457, 0 {pack_format = #tpu.pack_format<interleaved>} : vector<32xbf16> -> vector<16xf32>
      %unpack3A_459 = tpu.unpack_subelements %mul3A_457, 1 {pack_format = #tpu.pack_format<interleaved>} : vector<32xbf16> -> vector<16xf32>
      %add3A_460 = arith.addf %add3A_444, %unpack3A_458 : vector<16xf32>
      %add3A_461 = arith.addf %add3A_460, %unpack3A_459 : vector<16xf32>
      %add3A_462 = arith.constant 5 : i32
      %add3A_463 = arith.addi %add3A_77, %add3A_462 : i32
      %get3A_464 = arith.index_cast %add3A_463 : i32 to index
      %get3A_465 = arith.constant 48 : index
      %get3A_466 = tpu.vector_load %arg13[%get3A_464, %get3A_465] {strides = array<i32>} : memref<200x64xi32, #tpu.memory_space<vmem>>, vector<16xi32>,
      %add3A_467 = arith.constant 5 : i32
      %add3A_468 = arith.addi %add3A_77, %add3A_467 : i32
      %get3A_469 = arith.index_cast %add3A_468 : i32 to index
      %get3A_470 = arith.constant 48 : index
      %get3A_471 = tpu.vector_load %arg14[%get3A_469, %get3A_470] {strides = array<i32>} : memref<200x64xi32, #tpu.memory_space<vmem>>, vector<16xi32>,
      %bitcast3A_472 = vector.bitcast %get3A_466 : vector<16xi32> to vector<32xbf16>
      %bitcast3A_473 = vector.bitcast %get3A_471 : vector<16xi32> to vector<32xbf16>
      %mul3A_474 = arith.mulf %bitcast3A_472, %bitcast3A_473 : vector<32xbf16>
      %unpack3A_475 = tpu.unpack_subelements %mul3A_474, 0 {pack_format = #tpu.pack_format<interleaved>} : vector<32xbf16> -> vector<16xf32>
      %unpack3A_476 = tpu.unpack_subelements %mul3A_474, 1 {pack_format = #tpu.pack_format<interleaved>} : vector<32xbf16> -> vector<16xf32>
      %add3A_477 = arith.addf %add3A_461, %unpack3A_475 : vector<16xf32>
      %add3A_478 = arith.addf %add3A_477, %unpack3A_476 : vector<16xf32>
      %add3A_479 = arith.constant 6 : i32
      %add3A_480 = arith.addi %add3A_77, %add3A_479 : i32
      %get3A_481 = arith.index_cast %add3A_480 : i32 to index
      %get3A_482 = arith.constant 0 : index
      %get3A_483 = tpu.vector_load %arg13[%get3A_481, %get3A_482] {strides = array<i32>} : memref<200x64xi32, #tpu.memory_space<vmem>>, vector<16xi32>,
      %add3A_484 = arith.constant 6 : i32
      %add3A_485 = arith.addi %add3A_77, %add3A_484 : i32
      %get3A_486 = arith.index_cast %add3A_485 : i32 to index
      %get3A_487 = arith.constant 0 : index
      %get3A_488 = tpu.vector_load %arg14[%get3A_486, %get3A_487] {strides = array<i32>} : memref<200x64xi32, #tpu.memory_space<vmem>>, vector<16xi32>,
      %bitcast3A_489 = vector.bitcast %get3A_483 : vector<16xi32> to vector<32xbf16>
      %bitcast3A_490 = vector.bitcast %get3A_488 : vector<16xi32> to vector<32xbf16>
      %mul3A_491 = arith.mulf %bitcast3A_489, %bitcast3A_490 : vector<32xbf16>
      %unpack3A_492 = tpu.unpack_subelements %mul3A_491, 0 {pack_format = #tpu.pack_format<interleaved>} : vector<32xbf16> -> vector<16xf32>
      %unpack3A_493 = tpu.unpack_subelements %mul3A_491, 1 {pack_format = #tpu.pack_format<interleaved>} : vector<32xbf16> -> vector<16xf32>
      %add3A_494 = arith.addf %unpack3A_492, %unpack3A_493 : vector<16xf32>
      %add3A_495 = arith.constant 6 : i32
      %add3A_496 = arith.addi %add3A_77, %add3A_495 : i32
      %get3A_497 = arith.index_cast %add3A_496 : i32 to index
      %get3A_498 = arith.constant 16 : index
      %get3A_499 = tpu.vector_load %arg13[%get3A_497, %get3A_498] {strides = array<i32>} : memref<200x64xi32, #tpu.memory_space<vmem>>, vector<16xi32>,
      %add3A_500 = arith.constant 6 : i32
      %add3A_501 = arith.addi %add3A_77, %add3A_500 : i32
      %get3A_502 = arith.index_cast %add3A_501 : i32 to index
      %get3A_503 = arith.constant 16 : index
      %get3A_504 = tpu.vector_load %arg14[%get3A_502, %get3A_503] {strides = array<i32>} : memref<200x64xi32, #tpu.memory_space<vmem>>, vector<16xi32>,
      %bitcast3A_505 = vector.bitcast %get3A_499 : vector<16xi32> to vector<32xbf16>
      %bitcast3A_506 = vector.bitcast %get3A_504 : vector<16xi32> to vector<32xbf16>
      %mul3A_507 = arith.mulf %bitcast3A_505, %bitcast3A_506 : vector<32xbf16>
      %unpack3A_508 = tpu.unpack_subelements %mul3A_507, 0 {pack_format = #tpu.pack_format<interleaved>} : vector<32xbf16> -> vector<16xf32>
      %unpack3A_509 = tpu.unpack_subelements %mul3A_507, 1 {pack_format = #tpu.pack_format<interleaved>} : vector<32xbf16> -> vector<16xf32>
      %add3A_510 = arith.addf %add3A_494, %unpack3A_508 : vector<16xf32>
      %add3A_511 = arith.addf %add3A_510, %unpack3A_509 : vector<16xf32>
      %add3A_512 = arith.constant 6 : i32
      %add3A_513 = arith.addi %add3A_77, %add3A_512 : i32
      %get3A_514 = arith.index_cast %add3A_513 : i32 to index
      %get3A_515 = arith.constant 32 : index
      %get3A_516 = tpu.vector_load %arg13[%get3A_514, %get3A_515] {strides = array<i32>} : memref<200x64xi32, #tpu.memory_space<vmem>>, vector<16xi32>,
      %add3A_517 = arith.constant 6 : i32
      %add3A_518 = arith.addi %add3A_77, %add3A_517 : i32
      %get3A_519 = arith.index_cast %add3A_518 : i32 to index
      %get3A_520 = arith.constant 32 : index
      %get3A_521 = tpu.vector_load %arg14[%get3A_519, %get3A_520] {strides = array<i32>} : memref<200x64xi32, #tpu.memory_space<vmem>>, vector<16xi32>,
      %bitcast3A_522 = vector.bitcast %get3A_516 : vector<16xi32> to vector<32xbf16>
      %bitcast3A_523 = vector.bitcast %get3A_521 : vector<16xi32> to vector<32xbf16>
      %mul3A_524 = arith.mulf %bitcast3A_522, %bitcast3A_523 : vector<32xbf16>
      %unpack3A_525 = tpu.unpack_subelements %mul3A_524, 0 {pack_format = #tpu.pack_format<interleaved>} : vector<32xbf16> -> vector<16xf32>
      %unpack3A_526 = tpu.unpack_subelements %mul3A_524, 1 {pack_format = #tpu.pack_format<interleaved>} : vector<32xbf16> -> vector<16xf32>
      %add3A_527 = arith.addf %add3A_511, %unpack3A_525 : vector<16xf32>
      %add3A_528 = arith.addf %add3A_527, %unpack3A_526 : vector<16xf32>
      %add3A_529 = arith.constant 6 : i32
      %add3A_530 = arith.addi %add3A_77, %add3A_529 : i32
      %get3A_531 = arith.index_cast %add3A_530 : i32 to index
      %get3A_532 = arith.constant 48 : index
      %get3A_533 = tpu.vector_load %arg13[%get3A_531, %get3A_532] {strides = array<i32>} : memref<200x64xi32, #tpu.memory_space<vmem>>, vector<16xi32>,
      %add3A_534 = arith.constant 6 : i32
      %add3A_535 = arith.addi %add3A_77, %add3A_534 : i32
      %get3A_536 = arith.index_cast %add3A_535 : i32 to index
      %get3A_537 = arith.constant 48 : index
      %get3A_538 = tpu.vector_load %arg14[%get3A_536, %get3A_537] {strides = array<i32>} : memref<200x64xi32, #tpu.memory_space<vmem>>, vector<16xi32>,
      %bitcast3A_539 = vector.bitcast %get3A_533 : vector<16xi32> to vector<32xbf16>
      %bitcast3A_540 = vector.bitcast %get3A_538 : vector<16xi32> to vector<32xbf16>
      %mul3A_541 = arith.mulf %bitcast3A_539, %bitcast3A_540 : vector<32xbf16>
      %unpack3A_542 = tpu.unpack_subelements %mul3A_541, 0 {pack_format = #tpu.pack_format<interleaved>} : vector<32xbf16> -> vector<16xf32>
      %unpack3A_543 = tpu.unpack_subelements %mul3A_541, 1 {pack_format = #tpu.pack_format<interleaved>} : vector<32xbf16> -> vector<16xf32>
      %add3A_544 = arith.addf %add3A_528, %unpack3A_542 : vector<16xf32>
      %add3A_545 = arith.addf %add3A_544, %unpack3A_543 : vector<16xf32>
      %add3A_546 = arith.constant 7 : i32
      %add3A_547 = arith.addi %add3A_77, %add3A_546 : i32
      %get3A_548 = arith.index_cast %add3A_547 : i32 to index
      %get3A_549 = arith.constant 0 : index
      %get3A_550 = tpu.vector_load %arg13[%get3A_548, %get3A_549] {strides = array<i32>} : memref<200x64xi32, #tpu.memory_space<vmem>>, vector<16xi32>,
      %add3A_551 = arith.constant 7 : i32
      %add3A_552 = arith.addi %add3A_77, %add3A_551 : i32
      %get3A_553 = arith.index_cast %add3A_552 : i32 to index
      %get3A_554 = arith.constant 0 : index
      %get3A_555 = tpu.vector_load %arg14[%get3A_553, %get3A_554] {strides = array<i32>} : memref<200x64xi32, #tpu.memory_space<vmem>>, vector<16xi32>,
      %bitcast3A_556 = vector.bitcast %get3A_550 : vector<16xi32> to vector<32xbf16>
      %bitcast3A_557 = vector.bitcast %get3A_555 : vector<16xi32> to vector<32xbf16>
      %mul3A_558 = arith.mulf %bitcast3A_556, %bitcast3A_557 : vector<32xbf16>
      %unpack3A_559 = tpu.unpack_subelements %mul3A_558, 0 {pack_format = #tpu.pack_format<interleaved>} : vector<32xbf16> -> vector<16xf32>
      %unpack3A_560 = tpu.unpack_subelements %mul3A_558, 1 {pack_format = #tpu.pack_format<interleaved>} : vector<32xbf16> -> vector<16xf32>
      %add3A_561 = arith.addf %unpack3A_559, %unpack3A_560 : vector<16xf32>
      %add3A_562 = arith.constant 7 : i32
      %add3A_563 = arith.addi %add3A_77, %add3A_562 : i32
      %get3A_564 = arith.index_cast %add3A_563 : i32 to index
      %get3A_565 = arith.constant 16 : index
      %get3A_566 = tpu.vector_load %arg13[%get3A_564, %get3A_565] {strides = array<i32>} : memref<200x64xi32, #tpu.memory_space<vmem>>, vector<16xi32>,
      %add3A_567 = arith.constant 7 : i32
      %add3A_568 = arith.addi %add3A_77, %add3A_567 : i32
      %get3A_569 = arith.index_cast %add3A_568 : i32 to index
      %get3A_570 = arith.constant 16 : index
      %get3A_571 = tpu.vector_load %arg14[%get3A_569, %get3A_570] {strides = array<i32>} : memref<200x64xi32, #tpu.memory_space<vmem>>, vector<16xi32>,
      %bitcast3A_572 = vector.bitcast %get3A_566 : vector<16xi32> to vector<32xbf16>
      %bitcast3A_573 = vector.bitcast %get3A_571 : vector<16xi32> to vector<32xbf16>
      %mul3A_574 = arith.mulf %bitcast3A_572, %bitcast3A_573 : vector<32xbf16>
      %unpack3A_575 = tpu.unpack_subelements %mul3A_574, 0 {pack_format = #tpu.pack_format<interleaved>} : vector<32xbf16> -> vector<16xf32>
      %unpack3A_576 = tpu.unpack_subelements %mul3A_574, 1 {pack_format = #tpu.pack_format<interleaved>} : vector<32xbf16> -> vector<16xf32>
      %add3A_577 = arith.addf %add3A_561, %unpack3A_575 : vector<16xf32>
      %add3A_578 = arith.addf %add3A_577, %unpack3A_576 : vector<16xf32>
      %add3A_579 = arith.constant 7 : i32
      %add3A_580 = arith.addi %add3A_77, %add3A_579 : i32
      %get3A_581 = arith.index_cast %add3A_580 : i32 to index
      %get3A_582 = arith.constant 32 : index
      %get3A_583 = tpu.vector_load %arg13[%get3A_581, %get3A_582] {strides = array<i32>} : memref<200x64xi32, #tpu.memory_space<vmem>>, vector<16xi32>,
      %add3A_584 = arith.constant 7 : i32
      %add3A_585 = arith.addi %add3A_77, %add3A_584 : i32
      %get3A_586 = arith.index_cast %add3A_585 : i32 to index
      %get3A_587 = arith.constant 32 : index
      %get3A_588 = tpu.vector_load %arg14[%get3A_586, %get3A_587] {strides = array<i32>} : memref<200x64xi32, #tpu.memory_space<vmem>>, vector<16xi32>,
      %bitcast3A_589 = vector.bitcast %get3A_583 : vector<16xi32> to vector<32xbf16>
      %bitcast3A_590 = vector.bitcast %get3A_588 : vector<16xi32> to vector<32xbf16>
      %mul3A_591 = arith.mulf %bitcast3A_589, %bitcast3A_590 : vector<32xbf16>
      %unpack3A_592 = tpu.unpack_subelements %mul3A_591, 0 {pack_format = #tpu.pack_format<interleaved>} : vector<32xbf16> -> vector<16xf32>
      %unpack3A_593 = tpu.unpack_subelements %mul3A_591, 1 {pack_format = #tpu.pack_format<interleaved>} : vector<32xbf16> -> vector<16xf32>
      %add3A_594 = arith.addf %add3A_578, %unpack3A_592 : vector<16xf32>
      %add3A_595 = arith.addf %add3A_594, %unpack3A_593 : vector<16xf32>
      %add3A_596 = arith.constant 7 : i32
      %add3A_597 = arith.addi %add3A_77, %add3A_596 : i32
      %get3A_598 = arith.index_cast %add3A_597 : i32 to index
      %get3A_599 = arith.constant 48 : index
      %get3A_600 = tpu.vector_load %arg13[%get3A_598, %get3A_599] {strides = array<i32>} : memref<200x64xi32, #tpu.memory_space<vmem>>, vector<16xi32>,
      %add3A_601 = arith.constant 7 : i32
      %add3A_602 = arith.addi %add3A_77, %add3A_601 : i32
      %get3A_603 = arith.index_cast %add3A_602 : i32 to index
      %get3A_604 = arith.constant 48 : index
      %get3A_605 = tpu.vector_load %arg14[%get3A_603, %get3A_604] {strides = array<i32>} : memref<200x64xi32, #tpu.memory_space<vmem>>, vector<16xi32>,
      %bitcast3A_606 = vector.bitcast %get3A_600 : vector<16xi32> to vector<32xbf16>
      %bitcast3A_607 = vector.bitcast %get3A_605 : vector<16xi32> to vector<32xbf16>
      %mul3A_608 = arith.mulf %bitcast3A_606, %bitcast3A_607 : vector<32xbf16>
      %unpack3A_609 = tpu.unpack_subelements %mul3A_608, 0 {pack_format = #tpu.pack_format<interleaved>} : vector<32xbf16> -> vector<16xf32>
      %unpack3A_610 = tpu.unpack_subelements %mul3A_608, 1 {pack_format = #tpu.pack_format<interleaved>} : vector<32xbf16> -> vector<16xf32>
      %add3A_611 = arith.addf %add3A_595, %unpack3A_609 : vector<16xf32>
      %add3A_612 = arith.addf %add3A_611, %unpack3A_610 : vector<16xf32>
      %broadcast_in_dim3A = vector.shape_cast %xor3A_4 : vector<16xi32> to vector<16x1xi32>
      %gather3A = vector.shape_cast %broadcast_in_dim3A : vector<16x1xi32> to vector<16xi32>
      %gather3A_613 = tpu.dynamic_gather %add3A_143[%gather3A] in [0] : vector<16xf32>, vector<16xi32> -> vector<16xf32>
      %add3A_614 = arith.addf %add3A_143, %gather3A_613 : vector<16xf32>
      %broadcast_in_dim3A_615 = vector.shape_cast %xor3A_7 : vector<16xi32> to vector<16x1xi32>
      %gather3A_616 = vector.shape_cast %broadcast_in_dim3A_615 : vector<16x1xi32> to vector<16xi32>
      %gather3A_617 = tpu.dynamic_gather %add3A_614[%gather3A_616] in [0] : vector<16xf32>, vector<16xi32> -> vector<16xf32>
      %add3A_618 = arith.addf %add3A_614, %gather3A_617 : vector<16xf32>
      %broadcast_in_dim3A_619 = vector.shape_cast %xor3A_10 : vector<16xi32> to vector<16x1xi32>
      %gather3A_620 = vector.shape_cast %broadcast_in_dim3A_619 : vector<16x1xi32> to vector<16xi32>
      %gather3A_621 = tpu.dynamic_gather %add3A_618[%gather3A_620] in [0] : vector<16xf32>, vector<16xi32> -> vector<16xf32>
      %add3A_622 = arith.addf %add3A_618, %gather3A_621 : vector<16xf32>
      %broadcast_in_dim3A_623 = vector.shape_cast %xor3A_13 : vector<16xi32> to vector<16x1xi32>
      %gather3A_624 = vector.shape_cast %broadcast_in_dim3A_623 : vector<16x1xi32> to vector<16xi32>
      %gather3A_625 = tpu.dynamic_gather %add3A_622[%gather3A_624] in [0] : vector<16xf32>, vector<16xi32> -> vector<16xf32>
      %add3A_626 = arith.addf %add3A_622, %gather3A_625 : vector<16xf32>
      %add3A_627 = arith.constant 0 : i32
      %add3A_628 = arith.addi %add3A_79, %add3A_627 : i32
      %broadcast_in_dim3A_629 = vector.broadcast %add3A_628 : i32 to vector<16xi32>
      tpu.vector_store_idx %arg10[%broadcast_in_dim3A_629], %add3A_626 masked %eq3A_15 : memref<10000xf32, #tpu.memory_space<vmem>>[vector<16xi32>], vector<16xf32>, vector<16xi1>
      %broadcast_in_dim3A_630 = vector.shape_cast %xor3A_4 : vector<16xi32> to vector<16x1xi32>
      %gather3A_631 = vector.shape_cast %broadcast_in_dim3A_630 : vector<16x1xi32> to vector<16xi32>
      %gather3A_632 = tpu.dynamic_gather %add3A_210[%gather3A_631] in [0] : vector<16xf32>, vector<16xi32> -> vector<16xf32>
      %add3A_633 = arith.addf %add3A_210, %gather3A_632 : vector<16xf32>
      %broadcast_in_dim3A_634 = vector.shape_cast %xor3A_7 : vector<16xi32> to vector<16x1xi32>
      %gather3A_635 = vector.shape_cast %broadcast_in_dim3A_634 : vector<16x1xi32> to vector<16xi32>
      %gather3A_636 = tpu.dynamic_gather %add3A_633[%gather3A_635] in [0] : vector<16xf32>, vector<16xi32> -> vector<16xf32>
      %add3A_637 = arith.addf %add3A_633, %gather3A_636 : vector<16xf32>
      %broadcast_in_dim3A_638 = vector.shape_cast %xor3A_10 : vector<16xi32> to vector<16x1xi32>
      %gather3A_639 = vector.shape_cast %broadcast_in_dim3A_638 : vector<16x1xi32> to vector<16xi32>
      %gather3A_640 = tpu.dynamic_gather %add3A_637[%gather3A_639] in [0] : vector<16xf32>, vector<16xi32> -> vector<16xf32>
      %add3A_641 = arith.addf %add3A_637, %gather3A_640 : vector<16xf32>
      %broadcast_in_dim3A_642 = vector.shape_cast %xor3A_13 : vector<16xi32> to vector<16x1xi32>
      %gather3A_643 = vector.shape_cast %broadcast_in_dim3A_642 : vector<16x1xi32> to vector<16xi32>
      %gather3A_644 = tpu.dynamic_gather %add3A_641[%gather3A_643] in [0] : vector<16xf32>, vector<16xi32> -> vector<16xf32>
      %add3A_645 = arith.addf %add3A_641, %gather3A_644 : vector<16xf32>
      %add3A_646 = arith.constant 1 : i32
      %add3A_647 = arith.addi %add3A_79, %add3A_646 : i32
      %broadcast_in_dim3A_648 = vector.broadcast %add3A_647 : i32 to vector<16xi32>
      tpu.vector_store_idx %arg10[%broadcast_in_dim3A_648], %add3A_645 masked %eq3A_15 : memref<10000xf32, #tpu.memory_space<vmem>>[vector<16xi32>], vector<16xf32>, vector<16xi1>
      %broadcast_in_dim3A_649 = vector.shape_cast %xor3A_4 : vector<16xi32> to vector<16x1xi32>
      %gather3A_650 = vector.shape_cast %broadcast_in_dim3A_649 : vector<16x1xi32> to vector<16xi32>
      %gather3A_651 = tpu.dynamic_gather %add3A_277[%gather3A_650] in [0] : vector<16xf32>, vector<16xi32> -> vector<16xf32>
      %add3A_652 = arith.addf %add3A_277, %gather3A_651 : vector<16xf32>
      %broadcast_in_dim3A_653 = vector.shape_cast %xor3A_7 : vector<16xi32> to vector<16x1xi32>
      %gather3A_654 = vector.shape_cast %broadcast_in_dim3A_653 : vector<16x1xi32> to vector<16xi32>
      %gather3A_655 = tpu.dynamic_gather %add3A_652[%gather3A_654] in [0] : vector<16xf32>, vector<16xi32> -> vector<16xf32>
      %add3A_656 = arith.addf %add3A_652, %gather3A_655 : vector<16xf32>
      %broadcast_in_dim3A_657 = vector.shape_cast %xor3A_10 : vector<16xi32> to vector<16x1xi32>
      %gather3A_658 = vector.shape_cast %broadcast_in_dim3A_657 : vector<16x1xi32> to vector<16xi32>
      %gather3A_659 = tpu.dynamic_gather %add3A_656[%gather3A_658] in [0] : vector<16xf32>, vector<16xi32> -> vector<16xf32>
      %add3A_660 = arith.addf %add3A_656, %gather3A_659 : vector<16xf32>
      %broadcast_in_dim3A_661 = vector.shape_cast %xor3A_13 : vector<16xi32> to vector<16x1xi32>
      %gather3A_662 = vector.shape_cast %broadcast_in_dim3A_661 : vector<16x1xi32> to vector<16xi32>
      %gather3A_663 = tpu.dynamic_gather %add3A_660[%gather3A_662] in [0] : vector<16xf32>, vector<16xi32> -> vector<16xf32>
      %add3A_664 = arith.addf %add3A_660, %gather3A_663 : vector<16xf32>
      %add3A_665 = arith.constant 2 : i32
      %add3A_666 = arith.addi %add3A_79, %add3A_665 : i32
      %broadcast_in_dim3A_667 = vector.broadcast %add3A_666 : i32 to vector<16xi32>
      tpu.vector_store_idx %arg10[%broadcast_in_dim3A_667], %add3A_664 masked %eq3A_15 : memref<10000xf32, #tpu.memory_space<vmem>>[vector<16xi32>], vector<16xf32>, vector<16xi1>
      %broadcast_in_dim3A_668 = vector.shape_cast %xor3A_4 : vector<16xi32> to vector<16x1xi32>
      %gather3A_669 = vector.shape_cast %broadcast_in_dim3A_668 : vector<16x1xi32> to vector<16xi32>
      %gather3A_670 = tpu.dynamic_gather %add3A_344[%gather3A_669] in [0] : vector<16xf32>, vector<16xi32> -> vector<16xf32>
      %add3A_671 = arith.addf %add3A_344, %gather3A_670 : vector<16xf32>
      %broadcast_in_dim3A_672 = vector.shape_cast %xor3A_7 : vector<16xi32> to vector<16x1xi32>
      %gather3A_673 = vector.shape_cast %broadcast_in_dim3A_672 : vector<16x1xi32> to vector<16xi32>
      %gather3A_674 = tpu.dynamic_gather %add3A_671[%gather3A_673] in [0] : vector<16xf32>, vector<16xi32> -> vector<16xf32>
      %add3A_675 = arith.addf %add3A_671, %gather3A_674 : vector<16xf32>
      %broadcast_in_dim3A_676 = vector.shape_cast %xor3A_10 : vector<16xi32> to vector<16x1xi32>
      %gather3A_677 = vector.shape_cast %broadcast_in_dim3A_676 : vector<16x1xi32> to vector<16xi32>
      %gather3A_678 = tpu.dynamic_gather %add3A_675[%gather3A_677] in [0] : vector<16xf32>, vector<16xi32> -> vector<16xf32>
      %add3A_679 = arith.addf %add3A_675, %gather3A_678 : vector<16xf32>
      %broadcast_in_dim3A_680 = vector.shape_cast %xor3A_13 : vector<16xi32> to vector<16x1xi32>
      %gather3A_681 = vector.shape_cast %broadcast_in_dim3A_680 : vector<16x1xi32> to vector<16xi32>
      %gather3A_682 = tpu.dynamic_gather %add3A_679[%gather3A_681] in [0] : vector<16xf32>, vector<16xi32> -> vector<16xf32>
      %add3A_683 = arith.addf %add3A_679, %gather3A_682 : vector<16xf32>
      %add3A_684 = arith.constant 3 : i32
      %add3A_685 = arith.addi %add3A_79, %add3A_684 : i32
      %broadcast_in_dim3A_686 = vector.broadcast %add3A_685 : i32 to vector<16xi32>
      tpu.vector_store_idx %arg10[%broadcast_in_dim3A_686], %add3A_683 masked %eq3A_15 : memref<10000xf32, #tpu.memory_space<vmem>>[vector<16xi32>], vector<16xf32>, vector<16xi1>
      %broadcast_in_dim3A_687 = vector.shape_cast %xor3A_4 : vector<16xi32> to vector<16x1xi32>
      %gather3A_688 = vector.shape_cast %broadcast_in_dim3A_687 : vector<16x1xi32> to vector<16xi32>
      %gather3A_689 = tpu.dynamic_gather %add3A_411[%gather3A_688] in [0] : vector<16xf32>, vector<16xi32> -> vector<16xf32>
      %add3A_690 = arith.addf %add3A_411, %gather3A_689 : vector<16xf32>
      %broadcast_in_dim3A_691 = vector.shape_cast %xor3A_7 : vector<16xi32> to vector<16x1xi32>
      %gather3A_692 = vector.shape_cast %broadcast_in_dim3A_691 : vector<16x1xi32> to vector<16xi32>
      %gather3A_693 = tpu.dynamic_gather %add3A_690[%gather3A_692] in [0] : vector<16xf32>, vector<16xi32> -> vector<16xf32>
      %add3A_694 = arith.addf %add3A_690, %gather3A_693 : vector<16xf32>
      %broadcast_in_dim3A_695 = vector.shape_cast %xor3A_10 : vector<16xi32> to vector<16x1xi32>
      %gather3A_696 = vector.shape_cast %broadcast_in_dim3A_695 : vector<16x1xi32> to vector<16xi32>
      %gather3A_697 = tpu.dynamic_gather %add3A_694[%gather3A_696] in [0] : vector<16xf32>, vector<16xi32> -> vector<16xf32>
      %add3A_698 = arith.addf %add3A_694, %gather3A_697 : vector<16xf32>
      %broadcast_in_dim3A_699 = vector.shape_cast %xor3A_13 : vector<16xi32> to vector<16x1xi32>
      %gather3A_700 = vector.shape_cast %broadcast_in_dim3A_699 : vector<16x1xi32> to vector<16xi32>
      %gather3A_701 = tpu.dynamic_gather %add3A_698[%gather3A_700] in [0] : vector<16xf32>, vector<16xi32> -> vector<16xf32>
      %add3A_702 = arith.addf %add3A_698, %gather3A_701 : vector<16xf32>
      %add3A_703 = arith.constant 4 : i32
      %add3A_704 = arith.addi %add3A_79, %add3A_703 : i32
      %broadcast_in_dim3A_705 = vector.broadcast %add3A_704 : i32 to vector<16xi32>
      tpu.vector_store_idx %arg10[%broadcast_in_dim3A_705], %add3A_702 masked %eq3A_15 : memref<10000xf32, #tpu.memory_space<vmem>>[vector<16xi32>], vector<16xf32>, vector<16xi1>
      %broadcast_in_dim3A_706 = vector.shape_cast %xor3A_4 : vector<16xi32> to vector<16x1xi32>
      %gather3A_707 = vector.shape_cast %broadcast_in_dim3A_706 : vector<16x1xi32> to vector<16xi32>
      %gather3A_708 = tpu.dynamic_gather %add3A_478[%gather3A_707] in [0] : vector<16xf32>, vector<16xi32> -> vector<16xf32>
      %add3A_709 = arith.addf %add3A_478, %gather3A_708 : vector<16xf32>
      %broadcast_in_dim3A_710 = vector.shape_cast %xor3A_7 : vector<16xi32> to vector<16x1xi32>
      %gather3A_711 = vector.shape_cast %broadcast_in_dim3A_710 : vector<16x1xi32> to vector<16xi32>
      %gather3A_712 = tpu.dynamic_gather %add3A_709[%gather3A_711] in [0] : vector<16xf32>, vector<16xi32> -> vector<16xf32>
      %add3A_713 = arith.addf %add3A_709, %gather3A_712 : vector<16xf32>
      %broadcast_in_dim3A_714 = vector.shape_cast %xor3A_10 : vector<16xi32> to vector<16x1xi32>
      %gather3A_715 = vector.shape_cast %broadcast_in_dim3A_714 : vector<16x1xi32> to vector<16xi32>
      %gather3A_716 = tpu.dynamic_gather %add3A_713[%gather3A_715] in [0] : vector<16xf32>, vector<16xi32> -> vector<16xf32>
      %add3A_717 = arith.addf %add3A_713, %gather3A_716 : vector<16xf32>
      %broadcast_in_dim3A_718 = vector.shape_cast %xor3A_13 : vector<16xi32> to vector<16x1xi32>
      %gather3A_719 = vector.shape_cast %broadcast_in_dim3A_718 : vector<16x1xi32> to vector<16xi32>
      %gather3A_720 = tpu.dynamic_gather %add3A_717[%gather3A_719] in [0] : vector<16xf32>, vector<16xi32> -> vector<16xf32>
      %add3A_721 = arith.addf %add3A_717, %gather3A_720 : vector<16xf32>
      %add3A_722 = arith.constant 5 : i32
      %add3A_723 = arith.addi %add3A_79, %add3A_722 : i32
      %broadcast_in_dim3A_724 = vector.broadcast %add3A_723 : i32 to vector<16xi32>
      tpu.vector_store_idx %arg10[%broadcast_in_dim3A_724], %add3A_721 masked %eq3A_15 : memref<10000xf32, #tpu.memory_space<vmem>>[vector<16xi32>], vector<16xf32>, vector<16xi1>
      %broadcast_in_dim3A_725 = vector.shape_cast %xor3A_4 : vector<16xi32> to vector<16x1xi32>
      %gather3A_726 = vector.shape_cast %broadcast_in_dim3A_725 : vector<16x1xi32> to vector<16xi32>
      %gather3A_727 = tpu.dynamic_gather %add3A_545[%gather3A_726] in [0] : vector<16xf32>, vector<16xi32> -> vector<16xf32>
      %add3A_728 = arith.addf %add3A_545, %gather3A_727 : vector<16xf32>
      %broadcast_in_dim3A_729 = vector.shape_cast %xor3A_7 : vector<16xi32> to vector<16x1xi32>
      %gather3A_730 = vector.shape_cast %broadcast_in_dim3A_729 : vector<16x1xi32> to vector<16xi32>
      %gather3A_731 = tpu.dynamic_gather %add3A_728[%gather3A_730] in [0] : vector<16xf32>, vector<16xi32> -> vector<16xf32>
      %add3A_732 = arith.addf %add3A_728, %gather3A_731 : vector<16xf32>
      %broadcast_in_dim3A_733 = vector.shape_cast %xor3A_10 : vector<16xi32> to vector<16x1xi32>
      %gather3A_734 = vector.shape_cast %broadcast_in_dim3A_733 : vector<16x1xi32> to vector<16xi32>
      %gather3A_735 = tpu.dynamic_gather %add3A_732[%gather3A_734] in [0] : vector<16xf32>, vector<16xi32> -> vector<16xf32>
      %add3A_736 = arith.addf %add3A_732, %gather3A_735 : vector<16xf32>
      %broadcast_in_dim3A_737 = vector.shape_cast %xor3A_13 : vector<16xi32> to vector<16x1xi32>
      %gather3A_738 = vector.shape_cast %broadcast_in_dim3A_737 : vector<16x1xi32> to vector<16xi32>
      %gather3A_739 = tpu.dynamic_gather %add3A_736[%gather3A_738] in [0] : vector<16xf32>, vector<16xi32> -> vector<16xf32>
      %add3A_740 = arith.addf %add3A_736, %gather3A_739 : vector<16xf32>
      %add3A_741 = arith.constant 6 : i32
      %add3A_742 = arith.addi %add3A_79, %add3A_741 : i32
      %broadcast_in_dim3A_743 = vector.broadcast %add3A_742 : i32 to vector<16xi32>
      tpu.vector_store_idx %arg10[%broadcast_in_dim3A_743], %add3A_740 masked %eq3A_15 : memref<10000xf32, #tpu.memory_space<vmem>>[vector<16xi32>], vector<16xf32>, vector<16xi1>
      %broadcast_in_dim3A_744 = vector.shape_cast %xor3A_4 : vector<16xi32> to vector<16x1xi32>
      %gather3A_745 = vector.shape_cast %broadcast_in_dim3A_744 : vector<16x1xi32> to vector<16xi32>
      %gather3A_746 = tpu.dynamic_gather %add3A_612[%gather3A_745] in [0] : vector<16xf32>, vector<16xi32> -> vector<16xf32>
      %add3A_747 = arith.addf %add3A_612, %gather3A_746 : vector<16xf32>
      %broadcast_in_dim3A_748 = vector.shape_cast %xor3A_7 : vector<16xi32> to vector<16x1xi32>
      %gather3A_749 = vector.shape_cast %broadcast_in_dim3A_748 : vector<16x1xi32> to vector<16xi32>
      %gather3A_750 = tpu.dynamic_gather %add3A_747[%gather3A_749] in [0] : vector<16xf32>, vector<16xi32> -> vector<16xf32>
      %add3A_751 = arith.addf %add3A_747, %gather3A_750 : vector<16xf32>
      %broadcast_in_dim3A_752 = vector.shape_cast %xor3A_10 : vector<16xi32> to vector<16x1xi32>
      %gather3A_753 = vector.shape_cast %broadcast_in_dim3A_752 : vector<16x1xi32> to vector<16xi32>
      %gather3A_754 = tpu.dynamic_gather %add3A_751[%gather3A_753] in [0] : vector<16xf32>, vector<16xi32> -> vector<16xf32>
      %add3A_755 = arith.addf %add3A_751, %gather3A_754 : vector<16xf32>
      %broadcast_in_dim3A_756 = vector.shape_cast %xor3A_13 : vector<16xi32> to vector<16x1xi32>
      %gather3A_757 = vector.shape_cast %broadcast_in_dim3A_756 : vector<16x1xi32> to vector<16xi32>
      %gather3A_758 = tpu.dynamic_gather %add3A_755[%gather3A_757] in [0] : vector<16xf32>, vector<16xi32> -> vector<16xf32>
      %add3A_759 = arith.addf %add3A_755, %gather3A_758 : vector<16xf32>
      %add3A_760 = arith.constant 7 : i32
      %add3A_761 = arith.addi %add3A_79, %add3A_760 : i32
      %broadcast_in_dim3A_762 = vector.broadcast %add3A_761 : i32 to vector<16xi32>
      tpu.vector_store_idx %arg10[%broadcast_in_dim3A_762], %add3A_759 masked %eq3A_15 : memref<10000xf32, #tpu.memory_space<vmem>>[vector<16xi32>], vector<16xf32>, vector<16xi1>
    }
    %scan3A_67 = arith.constant 25 : i32
    %scan3A_68 = arith.constant 0 : i32
    %scan3A_69 = arith.constant 625 : i32
    %scan3A_70 = arith.addi %scan3A_68, %scan3A_69 : i32
    %scan3A_71 = arith.constant 1 : i32
    scf.for %scan3A_73 = %scan3A_68 to %scan3A_70 step %scan3A_71  : i32 {
      %mul3A_74 = arith.constant 16 : i32
      %mul3A_75 = arith.muli %scan3A_73, %mul3A_74 : i32
      %add3A_76 = arith.constant 0 : i32
      %add3A_77 = arith.addi %add3A_76, %mul3A_75 : i32
      %get3A = arith.index_cast %add3A_77 : i32 to index
      %get3A_78 = tpu.vector_load %arg10[%get3A] {strides = array<i32>} : memref<10000xf32, #tpu.memory_space<vmem>>, vector<16xf32>,
      %get3A_79 = arith.index_cast %add3A_77 : i32 to index
      %get3A_80 = tpu.vector_load %arg8[%get3A_79] {strides = array<i32>} : memref<10000xi32, #tpu.memory_space<vmem>>, vector<16xi32>,
      %gather3A = tpu.vector_load_idx %arg7[%get3A_80] : memref<10000xf32, #tpu.memory_space<vmem>>[vector<16xi32>], vector<16xf32>,
      %mul3A_81 = arith.mulf %get3A_78, %gather3A : vector<16xf32>
      %neg3A = arith.constant 0.000000e+00 : f32
      %neg3A_82 = vector.broadcast %neg3A : f32 to vector<16xf32>
      %neg3A_83 = arith.subf %neg3A_82, %mul3A_81 : vector<16xf32>
      %exp3A = math.exp %neg3A_83 : vector<16xf32>
      %add3A_84 = arith.constant 1.000000e+00 : f32
      %add3A_85 = vector.broadcast %add3A_84 : f32 to vector<16xf32>
      %add3A_86 = arith.addf %add3A_85, %exp3A : vector<16xf32>
      %div3A = arith.constant 1.000000e+00 : f32
      %div3A_87 = vector.broadcast %div3A : f32 to vector<16xf32>
      %div3A_88 = arith.divf %div3A_87, %add3A_86 : vector<16xf32>
      %swap3A = arith.index_cast %add3A_77 : i32 to index
      %swap3A_89 = tpu.vector_load %arg10[%swap3A] {strides = array<i32>} : memref<10000xf32, #tpu.memory_space<vmem>>, vector<16xf32>,
      tpu.vector_store %arg10[%swap3A], %div3A_88 {strides = array<i32>} : memref<10000xf32, #tpu.memory_space<vmem>>, vector<16xf32>,
    }
    %scan3A_72 = arith.constant 625 : i32
    "tpu.region"() ({
      %run_scoped3A = tpu.sem_alloc : memref<!tpu.dma_semaphore, #tpu.memory_space<semaphore_mem>>
      %dma_start3A_73 = tpu.memref_slice %arg6[%mul3A_2] : memref<320000xf32, #tpu.memory_space<hbm>> -> memref<10000xf32, #tpu.memory_space<hbm>>
      %dma_start3A_74 = tpu.memref_slice %arg6[%mul3A_2] : memref<320000xf32, #tpu.memory_space<hbm>> -> memref<10000xf32, #tpu.memory_space<hbm>>
      tpu.enqueue_dma source(%arg10 : memref<10000xf32, #tpu.memory_space<vmem>>) target(%dma_start3A_74 : memref<10000xf32, #tpu.memory_space<hbm>>) target_semaphore(%run_scoped3A : memref<!tpu.dma_semaphore, #tpu.memory_space<semaphore_mem>>)
      %dma_wait3A_75 = tpu.memref_slice %arg6[%mul3A_2] : memref<320000xf32, #tpu.memory_space<hbm>> -> memref<10000xf32, #tpu.memory_space<hbm>>
      %dma_wait3A_76 = tpu.memref_slice %arg6[%mul3A_2] : memref<320000xf32, #tpu.memory_space<hbm>> -> memref<10000xf32, #tpu.memory_space<hbm>>
      tpu.wait_dma2 semaphore(%run_scoped3A : memref<!tpu.dma_semaphore, #tpu.memory_space<semaphore_mem>>) src(%arg10 : memref<10000xf32, #tpu.memory_space<vmem>>) dst(%dma_wait3A_76 : memref<10000xf32, #tpu.memory_space<hbm>>)
      tpu.yield
    }) : () -> ()
    return
  }
}

</mosaic_0001>

<sc_bundles>
// kernel: kernel.3.cloned.1.call-start
scs
__scs_entry_jumppad:
0x0: {  	(pc) =	sbr.rel $0x88, $3  }
0x1: {  	(tag) =	ssettag $0x0;
	lr =	simm.s32 $0x1  }
0x2: {  	[smem:$0x3F9E] =	sst lr;
	_ =	strace $0xD0000000  }
0x3: {  	_ = 	snop  }
0x4: {  	_ = 	snop  }
0x5: {  	_ = 	snop  }
0x6: {  	_ = 	snop  }
0x7: {  	_ = 	snop  }
__scs_overlays_trampoline_lowered:
0x8: {  	[smem:$0x3FAD] =	sst s0  }
0x9: {  	[smem:$0x3FAE] =	sst s1  }
0xa: {  	[smem:$0x3FAF] =	sst s2  }
0xb: {  	[smem:$0x3FB0] =	sst s3  }
0xc: {  	[smem:$0x3FB1] =	sst s4  }
0xd: {  	[smem:$0x3FB2] =	sst s5  }
0xe: {  	[smem:$0x3FB3] =	sst s6  }
0xf: {  	[smem:$0x3FB4] =	sst s7  }
0x10: {  	[smem:$0x3FB5] =	sst s8  }
0x11: {  	[smem:$0x3FB6] =	sst s9;
	s0 =	simm.s32 @!p0 $0x0  }
0x12: {  	s1 =	sld [smem:$0x3F9C];
	s0 =	simm.s32 @p0 $0x1  }
0x13: {  	[smem:$0x3FB7] =	sst s0;
	s0 =	simm.s32 @!p1 $0x0  }
0x14: {  	s2 =	sld [smem:$0x3F9B];
	s0 =	simm.s32 @p1 $0x1  }
0x15: {  	[smem:$0x3FB8] =	sst s0;
	s0 =	simm.s32 @!p2 $0x0  }
0x16: {  	s3 =	sld [smem:$0x3FDB];
	s0 =	simm.s32 @p2 $0x1  }
0x17: {  	s4 =	simm.s32 $0x1BF5;
	[smem:$0x3FBA] =	sst s0  }
0x18: {  	s0 =	sld [smem:$0x3F9D];
	_ =	swait.ge [sflag:s4], $0x0  }
0x19: {  	s7 =	sld [smem:$0x3F9E]  }
0x1a: {  	s8 =	sadd.s32 $0xFFFFE003, lr  }
0x1b: {  	s9 =	sadd.s32 $0xFFFFFEF7, lr;
	s5 =	simm.s32 $0xFFFFFFFF;
	p2 =	slt.u32 s8, $0xFFFFF086  }
0x1c: {  	p1 =	slt.u32 s9, $0xF7A;
	s5 =	simm.s32 @!p2 $0x0  }
0x1d: {  	s5 =	simm.s32 @p1 $0x1;
	p0 =	seq.s32 s7, s2  }
0x1e: {  	s7 =	smul.u32 @!p0 $0xF7A, s2;
	p2 =	seq.s32 @!p0 s5, $0x0  }
0x1f: {  	s9 =	smul.u32 $0xF7A, s1;
	s8 =	simm.s32 @!p0 $0x1BF5;
	p2 =	por !p2, p0  }
0x20: {  	[sflag:s8] =	ssyncset.s32 @!p0 $0xFFFFF086;
	s6 =	sadd.s32 @!p0 s3, s7;
	s7 =	simm.s32 @!p0 $0x108  }
0x21: {  	s3 =	sadd.s32 s3, s9;
	s6 =	sadd.s32 @!p0 $0x88, s6;
	s7 =	simm.s32 @p2 $0x1082  }
0x22: {  	[simem:s7], [sflag:s8] =	dma.local @!p0 [hbm:s6], $0xF7A  }
0x23: {  	s9 =	sor.u32 $0xD0000000, s2;
	s6 =	simm.s32 $0x108;
	_ =	swait.ge @!p0 [sflag:s8], $0x0  }
0x24: {  	s3 =	sadd.s32 $0x88, s3;
	s6 =	simm.s32 @!p1 $0x1082;
	[sflag:s4] =	ssyncset.s32 $0xFFFFF086  }
0x25: {  	[simem:s6], [sflag:s4] =	dma.local [hbm:s3], $0xF7A  }
0x26: {  	[smem:$0x3F9E] =	sst s1;
	(tag) =	ssettag s2;
	_ =	strace s9  }
0x27: {  	s1 =	sld [smem:$0x3FAE]  }
0x28: {  	s2 =	sld [smem:$0x3FAF]  }
0x29: {  	s4 =	sld [smem:$0x3FB1]  }
0x2a: {  	p0 =	seq.s32 s5, $0x0;
	s5 =	sld [smem:$0x3FB2]  }
0x2b: {  	s6 =	sld [smem:$0x3FB3]  }
0x2c: {  	s7 =	sld [smem:$0x3FB4]  }
0x2d: {  	s3 =	simm.s32 $0x108;
	s8 =	sld [smem:$0x3FB5]  }
0x2e: {  	s3 =	simm.s32 @!p0 $0x1082;
	s9 =	sld [smem:$0x3FB6]  }
0x2f: {  	lr =	sadd.s32 s0, s3;
	s0 =	sld [smem:$0x3FAD]  }
0x30: {  	s3 =	sld [smem:$0x3FB0]  }
0x31: {  	[smem:$0x3FB9] =	sst s10  }
0x32: {  	s10 =	sld [smem:$0x3FB7];
	_ =	sdelay $0x3  }
0x33: {  	p0 =	seq.s32 s10, $0x1;
	s10 =	sld [smem:$0x3FB9];
	_ =	sdelay $0x3  }
0x34: {  	[smem:$0x3FB9] =	sst s10  }
0x35: {  	s10 =	sld [smem:$0x3FB8];
	_ =	sdelay $0x3  }
0x36: {  	p1 =	seq.s32 s10, $0x1;
	s10 =	sld [smem:$0x3FB9];
	_ =	sdelay $0x3  }
0x37: {  	[smem:$0x3FB9] =	sst s10  }
0x38: {  	s10 =	sld [smem:$0x3FBA]  }
0x39: {  	_ = 	snop;
	(pc) =	sbr.ind lr, $3  }
0x3a: {  	_ = 	snop  }
0x3b: {  	_ = 	snop  }
0x3c: {  	p2 =	seq.s32 s10, $0x1;
	s10 =	sld [smem:$0x3FB9]  }
0x3d: {  	_ =	shalt  }
0x3e: {  	_ =	shalt  }
0x3f: {  	_ =	shalt  }
0x40: {  	_ =	shalt  }
0x41: {  	_ =	shalt  }
0x42: {  	_ =	shalt  }
0x43: {  	_ =	shalt  }
0x44: {  	_ =	shalt  }
0x45: {  	_ =	shalt  }
0x46: {  	_ =	shalt  }
0x47: {  	_ =	shalt  }
0x48: {  	_ =	shalt  }
0x49: {  	_ =	shalt  }
0x4a: {  	_ =	shalt  }
0x4b: {  	_ =	shalt  }
0x4c: {  	_ =	shalt  }
0x4d: {  	_ =	shalt  }
0x4e: {  	_ =	shalt  }
0x4f: {  	_ =	shalt  }
0x50: {  	_ =	shalt  }
0x51: {  	_ =	shalt  }
0x52: {  	_ =	shalt  }
0x53: {  	_ =	shalt  }
0x54: {  	_ =	shalt  }
0x55: {  	_ =	shalt  }
0x56: {  	_ =	shalt  }
0x57: {  	_ =	shalt  }
0x58: {  	_ =	shalt  }
0x59: {  	_ =	shalt  }
0x5a: {  	_ =	shalt  }
0x5b: {  	_ =	shalt  }
0x5c: {  	_ =	shalt  }
0x5d: {  	_ =	shalt  }
0x5e: {  	_ =	shalt  }
0x5f: {  	_ =	shalt  }
0x60: {  	_ =	shalt  }
0x61: {  	_ =	shalt  }
0x62: {  	_ =	shalt  }
0x63: {  	_ =	shalt  }
0x64: {  	_ =	shalt  }
0x65: {  	_ =	shalt  }
0x66: {  	_ =	shalt  }
0x67: {  	_ =	shalt  }
0x68: {  	_ =	shalt  }
0x69: {  	_ =	shalt  }
0x6a: {  	_ =	shalt  }
0x6b: {  	_ =	shalt  }
0x6c: {  	_ =	shalt  }
0x6d: {  	_ =	shalt  }
0x6e: {  	_ =	shalt  }
0x6f: {  	_ =	shalt  }
0x70: {  	_ =	shalt  }
0x71: {  	_ =	shalt  }
0x72: {  	_ =	shalt  }
0x73: {  	_ =	shalt  }
0x74: {  	_ =	shalt  }
0x75: {  	_ =	shalt  }
0x76: {  	_ =	shalt  }
0x77: {  	_ =	shalt  }
0x78: {  	_ =	shalt  }
0x79: {  	_ =	shalt  }
0x7a: {  	_ =	shalt  }
0x7b: {  	_ =	shalt  }
0x7c: {  	_ =	shalt  }
0x7d: {  	_ =	shalt  }
0x7e: {  	_ =	shalt  }
0x7f: {  	_ =	shalt  }
0x80: {  	_ =	shalt  }
0x81: {  	_ =	shalt  }
0x82: {  	_ =	shalt  }
0x83: {  	_ =	shalt  }
0x84: {  	_ =	shalt  }
0x85: {  	_ =	shalt  }
0x86: {  	_ =	shalt  }
0x87: {  	_ =	shalt  }
.Lfunc_end0:
.L_simem_size_0:
called_computation_lowered:
.L_overlay_start_0:
0x88: {  	s2 =	sld [smem:$0x3FD9]  }
0x89: {  	s3 =	sld [smem:$0x3FFE];
	_ =	sdelay $0x1  }
0x8a: {  	s1 =	srdreg.scid  }
0x8b: {  	s0 =	sand.u32 $0x1, s1  }
0x8c: {  	s17 =	sshll.u32 s0, $0xA;
	s2 =	sadd.s32 s3, s2  }
0x8d: {  	s2 =	sadd.s32 s2, s17  }
0x8e: {  	[smem:$0x3FC5] =	sst s2  }
0x8f: {  	_ = 	snop  }
0x90: {  	s2 =	sld [smem:$0x3FC7]  }
0x91: {  	s18 =	sld [smem:$0x3FD0];
	(tm) =	ssettm $0x1  }
0x92: {  	s4 =	sld [smem:$0x3FFB];
	_ =	sdelay $0x3  }
0x93: {  	_ =	strace s4  }
0x94: {  	s4 =	sld [smem:$0x3FFC];
	_ =	sdelay $0x3  }
0x95: {  	_ =	strace s4  }
0x96: {  	s4 =	sld [smem:$0x3FFD];
	_ =	sdelay $0x3  }
0x97: {  	_ =	strace s4  }
0x98: {  	_ =	strace $0x8FFFFFFF  }
0x99: {  	s19 =	sld [smem:$0x3FDB];
	_ =	sdelay $0x1  }
0x9a: {  	s5 =	simm.s32 $_scs_section_size  }
0x9b: {  	s6 =	simm.s32 $_size__tile_overlayer_lowered;
	s7 =	simm.s32 $_tile_overlayer_lowered  }
0x9c: {  	s22 =	simm.s32 $0x1BFF;
	s21 =	sshll.u32 s7, $0x1;
	s4 =	sadd.s32 s5, s19  }
0x9d: {  	s8 =	simm.s32 $0x0;
	s20 =	sshll.u32 s6, $0x1;
	s6 =	sadd.s32 s21, s4  }
0x9e: {  	[timem:s8], [sflag:s22] =	dma.local [hbm:s6], s20  }
0x9f: {  	_ =	swait.ge [sflag:s22], s20  }
0xa0: {  	s5 =	ssub.s32 $0x0, s20;
	[sflag:s22] =	ssyncset.done $0x0  }
0xa1: {  	[sflag:s22] =	ssyncadd.s32 s5;
	_ =	sdelay $0x1  }
0xa2: {  	s23 =	simm.s32 $0x1B8B  }
0xa3: {  	_ =	swait.ge [sflag:s23], $0x1  }
0xa4: {  	[sflag:s23] =	ssyncset.done $0x0  }
0xa5: {  	s25 =	simm.s32 $0x1B8E;
	s24 =	sld [smem:$0x3FFE];
	[sflag:s23] =	ssyncadd.s32 $0xFFFFFFFF  }
0xa6: {  	s26 =	simm.s32 $execute0_lowered;
	[smem:$0x3FD2] =	sst s25  }
0xa7: {  	s6 =	sshll.u32 s26, $0x1;
	_ =	strace $0x80000046;
	[dreg:$0x1] =	wrdreg $0xFFFFFFFF  }
0xa8: {  	s28 =	simm.s32 $_size_execute0_lowered;
	s4 =	sadd.s32 s4, s6;
	[dreg:$0x0] =	wrdreg $0x0  }
0xa9: {  	s6 =	sshll.u32 s28, $0x1;
	[dreg:$0x2] =	wrdreg s4  }
0xaa: {  	[dreg:$0x3] =	wrdreg s6  }
0xab: {  	[dreg:$0x4] =	wrdreg $0xC0  }
0xac: {  	_ =	task [dreg:s8], $0x5FFFF  }
0xad: {  	[dreg:$0x1] =	wrdreg $0xFFFFFFFF  }
0xae: {  	[dreg:$0x0] =	wrdreg $0x60  }
0xaf: {  	[dreg:$0x2] =	wrdreg s24  }
0xb0: {  	[dreg:$0x3] =	wrdreg s2  }
0xb1: {  	[dreg:$0x4] =	wrdreg s18  }
0xb2: {  	[dreg:$0x5] =	wrdreg $0x9  }
0xb3: {  	_ =	task.clear_ibuf [dreg:s8], $0x6FFFF;
	_ =	strace $0x90000046  }
0xb4: {  	s29 =	simm.s32 $0x9;
	_ =	strace $0x80000048  }
0xb5: {  	_ =	swait.ge [sflag:s29], $0x1  }
0xb6: {  	[sflag:s29] =	ssyncadd.s32 $0xFFFFFFFF  }
0xb7: {  	_ =	strace $0x90000048  }
0xb8: {  	_ =	sfence  }
0xb9: {  	s30 =	sld [smem:$0x0];
	_ =	sdelay $0x2  }
0xba: {  	s31 =	sshll.u32 s1, $0xD;
	s1 =	sshrl.u32 s1, $0x2  }
0xbb: {  	s3 =	sand.u32 $0x4000, s31;
	s1 =	sadd.s32 s1, s30  }
0xbc: {  	s0 =	sor.u32 s3, s0;
	s1 =	sshll.u32 s1, $0x11  }
0xbd: {  	s0 =	sor.u32 s1, s0  }
0xbe: {  	s0 =	sadd.s32 $0x8F2B, s0  }
0xbf: {  	[sflag:s0] =	ssyncadd.remote.s32 $0x1  }
0xc0: {  	_ =	sfence.sel $0xFFFF  }
0xc1: {  	[dreg:$0x0] =	wrdreg $0xFFFFFFFF;
	(pc) =	sbr.abs _section_cstart, $3  }
0xc2: {  	[dreg:$0x1] =	wrdreg $0xFFFFFFFF  }
0xc3: {  	_ =	task.clear_ibuf [dreg:s8], $0x2FFFF;
	_ =	strace $0x9FFFFFFF  }
0xc4: {  	(tm) =	ssettm $0x7FFFFFFF  }
0xc5: {  	_ =	shalt  }
tec
execute0_lowered:
.L_overlay_start_1:
0x0: {  	(tag) =	ssettag $0x1  }
0x1: {  	v0 =	vimm.s32 $0xEFCDAB89;
	v1 =	vimm.s32 $0x67452301  }
0x2: {  	s0 =	rddreg [dreg:$0x0];
	v0 =	vunpack.c.l.s4.s8 v0;
	v1 =	vunpack.c.l.s4.s8 v1  }
0x3: {  	s1 =	srdreg.scid;
	s3 =	stileid.u32;
	v2 =	vimm.s32 $0x54761032;
	v3 =	vimm.s32 $0xBA98FEDC  }
0x4: {  	s2 =	rddreg [dreg:$0x2];
	s4 =	simm.s32 $0x0;
	v4 =	vimm.s32 $0x32107654;
	s9 =	simm.s32 $0x7;
	v0 =	vunpack.c.0.s8.s32 v0;
	v1 =	vunpack.c.0.s8.s32 v1  }
0x5: {  	v5 =	vimm.s32 $0xFEDCBA98;
	s11 =	simm.s32 $0x4E20;
	s12 =	simm.s32 $0x9C40;
	s13 =	simm.s32 $0xCE40  }
0x6: {  	s15 =	simm.s32 $0x10040;
	s17 =	simm.s32 $0x13240;
	s18 =	simm.s32 $0xC8;
	v0 =	vcombine.low v1, v0;
	v1 =	vimm.s32 $0xDCFE98BA  }
0x7: {  	v6 =	vimm.s32 $0x76543210;
	s19 =	simm.s32 $0x16440;
	s20 =	simm.s32 $0x19640;
	s21 =	simm.s32 $0x1;
	v2 =	vunpack.c.l.s4.s8 v2;
	v1 =	vunpack.c.l.s4.s8 v1  }
0x8: {  	s22 =	simm.s32 $0x2;
	s23 =	simm.s32 $0x7530;
	s24 =	simm.s32 $0x3;
	v3 =	vunpack.c.l.s4.s8 v3;
	v4 =	vunpack.c.l.s4.s8 v4;
	v5 =	vunpack.c.l.s4.s8 v5  }
0x9: {  	s25 =	simm.s32 $0x4;
	s1 =	sand.u32 $0x1, s1;
	s3 =	sshll.u32 s3, $0x1;
	v6 =	vunpack.c.l.s4.s8 v6;
	v2 =	vunpack.c.0.s8.s32 v2;
	v1 =	vunpack.c.0.s8.s32 v1  }
0xa: {  	s26 =	simm.s32 $0x5;
	s28 =	simm.s32 $0x6;
	s3 =	sor.u32 s1, s3;
	v3 =	vunpack.c.0.s8.s32 v3;
	v4 =	vunpack.c.0.s8.s32 v4;
	v5 =	vunpack.c.0.s8.s32 v5  }
0xb: {  	[smem:$0x7FF] =	sst s4;
	s1 =	ssub.s32 $0x2, s1;
	s3 =	smul.u32 $0x4E2, s3;
	v2 =	vcombine.low v2, v1;
	v1 =	vunpack.c.0.s8.s32 v6  }
0xc: {  	vm0 =	vcmask $0x300;
	s29 =	simm.s32 $0x0;
	_ =	strace $0x80000047;
	s5 =	sshrl.u32 s1, $0x1;
	v3 =	vcombine.low v4, v3;
	v4 =	vand.u32 $0xF, v5  }
0xd: {  	s1 =	ssub.s32 s1, s5;
	s6 =	sadd.s32 s3, s0;
	s7 =	sadd.s32 s2, s3;
	v0 =	vand.u32 $0xF, v0;
	v1 =	vcombine.low v4, v1;
	v4 =	vimm.s32 $0x0  }
0xe: {  	s8 =	smax.u32 s1, $0x1;
	s5 =	sadd.s32 $0x1D800, s6;
	s6 =	sadd.s32 $0x13A00, s6;
	v3 =	vand.u32 $0xF, v3;
	v2 =	vand.u32 $0xF, v2;
	v4 =	vsel vm0, $0x3, v4  }
.LBB2_1:
0xf: {  	s1 =	rddreg [dreg:$0x1]  }
0x10: {  	[tilespmem:s4], [sflag:$0x7] =	stream.linear.gather [hbm4b:s1+s4], $0x2710, $0x38;
	[tilespmem:$0x1C840] =	vst v63  }
0x11: {  	_ =	swait.ge [sflag:s9], $0x2710  }
0x12: {  	[sflag:s9] =	ssyncset.done $0x0  }
0x13: {  	s10 =	simm.s32 $0x2710;
	[sflag:s9] =	ssyncadd.s32 $0xFFFFD8F0  }
0x14: {  	[tilespmem:s10], [sflag:$0x7] =	stream.linear.gather [hbm4b:s5+s4], $0x2710, $0x38;
	[tilespmem:$0x1C840] =	vst v63  }
0x15: {  	_ =	swait.ge [sflag:s9], $0x2710  }
0x16: {  	[sflag:s9] =	ssyncset.done $0x0  }
0x17: {  	[sflag:s9] =	ssyncadd.s32 $0xFFFFD8F0  }
0x18: {  	[tilespmem:s11], [sflag:$0x7] =	stream.linear.gather [hbm4b:s6+s4], $0x2710, $0x38;
	[tilespmem:$0x1C840] =	vst v63  }
0x19: {  	_ =	swait.ge [sflag:s9], $0x2710  }
0x1a: {  	[sflag:s9] =	ssyncset.done $0x0  }
0x1b: {  	[sflag:s9] =	ssyncadd.s32 $0xFFFFD8F0  }
0x1c: {  	[tilespmem:s12], [sflag:$0x1] =	stream.indirect.gather [hbm4b:s0+s18], $0x40, s10, s18, $0xb8;
	[tilespmem:$0x1C840] =	vst v63  }
0x1d: {  	_ = 	snop  }
0x1e: {  	[tilespmem:s13], [sflag:$0x2] =	stream.indirect.gather [hbm4b:s0+s18], $0x40, s11, s18, $0xb8;
	[tilespmem:$0x1C840] =	vst v63  }
0x1f: {  	s14 =	simm.s32 $0x27D8  }
0x20: {  	[tilespmem:s15], [sflag:$0x3] =	stream.indirect.gather [hbm4b:s0+s18], $0x40, s14, s18, $0xb8;
	[tilespmem:$0x1C840] =	vst v63  }
0x21: {  	s16 =	simm.s32 $0x4EE8;
	s30 =	simm.s32 $0x190  }
0x22: {  	[tilespmem:s17], [sflag:$0x4] =	stream.indirect.gather [hbm4b:s0+s18], $0x40, s16, s18, $0xb8;
	[tilespmem:$0x1C840] =	vst v63  }
0x23: {  	s31 =	simm.s32 $0xC8;
	s1 =	simm.s32 $0x0;
	s16 =	simm.s32 $0x0  }
.LBB2_2:
0x24: {  	s2 =	smul.u32 $0x258, s1;
	_ =	sdelay $0x1  }
0x25: {  	s3 =	sadd.s32 $0x28A0, s2  }
0x26: {  	[tilespmem:s19], [sflag:$0x5] =	stream.indirect.gather [hbm4b:s0+s18], $0x40, s3, s18, $0xb8;
	[tilespmem:$0x1C840] =	vst v63  }
0x27: {  	s14 =	sadd.s32 $0x4FB0, s2  }
0x28: {  	[tilespmem:s20], [sflag:$0x6] =	stream.indirect.gather [hbm4b:s0+s18], $0x40, s14, s18, $0xb8;
	[tilespmem:$0x1C840] =	vst v63  }
0x29: {  	_ =	swait.ge [sflag:s21], $0x3200  }
0x2a: {  	[sflag:s21] =	ssyncset.done $0x0  }
0x2b: {  	[sflag:s21] =	ssyncadd.s32 $0xFFFFCE00  }
0x2c: {  	_ =	swait.ge [sflag:s22], $0x3200  }
0x2d: {  	[sflag:s22] =	ssyncset.done $0x0  }
0x2e: {  	s3 =	smov.u32 s16;
	s14 =	simm.s32 $0x7C0;
	[sflag:s22] =	ssyncadd.s32 $0xFFFFCE00  }
.LBB2_3:
0x2f: {  	s10 =	sshra.s32 s14, $0x2  }
0x30: {  	v5 =	vld [tilespmem:s10+$0x9A50]  }
0x31: {  	v6 =	vld [tilespmem:s10+$0xCC50]  }
0x32: {  	v7 =	vld [tilespmem:s10+$0x9A60]  }
0x33: {  	v8 =	vld [tilespmem:s10+$0xCC60]  }
0x34: {  	v9 =	vld [tilespmem:s10+$0x9A70]  }
0x35: {  	v10 =	vld [tilespmem:s10+$0xCC70]  }
0x36: {  	v11 =	vld [tilespmem:s10+$0x9A80]  }
0x37: {  	v12 =	vld [tilespmem:s10+$0xCC80]  }
0x38: {  	v13 =	vld [tilespmem:s10+$0x9A90]  }
0x39: {  	v14 =	vld [tilespmem:s10+$0xCC90]  }
0x3a: {  	v15 =	vld [tilespmem:s10+$0x9AA0]  }
0x3b: {  	v16 =	vld [tilespmem:s10+$0xCCA0]  }
0x3c: {  	v17 =	vld [tilespmem:s10+$0x9AB0]  }
0x3d: {  	v18 =	vld [tilespmem:s10+$0xCCB0]  }
0x3e: {  	v58 =	vld [tilespmem:s10+$0x9AD0]  }
0x3f: {  	v59 =	vld [tilespmem:s10+$0xCCD0]  }
0x40: {  	v62 =	vld [tilespmem:s10+$0x9B00]  }
0x41: {  	v63 =	vld [tilespmem:s10+$0xCD00]  }
0x42: {  	v25 =	vld [tilespmem:s10+$0x9B20]  }
0x43: {  	v33 =	vld [tilespmem:s10+$0xCD20]  }
0x44: {  	v41 =	vld [tilespmem:s10+$0x9B50]  }
0x45: {  	v42 =	vld [tilespmem:s10+$0xCD50]  }
0x46: {  	v49 =	vld [tilespmem:s10+$0x9B70]  }
0x47: {  	v51 =	vld [tilespmem:s10+$0xCD70]  }
0x48: {  	v52 =	vld [tilespmem:s10+$0x9B80];
	v5 =	vmul.bf16 v6, v5;
	v7 =	vmul.bf16 v8, v7  }
0x49: {  	v53 =	vld [tilespmem:s10+$0xCD80];
	v9 =	vmul.bf16 v10, v9;
	v13 =	vmul.bf16 v14, v13  }
0x4a: {  	v11 =	vmul.bf16 v12, v11;
	v15 =	vmul.bf16 v16, v15  }
0x4b: {  	v19 =	vld [tilespmem:s10+$0xCCC0];
	v17 =	vmul.bf16 v18, v17;
	v8 =	vmul.bf16 v59, v58  }
0x4c: {  	v22 =	vld [tilespmem:s10+$0x9AE0];
	v18 =	vmul.bf16 v33, v25;
	v12 =	vmul.bf16 v63, v62  }
0x4d: {  	v60 =	vld [tilespmem:s10+$0xCCE0];
	v16 =	vmul.bf16 v42, v41;
	v27 =	vmul.bf16 v51, v49  }
0x4e: {  	v61 =	vld [tilespmem:s10+$0x9AF0];
	v14 =	vmul.bf16 v53, v52;
	v20 =	vunpack.i.u.bf16.f32 v5;
	v5 =	vunpack.i.l.bf16.f32 v5  }
0x4f: {  	v29 =	vld [tilespmem:s10+$0x9B10];
	v21 =	vunpack.i.l.bf16.f32 v7;
	v7 =	vunpack.i.u.bf16.f32 v7;
	v23 =	vunpack.i.l.bf16.f32 v9  }
0x50: {  	v31 =	vld [tilespmem:s10+$0xCD10];
	v9 =	vunpack.i.u.bf16.f32 v9;
	v28 =	vunpack.i.u.bf16.f32 v13;
	v13 =	vunpack.i.l.bf16.f32 v13  }
0x51: {  	v34 =	vld [tilespmem:s10+$0x9B30];
	v32 =	vunpack.i.l.bf16.f32 v11;
	v24 =	vunpack.i.l.bf16.f32 v15;
	v11 =	vunpack.i.u.bf16.f32 v11  }
0x52: {  	v6 =	vld [tilespmem:s10+$0x9AC0];
	v15 =	vunpack.i.u.bf16.f32 v15;
	v35 =	vunpack.i.l.bf16.f32 v17;
	v37 =	vunpack.i.u.bf16.f32 v8  }
0x53: {  	v44 =	vld [tilespmem:s10+$0x9B60];
	v8 =	vunpack.i.l.bf16.f32 v8;
	v17 =	vunpack.i.u.bf16.f32 v17;
	v48 =	vunpack.i.l.bf16.f32 v18  }
0x54: {  	v46 =	vld [tilespmem:s10+$0xCD60];
	v18 =	vunpack.i.u.bf16.f32 v18;
	v56 =	vunpack.i.u.bf16.f32 v12;
	v5 =	vadd.f32 v5, v20  }
0x55: {  	v36 =	vld [tilespmem:s10+$0xCD30];
	v12 =	vunpack.i.l.bf16.f32 v12;
	v30 =	vadd.f32 v13, v28;
	v13 =	vmul.bf16 v31, v29  }
0x56: {  	v38 =	vld [tilespmem:s10+$0x9B40];
	v8 =	vadd.f32 v8, v37;
	v5 =	vadd.f32 v21, v5;
	v21 =	vmul.bf16 v60, v22  }
0x57: {  	v26 =	vld [tilespmem:s10+$0x9BC0];
	v6 =	vmul.bf16 v19, v6;
	v43 =	vunpack.i.u.bf16.f32 v13;
	v13 =	vunpack.i.l.bf16.f32 v13  }
0x58: {  	v28 =	vld [tilespmem:s10+$0xCDC0];
	v60 =	vunpack.i.u.bf16.f32 v16;
	v16 =	vunpack.i.l.bf16.f32 v16;
	v5 =	vadd.f32 v5, v7  }
0x59: {  	v45 =	vadd.f32 v13, v43;
	v13 =	vmul.bf16 v46, v44;
	v44 =	vunpack.i.l.bf16.f32 v14;
	v7 =	vld [tilespmem:s10+$0xCCF0]  }
0x5a: {  	v39 =	vld [tilespmem:s10+$0xCD40];
	v14 =	vunpack.i.u.bf16.f32 v14;
	v40 =	vunpack.i.l.bf16.f32 v21;
	v5 =	vadd.f32 v23, v5  }
0x5b: {  	v55 =	vld [tilespmem:s10+$0x9B90];
	v21 =	vunpack.i.u.bf16.f32 v21;
	v47 =	vunpack.i.l.bf16.f32 v6;
	v8 =	vadd.f32 v40, v8  }
0x5c: {  	v43 =	vld [tilespmem:s10+$0x9C10];
	v6 =	vunpack.i.u.bf16.f32 v6;
	v5 =	vadd.f32 v5, v9;
	v9 =	vadd.f32 v24, v30  }
0x5d: {  	v10 =	vadd.f32 v48, v45;
	v25 =	vunpack.i.l.bf16.f32 v13;
	v40 =	vmul.bf16 v28, v26;
	v45 =	vld [tilespmem:s10+$0xCE10]  }
0x5e: {  	v57 =	vld [tilespmem:s10+$0xCD90];
	v13 =	vunpack.i.u.bf16.f32 v13;
	v7 =	vmul.bf16 v7, v61;
	v9 =	vadd.f32 v9, v15  }
0x5f: {  	v58 =	vld [tilespmem:s10+$0x9BA0];
	v8 =	vadd.f32 v8, v21;
	v10 =	vadd.f32 v10, v18;
	v46 =	vunpack.i.l.bf16.f32 v40  }
0x60: {  	v59 =	vld [tilespmem:s10+$0xCDA0];
	v5 =	vadd.f32 v32, v5;
	v50 =	vunpack.i.l.bf16.f32 v7;
	v9 =	vadd.f32 v35, v9  }
0x61: {  	v63 =	vld [tilespmem:s10+$0xCDB0];
	v15 =	vmul.bf16 v36, v34;
	v32 =	vunpack.i.l.bf16.f32 v27;
	v8 =	vadd.f32 v50, v8  }
0x62: {  	v41 =	vld [tilespmem:s10+$0xCE00];
	v52 =	vmul.bf16 v45, v43;
	v7 =	vunpack.i.u.bf16.f32 v7;
	v9 =	vadd.f32 v9, v17  }
0x63: {  	v49 =	vld [tilespmem:s10+$0xCE20];
	v5 =	vadd.f32 v5, v11;
	v11 =	vmul.bf16 v39, v38;
	v7 =	vadd.f32 v8, v7  }
0x64: {  	v54 =	vunpack.i.l.bf16.f32 v15;
	v15 =	vunpack.i.u.bf16.f32 v15;
	v39 =	vld [tilespmem:s10+$0x9C00];
	v9 =	vadd.f32 v47, v9  }
0x65: {  	v48 =	vld [tilespmem:s10+$0x9C20];
	v50 =	vunpack.i.u.bf16.f32 v40;
	v62 =	vunpack.i.l.bf16.f32 v11;
	v7 =	vadd.f32 v12, v7  }
0x66: {  	v61 =	vld [tilespmem:s10+$0x9BB0];
	v11 =	vunpack.i.u.bf16.f32 v11;
	v12 =	vmul.bf16 v59, v58;
	v6 =	vadd.f32 v9, v6  }
0x67: {  	v59 =	vperm.xlane v5, v0;
	v9 =	vadd.f32 v54, v10;
	v7 =	vadd.f32 v7, v56  }
0x68: {  	v10 =	vmul.bf16 v57, v55;
	v33 =	vunpack.i.l.bf16.f32 v12;
	v12 =	vunpack.i.u.bf16.f32 v12  }
0x69: {  	v54 =	vmul.bf16 v41, v39;
	v56 =	vunpack.i.u.bf16.f32 v52;
	v5 =	vadd.f32 v59, v5  }
0x6a: {  	v31 =	vld [tilespmem:s10+$0xCDD0];
	v57 =	vmul.bf16 v49, v48;
	v9 =	vadd.f32 v9, v15;
	v15 =	vadd.f32 v16, v60  }
0x6b: {  	v30 =	vld [tilespmem:s10+$0x9BD0];
	v29 =	vunpack.i.u.bf16.f32 v10;
	v10 =	vunpack.i.l.bf16.f32 v10;
	v16 =	vmul.bf16 v63, v61  }
0x6c: {  	v34 =	vld [tilespmem:s10+$0x9BE0];
	v60 =	vunpack.i.u.bf16.f32 v54;
	v19 =	vunpack.i.l.bf16.f32 v57;
	v63 =	vperm.xlane v6, v0  }
0x6d: {  	v35 =	vld [tilespmem:s10+$0xCDE0];
	v21 =	vunpack.i.u.bf16.f32 v57;
	v22 =	vperm.xlane v5, v2;
	v10 =	vadd.f32 v10, v29  }
0x6e: {  	v37 =	vld [tilespmem:s10+$0xCDF0];
	v24 =	vperm.xlane v7, v0;
	v8 =	vadd.f32 v62, v9;
	v9 =	vadd.f32 v25, v15  }
0x6f: {  	v36 =	vld [tilespmem:s10+$0x9BF0];
	v15 =	vunpack.i.u.bf16.f32 v27;
	v38 =	vunpack.i.l.bf16.f32 v16;
	v6 =	vadd.f32 v63, v6  }
0x70: {  	v16 =	vunpack.i.u.bf16.f32 v16;
	v5 =	vadd.f32 v22, v5;
	v7 =	vadd.f32 v24, v7  }
0x71: {  	v53 =	vld [tilespmem:s10+$0x9C30];
	v10 =	vadd.f32 v33, v10;
	v9 =	vadd.f32 v9, v13;
	v13 =	vmul.bf16 v31, v30  }
0x72: {  	v61 =	vld [tilespmem:s10+$0x9C40];
	v8 =	vadd.f32 v8, v11;
	v11 =	vmul.bf16 v35, v34;
	v25 =	vperm.xlane v6, v2  }
0x73: {  	v62 =	vld [tilespmem:s10+$0xCE40];
	v28 =	vperm.xlane v5, v3;
	v34 =	vmov s3;
	v10 =	vadd.f32 v10, v12  }
0x74: {  	v55 =	vld [tilespmem:s10+$0xCE30];
	v12 =	vmul.bf16 v37, v36;
	v9 =	vadd.f32 v32, v9;
	v42 =	vunpack.i.u.bf16.f32 v13  }
0x75: {  	v13 =	vunpack.i.l.bf16.f32 v13;
	v47 =	vunpack.i.l.bf16.f32 v11;
	v11 =	vunpack.i.u.bf16.f32 v11  }
0x76: {  	v6 =	vadd.f32 v25, v6;
	v30 =	vperm.xlane v8, v0;
	v5 =	vadd.f32 v28, v5  }
0x77: {  	v10 =	vadd.f32 v38, v10;
	v13 =	vadd.f32 v13, v42;
	v51 =	vunpack.i.l.bf16.f32 v12  }
0x78: {  	v12 =	vunpack.i.u.bf16.f32 v12;
	v27 =	vmul.bf16 v62, v61;
	v9 =	vadd.f32 v9, v15  }
0x79: {  	v15 =	vmul.bf16 v55, v53;
	v31 =	vperm.xlane v6, v3;
	v13 =	vadd.f32 v47, v13  }
0x7a: {  	v8 =	vadd.f32 v30, v8;
	v33 =	vperm.xlane v5, v1;
	v9 =	vadd.f32 v44, v9  }
0x7b: {  	v10 =	vadd.f32 v10, v16;
	v29 =	vunpack.i.l.bf16.f32 v27;
	v11 =	vadd.f32 v13, v11  }
0x7c: {  	v16 =	vperm.xlane v7, v2;
	v9 =	vadd.f32 v9, v14;
	v14 =	vunpack.i.l.bf16.f32 v52  }
0x7d: {  	v32 =	vunpack.i.u.bf16.f32 v27;
	v11 =	vadd.f32 v51, v11;
	v58 =	vadd.f32 v14, v56  }
0x7e: {  	v23 =	vunpack.i.l.bf16.f32 v15;
	v6 =	vadd.f32 v31, v6;
	v5 =	vadd.f32 v33, v5  }
0x7f: {  	v36 =	vperm.xlane v8, v2;
	v11 =	vadd.f32 v11, v12;
	v12 =	vadd.f32 v19, v58  }
0x80: {  	v26 =	vunpack.i.u.bf16.f32 v15;
	v10 =	vadd.f32 v46, v10;
	v7 =	vadd.f32 v16, v7  }
0x81: {  	v37 =	vperm.xlane v6, v1;
	v8 =	vadd.f32 v36, v8;
	v12 =	vadd.f32 v12, v21  }
0x82: {  	v10 =	vadd.f32 v10, v50;
	v35 =	vperm.xlane v7, v3;
	v39 =	vperm.xlane v9, v0  }
0x83: {  	v6 =	vadd.f32 v37, v6;
	v42 =	vperm.xlane v8, v3;
	v12 =	vadd.f32 v23, v12  }
0x84: {  	v13 =	vunpack.i.l.bf16.f32 v54;
	v7 =	vadd.f32 v35, v7;
	v9 =	vadd.f32 v39, v9  }
0x85: {  	v43 =	vperm.xlane v10, v0;
	v8 =	vadd.f32 v42, v8;
	v12 =	vadd.f32 v12, v26  }
0x86: {  	v11 =	vadd.f32 v13, v11;
	v13 =	vshrl.u32 v34, $0x3;
	v41 =	vperm.xlane v7, v1  }
0x87: {  	v10 =	vadd.f32 v43, v10;
	v13 =	vshll.u32 v13, v4;
	v12 =	vadd.f32 v29, v12  }
0x88: {  	v46 =	vperm.xlane v9, v2;
	v47 =	vperm.xlane v8, v1;
	v11 =	vadd.f32 v11, v60  }
0x89: {  	v38 =	vbroadcast v13, $0x0;
	v40 =	vadd.s32 $0x1, v13;
	v12 =	vadd.f32 v12, v32  }
0x8a: {  	v7 =	vadd.f32 v41, v7;
	v45 =	vadd.s32 $0x2, v13;
	v44 =	vperm.xlane v11, v0  }
0x8b: {  	v49 =	vperm.xlane v10, v2;
	v51 =	vadd.s32 $0x3, v13;
	v48 =	vperm.xlane v12, v0  }
0x8c: {  	v54 =	vadd.s32 $0x4, v13;
	v56 =	vadd.s32 $0x5, v13;
	v11 =	vadd.f32 v44, v11  }
0x8d: {  	v59 =	vadd.s32 $0x6, v13;
	v13 =	vadd.s32 $0x7, v13;
	v12 =	vadd.f32 v48, v12  }
0x8e: {  	v16 =	vbroadcast v40, $0x0;
	v9 =	vadd.f32 v46, v9;
	v50 =	vperm.xlane v11, v2  }
0x8f: {  	v18 =	vbroadcast v45, $0x0;
	v10 =	vadd.f32 v49, v10;
	v53 =	vperm.xlane v12, v2  }
0x90: {  	v8 =	vadd.f32 v47, v8;
	v52 =	vperm.xlane v9, v3;
	v11 =	vadd.f32 v50, v11  }
0x91: {  	v17 =	vbroadcast v51, $0x0;
	v55 =	vperm.xlane v10, v3;
	v12 =	vadd.f32 v53, v12  }
0x92: {  	v19 =	vbroadcast v54, $0x0;
	v9 =	vadd.f32 v52, v9;
	v57 =	vperm.xlane v11, v3  }
0x93: {  	v58 =	vbroadcast v56, $0x0;
	v10 =	vadd.f32 v55, v10;
	v60 =	vperm.xlane v12, v3  }
0x94: {  	v14 =	vbroadcast v59, $0x0;
	[tilespmem:v38+s23+$0x0] =	vst.idx.msk $0x1, v5;
	v5 =	vperm.xlane v9, v1;
	v11 =	vadd.f32 v57, v11  }
0x95: {  	v13 =	vbroadcast v13, $0x0;
	[tilespmem:v16+s23+$0x0] =	vst.idx.msk $0x1, v6;
	v61 =	vperm.xlane v10, v1;
	v6 =	vadd.f32 v60, v12  }
0x96: {  	p0 =	sne.s32 s14, $0xC7C0;
	[tilespmem:v18+s23+$0x0] =	vst.idx.msk $0x1, v7;
	v5 =	vadd.f32 v5, v9;
	v7 =	vperm.xlane v11, v1  }
.Ltmp0:
0x97: {  	[tilespmem:v17+s23+$0x0] =	vst.idx.msk $0x1, v8;
	v62 =	vadd.f32 v61, v10;
	v63 =	vperm.xlane v6, v1;
	(pc) =	sbr.rel @p0 .LBB2_3-.Ltmp0, $4  }
0x98: {  	[tilespmem:v19+s23+$0x0] =	vst.idx.msk $0x1, v5;
	v5 =	vadd.f32 v7, v11  }
0x99: {  	[tilespmem:v58+s23+$0x0] =	vst.idx.msk $0x1, v62;
	v6 =	vadd.f32 v63, v6  }
0x9a: {  	[tilespmem:v14+s23+$0x0] =	vst.idx.msk $0x1, v5  }
0x9b: {  	s14 =	sadd.s32 $0x800, s14;
	s3 =	sadd.s32 $0x8, s3;
	[tilespmem:v13+s23+$0x0] =	vst.idx.msk $0x1, v6  }
0x9c: {  	s3 =	sadd.s32 $0x2968, s2  }
0x9d: {  	[tilespmem:s12], [sflag:$0x1] =	stream.indirect.gather [hbm4b:s0+s18], $0x40, s3, s18, $0xb8;
	[tilespmem:$0x1C840] =	vst v63  }
0x9e: {  	s14 =	sadd.s32 $0x5078, s2  }
0x9f: {  	[tilespmem:s13], [sflag:$0x2] =	stream.indirect.gather [hbm4b:s0+s18], $0x40, s14, s18, $0xb8;
	[tilespmem:$0x1C840] =	vst v63  }
0xa0: {  	_ =	swait.ge [sflag:s24], $0x3200  }
0xa1: {  	[sflag:s24] =	ssyncset.done $0x0  }
0xa2: {  	[sflag:s24] =	ssyncadd.s32 $0xFFFFCE00  }
0xa3: {  	_ =	swait.ge [sflag:s25], $0x3200  }
0xa4: {  	[sflag:s25] =	ssyncset.done $0x0  }
0xa5: {  	s3 =	smov.u32 s31;
	s14 =	simm.s32 $0x7C0;
	[sflag:s25] =	ssyncadd.s32 $0xFFFFCE00  }
.LBB2_5:
0xa6: {  	s10 =	sshra.s32 s14, $0x2  }
0xa7: {  	v5 =	vld [tilespmem:s10+$0xFE50]  }
0xa8: {  	v6 =	vld [tilespmem:s10+$0x13050]  }
0xa9: {  	v7 =	vld [tilespmem:s10+$0xFE60]  }
0xaa: {  	v8 =	vld [tilespmem:s10+$0x13060]  }
0xab: {  	v9 =	vld [tilespmem:s10+$0xFE70]  }
0xac: {  	v10 =	vld [tilespmem:s10+$0x13070]  }
0xad: {  	v11 =	vld [tilespmem:s10+$0xFE80]  }
0xae: {  	v12 =	vld [tilespmem:s10+$0x13080]  }
0xaf: {  	v13 =	vld [tilespmem:s10+$0xFE90]  }
0xb0: {  	v14 =	vld [tilespmem:s10+$0x13090]  }
0xb1: {  	v15 =	vld [tilespmem:s10+$0xFEA0]  }
0xb2: {  	v16 =	vld [tilespmem:s10+$0x130A0]  }
0xb3: {  	v17 =	vld [tilespmem:s10+$0xFEB0]  }
0xb4: {  	v18 =	vld [tilespmem:s10+$0x130B0]  }
0xb5: {  	v58 =	vld [tilespmem:s10+$0xFED0]  }
0xb6: {  	v59 =	vld [tilespmem:s10+$0x130D0]  }
0xb7: {  	v62 =	vld [tilespmem:s10+$0xFF00]  }
0xb8: {  	v63 =	vld [tilespmem:s10+$0x13100]  }
0xb9: {  	v25 =	vld [tilespmem:s10+$0xFF20]  }
0xba: {  	v33 =	vld [tilespmem:s10+$0x13120]  }
0xbb: {  	v41 =	vld [tilespmem:s10+$0xFF50]  }
0xbc: {  	v42 =	vld [tilespmem:s10+$0x13150]  }
0xbd: {  	v49 =	vld [tilespmem:s10+$0xFF70]  }
0xbe: {  	v51 =	vld [tilespmem:s10+$0x13170]  }
0xbf: {  	v52 =	vld [tilespmem:s10+$0xFF80];
	v5 =	vmul.bf16 v6, v5;
	v7 =	vmul.bf16 v8, v7  }
0xc0: {  	v53 =	vld [tilespmem:s10+$0x13180];
	v9 =	vmul.bf16 v10, v9;
	v13 =	vmul.bf16 v14, v13  }
0xc1: {  	v11 =	vmul.bf16 v12, v11;
	v15 =	vmul.bf16 v16, v15  }
0xc2: {  	v19 =	vld [tilespmem:s10+$0x130C0];
	v17 =	vmul.bf16 v18, v17;
	v8 =	vmul.bf16 v59, v58  }
0xc3: {  	v22 =	vld [tilespmem:s10+$0xFEE0];
	v18 =	vmul.bf16 v33, v25;
	v12 =	vmul.bf16 v63, v62  }
0xc4: {  	v60 =	vld [tilespmem:s10+$0x130E0];
	v16 =	vmul.bf16 v42, v41;
	v27 =	vmul.bf16 v51, v49  }
0xc5: {  	v61 =	vld [tilespmem:s10+$0xFEF0];
	v14 =	vmul.bf16 v53, v52;
	v20 =	vunpack.i.u.bf16.f32 v5;
	v5 =	vunpack.i.l.bf16.f32 v5  }
0xc6: {  	v29 =	vld [tilespmem:s10+$0xFF10];
	v21 =	vunpack.i.l.bf16.f32 v7;
	v7 =	vunpack.i.u.bf16.f32 v7;
	v23 =	vunpack.i.l.bf16.f32 v9  }
0xc7: {  	v31 =	vld [tilespmem:s10+$0x13110];
	v9 =	vunpack.i.u.bf16.f32 v9;
	v28 =	vunpack.i.u.bf16.f32 v13;
	v13 =	vunpack.i.l.bf16.f32 v13  }
0xc8: {  	v34 =	vld [tilespmem:s10+$0xFF30];
	v32 =	vunpack.i.l.bf16.f32 v11;
	v24 =	vunpack.i.l.bf16.f32 v15;
	v11 =	vunpack.i.u.bf16.f32 v11  }
0xc9: {  	v6 =	vld [tilespmem:s10+$0xFEC0];
	v15 =	vunpack.i.u.bf16.f32 v15;
	v35 =	vunpack.i.l.bf16.f32 v17;
	v37 =	vunpack.i.u.bf16.f32 v8  }
0xca: {  	v44 =	vld [tilespmem:s10+$0xFF60];
	v8 =	vunpack.i.l.bf16.f32 v8;
	v17 =	vunpack.i.u.bf16.f32 v17;
	v48 =	vunpack.i.l.bf16.f32 v18  }
0xcb: {  	v46 =	vld [tilespmem:s10+$0x13160];
	v18 =	vunpack.i.u.bf16.f32 v18;
	v56 =	vunpack.i.u.bf16.f32 v12;
	v5 =	vadd.f32 v5, v20  }
0xcc: {  	v36 =	vld [tilespmem:s10+$0x13130];
	v12 =	vunpack.i.l.bf16.f32 v12;
	v30 =	vadd.f32 v13, v28;
	v13 =	vmul.bf16 v31, v29  }
0xcd: {  	v38 =	vld [tilespmem:s10+$0xFF40];
	v8 =	vadd.f32 v8, v37;
	v5 =	vadd.f32 v21, v5;
	v21 =	vmul.bf16 v60, v22  }
0xce: {  	v26 =	vld [tilespmem:s10+$0xFFC0];
	v6 =	vmul.bf16 v19, v6;
	v43 =	vunpack.i.u.bf16.f32 v13;
	v13 =	vunpack.i.l.bf16.f32 v13  }
0xcf: {  	v28 =	vld [tilespmem:s10+$0x131C0];
	v60 =	vunpack.i.u.bf16.f32 v16;
	v16 =	vunpack.i.l.bf16.f32 v16;
	v5 =	vadd.f32 v5, v7  }
0xd0: {  	v45 =	vadd.f32 v13, v43;
	v13 =	vmul.bf16 v46, v44;
	v44 =	vunpack.i.l.bf16.f32 v14;
	v7 =	vld [tilespmem:s10+$0x130F0]  }
0xd1: {  	v39 =	vld [tilespmem:s10+$0x13140];
	v14 =	vunpack.i.u.bf16.f32 v14;
	v40 =	vunpack.i.l.bf16.f32 v21;
	v5 =	vadd.f32 v23, v5  }
0xd2: {  	v55 =	vld [tilespmem:s10+$0xFF90];
	v21 =	vunpack.i.u.bf16.f32 v21;
	v47 =	vunpack.i.l.bf16.f32 v6;
	v8 =	vadd.f32 v40, v8  }
0xd3: {  	v43 =	vld [tilespmem:s10+$0x10010];
	v6 =	vunpack.i.u.bf16.f32 v6;
	v5 =	vadd.f32 v5, v9;
	v9 =	vadd.f32 v24, v30  }
0xd4: {  	v10 =	vadd.f32 v48, v45;
	v25 =	vunpack.i.l.bf16.f32 v13;
	v40 =	vmul.bf16 v28, v26;
	v45 =	vld [tilespmem:s10+$0x13210]  }
0xd5: {  	v57 =	vld [tilespmem:s10+$0x13190];
	v13 =	vunpack.i.u.bf16.f32 v13;
	v7 =	vmul.bf16 v7, v61;
	v9 =	vadd.f32 v9, v15  }
0xd6: {  	v58 =	vld [tilespmem:s10+$0xFFA0];
	v8 =	vadd.f32 v8, v21;
	v10 =	vadd.f32 v10, v18;
	v46 =	vunpack.i.l.bf16.f32 v40  }
0xd7: {  	v59 =	vld [tilespmem:s10+$0x131A0];
	v5 =	vadd.f32 v32, v5;
	v50 =	vunpack.i.l.bf16.f32 v7;
	v9 =	vadd.f32 v35, v9  }
0xd8: {  	v63 =	vld [tilespmem:s10+$0x131B0];
	v15 =	vmul.bf16 v36, v34;
	v32 =	vunpack.i.l.bf16.f32 v27;
	v8 =	vadd.f32 v50, v8  }
0xd9: {  	v41 =	vld [tilespmem:s10+$0x13200];
	v52 =	vmul.bf16 v45, v43;
	v7 =	vunpack.i.u.bf16.f32 v7;
	v9 =	vadd.f32 v9, v17  }
0xda: {  	v49 =	vld [tilespmem:s10+$0x13220];
	v5 =	vadd.f32 v5, v11;
	v11 =	vmul.bf16 v39, v38;
	v7 =	vadd.f32 v8, v7  }
0xdb: {  	v54 =	vunpack.i.l.bf16.f32 v15;
	v15 =	vunpack.i.u.bf16.f32 v15;
	v39 =	vld [tilespmem:s10+$0x10000];
	v9 =	vadd.f32 v47, v9  }
0xdc: {  	v48 =	vld [tilespmem:s10+$0x10020];
	v50 =	vunpack.i.u.bf16.f32 v40;
	v62 =	vunpack.i.l.bf16.f32 v11;
	v7 =	vadd.f32 v12, v7  }
0xdd: {  	v61 =	vld [tilespmem:s10+$0xFFB0];
	v11 =	vunpack.i.u.bf16.f32 v11;
	v12 =	vmul.bf16 v59, v58;
	v6 =	vadd.f32 v9, v6  }
0xde: {  	v59 =	vperm.xlane v5, v0;
	v9 =	vadd.f32 v54, v10;
	v7 =	vadd.f32 v7, v56  }
0xdf: {  	v10 =	vmul.bf16 v57, v55;
	v33 =	vunpack.i.l.bf16.f32 v12;
	v12 =	vunpack.i.u.bf16.f32 v12  }
0xe0: {  	v54 =	vmul.bf16 v41, v39;
	v56 =	vunpack.i.u.bf16.f32 v52;
	v5 =	vadd.f32 v59, v5  }
0xe1: {  	v31 =	vld [tilespmem:s10+$0x131D0];
	v57 =	vmul.bf16 v49, v48;
	v9 =	vadd.f32 v9, v15;
	v15 =	vadd.f32 v16, v60  }
0xe2: {  	v30 =	vld [tilespmem:s10+$0xFFD0];
	v29 =	vunpack.i.u.bf16.f32 v10;
	v10 =	vunpack.i.l.bf16.f32 v10;
	v16 =	vmul.bf16 v63, v61  }
0xe3: {  	v34 =	vld [tilespmem:s10+$0xFFE0];
	v60 =	vunpack.i.u.bf16.f32 v54;
	v19 =	vunpack.i.l.bf16.f32 v57;
	v63 =	vperm.xlane v6, v0  }
0xe4: {  	v35 =	vld [tilespmem:s10+$0x131E0];
	v21 =	vunpack.i.u.bf16.f32 v57;
	v22 =	vperm.xlane v5, v2;
	v10 =	vadd.f32 v10, v29  }
0xe5: {  	v37 =	vld [tilespmem:s10+$0x131F0];
	v24 =	vperm.xlane v7, v0;
	v8 =	vadd.f32 v62, v9;
	v9 =	vadd.f32 v25, v15  }
0xe6: {  	v36 =	vld [tilespmem:s10+$0xFFF0];
	v15 =	vunpack.i.u.bf16.f32 v27;
	v38 =	vunpack.i.l.bf16.f32 v16;
	v6 =	vadd.f32 v63, v6  }
0xe7: {  	v16 =	vunpack.i.u.bf16.f32 v16;
	v5 =	vadd.f32 v22, v5;
	v7 =	vadd.f32 v24, v7  }
0xe8: {  	v53 =	vld [tilespmem:s10+$0x10030];
	v10 =	vadd.f32 v33, v10;
	v9 =	vadd.f32 v9, v13;
	v13 =	vmul.bf16 v31, v30  }
0xe9: {  	v61 =	vld [tilespmem:s10+$0x10040];
	v8 =	vadd.f32 v8, v11;
	v11 =	vmul.bf16 v35, v34;
	v25 =	vperm.xlane v6, v2  }
0xea: {  	v62 =	vld [tilespmem:s10+$0x13240];
	v28 =	vperm.xlane v5, v3;
	v34 =	vmov s3;
	v10 =	vadd.f32 v10, v12  }
0xeb: {  	v55 =	vld [tilespmem:s10+$0x13230];
	v12 =	vmul.bf16 v37, v36;
	v9 =	vadd.f32 v32, v9;
	v42 =	vunpack.i.u.bf16.f32 v13  }
0xec: {  	v13 =	vunpack.i.l.bf16.f32 v13;
	v47 =	vunpack.i.l.bf16.f32 v11;
	v11 =	vunpack.i.u.bf16.f32 v11  }
0xed: {  	v6 =	vadd.f32 v25, v6;
	v30 =	vperm.xlane v8, v0;
	v5 =	vadd.f32 v28, v5  }
0xee: {  	v10 =	vadd.f32 v38, v10;
	v13 =	vadd.f32 v13, v42;
	v51 =	vunpack.i.l.bf16.f32 v12  }
0xef: {  	v12 =	vunpack.i.u.bf16.f32 v12;
	v27 =	vmul.bf16 v62, v61;
	v9 =	vadd.f32 v9, v15  }
0xf0: {  	v15 =	vmul.bf16 v55, v53;
	v31 =	vperm.xlane v6, v3;
	v13 =	vadd.f32 v47, v13  }
0xf1: {  	v8 =	vadd.f32 v30, v8;
	v33 =	vperm.xlane v5, v1;
	v9 =	vadd.f32 v44, v9  }
0xf2: {  	v10 =	vadd.f32 v10, v16;
	v29 =	vunpack.i.l.bf16.f32 v27;
	v11 =	vadd.f32 v13, v11  }
0xf3: {  	v16 =	vperm.xlane v7, v2;
	v9 =	vadd.f32 v9, v14;
	v14 =	vunpack.i.l.bf16.f32 v52  }
0xf4: {  	v32 =	vunpack.i.u.bf16.f32 v27;
	v11 =	vadd.f32 v51, v11;
	v58 =	vadd.f32 v14, v56  }
0xf5: {  	v23 =	vunpack.i.l.bf16.f32 v15;
	v6 =	vadd.f32 v31, v6;
	v5 =	vadd.f32 v33, v5  }
0xf6: {  	v36 =	vperm.xlane v8, v2;
	v11 =	vadd.f32 v11, v12;
	v12 =	vadd.f32 v19, v58  }
0xf7: {  	v26 =	vunpack.i.u.bf16.f32 v15;
	v10 =	vadd.f32 v46, v10;
	v7 =	vadd.f32 v16, v7  }
0xf8: {  	v37 =	vperm.xlane v6, v1;
	v8 =	vadd.f32 v36, v8;
	v12 =	vadd.f32 v12, v21  }
0xf9: {  	v10 =	vadd.f32 v10, v50;
	v35 =	vperm.xlane v7, v3;
	v39 =	vperm.xlane v9, v0  }
0xfa: {  	v6 =	vadd.f32 v37, v6;
	v42 =	vperm.xlane v8, v3;
	v12 =	vadd.f32 v23, v12  }
0xfb: {  	v13 =	vunpack.i.l.bf16.f32 v54;
	v7 =	vadd.f32 v35, v7;
	v9 =	vadd.f32 v39, v9  }
0xfc: {  	v43 =	vperm.xlane v10, v0;
	v8 =	vadd.f32 v42, v8;
	v12 =	vadd.f32 v12, v26  }
0xfd: {  	v11 =	vadd.f32 v13, v11;
	v13 =	vshrl.u32 v34, $0x3;
	v41 =	vperm.xlane v7, v1  }
0xfe: {  	v10 =	vadd.f32 v43, v10;
	v13 =	vshll.u32 v13, v4;
	v12 =	vadd.f32 v29, v12  }
0xff: {  	v46 =	vperm.xlane v9, v2;
	v47 =	vperm.xlane v8, v1;
	v11 =	vadd.f32 v11, v60  }
0x100: {  	v38 =	vbroadcast v13, $0x0;
	v40 =	vadd.s32 $0x1, v13;
	v12 =	vadd.f32 v12, v32  }
0x101: {  	v7 =	vadd.f32 v41, v7;
	v45 =	vadd.s32 $0x2, v13;
	v44 =	vperm.xlane v11, v0  }
0x102: {  	v49 =	vperm.xlane v10, v2;
	v51 =	vadd.s32 $0x3, v13;
	v48 =	vperm.xlane v12, v0  }
0x103: {  	v54 =	vadd.s32 $0x4, v13;
	v56 =	vadd.s32 $0x5, v13;
	v11 =	vadd.f32 v44, v11  }
0x104: {  	v59 =	vadd.s32 $0x6, v13;
	v13 =	vadd.s32 $0x7, v13;
	v12 =	vadd.f32 v48, v12  }
0x105: {  	v16 =	vbroadcast v40, $0x0;
	v9 =	vadd.f32 v46, v9;
	v50 =	vperm.xlane v11, v2  }
0x106: {  	v18 =	vbroadcast v45, $0x0;
	v10 =	vadd.f32 v49, v10;
	v53 =	vperm.xlane v12, v2  }
0x107: {  	v8 =	vadd.f32 v47, v8;
	v52 =	vperm.xlane v9, v3;
	v11 =	vadd.f32 v50, v11  }
0x108: {  	v17 =	vbroadcast v51, $0x0;
	v55 =	vperm.xlane v10, v3;
	v12 =	vadd.f32 v53, v12  }
0x109: {  	v19 =	vbroadcast v54, $0x0;
	v9 =	vadd.f32 v52, v9;
	v57 =	vperm.xlane v11, v3  }
0x10a: {  	v58 =	vbroadcast v56, $0x0;
	v10 =	vadd.f32 v55, v10;
	v60 =	vperm.xlane v12, v3  }
0x10b: {  	v14 =	vbroadcast v59, $0x0;
	[tilespmem:v38+s23+$0x0] =	vst.idx.msk $0x1, v5;
	v5 =	vperm.xlane v9, v1;
	v11 =	vadd.f32 v57, v11  }
0x10c: {  	v13 =	vbroadcast v13, $0x0;
	[tilespmem:v16+s23+$0x0] =	vst.idx.msk $0x1, v6;
	v61 =	vperm.xlane v10, v1;
	v6 =	vadd.f32 v60, v12  }
0x10d: {  	p0 =	sne.s32 s14, $0xC7C0;
	[tilespmem:v18+s23+$0x0] =	vst.idx.msk $0x1, v7;
	v5 =	vadd.f32 v5, v9;
	v7 =	vperm.xlane v11, v1  }
.Ltmp1:
0x10e: {  	[tilespmem:v17+s23+$0x0] =	vst.idx.msk $0x1, v8;
	v62 =	vadd.f32 v61, v10;
	v63 =	vperm.xlane v6, v1;
	(pc) =	sbr.rel @p0 .LBB2_5-.Ltmp1, $4  }
0x10f: {  	[tilespmem:v19+s23+$0x0] =	vst.idx.msk $0x1, v5;
	v5 =	vadd.f32 v7, v11  }
0x110: {  	[tilespmem:v58+s23+$0x0] =	vst.idx.msk $0x1, v62;
	v6 =	vadd.f32 v63, v6  }
0x111: {  	[tilespmem:v14+s23+$0x0] =	vst.idx.msk $0x1, v5  }
0x112: {  	s14 =	sadd.s32 $0x800, s14;
	s3 =	sadd.s32 $0x8, s3;
	[tilespmem:v13+s23+$0x0] =	vst.idx.msk $0x1, v6  }
0x113: {  	s3 =	sadd.s32 $0x2A30, s2  }
0x114: {  	[tilespmem:s15], [sflag:$0x3] =	stream.indirect.gather [hbm4b:s0+s18], $0x40, s3, s18, $0xb8;
	[tilespmem:$0x1C840] =	vst v63  }
0x115: {  	s14 =	sadd.s32 $0x5140, s2  }
0x116: {  	[tilespmem:s17], [sflag:$0x4] =	stream.indirect.gather [hbm4b:s0+s18], $0x40, s14, s18, $0xb8;
	[tilespmem:$0x1C840] =	vst v63  }
0x117: {  	_ =	swait.ge [sflag:s26], $0x3200  }
0x118: {  	[sflag:s26] =	ssyncset.done $0x0  }
0x119: {  	[sflag:s26] =	ssyncadd.s32 $0xFFFFCE00  }
0x11a: {  	_ =	swait.ge [sflag:s28], $0x3200  }
0x11b: {  	[sflag:s28] =	ssyncset.done $0x0  }
0x11c: {  	s2 =	simm.s32 $0x7C0;
	s3 =	smov.u32 s30;
	[sflag:s28] =	ssyncadd.s32 $0xFFFFCE00  }
.LBB2_7:
0x11d: {  	s10 =	sshra.s32 s2, $0x2  }
0x11e: {  	v5 =	vld [tilespmem:s10+$0x16250]  }
0x11f: {  	v6 =	vld [tilespmem:s10+$0x19450]  }
0x120: {  	v7 =	vld [tilespmem:s10+$0x16260]  }
0x121: {  	v8 =	vld [tilespmem:s10+$0x19460]  }
0x122: {  	v9 =	vld [tilespmem:s10+$0x16270]  }
0x123: {  	v10 =	vld [tilespmem:s10+$0x19470]  }
0x124: {  	v11 =	vld [tilespmem:s10+$0x16280]  }
0x125: {  	v12 =	vld [tilespmem:s10+$0x19480]  }
0x126: {  	v13 =	vld [tilespmem:s10+$0x16290]  }
0x127: {  	v14 =	vld [tilespmem:s10+$0x19490]  }
0x128: {  	v15 =	vld [tilespmem:s10+$0x162A0]  }
0x129: {  	v16 =	vld [tilespmem:s10+$0x194A0]  }
0x12a: {  	v17 =	vld [tilespmem:s10+$0x162B0]  }
0x12b: {  	v18 =	vld [tilespmem:s10+$0x194B0]  }
0x12c: {  	v58 =	vld [tilespmem:s10+$0x162D0]  }
0x12d: {  	v59 =	vld [tilespmem:s10+$0x194D0]  }
0x12e: {  	v62 =	vld [tilespmem:s10+$0x16300]  }
0x12f: {  	v63 =	vld [tilespmem:s10+$0x19500]  }
0x130: {  	v25 =	vld [tilespmem:s10+$0x16320]  }
0x131: {  	v33 =	vld [tilespmem:s10+$0x19520]  }
0x132: {  	v41 =	vld [tilespmem:s10+$0x16350]  }
0x133: {  	v42 =	vld [tilespmem:s10+$0x19550]  }
0x134: {  	v49 =	vld [tilespmem:s10+$0x16370]  }
0x135: {  	v51 =	vld [tilespmem:s10+$0x19570]  }
0x136: {  	v52 =	vld [tilespmem:s10+$0x16380];
	v5 =	vmul.bf16 v6, v5;
	v7 =	vmul.bf16 v8, v7  }
0x137: {  	v53 =	vld [tilespmem:s10+$0x19580];
	v9 =	vmul.bf16 v10, v9;
	v13 =	vmul.bf16 v14, v13  }
0x138: {  	v11 =	vmul.bf16 v12, v11;
	v15 =	vmul.bf16 v16, v15  }
0x139: {  	v19 =	vld [tilespmem:s10+$0x194C0];
	v17 =	vmul.bf16 v18, v17;
	v8 =	vmul.bf16 v59, v58  }
0x13a: {  	v22 =	vld [tilespmem:s10+$0x162E0];
	v18 =	vmul.bf16 v33, v25;
	v12 =	vmul.bf16 v63, v62  }
0x13b: {  	v60 =	vld [tilespmem:s10+$0x194E0];
	v16 =	vmul.bf16 v42, v41;
	v27 =	vmul.bf16 v51, v49  }
0x13c: {  	v61 =	vld [tilespmem:s10+$0x162F0];
	v14 =	vmul.bf16 v53, v52;
	v20 =	vunpack.i.u.bf16.f32 v5;
	v5 =	vunpack.i.l.bf16.f32 v5  }
0x13d: {  	v29 =	vld [tilespmem:s10+$0x16310];
	v21 =	vunpack.i.l.bf16.f32 v7;
	v7 =	vunpack.i.u.bf16.f32 v7;
	v23 =	vunpack.i.l.bf16.f32 v9  }
0x13e: {  	v31 =	vld [tilespmem:s10+$0x19510];
	v9 =	vunpack.i.u.bf16.f32 v9;
	v28 =	vunpack.i.u.bf16.f32 v13;
	v13 =	vunpack.i.l.bf16.f32 v13  }
0x13f: {  	v34 =	vld [tilespmem:s10+$0x16330];
	v32 =	vunpack.i.l.bf16.f32 v11;
	v24 =	vunpack.i.l.bf16.f32 v15;
	v11 =	vunpack.i.u.bf16.f32 v11  }
0x140: {  	v6 =	vld [tilespmem:s10+$0x162C0];
	v15 =	vunpack.i.u.bf16.f32 v15;
	v35 =	vunpack.i.l.bf16.f32 v17;
	v37 =	vunpack.i.u.bf16.f32 v8  }
0x141: {  	v44 =	vld [tilespmem:s10+$0x16360];
	v8 =	vunpack.i.l.bf16.f32 v8;
	v17 =	vunpack.i.u.bf16.f32 v17;
	v48 =	vunpack.i.l.bf16.f32 v18  }
0x142: {  	v46 =	vld [tilespmem:s10+$0x19560];
	v18 =	vunpack.i.u.bf16.f32 v18;
	v56 =	vunpack.i.u.bf16.f32 v12;
	v5 =	vadd.f32 v5, v20  }
0x143: {  	v36 =	vld [tilespmem:s10+$0x19530];
	v12 =	vunpack.i.l.bf16.f32 v12;
	v30 =	vadd.f32 v13, v28;
	v13 =	vmul.bf16 v31, v29  }
0x144: {  	v38 =	vld [tilespmem:s10+$0x16340];
	v8 =	vadd.f32 v8, v37;
	v5 =	vadd.f32 v21, v5;
	v21 =	vmul.bf16 v60, v22  }
0x145: {  	v26 =	vld [tilespmem:s10+$0x163C0];
	v6 =	vmul.bf16 v19, v6;
	v43 =	vunpack.i.u.bf16.f32 v13;
	v13 =	vunpack.i.l.bf16.f32 v13  }
0x146: {  	v28 =	vld [tilespmem:s10+$0x195C0];
	v60 =	vunpack.i.u.bf16.f32 v16;
	v16 =	vunpack.i.l.bf16.f32 v16;
	v5 =	vadd.f32 v5, v7  }
0x147: {  	v45 =	vadd.f32 v13, v43;
	v13 =	vmul.bf16 v46, v44;
	v44 =	vunpack.i.l.bf16.f32 v14;
	v7 =	vld [tilespmem:s10+$0x194F0]  }
0x148: {  	v39 =	vld [tilespmem:s10+$0x19540];
	v14 =	vunpack.i.u.bf16.f32 v14;
	v40 =	vunpack.i.l.bf16.f32 v21;
	v5 =	vadd.f32 v23, v5  }
0x149: {  	v55 =	vld [tilespmem:s10+$0x16390];
	v21 =	vunpack.i.u.bf16.f32 v21;
	v47 =	vunpack.i.l.bf16.f32 v6;
	v8 =	vadd.f32 v40, v8  }
0x14a: {  	v43 =	vld [tilespmem:s10+$0x16410];
	v6 =	vunpack.i.u.bf16.f32 v6;
	v5 =	vadd.f32 v5, v9;
	v9 =	vadd.f32 v24, v30  }
0x14b: {  	v10 =	vadd.f32 v48, v45;
	v25 =	vunpack.i.l.bf16.f32 v13;
	v40 =	vmul.bf16 v28, v26;
	v45 =	vld [tilespmem:s10+$0x19610]  }
0x14c: {  	v57 =	vld [tilespmem:s10+$0x19590];
	v13 =	vunpack.i.u.bf16.f32 v13;
	v7 =	vmul.bf16 v7, v61;
	v9 =	vadd.f32 v9, v15  }
0x14d: {  	v58 =	vld [tilespmem:s10+$0x163A0];
	v8 =	vadd.f32 v8, v21;
	v10 =	vadd.f32 v10, v18;
	v46 =	vunpack.i.l.bf16.f32 v40  }
0x14e: {  	v59 =	vld [tilespmem:s10+$0x195A0];
	v5 =	vadd.f32 v32, v5;
	v50 =	vunpack.i.l.bf16.f32 v7;
	v9 =	vadd.f32 v35, v9  }
0x14f: {  	v63 =	vld [tilespmem:s10+$0x195B0];
	v15 =	vmul.bf16 v36, v34;
	v32 =	vunpack.i.l.bf16.f32 v27;
	v8 =	vadd.f32 v50, v8  }
0x150: {  	v41 =	vld [tilespmem:s10+$0x19600];
	v52 =	vmul.bf16 v45, v43;
	v7 =	vunpack.i.u.bf16.f32 v7;
	v9 =	vadd.f32 v9, v17  }
0x151: {  	v49 =	vld [tilespmem:s10+$0x19620];
	v5 =	vadd.f32 v5, v11;
	v11 =	vmul.bf16 v39, v38;
	v7 =	vadd.f32 v8, v7  }
0x152: {  	v54 =	vunpack.i.l.bf16.f32 v15;
	v15 =	vunpack.i.u.bf16.f32 v15;
	v39 =	vld [tilespmem:s10+$0x16400];
	v9 =	vadd.f32 v47, v9  }
0x153: {  	v48 =	vld [tilespmem:s10+$0x16420];
	v50 =	vunpack.i.u.bf16.f32 v40;
	v62 =	vunpack.i.l.bf16.f32 v11;
	v7 =	vadd.f32 v12, v7  }
0x154: {  	v61 =	vld [tilespmem:s10+$0x163B0];
	v11 =	vunpack.i.u.bf16.f32 v11;
	v12 =	vmul.bf16 v59, v58;
	v6 =	vadd.f32 v9, v6  }
0x155: {  	v59 =	vperm.xlane v5, v0;
	v9 =	vadd.f32 v54, v10;
	v7 =	vadd.f32 v7, v56  }
0x156: {  	v10 =	vmul.bf16 v57, v55;
	v33 =	vunpack.i.l.bf16.f32 v12;
	v12 =	vunpack.i.u.bf16.f32 v12  }
0x157: {  	v54 =	vmul.bf16 v41, v39;
	v56 =	vunpack.i.u.bf16.f32 v52;
	v5 =	vadd.f32 v59, v5  }
0x158: {  	v31 =	vld [tilespmem:s10+$0x195D0];
	v57 =	vmul.bf16 v49, v48;
	v9 =	vadd.f32 v9, v15;
	v15 =	vadd.f32 v16, v60  }
0x159: {  	v30 =	vld [tilespmem:s10+$0x163D0];
	v29 =	vunpack.i.u.bf16.f32 v10;
	v10 =	vunpack.i.l.bf16.f32 v10;
	v16 =	vmul.bf16 v63, v61  }
0x15a: {  	v34 =	vld [tilespmem:s10+$0x163E0];
	v60 =	vunpack.i.u.bf16.f32 v54;
	v19 =	vunpack.i.l.bf16.f32 v57;
	v63 =	vperm.xlane v6, v0  }
0x15b: {  	v35 =	vld [tilespmem:s10+$0x195E0];
	v21 =	vunpack.i.u.bf16.f32 v57;
	v22 =	vperm.xlane v5, v2;
	v10 =	vadd.f32 v10, v29  }
0x15c: {  	v37 =	vld [tilespmem:s10+$0x195F0];
	v24 =	vperm.xlane v7, v0;
	v8 =	vadd.f32 v62, v9;
	v9 =	vadd.f32 v25, v15  }
0x15d: {  	v36 =	vld [tilespmem:s10+$0x163F0];
	v15 =	vunpack.i.u.bf16.f32 v27;
	v38 =	vunpack.i.l.bf16.f32 v16;
	v6 =	vadd.f32 v63, v6  }
0x15e: {  	v16 =	vunpack.i.u.bf16.f32 v16;
	v5 =	vadd.f32 v22, v5;
	v7 =	vadd.f32 v24, v7  }
0x15f: {  	v53 =	vld [tilespmem:s10+$0x16430];
	v10 =	vadd.f32 v33, v10;
	v9 =	vadd.f32 v9, v13;
	v13 =	vmul.bf16 v31, v30  }
0x160: {  	v61 =	vld [tilespmem:s10+$0x16440];
	v8 =	vadd.f32 v8, v11;
	v11 =	vmul.bf16 v35, v34;
	v25 =	vperm.xlane v6, v2  }
0x161: {  	v62 =	vld [tilespmem:s10+$0x19640];
	v28 =	vperm.xlane v5, v3;
	v34 =	vmov s3;
	v10 =	vadd.f32 v10, v12  }
0x162: {  	v55 =	vld [tilespmem:s10+$0x19630];
	v12 =	vmul.bf16 v37, v36;
	v9 =	vadd.f32 v32, v9;
	v42 =	vunpack.i.u.bf16.f32 v13  }
0x163: {  	v13 =	vunpack.i.l.bf16.f32 v13;
	v47 =	vunpack.i.l.bf16.f32 v11;
	v11 =	vunpack.i.u.bf16.f32 v11  }
0x164: {  	v6 =	vadd.f32 v25, v6;
	v30 =	vperm.xlane v8, v0;
	v5 =	vadd.f32 v28, v5  }
0x165: {  	v10 =	vadd.f32 v38, v10;
	v13 =	vadd.f32 v13, v42;
	v51 =	vunpack.i.l.bf16.f32 v12  }
0x166: {  	v12 =	vunpack.i.u.bf16.f32 v12;
	v27 =	vmul.bf16 v62, v61;
	v9 =	vadd.f32 v9, v15  }
0x167: {  	v15 =	vmul.bf16 v55, v53;
	v31 =	vperm.xlane v6, v3;
	v13 =	vadd.f32 v47, v13  }
0x168: {  	v8 =	vadd.f32 v30, v8;
	v33 =	vperm.xlane v5, v1;
	v9 =	vadd.f32 v44, v9  }
0x169: {  	v10 =	vadd.f32 v10, v16;
	v29 =	vunpack.i.l.bf16.f32 v27;
	v11 =	vadd.f32 v13, v11  }
0x16a: {  	v16 =	vperm.xlane v7, v2;
	v9 =	vadd.f32 v9, v14;
	v14 =	vunpack.i.l.bf16.f32 v52  }
0x16b: {  	v32 =	vunpack.i.u.bf16.f32 v27;
	v11 =	vadd.f32 v51, v11;
	v58 =	vadd.f32 v14, v56  }
0x16c: {  	v23 =	vunpack.i.l.bf16.f32 v15;
	v6 =	vadd.f32 v31, v6;
	v5 =	vadd.f32 v33, v5  }
0x16d: {  	v36 =	vperm.xlane v8, v2;
	v11 =	vadd.f32 v11, v12;
	v12 =	vadd.f32 v19, v58  }
0x16e: {  	v26 =	vunpack.i.u.bf16.f32 v15;
	v10 =	vadd.f32 v46, v10;
	v7 =	vadd.f32 v16, v7  }
0x16f: {  	v37 =	vperm.xlane v6, v1;
	v8 =	vadd.f32 v36, v8;
	v12 =	vadd.f32 v12, v21  }
0x170: {  	v10 =	vadd.f32 v10, v50;
	v35 =	vperm.xlane v7, v3;
	v39 =	vperm.xlane v9, v0  }
0x171: {  	v6 =	vadd.f32 v37, v6;
	v42 =	vperm.xlane v8, v3;
	v12 =	vadd.f32 v23, v12  }
0x172: {  	v13 =	vunpack.i.l.bf16.f32 v54;
	v7 =	vadd.f32 v35, v7;
	v9 =	vadd.f32 v39, v9  }
0x173: {  	v43 =	vperm.xlane v10, v0;
	v8 =	vadd.f32 v42, v8;
	v12 =	vadd.f32 v12, v26  }
0x174: {  	v11 =	vadd.f32 v13, v11;
	v13 =	vshrl.u32 v34, $0x3;
	v41 =	vperm.xlane v7, v1  }
0x175: {  	v10 =	vadd.f32 v43, v10;
	v13 =	vshll.u32 v13, v4;
	v12 =	vadd.f32 v29, v12  }
0x176: {  	v46 =	vperm.xlane v9, v2;
	v47 =	vperm.xlane v8, v1;
	v11 =	vadd.f32 v11, v60  }
0x177: {  	v38 =	vbroadcast v13, $0x0;
	v40 =	vadd.s32 $0x1, v13;
	v12 =	vadd.f32 v12, v32  }
0x178: {  	v7 =	vadd.f32 v41, v7;
	v45 =	vadd.s32 $0x2, v13;
	v44 =	vperm.xlane v11, v0  }
0x179: {  	v49 =	vperm.xlane v10, v2;
	v51 =	vadd.s32 $0x3, v13;
	v48 =	vperm.xlane v12, v0  }
0x17a: {  	v54 =	vadd.s32 $0x4, v13;
	v56 =	vadd.s32 $0x5, v13;
	v11 =	vadd.f32 v44, v11  }
0x17b: {  	v59 =	vadd.s32 $0x6, v13;
	v13 =	vadd.s32 $0x7, v13;
	v12 =	vadd.f32 v48, v12  }
0x17c: {  	v16 =	vbroadcast v40, $0x0;
	v9 =	vadd.f32 v46, v9;
	v50 =	vperm.xlane v11, v2  }
0x17d: {  	v18 =	vbroadcast v45, $0x0;
	v10 =	vadd.f32 v49, v10;
	v53 =	vperm.xlane v12, v2  }
0x17e: {  	v8 =	vadd.f32 v47, v8;
	v52 =	vperm.xlane v9, v3;
	v11 =	vadd.f32 v50, v11  }
0x17f: {  	v17 =	vbroadcast v51, $0x0;
	v55 =	vperm.xlane v10, v3;
	v12 =	vadd.f32 v53, v12  }
0x180: {  	v19 =	vbroadcast v54, $0x0;
	v9 =	vadd.f32 v52, v9;
	v57 =	vperm.xlane v11, v3  }
0x181: {  	v58 =	vbroadcast v56, $0x0;
	v10 =	vadd.f32 v55, v10;
	v60 =	vperm.xlane v12, v3  }
0x182: {  	v14 =	vbroadcast v59, $0x0;
	[tilespmem:v38+s23+$0x0] =	vst.idx.msk $0x1, v5;
	v5 =	vperm.xlane v9, v1;
	v11 =	vadd.f32 v57, v11  }
0x183: {  	v13 =	vbroadcast v13, $0x0;
	[tilespmem:v16+s23+$0x0] =	vst.idx.msk $0x1, v6;
	v61 =	vperm.xlane v10, v1;
	v6 =	vadd.f32 v60, v12  }
0x184: {  	p0 =	sne.s32 s2, $0xC7C0;
	[tilespmem:v18+s23+$0x0] =	vst.idx.msk $0x1, v7;
	v5 =	vadd.f32 v5, v9;
	v7 =	vperm.xlane v11, v1  }
.Ltmp2:
0x185: {  	[tilespmem:v17+s23+$0x0] =	vst.idx.msk $0x1, v8;
	v62 =	vadd.f32 v61, v10;
	v63 =	vperm.xlane v6, v1;
	(pc) =	sbr.rel @p0 .LBB2_7-.Ltmp2, $4  }
0x186: {  	[tilespmem:v19+s23+$0x0] =	vst.idx.msk $0x1, v5;
	v5 =	vadd.f32 v7, v11  }
0x187: {  	[tilespmem:v58+s23+$0x0] =	vst.idx.msk $0x1, v62;
	v6 =	vadd.f32 v63, v6  }
0x188: {  	[tilespmem:v14+s23+$0x0] =	vst.idx.msk $0x1, v5  }
0x189: {  	s2 =	sadd.s32 $0x800, s2;
	s3 =	sadd.s32 $0x8, s3;
	[tilespmem:v13+s23+$0x0] =	vst.idx.msk $0x1, v6  }
0x18a: {  	s1 =	sadd.s32 $0x1, s1  }
0x18b: {  	p0 =	sne.s32 s1, $0x10  }
.Ltmp3:
0x18c: {  	_ = 	snop;
	(pc) =	sbr.rel @p0 .LBB2_2-.Ltmp3, $2  }
0x18d: {  	_ =	sdelay $0x2  }
0x18e: {  	s16 =	sadd.s32 $0x258, s16;
	s31 =	sadd.s32 $0x258, s31;
	s30 =	sadd.s32 $0x258, s30  }
0x18f: {  	_ =	swait.ge [sflag:s21], $0x3200  }
0x190: {  	[sflag:s21] =	ssyncset.done $0x0  }
0x191: {  	[sflag:s21] =	ssyncadd.s32 $0xFFFFCE00  }
0x192: {  	_ =	swait.ge [sflag:s22], $0x3200  }
0x193: {  	[sflag:s22] =	ssyncset.done $0x0  }
0x194: {  	s3 =	simm.s32 $0xCF40;
	[sflag:s22] =	ssyncadd.s32 $0xFFFFCE00  }
0x195: {  	s30 =	simm.s32 $0x9D40;
	v5 =	vld [tilespmem:s3+$0x70]  }
0x196: {  	v6 =	vld [tilespmem:s30+$0x70]  }
0x197: {  	v7 =	vld [tilespmem:s3+$0x60]  }
0x198: {  	v8 =	vld [tilespmem:s30+$0x60]  }
0x199: {  	v9 =	vld [tilespmem:s3+$0x50]  }
0x19a: {  	v10 =	vld [tilespmem:s30+$0x50]  }
0x19b: {  	v11 =	vld [tilespmem:s3+$0x40]  }
0x19c: {  	v12 =	vld [tilespmem:s30+$0x40]  }
0x19d: {  	v14 =	vld [tilespmem:s3+$0x30]  }
0x19e: {  	v15 =	vld [tilespmem:s30+$0x30]  }
0x19f: {  	v16 =	vld [tilespmem:s3+$0x20]  }
0x1a0: {  	v17 =	vld [tilespmem:s30+$0x20]  }
0x1a1: {  	v18 =	vld [tilespmem:s30+$0x10]  }
0x1a2: {  	v21 =	vld [tilespmem:s30+$0x0]  }
0x1a3: {  	v23 =	vld [tilespmem:s30+$0xFFFFFF80];
	v11 =	vmul.bf16 v11, v12  }
0x1a4: {  	v49 =	vld [tilespmem:s30+$0xFFFFFFC0]  }
0x1a5: {  	v12 =	vld [tilespmem:s3+$0x10];
	v9 =	vmul.bf16 v9, v10;
	v19 =	vunpack.i.u.bf16.f32 v11;
	v11 =	vunpack.i.l.bf16.f32 v11  }
0x1a6: {  	v7 =	vmul.bf16 v7, v8;
	v8 =	vld [tilespmem:s3+$0xFFFFFFC0];
	v11 =	vadd.f32 v11, v19  }
0x1a7: {  	v20 =	vunpack.i.l.bf16.f32 v9;
	v19 =	vld [tilespmem:s3+$0x0]  }
0x1a8: {  	v14 =	vmul.bf16 v14, v15;
	v15 =	vmul.bf16 v16, v17;
	v17 =	vld [tilespmem:s3+$0xFFFFFF90];
	v11 =	vadd.f32 v20, v11  }
0x1a9: {  	v9 =	vunpack.i.u.bf16.f32 v9;
	v20 =	vld [tilespmem:s3+$0xFFFFFFA0]  }
0x1aa: {  	v5 =	vmul.bf16 v5, v6;
	v22 =	vunpack.i.l.bf16.f32 v7;
	v9 =	vadd.f32 v11, v9;
	v11 =	vld [tilespmem:s30+$0xFFFFFFA0]  }
0x1ab: {  	v7 =	vunpack.i.u.bf16.f32 v7;
	v26 =	vunpack.i.l.bf16.f32 v15;
	v6 =	vmul.bf16 v12, v18;
	v12 =	vld [tilespmem:s30+$0xFFFFFF90]  }
0x1ac: {  	v25 =	vld [tilespmem:s30+$0xFFFFFF40];
	v15 =	vunpack.i.u.bf16.f32 v15;
	v19 =	vmul.bf16 v19, v21;
	v9 =	vadd.f32 v22, v9  }
0x1ad: {  	v27 =	vld [tilespmem:s30+$0xFFFFFF10];
	v18 =	vunpack.i.u.bf16.f32 v14;
	v14 =	vunpack.i.l.bf16.f32 v14;
	v8 =	vmul.bf16 v8, v49  }
0x1ae: {  	v21 =	vunpack.i.u.bf16.f32 v19;
	v19 =	vunpack.i.l.bf16.f32 v19;
	v7 =	vadd.f32 v9, v7;
	v9 =	vld [tilespmem:s3+$0xFFFFFF80]  }
0x1af: {  	v51 =	vld [tilespmem:s3+$0xFFFFFF30];
	v22 =	vunpack.i.l.bf16.f32 v5;
	v19 =	vadd.f32 v19, v21;
	v11 =	vmul.bf16 v20, v11  }
0x1b0: {  	v12 =	vmul.bf16 v17, v12;
	v17 =	vld [tilespmem:s3+$0xFFFFFF00];
	v21 =	vunpack.i.l.bf16.f32 v6;
	v7 =	vadd.f32 v22, v7  }
0x1b1: {  	v5 =	vunpack.i.u.bf16.f32 v5;
	v22 =	vld [tilespmem:s3+$0xFFFFFF40];
	v19 =	vadd.f32 v21, v19;
	v24 =	vunpack.i.l.bf16.f32 v11  }
0x1b2: {  	s1 =	simm.s32 $0x2580;
	v21 =	vld [tilespmem:s30+$0xFFFFFF00];
	v11 =	vunpack.i.u.bf16.f32 v11;
	v7 =	vadd.f32 v7, v5;
	v5 =	vunpack.i.u.bf16.f32 v6  }
0x1b3: {  	v52 =	vld [tilespmem:s30+$0xFFFFFF30];
	v6 =	vmov s1;
	v5 =	vadd.f32 v19, v5;
	v9 =	vmul.bf16 v9, v23  }
0x1b4: {  	v16 =	vld [tilespmem:s3+$0xFFFFFF50];
	v6 =	vshrl.u32 v6, $0x3;
	v23 =	vunpack.i.u.bf16.f32 v12;
	v12 =	vunpack.i.l.bf16.f32 v12  }
0x1b5: {  	v20 =	vld [tilespmem:s3+$0xFFFFFF10];
	v26 =	vadd.f32 v26, v5;
	v28 =	vunpack.i.u.bf16.f32 v9;
	v9 =	vunpack.i.l.bf16.f32 v9  }
0x1b6: {  	v19 =	vperm.xlane v7, v0;
	v5 =	vshll.u32 v6, v4;
	v6 =	vld [tilespmem:s30+$0xFFFFFF50];
	v9 =	vadd.f32 v9, v28  }
0x1b7: {  	v17 =	vmul.bf16 v17, v21;
	v21 =	vld [tilespmem:s3+$0xFFFFFF20];
	v22 =	vmul.bf16 v22, v25;
	v15 =	vadd.f32 v26, v15  }
0x1b8: {  	v25 =	vmul.bf16 v51, v52;
	v7 =	vadd.f32 v19, v7;
	v19 =	vld [tilespmem:s30+$0xFFFFFF20];
	v9 =	vadd.f32 v12, v9  }
0x1b9: {  	v13 =	vld [tilespmem:s3+$0xFFFFFFD0];
	v12 =	vadd.f32 v14, v15;
	v14 =	vunpack.i.u.bf16.f32 v17;
	v15 =	vunpack.i.l.bf16.f32 v17  }
0x1ba: {  	v10 =	vld [tilespmem:s3+$0xFFFFFFB0];
	v17 =	vmul.bf16 v20, v27;
	v14 =	vadd.f32 v15, v14;
	v15 =	vunpack.i.l.bf16.f32 v22  }
0x1bb: {  	v20 =	vld [tilespmem:s30+$0xFFFFFFB0];
	v9 =	vadd.f32 v9, v23;
	v22 =	vunpack.i.u.bf16.f32 v22;
	v6 =	vmul.bf16 v16, v6  }
0x1bc: {  	v23 =	vld [tilespmem:s30+$0xFFFFFFD0];
	v50 =	vunpack.i.l.bf16.f32 v17;
	v15 =	vadd.f32 v15, v22;
	v16 =	vunpack.i.u.bf16.f32 v17  }
0x1bd: {  	v17 =	vmul.bf16 v21, v19;
	v12 =	vadd.f32 v12, v18;
	v14 =	vadd.f32 v50, v14  }
0x1be: {  	v54 =	vld [tilespmem:s30+$0xFFFFFFE0];
	v9 =	vadd.f32 v24, v9;
	v22 =	vunpack.i.u.bf16.f32 v6;
	v6 =	vunpack.i.l.bf16.f32 v6  }
0x1bf: {  	v19 =	vld [tilespmem:s30+$0x80];
	v21 =	vunpack.i.l.bf16.f32 v17;
	v6 =	vadd.f32 v6, v15;
	v14 =	vadd.f32 v14, v16  }
0x1c0: {  	v10 =	vmul.bf16 v10, v20;
	v16 =	vunpack.i.u.bf16.f32 v8;
	v20 =	vld [tilespmem:s3+$0x80];
	v8 =	vunpack.i.l.bf16.f32 v8  }
0x1c1: {  	v9 =	vadd.f32 v9, v11;
	v11 =	vmul.bf16 v13, v23;
	v13 =	vld [tilespmem:s3+$0xFFFFFFE0];
	v8 =	vadd.f32 v8, v16  }
0x1c2: {  	v17 =	vunpack.i.u.bf16.f32 v17;
	v23 =	vld [tilespmem:s3+$0xFFFFFF60];
	v6 =	vadd.f32 v6, v22;
	v14 =	vadd.f32 v21, v14  }
0x1c3: {  	v21 =	vld [tilespmem:s30+$0xFFFFFF60];
	v53 =	vunpack.i.l.bf16.f32 v10;
	v16 =	vunpack.i.u.bf16.f32 v11;
	v11 =	vunpack.i.l.bf16.f32 v11  }
0x1c4: {  	v22 =	vunpack.i.u.bf16.f32 v25;
	v9 =	vadd.f32 v53, v9;
	v8 =	vadd.f32 v11, v8  }
0x1c5: {  	v10 =	vunpack.i.u.bf16.f32 v10;
	v14 =	vadd.f32 v14, v17;
	v19 =	vmul.bf16 v20, v19  }
0x1c6: {  	v18 =	vld [tilespmem:s30+$0xC0];
	v11 =	vunpack.i.l.bf16.f32 v25;
	v9 =	vadd.f32 v9, v10;
	v8 =	vadd.f32 v8, v16  }
0x1c7: {  	v17 =	vld [tilespmem:s3+$0x90];
	v13 =	vmul.bf16 v13, v54;
	v11 =	vadd.f32 v11, v14;
	v10 =	vunpack.i.l.bf16.f32 v19  }
0x1c8: {  	v15 =	vmul.bf16 v23, v21;
	v20 =	vperm.xlane v9, v0;
	v21 =	vld [tilespmem:s3+$0xC0];
	v19 =	vunpack.i.u.bf16.f32 v19  }
0x1c9: {  	v16 =	vld [tilespmem:s30+$0x90];
	v23 =	vperm.xlane v12, v0;
	v11 =	vadd.f32 v11, v22;
	v10 =	vadd.f32 v10, v19  }
0x1ca: {  	v14 =	vunpack.i.u.bf16.f32 v15;
	v15 =	vunpack.i.l.bf16.f32 v15;
	v9 =	vadd.f32 v20, v9  }
0x1cb: {  	v20 =	vunpack.i.u.bf16.f32 v13;
	v13 =	vunpack.i.l.bf16.f32 v13;
	v12 =	vadd.f32 v23, v12  }
0x1cc: {  	v8 =	vadd.f32 v13, v8;
	v55 =	vperm.xlane v11, v0;
	v13 =	vperm.xlane v9, v2  }
0x1cd: {  	v19 =	vld [tilespmem:s30+$0xFFFFFF70];
	v6 =	vadd.f32 v15, v6;
	v18 =	vmul.bf16 v21, v18;
	v21 =	vperm.xlane v12, v2  }
0x1ce: {  	v16 =	vmul.bf16 v17, v16;
	v17 =	vld [tilespmem:s3+$0xFFFFFF70];
	v9 =	vadd.f32 v13, v9;
	v13 =	vperm.xlane v7, v2  }
0x1cf: {  	v5 =	vbroadcast v5, $0x0;
	v14 =	vadd.f32 v6, v14;
	v12 =	vadd.f32 v21, v12;
	v21 =	vld [tilespmem:s30+$0xD0]  }
0x1d0: {  	v6 =	vadd.f32 v55, v11;
	v15 =	vperm.xlane v9, v3;
	v7 =	vadd.f32 v13, v7;
	v13 =	vld [tilespmem:s3+$0xD0]  }
0x1d1: {  	v56 =	vld [tilespmem:s30+$0xFFFFFFF0];
	v20 =	vadd.f32 v8, v20;
	v22 =	vunpack.i.u.bf16.f32 v16;
	v23 =	vunpack.i.l.bf16.f32 v18  }
0x1d2: {  	v58 =	vld [tilespmem:s3+$0xFFFFFFF0];
	v11 =	vperm.xlane v12, v3;
	v9 =	vadd.f32 v15, v9;
	v15 =	vperm.xlane v7, v3  }
0x1d3: {  	v18 =	vunpack.i.u.bf16.f32 v18;
	v8 =	vperm.xlane v6, v2;
	v17 =	vmul.bf16 v17, v19  }
0x1d4: {  	v19 =	vld [tilespmem:s3+$0xE0];
	v11 =	vadd.f32 v11, v12;
	v57 =	vperm.xlane v9, v1;
	v15 =	vadd.f32 v15, v7  }
0x1d5: {  	v12 =	vunpack.i.l.bf16.f32 v16;
	v16 =	vld [tilespmem:s30+$0xE0];
	v59 =	vunpack.i.l.bf16.f32 v17;
	v13 =	vmul.bf16 v13, v21  }
0x1d6: {  	v21 =	vadd.f32 v8, v6;
	v7 =	vadd.f32 v57, v9;
	v9 =	vperm.xlane v15, v1  }
0x1d7: {  	v60 =	vld [tilespmem:s30+$0xA0];
	v12 =	vadd.f32 v12, v10;
	v10 =	vmul.bf16 v58, v56;
	v8 =	vperm.xlane v11, v1  }
0x1d8: {  	v6 =	vadd.f32 v9, v15;
	v9 =	vld [tilespmem:s3+$0xA0];
	v15 =	vadd.f32 v23, v18;
	v18 =	vperm.xlane v21, v3  }
0x1d9: {  	v8 =	vadd.f32 v8, v11;
	v61 =	vunpack.i.l.bf16.f32 v13;
	v23 =	vadd.f32 v59, v14  }
0x1da: {  	v14 =	vmul.bf16 v19, v16;
	v16 =	vunpack.i.l.bf16.f32 v10;
	v63 =	vadd.f32 v18, v21  }
0x1db: {  	v62 =	vunpack.i.u.bf16.f32 v13;
	v13 =	vunpack.i.u.bf16.f32 v17;
	v11 =	vld [tilespmem:s3+$0xB0];
	v17 =	vadd.f32 v16, v20  }
0x1dc: {  	v16 =	vld [tilespmem:s30+$0xB0];
	v15 =	vadd.f32 v61, v15;
	v18 =	vadd.f32 v23, v13;
	v23 =	vperm.xlane v63, v1  }
0x1dd: {  	v20 =	vadd.f32 v12, v22;
	v12 =	vunpack.i.u.bf16.f32 v14;
	v13 =	vld [tilespmem:s3+$0xF0];
	v21 =	vmul.bf16 v9, v60  }
0x1de: {  	s2 =	simm.s32 $0x2588;
	v19 =	vadd.f32 v15, v62;
	v15 =	vld [tilespmem:s30+$0xF0];
	v22 =	vperm.xlane v18, v0;
	v9 =	vadd.f32 v23, v63  }
.LBB2_10:
0x1df: {  	p0 =	sne.s32 s2, $0x2640;
	v23 =	vunpack.i.u.bf16.f32 v21;
	v21 =	vunpack.i.l.bf16.f32 v21;
	v14 =	vunpack.i.l.bf16.f32 v14;
	s30 =	sadd.s32 $0x200, s30;
	s3 =	sadd.s32 $0x200, s3  }
0x1e0: {  	v10 =	vunpack.i.u.bf16.f32 v10;
	s10 =	smov.u32 s2;
	s2 =	sadd.s32 $0x8, s2;
	v20 =	vadd.f32 v21, v20;
	[tilespmem:v5+s23+$0x0] =	vst.idx.msk $0x1, v9;
	v5 =	vadd.f32 v22, v18  }
0x1e1: {  	v9 =	vadd.f32 v17, v10;
	v10 =	vmul.bf16 v11, v16;
	v11 =	vadd.f32 v14, v19  }
0x1e2: {  	v14 =	vadd.f32 v20, v23;
	v16 =	vperm.xlane v5, v2  }
0x1e3: {  	s14 =	sadd.s32 $0x1, s1;
	v17 =	vunpack.i.l.bf16.f32 v10;
	v11 =	vadd.f32 v11, v12;
	v12 =	vperm.xlane v9, v0  }
0x1e4: {  	v13 =	vmul.bf16 v13, v15;
	v15 =	vmov s14;
	v5 =	vadd.f32 v16, v5  }
0x1e5: {  	v10 =	vunpack.i.u.bf16.f32 v10;
	v9 =	vadd.f32 v12, v9  }
0x1e6: {  	v12 =	vadd.f32 v17, v14;
	v14 =	vunpack.i.l.bf16.f32 v13;
	v16 =	vperm.xlane v5, v3  }
0x1e7: {  	v11 =	vadd.f32 v14, v11;
	v14 =	vshrl.u32 v15, $0x3;
	v15 =	vperm.xlane v9, v2  }
0x1e8: {  	v10 =	vadd.f32 v12, v10;
	v12 =	vunpack.i.u.bf16.f32 v13;
	v5 =	vadd.f32 v16, v5  }
0x1e9: {  	s14 =	sadd.s32 $0x2, s1;
	v11 =	vadd.f32 v11, v12;
	v12 =	vshll.u32 v14, v4;
	v9 =	vadd.f32 v15, v9  }
0x1ea: {  	v14 =	vmov s14;
	s14 =	sadd.s32 $0x3, s1;
	v15 =	vperm.xlane v10, v0;
	v13 =	vperm.xlane v5, v1  }
0x1eb: {  	v12 =	vadd.s32 $0x1, v12;
	v17 =	vperm.xlane v11, v0;
	v16 =	vperm.xlane v9, v3  }
0x1ec: {  	v5 =	vadd.f32 v13, v5;
	v13 =	vshrl.u32 v14, $0x3;
	v14 =	vmov s14  }
0x1ed: {  	v12 =	vbroadcast v12, $0x0;
	v13 =	vshll.u32 v13, v4;
	v9 =	vadd.f32 v16, v9  }
0x1ee: {  	s14 =	sadd.s32 $0x4, s1;
	v11 =	vadd.f32 v17, v11;
	v14 =	vshrl.u32 v14, $0x3;
	v13 =	vadd.s32 $0x2, v13  }
0x1ef: {  	v10 =	vadd.f32 v15, v10;
	v17 =	vmov s14;
	v16 =	vperm.xlane v9, v1  }
0x1f0: {  	v14 =	vshll.u32 v14, v4;
	v15 =	vshrl.u32 v17, $0x3;
	v17 =	vperm.xlane v11, v2  }
0x1f1: {  	s14 =	sadd.s32 $0x5, s1;
	v14 =	vadd.s32 $0x3, v14;
	v9 =	vadd.f32 v16, v9;
	v16 =	vperm.xlane v10, v2  }
0x1f2: {  	s16 =	sadd.s32 $0x6, s1;
	v13 =	vbroadcast v13, $0x0;
	v14 =	vbroadcast v14, $0x0;
	v11 =	vadd.f32 v17, v11  }
0x1f3: {  	[tilespmem:v12+s23+$0x0] =	vst.idx.msk $0x1, v5;
	v5 =	vshll.u32 v15, v4;
	v10 =	vadd.f32 v16, v10;
	v12 =	vmov s16  }
0x1f4: {  	v15 =	vmov s14;
	v16 =	vperm.xlane v11, v3;
	s14 =	sadd.s32 $0x7, s1;
	s1 =	smov.u32 s10;
	v5 =	vadd.s32 $0x4, v5  }
0x1f5: {  	v18 =	vmov s14;
	v5 =	vbroadcast v5, $0x0;
	v17 =	vperm.xlane v10, v3  }
0x1f6: {  	v15 =	vshrl.u32 v15, $0x3;
	v11 =	vadd.f32 v16, v11;
	v16 =	vshrl.u32 v18, $0x3  }
0x1f7: {  	v12 =	vshrl.u32 v12, $0x3;
	v15 =	vshll.u32 v15, v4;
	v10 =	vadd.f32 v17, v10  }
0x1f8: {  	v12 =	vshll.u32 v12, v4;
	[tilespmem:v13+s23+$0x0] =	vst.idx.msk $0x1, v7;
	v7 =	vadd.s32 $0x5, v15;
	v13 =	vperm.xlane v11, v1  }
0x1f9: {  	v12 =	vadd.s32 $0x6, v12;
	[tilespmem:v14+s23+$0x0] =	vst.idx.msk $0x1, v9;
	v7 =	vbroadcast v7, $0x0;
	v9 =	vperm.xlane v10, v1  }
0x1fa: {  	v12 =	vbroadcast v12, $0x0;
	v11 =	vadd.f32 v13, v11;
	v13 =	vshll.u32 v16, v4  }
0x1fb: {  	[tilespmem:v5+s23+$0x0] =	vst.idx.msk $0x1, v8;
	v5 =	vadd.f32 v9, v10;
	v8 =	vadd.s32 $0x7, v13  }
0x1fc: {  	v8 =	vbroadcast v8, $0x0;
	_ =	sdelay $0x2  }
0x1fd: {  	[tilespmem:v7+s23+$0x0] =	vst.idx.msk $0x1, v6  }
0x1fe: {  	[tilespmem:v12+s23+$0x0] =	vst.idx.msk $0x1, v5;
	_ =	sdelay $0x1  }
0x1ff: {  	[tilespmem:v8+s23+$0x0] =	vst.idx.msk $0x1, v11  }
0x200: {  	v5 =	vld [tilespmem:s3+$0x70]  }
0x201: {  	v7 =	vld [tilespmem:s30+$0x70]  }
0x202: {  	v8 =	vld [tilespmem:s3+$0x60]  }
0x203: {  	v9 =	vld [tilespmem:s30+$0x60]  }
0x204: {  	v10 =	vld [tilespmem:s3+$0x50]  }
0x205: {  	v11 =	vld [tilespmem:s30+$0x50]  }
0x206: {  	v12 =	vld [tilespmem:s3+$0x40]  }
0x207: {  	v13 =	vld [tilespmem:s30+$0x40]  }
0x208: {  	v6 =	vld [tilespmem:s3+$0xFFFFFFD0];
	v8 =	vmul.bf16 v8, v9  }
0x209: {  	v9 =	vld [tilespmem:s3+$0x30]  }
0x20a: {  	v14 =	vld [tilespmem:s30+$0x30]  }
0x20b: {  	v15 =	vld [tilespmem:s3+$0x20]  }
0x20c: {  	v16 =	vld [tilespmem:s30+$0x20];
	v12 =	vmul.bf16 v12, v13  }
0x20d: {  	v13 =	vld [tilespmem:s3+$0x10]  }
0x20e: {  	v10 =	vmul.bf16 v10, v11;
	v17 =	vld [tilespmem:s30+$0x10];
	v18 =	vunpack.i.u.bf16.f32 v12;
	v12 =	vunpack.i.l.bf16.f32 v12  }
0x20f: {  	v11 =	vld [tilespmem:s3+$0xFFFFFFB0];
	v9 =	vmul.bf16 v9, v14;
	v12 =	vadd.f32 v12, v18  }
0x210: {  	v18 =	vunpack.i.l.bf16.f32 v10;
	v14 =	vld [tilespmem:s3+$0x0]  }
0x211: {  	v19 =	vld [tilespmem:s30+$0x0];
	v15 =	vmul.bf16 v15, v16;
	v12 =	vadd.f32 v18, v12  }
0x212: {  	v10 =	vunpack.i.u.bf16.f32 v10;
	v16 =	vld [tilespmem:s3+$0xFFFFFFC0]  }
0x213: {  	v18 =	vld [tilespmem:s3+$0xFFFFFFA0];
	v13 =	vmul.bf16 v13, v17;
	v10 =	vadd.f32 v12, v10  }
0x214: {  	v17 =	vunpack.i.l.bf16.f32 v8;
	v12 =	vld [tilespmem:s30+$0xFFFFFFA0]  }
0x215: {  	v20 =	vld [tilespmem:s3+$0xFFFFFF50];
	v10 =	vadd.f32 v17, v10  }
0x216: {  	v5 =	vmul.bf16 v5, v7;
	v8 =	vunpack.i.u.bf16.f32 v8;
	v17 =	vld [tilespmem:s3+$0xFFFFFF90];
	v14 =	vmul.bf16 v14, v19  }
0x217: {  	v7 =	vunpack.i.u.bf16.f32 v9;
	v19 =	vld [tilespmem:s30+$0xFFFFFF90];
	v8 =	vadd.f32 v10, v8  }
0x218: {  	v22 =	vunpack.i.l.bf16.f32 v5;
	v10 =	vld [tilespmem:s3+$0xFFFFFF80];
	v21 =	vunpack.i.u.bf16.f32 v14;
	v14 =	vunpack.i.l.bf16.f32 v14  }
0x219: {  	v23 =	vld [tilespmem:s30+$0xFFFFFF80];
	v12 =	vmul.bf16 v18, v12;
	v14 =	vadd.f32 v14, v21;
	v8 =	vadd.f32 v22, v8  }
0x21a: {  	v5 =	vunpack.i.u.bf16.f32 v5;
	v9 =	vunpack.i.l.bf16.f32 v9;
	v21 =	vunpack.i.l.bf16.f32 v13;
	v18 =	vld [tilespmem:s3+$0xFFFFFF10]  }
0x21b: {  	v22 =	vld [tilespmem:s3+$0xFFFFFF40];
	v24 =	vunpack.i.l.bf16.f32 v12;
	v14 =	vadd.f32 v21, v14;
	v8 =	vadd.f32 v8, v5  }
0x21c: {  	v5 =	vunpack.i.u.bf16.f32 v13;
	v13 =	vmov s1;
	v21 =	vld [tilespmem:s30+$0xFFFFFF00];
	v17 =	vmul.bf16 v17, v19  }
0x21d: {  	v13 =	vshrl.u32 v13, $0x3;
	v19 =	vld [tilespmem:s3+$0xFFFFFF00];
	v5 =	vadd.f32 v14, v5;
	v14 =	vperm.xlane v8, v0  }
0x21e: {  	v26 =	vunpack.i.l.bf16.f32 v15;
	v25 =	vld [tilespmem:s30+$0xFFFFFF40];
	v10 =	vmul.bf16 v10, v23;
	v23 =	vunpack.i.u.bf16.f32 v17  }
0x21f: {  	v15 =	vunpack.i.u.bf16.f32 v15;
	v27 =	vld [tilespmem:s30+$0xFFFFFF10];
	v26 =	vadd.f32 v26, v5;
	v5 =	vshll.u32 v13, v4  }
0x220: {  	v13 =	vld [tilespmem:s30+$0xFFFFFF50];
	v28 =	vunpack.i.u.bf16.f32 v10;
	v10 =	vunpack.i.l.bf16.f32 v10;
	v5 =	vbroadcast v5, $0x0  }
0x221: {  	v12 =	vunpack.i.u.bf16.f32 v12;
	v10 =	vadd.f32 v10, v28;
	v28 =	vld [tilespmem:s30+$0xFFFFFFC0];
	v15 =	vadd.f32 v26, v15  }
0x222: {  	v17 =	vunpack.i.l.bf16.f32 v17;
	v8 =	vadd.f32 v14, v8;
	v19 =	vmul.bf16 v19, v21;
	v21 =	vld [tilespmem:s3+$0xFFFFFF20]  }
0x223: {  	v14 =	vld [tilespmem:s30+$0xFFFFFF20];
	v22 =	vmul.bf16 v22, v25;
	v10 =	vadd.f32 v17, v10;
	v9 =	vadd.f32 v9, v15  }
0x224: {  	v15 =	vunpack.i.u.bf16.f32 v19;
	v17 =	vunpack.i.l.bf16.f32 v19;
	v18 =	vmul.bf16 v18, v27;
	v19 =	vld [tilespmem:s30+$0xFFFFFFB0]  }
0x225: {  	v15 =	vadd.f32 v17, v15;
	v17 =	vunpack.i.l.bf16.f32 v22;
	v10 =	vadd.f32 v10, v23;
	v23 =	vld [tilespmem:s30+$0xFFFFFFD0]  }
0x226: {  	v22 =	vunpack.i.u.bf16.f32 v22;
	v25 =	vunpack.i.l.bf16.f32 v18;
	v26 =	vld [tilespmem:s3+$0xFFFFFF30];
	v16 =	vmul.bf16 v16, v28  }
0x227: {  	v13 =	vmul.bf16 v20, v13;
	v17 =	vadd.f32 v17, v22;
	v15 =	vadd.f32 v25, v15;
	v25 =	vld [tilespmem:s30+$0xFFFFFF30]  }
0x228: {  	v18 =	vunpack.i.u.bf16.f32 v18;
	v10 =	vadd.f32 v24, v10;
	v14 =	vmul.bf16 v21, v14;
	v20 =	vld [tilespmem:s30+$0x80]  }
0x229: {  	v15 =	vadd.f32 v15, v18;
	v11 =	vmul.bf16 v11, v19;
	v18 =	vunpack.i.u.bf16.f32 v16;
	v19 =	vld [tilespmem:s3+$0x80]  }
0x22a: {  	v10 =	vadd.f32 v10, v12;
	v12 =	vunpack.i.l.bf16.f32 v16;
	v6 =	vmul.bf16 v6, v23;
	v16 =	vld [tilespmem:s3+$0xFFFFFFE0]  }
0x22b: {  	v22 =	vunpack.i.u.bf16.f32 v13;
	v13 =	vunpack.i.l.bf16.f32 v13;
	v21 =	vunpack.i.l.bf16.f32 v14;
	v23 =	vld [tilespmem:s3+$0xFFFFFF60]  }
0x22c: {  	v14 =	vunpack.i.u.bf16.f32 v14;
	v15 =	vadd.f32 v21, v15;
	v24 =	vunpack.i.l.bf16.f32 v11;
	v21 =	vld [tilespmem:s30+$0xFFFFFF60]  }
0x22d: {  	v12 =	vadd.f32 v12, v18;
	v25 =	vmul.bf16 v26, v25;
	v18 =	vunpack.i.u.bf16.f32 v6;
	v26 =	vld [tilespmem:s30+$0xFFFFFFE0]  }
0x22e: {  	v10 =	vadd.f32 v24, v10;
	v6 =	vunpack.i.l.bf16.f32 v6;
	v19 =	vmul.bf16 v19, v20  }
0x22f: {  	v13 =	vadd.f32 v13, v17;
	v11 =	vunpack.i.u.bf16.f32 v11;
	v6 =	vadd.f32 v6, v12  }
0x230: {  	v12 =	vunpack.i.l.bf16.f32 v25;
	v10 =	vadd.f32 v10, v11;
	v11 =	vunpack.i.l.bf16.f32 v19;
	v17 =	vld [tilespmem:s3+$0xC0]  }
0x231: {  	v14 =	vadd.f32 v15, v14;
	v6 =	vadd.f32 v6, v18;
	v15 =	vmul.bf16 v23, v21;
	v18 =	vld [tilespmem:s30+$0x90]  }
0x232: {  	v13 =	vadd.f32 v13, v22;
	v21 =	vperm.xlane v10, v0;
	v16 =	vmul.bf16 v16, v26;
	v20 =	vld [tilespmem:s3+$0x90]  }
0x233: {  	v7 =	vadd.f32 v9, v7;
	v12 =	vadd.f32 v12, v14;
	v14 =	vunpack.i.u.bf16.f32 v15;
	v9 =	vld [tilespmem:s30+$0xC0]  }
0x234: {  	v22 =	vunpack.i.u.bf16.f32 v25;
	v15 =	vunpack.i.l.bf16.f32 v15;
	v10 =	vadd.f32 v21, v10;
	v23 =	vld [tilespmem:s3+$0xFFFFFF70]  }
0x235: {  	v25 =	vperm.xlane v7, v0;
	v24 =	vunpack.i.u.bf16.f32 v16;
	v16 =	vunpack.i.l.bf16.f32 v16;
	v21 =	vld [tilespmem:s30+$0xFFFFFF70]  }
0x236: {  	v12 =	vadd.f32 v12, v22;
	v6 =	vadd.f32 v16, v6;
	v16 =	vperm.xlane v10, v2  }
0x237: {  	v19 =	vunpack.i.u.bf16.f32 v19;
	v7 =	vadd.f32 v25, v7;
	v18 =	vmul.bf16 v20, v18  }
0x238: {  	v11 =	vadd.f32 v11, v19;
	v10 =	vadd.f32 v16, v10;
	v16 =	vperm.xlane v8, v2  }
0x239: {  	v9 =	vmul.bf16 v17, v9;
	v17 =	vperm.xlane v7, v2;
	v19 =	vunpack.i.u.bf16.f32 v18  }
0x23a: {  	v13 =	vadd.f32 v15, v13;
	v20 =	vperm.xlane v10, v3;
	v8 =	vadd.f32 v16, v8;
	v15 =	vld [tilespmem:s3+$0xD0]  }
0x23b: {  	v25 =	vperm.xlane v12, v0;
	v22 =	vunpack.i.l.bf16.f32 v9;
	v7 =	vadd.f32 v17, v7;
	v16 =	vld [tilespmem:s30+$0xFFFFFFF0]  }
0x23c: {  	v9 =	vunpack.i.u.bf16.f32 v9;
	v10 =	vadd.f32 v20, v10;
	v20 =	vperm.xlane v8, v3;
	v17 =	vld [tilespmem:s30+$0xD0]  }
0x23d: {  	v12 =	vadd.f32 v25, v12;
	v13 =	vadd.f32 v13, v14;
	v14 =	vperm.xlane v7, v3  }
0x23e: {  	v21 =	vmul.bf16 v23, v21;
	v25 =	vperm.xlane v10, v1;
	v8 =	vadd.f32 v20, v8;
	v23 =	vld [tilespmem:s3+$0xE0]  }
0x23f: {  	v20 =	vadd.f32 v6, v24;
	v6 =	vperm.xlane v12, v2;
	v14 =	vadd.f32 v14, v7;
	v24 =	vld [tilespmem:s3+$0xFFFFFFF0]  }
0x240: {  	v18 =	vunpack.i.l.bf16.f32 v18;
	v7 =	vadd.f32 v25, v10;
	v10 =	vperm.xlane v8, v1;
	v26 =	vld [tilespmem:s30+$0xE0]  }
0x241: {  	v12 =	vadd.f32 v6, v12;
	v15 =	vmul.bf16 v15, v17;
	v17 =	vperm.xlane v14, v1  }
0x242: {  	v27 =	vadd.f32 v18, v11;
	v25 =	vunpack.i.l.bf16.f32 v21;
	v6 =	vadd.f32 v10, v8;
	v28 =	vld [tilespmem:s30+$0xA0]  }
0x243: {  	v9 =	vadd.f32 v22, v9;
	v11 =	vperm.xlane v12, v3;
	v29 =	vld [tilespmem:s3+$0xA0];
	v8 =	vadd.f32 v17, v14  }
0x244: {  	v13 =	vadd.f32 v25, v13;
	v10 =	vmul.bf16 v24, v16;
	v16 =	vunpack.i.l.bf16.f32 v15  }
.Ltmp4:
0x245: {  	v22 =	vadd.f32 v11, v12;
	v15 =	vunpack.i.u.bf16.f32 v15;
	v14 =	vmul.bf16 v23, v26;
	(pc) =	sbr.rel @p0 .LBB2_10-.Ltmp4, $4  }
0x246: {  	v12 =	vunpack.i.u.bf16.f32 v21;
	v9 =	vadd.f32 v16, v9;
	v17 =	vunpack.i.l.bf16.f32 v10;
	v11 =	vld [tilespmem:s3+$0xB0]  }
0x247: {  	v18 =	vadd.f32 v13, v12;
	v23 =	vperm.xlane v22, v1;
	v17 =	vadd.f32 v17, v20;
	v16 =	vld [tilespmem:s30+$0xB0]  }
0x248: {  	v20 =	vadd.f32 v27, v19;
	v12 =	vunpack.i.u.bf16.f32 v14;
	v21 =	vmul.bf16 v29, v28;
	v13 =	vld [tilespmem:s3+$0xF0]  }
0x249: {  	v19 =	vadd.f32 v9, v15;
	v9 =	vadd.f32 v23, v22;
	v22 =	vperm.xlane v18, v0;
	v15 =	vld [tilespmem:s30+$0xF0]  }
0x24a: {  	v23 =	vunpack.i.l.bf16.f32 v21;
	v10 =	vunpack.i.u.bf16.f32 v10;
	v21 =	vunpack.i.u.bf16.f32 v21  }
0x24b: {  	v14 =	vunpack.i.l.bf16.f32 v14;
	s31 =	sadd.s32 $0x7, s1;
	v18 =	vadd.f32 v22, v18;
	v20 =	vadd.f32 v23, v20  }
0x24c: {  	v10 =	vadd.f32 v17, v10;
	v14 =	vadd.f32 v14, v19;
	v23 =	vmov s31  }
0x24d: {  	v11 =	vmul.bf16 v11, v16;
	v23 =	vshrl.u32 v23, $0x3;
	v16 =	vperm.xlane v18, v2  }
0x24e: {  	s2 =	sadd.s32 $0x1, s1;
	v17 =	vadd.f32 v20, v21;
	v19 =	vperm.xlane v10, v0;
	v12 =	vadd.f32 v14, v12  }
0x24f: {  	v14 =	vmov s2;
	v23 =	vshll.u32 v23, v4;
	v13 =	vmul.bf16 v13, v15  }
0x250: {  	v20 =	vunpack.i.l.bf16.f32 v11;
	v15 =	vadd.f32 v16, v18;
	v10 =	vadd.f32 v19, v10  }
0x251: {  	v11 =	vunpack.i.u.bf16.f32 v11;
	v16 =	vadd.f32 v20, v17;
	v17 =	vunpack.i.l.bf16.f32 v13  }
0x252: {  	v18 =	vperm.xlane v15, v3;
	v12 =	vadd.f32 v17, v12;
	v17 =	vperm.xlane v10, v2  }
0x253: {  	s3 =	sadd.s32 $0x2, s1;
	v14 =	vshrl.u32 v14, $0x3;
	v13 =	vunpack.i.u.bf16.f32 v13;
	v11 =	vadd.f32 v16, v11  }
0x254: {  	v16 =	vmov s3;
	v15 =	vadd.f32 v18, v15;
	v10 =	vadd.f32 v17, v10  }
0x255: {  	v12 =	vadd.f32 v12, v13;
	v13 =	vshll.u32 v14, v4;
	v17 =	vperm.xlane v11, v0  }
0x256: {  	s14 =	sadd.s32 $0x4, s1;
	v13 =	vadd.s32 $0x1, v13;
	v14 =	vperm.xlane v15, v1;
	v18 =	vperm.xlane v10, v3  }
0x257: {  	v19 =	vperm.xlane v12, v0;
	v11 =	vadd.f32 v17, v11;
	v17 =	vmov s14  }
0x258: {  	s10 =	sadd.s32 $0x3, s1;
	v13 =	vbroadcast v13, $0x0;
	v17 =	vshrl.u32 v17, $0x3;
	v14 =	vadd.f32 v14, v15  }
0x259: {  	v15 =	vshrl.u32 v16, $0x3;
	v16 =	vmov s10;
	v10 =	vadd.f32 v18, v10  }
0x25a: {  	v12 =	vadd.f32 v19, v12;
	v20 =	vperm.xlane v11, v2;
	v17 =	vshll.u32 v17, v4  }
0x25b: {  	v15 =	vshll.u32 v15, v4;
	v16 =	vshrl.u32 v16, $0x3;
	v17 =	vadd.s32 $0x4, v17  }
0x25c: {  	s3 =	sadd.s32 $0x5, s1;
	v15 =	vadd.s32 $0x2, v15;
	v18 =	vperm.xlane v10, v1;
	v16 =	vshll.u32 v16, v4  }
0x25d: {  	v19 =	vperm.xlane v12, v2;
	v11 =	vadd.f32 v20, v11;
	v20 =	vmov s3  }
0x25e: {  	s16 =	sadd.s32 $0x6, s1;
	v17 =	vbroadcast v17, $0x0;
	v16 =	vadd.s32 $0x3, v16;
	v15 =	vbroadcast v15, $0x0  }
0x25f: {  	v20 =	vshrl.u32 v20, $0x3;
	v12 =	vadd.f32 v19, v12;
	v19 =	vmov s16  }
0x260: {  	v16 =	vbroadcast v16, $0x0;
	v20 =	vshll.u32 v20, v4;
	v19 =	vshrl.u32 v19, $0x3  }
0x261: {  	v22 =	vperm.xlane v11, v3;
	v20 =	vadd.s32 $0x5, v20;
	v19 =	vshll.u32 v19, v4  }
0x262: {  	v21 =	vperm.xlane v12, v3;
	v20 =	vbroadcast v20, $0x0;
	v19 =	vadd.s32 $0x6, v19  }
0x263: {  	[tilespmem:v5+s23+$0x0] =	vst.idx.msk $0x1, v9;
	v5 =	vadd.f32 v22, v11;
	v11 =	vadd.s32 $0x7, v23;
	v9 =	vbroadcast v19, $0x0  }
0x264: {  	v10 =	vadd.f32 v18, v10;
	[tilespmem:v13+s23+$0x0] =	vst.idx.msk $0x1, v14;
	v11 =	vbroadcast v11, $0x0;
	v12 =	vadd.f32 v21, v12  }
0x265: {  	[tilespmem:v15+s23+$0x0] =	vst.idx.msk $0x1, v7;
	v7 =	vperm.xlane v5, v1  }
0x266: {  	v13 =	vperm.xlane v12, v1;
	[tilespmem:v16+s23+$0x0] =	vst.idx.msk $0x1, v10  }
0x267: {  	[tilespmem:v17+s23+$0x0] =	vst.idx.msk $0x1, v8;
	v5 =	vadd.f32 v7, v5  }
0x268: {  	v7 =	vadd.f32 v13, v12;
	[tilespmem:v20+s23+$0x0] =	vst.idx.msk $0x1, v6  }
0x269: {  	[tilespmem:v9+s23+$0x0] =	vst.idx.msk $0x1, v5  }
0x26a: {  	[tilespmem:v11+s23+$0x0] =	vst.idx.msk $0x1, v7  }
0x26b: {  	_ =	swait.ge [sflag:s24], $0x3200  }
0x26c: {  	[sflag:s24] =	ssyncset.done $0x0  }
0x26d: {  	[sflag:s24] =	ssyncadd.s32 $0xFFFFCE00  }
0x26e: {  	_ =	swait.ge [sflag:s25], $0x3200  }
0x26f: {  	[sflag:s25] =	ssyncset.done $0x0  }
0x270: {  	s3 =	simm.s32 $0x13340;
	[sflag:s25] =	ssyncadd.s32 $0xFFFFCE00  }
0x271: {  	s30 =	simm.s32 $0x10140;
	v5 =	vld [tilespmem:s3+$0x70]  }
0x272: {  	v6 =	vld [tilespmem:s30+$0x70]  }
0x273: {  	v7 =	vld [tilespmem:s3+$0x60]  }
0x274: {  	v8 =	vld [tilespmem:s30+$0x60]  }
0x275: {  	v9 =	vld [tilespmem:s3+$0x50]  }
0x276: {  	v10 =	vld [tilespmem:s30+$0x50]  }
0x277: {  	v11 =	vld [tilespmem:s3+$0x40]  }
0x278: {  	v12 =	vld [tilespmem:s30+$0x40]  }
0x279: {  	v14 =	vld [tilespmem:s3+$0x30]  }
0x27a: {  	v15 =	vld [tilespmem:s30+$0x30]  }
0x27b: {  	v16 =	vld [tilespmem:s3+$0x20]  }
0x27c: {  	v17 =	vld [tilespmem:s30+$0x20]  }
0x27d: {  	v18 =	vld [tilespmem:s30+$0x10]  }
0x27e: {  	v21 =	vld [tilespmem:s30+$0x0]  }
0x27f: {  	v23 =	vld [tilespmem:s30+$0xFFFFFF80];
	v11 =	vmul.bf16 v11, v12  }
0x280: {  	v49 =	vld [tilespmem:s30+$0xFFFFFFC0]  }
0x281: {  	v12 =	vld [tilespmem:s3+$0x10];
	v9 =	vmul.bf16 v9, v10;
	v19 =	vunpack.i.u.bf16.f32 v11;
	v11 =	vunpack.i.l.bf16.f32 v11  }
0x282: {  	v7 =	vmul.bf16 v7, v8;
	v8 =	vld [tilespmem:s3+$0xFFFFFFC0];
	v11 =	vadd.f32 v11, v19  }
0x283: {  	v20 =	vunpack.i.l.bf16.f32 v9;
	v19 =	vld [tilespmem:s3+$0x0]  }
0x284: {  	v14 =	vmul.bf16 v14, v15;
	v15 =	vmul.bf16 v16, v17;
	v17 =	vld [tilespmem:s3+$0xFFFFFF90];
	v11 =	vadd.f32 v20, v11  }
0x285: {  	v9 =	vunpack.i.u.bf16.f32 v9;
	v20 =	vld [tilespmem:s3+$0xFFFFFFA0]  }
0x286: {  	v5 =	vmul.bf16 v5, v6;
	v22 =	vunpack.i.l.bf16.f32 v7;
	v9 =	vadd.f32 v11, v9;
	v11 =	vld [tilespmem:s30+$0xFFFFFFA0]  }
0x287: {  	v7 =	vunpack.i.u.bf16.f32 v7;
	v26 =	vunpack.i.l.bf16.f32 v15;
	v6 =	vmul.bf16 v12, v18;
	v12 =	vld [tilespmem:s30+$0xFFFFFF90]  }
0x288: {  	v25 =	vld [tilespmem:s30+$0xFFFFFF40];
	v15 =	vunpack.i.u.bf16.f32 v15;
	v19 =	vmul.bf16 v19, v21;
	v9 =	vadd.f32 v22, v9  }
0x289: {  	v27 =	vld [tilespmem:s30+$0xFFFFFF10];
	v18 =	vunpack.i.u.bf16.f32 v14;
	v14 =	vunpack.i.l.bf16.f32 v14;
	v8 =	vmul.bf16 v8, v49  }
0x28a: {  	v21 =	vunpack.i.u.bf16.f32 v19;
	v19 =	vunpack.i.l.bf16.f32 v19;
	v7 =	vadd.f32 v9, v7;
	v9 =	vld [tilespmem:s3+$0xFFFFFF80]  }
0x28b: {  	v51 =	vld [tilespmem:s3+$0xFFFFFF30];
	v22 =	vunpack.i.l.bf16.f32 v5;
	v19 =	vadd.f32 v19, v21;
	v11 =	vmul.bf16 v20, v11  }
0x28c: {  	v12 =	vmul.bf16 v17, v12;
	v17 =	vld [tilespmem:s3+$0xFFFFFF00];
	v21 =	vunpack.i.l.bf16.f32 v6;
	v7 =	vadd.f32 v22, v7  }
0x28d: {  	v5 =	vunpack.i.u.bf16.f32 v5;
	v22 =	vld [tilespmem:s3+$0xFFFFFF40];
	v19 =	vadd.f32 v21, v19;
	v24 =	vunpack.i.l.bf16.f32 v11  }
0x28e: {  	s1 =	simm.s32 $0x2648;
	v21 =	vld [tilespmem:s30+$0xFFFFFF00];
	v11 =	vunpack.i.u.bf16.f32 v11;
	v7 =	vadd.f32 v7, v5;
	v5 =	vunpack.i.u.bf16.f32 v6  }
0x28f: {  	v52 =	vld [tilespmem:s30+$0xFFFFFF30];
	v6 =	vmov s1;
	v5 =	vadd.f32 v19, v5;
	v9 =	vmul.bf16 v9, v23  }
0x290: {  	v16 =	vld [tilespmem:s3+$0xFFFFFF50];
	v6 =	vshrl.u32 v6, $0x3;
	v23 =	vunpack.i.u.bf16.f32 v12;
	v12 =	vunpack.i.l.bf16.f32 v12  }
0x291: {  	v20 =	vld [tilespmem:s3+$0xFFFFFF10];
	v26 =	vadd.f32 v26, v5;
	v28 =	vunpack.i.u.bf16.f32 v9;
	v9 =	vunpack.i.l.bf16.f32 v9  }
0x292: {  	v19 =	vperm.xlane v7, v0;
	v5 =	vshll.u32 v6, v4;
	v6 =	vld [tilespmem:s30+$0xFFFFFF50];
	v9 =	vadd.f32 v9, v28  }
0x293: {  	v17 =	vmul.bf16 v17, v21;
	v21 =	vld [tilespmem:s3+$0xFFFFFF20];
	v22 =	vmul.bf16 v22, v25;
	v15 =	vadd.f32 v26, v15  }
0x294: {  	v25 =	vmul.bf16 v51, v52;
	v7 =	vadd.f32 v19, v7;
	v19 =	vld [tilespmem:s30+$0xFFFFFF20];
	v9 =	vadd.f32 v12, v9  }
0x295: {  	v13 =	vld [tilespmem:s3+$0xFFFFFFD0];
	v12 =	vadd.f32 v14, v15;
	v14 =	vunpack.i.u.bf16.f32 v17;
	v15 =	vunpack.i.l.bf16.f32 v17  }
0x296: {  	v10 =	vld [tilespmem:s3+$0xFFFFFFB0];
	v17 =	vmul.bf16 v20, v27;
	v14 =	vadd.f32 v15, v14;
	v15 =	vunpack.i.l.bf16.f32 v22  }
0x297: {  	v20 =	vld [tilespmem:s30+$0xFFFFFFB0];
	v9 =	vadd.f32 v9, v23;
	v22 =	vunpack.i.u.bf16.f32 v22;
	v6 =	vmul.bf16 v16, v6  }
0x298: {  	v23 =	vld [tilespmem:s30+$0xFFFFFFD0];
	v50 =	vunpack.i.l.bf16.f32 v17;
	v15 =	vadd.f32 v15, v22;
	v16 =	vunpack.i.u.bf16.f32 v17  }
0x299: {  	v17 =	vmul.bf16 v21, v19;
	v12 =	vadd.f32 v12, v18;
	v14 =	vadd.f32 v50, v14  }
0x29a: {  	v54 =	vld [tilespmem:s30+$0xFFFFFFE0];
	v9 =	vadd.f32 v24, v9;
	v22 =	vunpack.i.u.bf16.f32 v6;
	v6 =	vunpack.i.l.bf16.f32 v6  }
0x29b: {  	v19 =	vld [tilespmem:s30+$0x80];
	v21 =	vunpack.i.l.bf16.f32 v17;
	v6 =	vadd.f32 v6, v15;
	v14 =	vadd.f32 v14, v16  }
0x29c: {  	v10 =	vmul.bf16 v10, v20;
	v16 =	vunpack.i.u.bf16.f32 v8;
	v20 =	vld [tilespmem:s3+$0x80];
	v8 =	vunpack.i.l.bf16.f32 v8  }
0x29d: {  	v9 =	vadd.f32 v9, v11;
	v11 =	vmul.bf16 v13, v23;
	v13 =	vld [tilespmem:s3+$0xFFFFFFE0];
	v8 =	vadd.f32 v8, v16  }
0x29e: {  	v17 =	vunpack.i.u.bf16.f32 v17;
	v23 =	vld [tilespmem:s3+$0xFFFFFF60];
	v6 =	vadd.f32 v6, v22;
	v14 =	vadd.f32 v21, v14  }
0x29f: {  	v21 =	vld [tilespmem:s30+$0xFFFFFF60];
	v53 =	vunpack.i.l.bf16.f32 v10;
	v16 =	vunpack.i.u.bf16.f32 v11;
	v11 =	vunpack.i.l.bf16.f32 v11  }
0x2a0: {  	v22 =	vunpack.i.u.bf16.f32 v25;
	v9 =	vadd.f32 v53, v9;
	v8 =	vadd.f32 v11, v8  }
0x2a1: {  	v10 =	vunpack.i.u.bf16.f32 v10;
	v14 =	vadd.f32 v14, v17;
	v19 =	vmul.bf16 v20, v19  }
0x2a2: {  	v18 =	vld [tilespmem:s30+$0xC0];
	v11 =	vunpack.i.l.bf16.f32 v25;
	v9 =	vadd.f32 v9, v10;
	v8 =	vadd.f32 v8, v16  }
0x2a3: {  	v17 =	vld [tilespmem:s3+$0x90];
	v13 =	vmul.bf16 v13, v54;
	v11 =	vadd.f32 v11, v14;
	v10 =	vunpack.i.l.bf16.f32 v19  }
0x2a4: {  	v15 =	vmul.bf16 v23, v21;
	v20 =	vperm.xlane v9, v0;
	v21 =	vld [tilespmem:s3+$0xC0];
	v19 =	vunpack.i.u.bf16.f32 v19  }
0x2a5: {  	v16 =	vld [tilespmem:s30+$0x90];
	v23 =	vperm.xlane v12, v0;
	v11 =	vadd.f32 v11, v22;
	v10 =	vadd.f32 v10, v19  }
0x2a6: {  	v14 =	vunpack.i.u.bf16.f32 v15;
	v15 =	vunpack.i.l.bf16.f32 v15;
	v9 =	vadd.f32 v20, v9  }
0x2a7: {  	v20 =	vunpack.i.u.bf16.f32 v13;
	v13 =	vunpack.i.l.bf16.f32 v13;
	v12 =	vadd.f32 v23, v12  }
0x2a8: {  	v8 =	vadd.f32 v13, v8;
	v55 =	vperm.xlane v11, v0;
	v13 =	vperm.xlane v9, v2  }
0x2a9: {  	v19 =	vld [tilespmem:s30+$0xFFFFFF70];
	v6 =	vadd.f32 v15, v6;
	v18 =	vmul.bf16 v21, v18;
	v21 =	vperm.xlane v12, v2  }
0x2aa: {  	v16 =	vmul.bf16 v17, v16;
	v17 =	vld [tilespmem:s3+$0xFFFFFF70];
	v9 =	vadd.f32 v13, v9;
	v13 =	vperm.xlane v7, v2  }
0x2ab: {  	v5 =	vbroadcast v5, $0x0;
	v14 =	vadd.f32 v6, v14;
	v12 =	vadd.f32 v21, v12;
	v21 =	vld [tilespmem:s30+$0xD0]  }
0x2ac: {  	v6 =	vadd.f32 v55, v11;
	v15 =	vperm.xlane v9, v3;
	v7 =	vadd.f32 v13, v7;
	v13 =	vld [tilespmem:s3+$0xD0]  }
0x2ad: {  	v56 =	vld [tilespmem:s30+$0xFFFFFFF0];
	v20 =	vadd.f32 v8, v20;
	v22 =	vunpack.i.u.bf16.f32 v16;
	v23 =	vunpack.i.l.bf16.f32 v18  }
0x2ae: {  	v58 =	vld [tilespmem:s3+$0xFFFFFFF0];
	v11 =	vperm.xlane v12, v3;
	v9 =	vadd.f32 v15, v9;
	v15 =	vperm.xlane v7, v3  }
0x2af: {  	v18 =	vunpack.i.u.bf16.f32 v18;
	v8 =	vperm.xlane v6, v2;
	v17 =	vmul.bf16 v17, v19  }
0x2b0: {  	v19 =	vld [tilespmem:s3+$0xE0];
	v11 =	vadd.f32 v11, v12;
	v57 =	vperm.xlane v9, v1;
	v15 =	vadd.f32 v15, v7  }
0x2b1: {  	v12 =	vunpack.i.l.bf16.f32 v16;
	v16 =	vld [tilespmem:s30+$0xE0];
	v59 =	vunpack.i.l.bf16.f32 v17;
	v13 =	vmul.bf16 v13, v21  }
0x2b2: {  	v21 =	vadd.f32 v8, v6;
	v7 =	vadd.f32 v57, v9;
	v9 =	vperm.xlane v15, v1  }
0x2b3: {  	v60 =	vld [tilespmem:s30+$0xA0];
	v12 =	vadd.f32 v12, v10;
	v10 =	vmul.bf16 v58, v56;
	v8 =	vperm.xlane v11, v1  }
0x2b4: {  	v6 =	vadd.f32 v9, v15;
	v9 =	vld [tilespmem:s3+$0xA0];
	v15 =	vadd.f32 v23, v18;
	v18 =	vperm.xlane v21, v3  }
0x2b5: {  	v8 =	vadd.f32 v8, v11;
	v61 =	vunpack.i.l.bf16.f32 v13;
	v23 =	vadd.f32 v59, v14  }
0x2b6: {  	v14 =	vmul.bf16 v19, v16;
	v16 =	vunpack.i.l.bf16.f32 v10;
	v63 =	vadd.f32 v18, v21  }
0x2b7: {  	v62 =	vunpack.i.u.bf16.f32 v13;
	v13 =	vunpack.i.u.bf16.f32 v17;
	v11 =	vld [tilespmem:s3+$0xB0];
	v17 =	vadd.f32 v16, v20  }
0x2b8: {  	v16 =	vld [tilespmem:s30+$0xB0];
	v15 =	vadd.f32 v61, v15;
	v18 =	vadd.f32 v23, v13;
	v23 =	vperm.xlane v63, v1  }
0x2b9: {  	v20 =	vadd.f32 v12, v22;
	v12 =	vunpack.i.u.bf16.f32 v14;
	v13 =	vld [tilespmem:s3+$0xF0];
	v21 =	vmul.bf16 v9, v60  }
0x2ba: {  	s2 =	simm.s32 $0x2650;
	v19 =	vadd.f32 v15, v62;
	v15 =	vld [tilespmem:s30+$0xF0];
	v22 =	vperm.xlane v18, v0;
	v9 =	vadd.f32 v23, v63  }
.LBB2_12:
0x2bb: {  	p0 =	sne.s32 s2, $0x2708;
	v23 =	vunpack.i.u.bf16.f32 v21;
	v21 =	vunpack.i.l.bf16.f32 v21;
	v14 =	vunpack.i.l.bf16.f32 v14;
	s30 =	sadd.s32 $0x200, s30;
	s3 =	sadd.s32 $0x200, s3  }
0x2bc: {  	v10 =	vunpack.i.u.bf16.f32 v10;
	s10 =	smov.u32 s2;
	s2 =	sadd.s32 $0x8, s2;
	v20 =	vadd.f32 v21, v20;
	[tilespmem:v5+s23+$0x0] =	vst.idx.msk $0x1, v9;
	v5 =	vadd.f32 v22, v18  }
0x2bd: {  	v9 =	vadd.f32 v17, v10;
	v10 =	vmul.bf16 v11, v16;
	v11 =	vadd.f32 v14, v19  }
0x2be: {  	v14 =	vadd.f32 v20, v23;
	v16 =	vperm.xlane v5, v2  }
0x2bf: {  	s14 =	sadd.s32 $0x1, s1;
	v17 =	vunpack.i.l.bf16.f32 v10;
	v11 =	vadd.f32 v11, v12;
	v12 =	vperm.xlane v9, v0  }
0x2c0: {  	v13 =	vmul.bf16 v13, v15;
	v15 =	vmov s14;
	v5 =	vadd.f32 v16, v5  }
0x2c1: {  	v10 =	vunpack.i.u.bf16.f32 v10;
	v9 =	vadd.f32 v12, v9  }
0x2c2: {  	v12 =	vadd.f32 v17, v14;
	v14 =	vunpack.i.l.bf16.f32 v13;
	v16 =	vperm.xlane v5, v3  }
0x2c3: {  	v11 =	vadd.f32 v14, v11;
	v14 =	vshrl.u32 v15, $0x3;
	v15 =	vperm.xlane v9, v2  }
0x2c4: {  	v10 =	vadd.f32 v12, v10;
	v12 =	vunpack.i.u.bf16.f32 v13;
	v5 =	vadd.f32 v16, v5  }
0x2c5: {  	s14 =	sadd.s32 $0x2, s1;
	v11 =	vadd.f32 v11, v12;
	v12 =	vshll.u32 v14, v4;
	v9 =	vadd.f32 v15, v9  }
0x2c6: {  	v14 =	vmov s14;
	s14 =	sadd.s32 $0x3, s1;
	v15 =	vperm.xlane v10, v0;
	v13 =	vperm.xlane v5, v1  }
0x2c7: {  	v12 =	vadd.s32 $0x1, v12;
	v17 =	vperm.xlane v11, v0;
	v16 =	vperm.xlane v9, v3  }
0x2c8: {  	v5 =	vadd.f32 v13, v5;
	v13 =	vshrl.u32 v14, $0x3;
	v14 =	vmov s14  }
0x2c9: {  	v12 =	vbroadcast v12, $0x0;
	v13 =	vshll.u32 v13, v4;
	v9 =	vadd.f32 v16, v9  }
0x2ca: {  	s14 =	sadd.s32 $0x4, s1;
	v11 =	vadd.f32 v17, v11;
	v14 =	vshrl.u32 v14, $0x3;
	v13 =	vadd.s32 $0x2, v13  }
0x2cb: {  	v10 =	vadd.f32 v15, v10;
	v17 =	vmov s14;
	v16 =	vperm.xlane v9, v1  }
0x2cc: {  	v14 =	vshll.u32 v14, v4;
	v15 =	vshrl.u32 v17, $0x3;
	v17 =	vperm.xlane v11, v2  }
0x2cd: {  	s14 =	sadd.s32 $0x5, s1;
	v14 =	vadd.s32 $0x3, v14;
	v9 =	vadd.f32 v16, v9;
	v16 =	vperm.xlane v10, v2  }
0x2ce: {  	s16 =	sadd.s32 $0x6, s1;
	v13 =	vbroadcast v13, $0x0;
	v14 =	vbroadcast v14, $0x0;
	v11 =	vadd.f32 v17, v11  }
0x2cf: {  	[tilespmem:v12+s23+$0x0] =	vst.idx.msk $0x1, v5;
	v5 =	vshll.u32 v15, v4;
	v10 =	vadd.f32 v16, v10;
	v12 =	vmov s16  }
0x2d0: {  	v15 =	vmov s14;
	v16 =	vperm.xlane v11, v3;
	s14 =	sadd.s32 $0x7, s1;
	s1 =	smov.u32 s10;
	v5 =	vadd.s32 $0x4, v5  }
0x2d1: {  	v18 =	vmov s14;
	v5 =	vbroadcast v5, $0x0;
	v17 =	vperm.xlane v10, v3  }
0x2d2: {  	v15 =	vshrl.u32 v15, $0x3;
	v11 =	vadd.f32 v16, v11;
	v16 =	vshrl.u32 v18, $0x3  }
0x2d3: {  	v12 =	vshrl.u32 v12, $0x3;
	v15 =	vshll.u32 v15, v4;
	v10 =	vadd.f32 v17, v10  }
0x2d4: {  	v12 =	vshll.u32 v12, v4;
	[tilespmem:v13+s23+$0x0] =	vst.idx.msk $0x1, v7;
	v7 =	vadd.s32 $0x5, v15;
	v13 =	vperm.xlane v11, v1  }
0x2d5: {  	v12 =	vadd.s32 $0x6, v12;
	[tilespmem:v14+s23+$0x0] =	vst.idx.msk $0x1, v9;
	v7 =	vbroadcast v7, $0x0;
	v9 =	vperm.xlane v10, v1  }
0x2d6: {  	v12 =	vbroadcast v12, $0x0;
	v11 =	vadd.f32 v13, v11;
	v13 =	vshll.u32 v16, v4  }
0x2d7: {  	[tilespmem:v5+s23+$0x0] =	vst.idx.msk $0x1, v8;
	v5 =	vadd.f32 v9, v10;
	v8 =	vadd.s32 $0x7, v13  }
0x2d8: {  	v8 =	vbroadcast v8, $0x0;
	_ =	sdelay $0x2  }
0x2d9: {  	[tilespmem:v7+s23+$0x0] =	vst.idx.msk $0x1, v6  }
0x2da: {  	[tilespmem:v12+s23+$0x0] =	vst.idx.msk $0x1, v5;
	_ =	sdelay $0x1  }
0x2db: {  	[tilespmem:v8+s23+$0x0] =	vst.idx.msk $0x1, v11  }
0x2dc: {  	v5 =	vld [tilespmem:s3+$0x70]  }
0x2dd: {  	v7 =	vld [tilespmem:s30+$0x70]  }
0x2de: {  	v8 =	vld [tilespmem:s3+$0x60]  }
0x2df: {  	v9 =	vld [tilespmem:s30+$0x60]  }
0x2e0: {  	v10 =	vld [tilespmem:s3+$0x50]  }
0x2e1: {  	v11 =	vld [tilespmem:s30+$0x50]  }
0x2e2: {  	v12 =	vld [tilespmem:s3+$0x40]  }
0x2e3: {  	v13 =	vld [tilespmem:s30+$0x40]  }
0x2e4: {  	v6 =	vld [tilespmem:s3+$0xFFFFFFD0];
	v8 =	vmul.bf16 v8, v9  }
0x2e5: {  	v9 =	vld [tilespmem:s3+$0x30]  }
0x2e6: {  	v14 =	vld [tilespmem:s30+$0x30]  }
0x2e7: {  	v15 =	vld [tilespmem:s3+$0x20]  }
0x2e8: {  	v16 =	vld [tilespmem:s30+$0x20];
	v12 =	vmul.bf16 v12, v13  }
0x2e9: {  	v13 =	vld [tilespmem:s3+$0x10]  }
0x2ea: {  	v10 =	vmul.bf16 v10, v11;
	v17 =	vld [tilespmem:s30+$0x10];
	v18 =	vunpack.i.u.bf16.f32 v12;
	v12 =	vunpack.i.l.bf16.f32 v12  }
0x2eb: {  	v11 =	vld [tilespmem:s3+$0xFFFFFFB0];
	v9 =	vmul.bf16 v9, v14;
	v12 =	vadd.f32 v12, v18  }
0x2ec: {  	v18 =	vunpack.i.l.bf16.f32 v10;
	v14 =	vld [tilespmem:s3+$0x0]  }
0x2ed: {  	v19 =	vld [tilespmem:s30+$0x0];
	v15 =	vmul.bf16 v15, v16;
	v12 =	vadd.f32 v18, v12  }
0x2ee: {  	v10 =	vunpack.i.u.bf16.f32 v10;
	v16 =	vld [tilespmem:s3+$0xFFFFFFC0]  }
0x2ef: {  	v18 =	vld [tilespmem:s3+$0xFFFFFFA0];
	v13 =	vmul.bf16 v13, v17;
	v10 =	vadd.f32 v12, v10  }
0x2f0: {  	v17 =	vunpack.i.l.bf16.f32 v8;
	v12 =	vld [tilespmem:s30+$0xFFFFFFA0]  }
0x2f1: {  	v20 =	vld [tilespmem:s3+$0xFFFFFF50];
	v10 =	vadd.f32 v17, v10  }
0x2f2: {  	v5 =	vmul.bf16 v5, v7;
	v8 =	vunpack.i.u.bf16.f32 v8;
	v17 =	vld [tilespmem:s3+$0xFFFFFF90];
	v14 =	vmul.bf16 v14, v19  }
0x2f3: {  	v7 =	vunpack.i.u.bf16.f32 v9;
	v19 =	vld [tilespmem:s30+$0xFFFFFF90];
	v8 =	vadd.f32 v10, v8  }
0x2f4: {  	v22 =	vunpack.i.l.bf16.f32 v5;
	v10 =	vld [tilespmem:s3+$0xFFFFFF80];
	v21 =	vunpack.i.u.bf16.f32 v14;
	v14 =	vunpack.i.l.bf16.f32 v14  }
0x2f5: {  	v23 =	vld [tilespmem:s30+$0xFFFFFF80];
	v12 =	vmul.bf16 v18, v12;
	v14 =	vadd.f32 v14, v21;
	v8 =	vadd.f32 v22, v8  }
0x2f6: {  	v5 =	vunpack.i.u.bf16.f32 v5;
	v9 =	vunpack.i.l.bf16.f32 v9;
	v21 =	vunpack.i.l.bf16.f32 v13;
	v18 =	vld [tilespmem:s3+$0xFFFFFF10]  }
0x2f7: {  	v22 =	vld [tilespmem:s3+$0xFFFFFF40];
	v24 =	vunpack.i.l.bf16.f32 v12;
	v14 =	vadd.f32 v21, v14;
	v8 =	vadd.f32 v8, v5  }
0x2f8: {  	v5 =	vunpack.i.u.bf16.f32 v13;
	v13 =	vmov s1;
	v21 =	vld [tilespmem:s30+$0xFFFFFF00];
	v17 =	vmul.bf16 v17, v19  }
0x2f9: {  	v13 =	vshrl.u32 v13, $0x3;
	v19 =	vld [tilespmem:s3+$0xFFFFFF00];
	v5 =	vadd.f32 v14, v5;
	v14 =	vperm.xlane v8, v0  }
0x2fa: {  	v26 =	vunpack.i.l.bf16.f32 v15;
	v25 =	vld [tilespmem:s30+$0xFFFFFF40];
	v10 =	vmul.bf16 v10, v23;
	v23 =	vunpack.i.u.bf16.f32 v17  }
0x2fb: {  	v15 =	vunpack.i.u.bf16.f32 v15;
	v27 =	vld [tilespmem:s30+$0xFFFFFF10];
	v26 =	vadd.f32 v26, v5;
	v5 =	vshll.u32 v13, v4  }
0x2fc: {  	v13 =	vld [tilespmem:s30+$0xFFFFFF50];
	v28 =	vunpack.i.u.bf16.f32 v10;
	v10 =	vunpack.i.l.bf16.f32 v10;
	v5 =	vbroadcast v5, $0x0  }
0x2fd: {  	v12 =	vunpack.i.u.bf16.f32 v12;
	v10 =	vadd.f32 v10, v28;
	v28 =	vld [tilespmem:s30+$0xFFFFFFC0];
	v15 =	vadd.f32 v26, v15  }
0x2fe: {  	v17 =	vunpack.i.l.bf16.f32 v17;
	v8 =	vadd.f32 v14, v8;
	v19 =	vmul.bf16 v19, v21;
	v21 =	vld [tilespmem:s3+$0xFFFFFF20]  }
0x2ff: {  	v14 =	vld [tilespmem:s30+$0xFFFFFF20];
	v22 =	vmul.bf16 v22, v25;
	v10 =	vadd.f32 v17, v10;
	v9 =	vadd.f32 v9, v15  }
0x300: {  	v15 =	vunpack.i.u.bf16.f32 v19;
	v17 =	vunpack.i.l.bf16.f32 v19;
	v18 =	vmul.bf16 v18, v27;
	v19 =	vld [tilespmem:s30+$0xFFFFFFB0]  }
0x301: {  	v15 =	vadd.f32 v17, v15;
	v17 =	vunpack.i.l.bf16.f32 v22;
	v10 =	vadd.f32 v10, v23;
	v23 =	vld [tilespmem:s30+$0xFFFFFFD0]  }
0x302: {  	v22 =	vunpack.i.u.bf16.f32 v22;
	v25 =	vunpack.i.l.bf16.f32 v18;
	v26 =	vld [tilespmem:s3+$0xFFFFFF30];
	v16 =	vmul.bf16 v16, v28  }
0x303: {  	v13 =	vmul.bf16 v20, v13;
	v17 =	vadd.f32 v17, v22;
	v15 =	vadd.f32 v25, v15;
	v25 =	vld [tilespmem:s30+$0xFFFFFF30]  }
0x304: {  	v18 =	vunpack.i.u.bf16.f32 v18;
	v10 =	vadd.f32 v24, v10;
	v14 =	vmul.bf16 v21, v14;
	v20 =	vld [tilespmem:s30+$0x80]  }
0x305: {  	v15 =	vadd.f32 v15, v18;
	v11 =	vmul.bf16 v11, v19;
	v18 =	vunpack.i.u.bf16.f32 v16;
	v19 =	vld [tilespmem:s3+$0x80]  }
0x306: {  	v10 =	vadd.f32 v10, v12;
	v12 =	vunpack.i.l.bf16.f32 v16;
	v6 =	vmul.bf16 v6, v23;
	v16 =	vld [tilespmem:s3+$0xFFFFFFE0]  }
0x307: {  	v22 =	vunpack.i.u.bf16.f32 v13;
	v13 =	vunpack.i.l.bf16.f32 v13;
	v21 =	vunpack.i.l.bf16.f32 v14;
	v23 =	vld [tilespmem:s3+$0xFFFFFF60]  }
0x308: {  	v14 =	vunpack.i.u.bf16.f32 v14;
	v15 =	vadd.f32 v21, v15;
	v24 =	vunpack.i.l.bf16.f32 v11;
	v21 =	vld [tilespmem:s30+$0xFFFFFF60]  }
0x309: {  	v12 =	vadd.f32 v12, v18;
	v25 =	vmul.bf16 v26, v25;
	v18 =	vunpack.i.u.bf16.f32 v6;
	v26 =	vld [tilespmem:s30+$0xFFFFFFE0]  }
0x30a: {  	v10 =	vadd.f32 v24, v10;
	v6 =	vunpack.i.l.bf16.f32 v6;
	v19 =	vmul.bf16 v19, v20  }
0x30b: {  	v13 =	vadd.f32 v13, v17;
	v11 =	vunpack.i.u.bf16.f32 v11;
	v6 =	vadd.f32 v6, v12  }
0x30c: {  	v12 =	vunpack.i.l.bf16.f32 v25;
	v10 =	vadd.f32 v10, v11;
	v11 =	vunpack.i.l.bf16.f32 v19;
	v17 =	vld [tilespmem:s3+$0xC0]  }
0x30d: {  	v14 =	vadd.f32 v15, v14;
	v6 =	vadd.f32 v6, v18;
	v15 =	vmul.bf16 v23, v21;
	v18 =	vld [tilespmem:s30+$0x90]  }
0x30e: {  	v13 =	vadd.f32 v13, v22;
	v21 =	vperm.xlane v10, v0;
	v16 =	vmul.bf16 v16, v26;
	v20 =	vld [tilespmem:s3+$0x90]  }
0x30f: {  	v7 =	vadd.f32 v9, v7;
	v12 =	vadd.f32 v12, v14;
	v14 =	vunpack.i.u.bf16.f32 v15;
	v9 =	vld [tilespmem:s30+$0xC0]  }
0x310: {  	v22 =	vunpack.i.u.bf16.f32 v25;
	v15 =	vunpack.i.l.bf16.f32 v15;
	v10 =	vadd.f32 v21, v10;
	v23 =	vld [tilespmem:s3+$0xFFFFFF70]  }
0x311: {  	v25 =	vperm.xlane v7, v0;
	v24 =	vunpack.i.u.bf16.f32 v16;
	v16 =	vunpack.i.l.bf16.f32 v16;
	v21 =	vld [tilespmem:s30+$0xFFFFFF70]  }
0x312: {  	v12 =	vadd.f32 v12, v22;
	v6 =	vadd.f32 v16, v6;
	v16 =	vperm.xlane v10, v2  }
0x313: {  	v19 =	vunpack.i.u.bf16.f32 v19;
	v7 =	vadd.f32 v25, v7;
	v18 =	vmul.bf16 v20, v18  }
0x314: {  	v11 =	vadd.f32 v11, v19;
	v10 =	vadd.f32 v16, v10;
	v16 =	vperm.xlane v8, v2  }
0x315: {  	v9 =	vmul.bf16 v17, v9;
	v17 =	vperm.xlane v7, v2;
	v19 =	vunpack.i.u.bf16.f32 v18  }
0x316: {  	v13 =	vadd.f32 v15, v13;
	v20 =	vperm.xlane v10, v3;
	v8 =	vadd.f32 v16, v8;
	v15 =	vld [tilespmem:s3+$0xD0]  }
0x317: {  	v25 =	vperm.xlane v12, v0;
	v22 =	vunpack.i.l.bf16.f32 v9;
	v7 =	vadd.f32 v17, v7;
	v16 =	vld [tilespmem:s30+$0xFFFFFFF0]  }
0x318: {  	v9 =	vunpack.i.u.bf16.f32 v9;
	v10 =	vadd.f32 v20, v10;
	v20 =	vperm.xlane v8, v3;
	v17 =	vld [tilespmem:s30+$0xD0]  }
0x319: {  	v12 =	vadd.f32 v25, v12;
	v13 =	vadd.f32 v13, v14;
	v14 =	vperm.xlane v7, v3  }
0x31a: {  	v21 =	vmul.bf16 v23, v21;
	v25 =	vperm.xlane v10, v1;
	v8 =	vadd.f32 v20, v8;
	v23 =	vld [tilespmem:s3+$0xE0]  }
0x31b: {  	v20 =	vadd.f32 v6, v24;
	v6 =	vperm.xlane v12, v2;
	v14 =	vadd.f32 v14, v7;
	v24 =	vld [tilespmem:s3+$0xFFFFFFF0]  }
0x31c: {  	v18 =	vunpack.i.l.bf16.f32 v18;
	v7 =	vadd.f32 v25, v10;
	v10 =	vperm.xlane v8, v1;
	v26 =	vld [tilespmem:s30+$0xE0]  }
0x31d: {  	v12 =	vadd.f32 v6, v12;
	v15 =	vmul.bf16 v15, v17;
	v17 =	vperm.xlane v14, v1  }
0x31e: {  	v27 =	vadd.f32 v18, v11;
	v25 =	vunpack.i.l.bf16.f32 v21;
	v6 =	vadd.f32 v10, v8;
	v28 =	vld [tilespmem:s30+$0xA0]  }
0x31f: {  	v9 =	vadd.f32 v22, v9;
	v11 =	vperm.xlane v12, v3;
	v29 =	vld [tilespmem:s3+$0xA0];
	v8 =	vadd.f32 v17, v14  }
0x320: {  	v13 =	vadd.f32 v25, v13;
	v10 =	vmul.bf16 v24, v16;
	v16 =	vunpack.i.l.bf16.f32 v15  }
.Ltmp5:
0x321: {  	v22 =	vadd.f32 v11, v12;
	v15 =	vunpack.i.u.bf16.f32 v15;
	v14 =	vmul.bf16 v23, v26;
	(pc) =	sbr.rel @p0 .LBB2_12-.Ltmp5, $4  }
0x322: {  	v12 =	vunpack.i.u.bf16.f32 v21;
	v9 =	vadd.f32 v16, v9;
	v17 =	vunpack.i.l.bf16.f32 v10;
	v11 =	vld [tilespmem:s3+$0xB0]  }
0x323: {  	v18 =	vadd.f32 v13, v12;
	v23 =	vperm.xlane v22, v1;
	v17 =	vadd.f32 v17, v20;
	v16 =	vld [tilespmem:s30+$0xB0]  }
0x324: {  	v20 =	vadd.f32 v27, v19;
	v12 =	vunpack.i.u.bf16.f32 v14;
	v21 =	vmul.bf16 v29, v28;
	v13 =	vld [tilespmem:s3+$0xF0]  }
0x325: {  	v19 =	vadd.f32 v9, v15;
	v9 =	vadd.f32 v23, v22;
	v22 =	vperm.xlane v18, v0;
	v15 =	vld [tilespmem:s30+$0xF0]  }
0x326: {  	v23 =	vunpack.i.l.bf16.f32 v21;
	v10 =	vunpack.i.u.bf16.f32 v10;
	v36 =	vunpack.i.u.bf16.f32 v21  }
0x327: {  	v14 =	vunpack.i.l.bf16.f32 v14;
	s2 =	sadd.s32 $0x1, s1;
	v18 =	vadd.f32 v22, v18;
	v20 =	vadd.f32 v23, v20  }
0x328: {  	s10 =	sadd.s32 $0x2, s1;
	s14 =	sadd.s32 $0x3, s1;
	s16 =	sadd.s32 $0x4, s1;
	v10 =	vadd.f32 v17, v10;
	v14 =	vadd.f32 v14, v19;
	v42 =	vmov s2  }
0x329: {  	s30 =	sadd.s32 $0x6, s1;
	s3 =	sadd.s32 $0x5, s1;
	s31 =	sadd.s32 $0x7, s1;
	v48 =	vmov s10;
	v53 =	vmov s14;
	v54 =	vmov s16  }
0x32a: {  	v56 =	vmov s30;
	v57 =	vmov s3;
	v60 =	vmov s31  }
0x32b: {  	v11 =	vmul.bf16 v11, v16;
	v52 =	vshrl.u32 v48, $0x3;
	v16 =	vshrl.u32 v53, $0x3  }
0x32c: {  	v17 =	vshrl.u32 v54, $0x3;
	v23 =	vshrl.u32 v60, $0x3;
	v37 =	vperm.xlane v18, v2  }
0x32d: {  	v38 =	vadd.f32 v20, v36;
	v39 =	vperm.xlane v10, v0;
	v12 =	vadd.f32 v14, v12  }
0x32e: {  	v14 =	vshrl.u32 v42, $0x3;
	v16 =	vshll.u32 v16, v4;
	v17 =	vshll.u32 v17, v4  }
0x32f: {  	v20 =	vshrl.u32 v57, $0x3;
	v23 =	vshll.u32 v23, v4;
	v13 =	vmul.bf16 v13, v15  }
0x330: {  	v40 =	vunpack.i.l.bf16.f32 v11;
	v11 =	vunpack.i.u.bf16.f32 v11;
	v46 =	vshll.u32 v14, v4  }
0x331: {  	v41 =	vadd.f32 v37, v18;
	v43 =	vadd.f32 v40, v38;
	v44 =	vunpack.i.l.bf16.f32 v13  }
0x332: {  	v16 =	vadd.s32 $0x3, v16;
	v17 =	vadd.s32 $0x4, v17;
	v12 =	vadd.f32 v44, v12  }
0x333: {  	v13 =	vunpack.i.u.bf16.f32 v13;
	v18 =	vperm.xlane v41, v3;
	v11 =	vadd.f32 v43, v11  }
0x334: {  	v10 =	vadd.f32 v39, v10;
	v16 =	vbroadcast v16, $0x0;
	v12 =	vadd.f32 v12, v13  }
0x335: {  	v17 =	vbroadcast v17, $0x0;
	v15 =	vadd.f32 v18, v41;
	v49 =	vperm.xlane v11, v0  }
0x336: {  	v20 =	vshll.u32 v20, v4;
	v45 =	vperm.xlane v10, v2;
	v51 =	vperm.xlane v12, v0  }
0x337: {  	v13 =	vadd.s32 $0x1, v46;
	v47 =	vperm.xlane v15, v1;
	v11 =	vadd.f32 v49, v11  }
0x338: {  	v10 =	vadd.f32 v45, v10;
	v13 =	vbroadcast v13, $0x0;
	v12 =	vadd.f32 v51, v12  }
0x339: {  	v14 =	vadd.f32 v47, v15;
	v15 =	vshll.u32 v52, v4;
	v55 =	vperm.xlane v11, v2  }
0x33a: {  	v50 =	vperm.xlane v10, v3;
	v15 =	vadd.s32 $0x2, v15;
	v19 =	vperm.xlane v12, v2  }
0x33b: {  	v20 =	vadd.s32 $0x5, v20;
	v15 =	vbroadcast v15, $0x0;
	v11 =	vadd.f32 v55, v11  }
0x33c: {  	v10 =	vadd.f32 v50, v10;
	v12 =	vadd.f32 v19, v12;
	v19 =	vshrl.u32 v56, $0x3  }
0x33d: {  	v20 =	vbroadcast v20, $0x0;
	v59 =	vperm.xlane v11, v3;
	v19 =	vshll.u32 v19, v4  }
0x33e: {  	v18 =	vperm.xlane v10, v1;
	v58 =	vperm.xlane v12, v3;
	v19 =	vadd.s32 $0x6, v19  }
0x33f: {  	[tilespmem:v5+s23+$0x0] =	vst.idx.msk $0x1, v9;
	v62 =	vadd.s32 $0x7, v23;
	v5 =	vadd.f32 v59, v11;
	v61 =	vbroadcast v19, $0x0  }
0x340: {  	[tilespmem:v13+s23+$0x0] =	vst.idx.msk $0x1, v14;
	v10 =	vadd.f32 v18, v10;
	v11 =	vbroadcast v62, $0x0;
	v12 =	vadd.f32 v58, v12  }
0x341: {  	[tilespmem:v15+s23+$0x0] =	vst.idx.msk $0x1, v7;
	v7 =	vperm.xlane v5, v1  }
0x342: {  	[tilespmem:v16+s23+$0x0] =	vst.idx.msk $0x1, v10;
	v63 =	vperm.xlane v12, v1  }
0x343: {  	[tilespmem:v17+s23+$0x0] =	vst.idx.msk $0x1, v8;
	v5 =	vadd.f32 v7, v5  }
0x344: {  	[tilespmem:v20+s23+$0x0] =	vst.idx.msk $0x1, v6;
	v7 =	vadd.f32 v63, v12  }
0x345: {  	[tilespmem:v61+s23+$0x0] =	vst.idx.msk $0x1, v5  }
0x346: {  	s1 =	simm.s32 $0x0;
	[tilespmem:v11+s23+$0x0] =	vst.idx.msk $0x1, v7  }
0x347: {  	v5 =	vld [tilespmem:s1+$0x2710];
	_ =	sdelay $0x6  }
0x348: {  	v6 =	vld [tilespmem:s1+$0x7530]  }
0x349: {  	v5 =	vld.idx.msk [tilespmem:v5+s4+$0x0], $0xffff;
	_ =	sdelay $0x4  }
0x34a: {  	v5 =	vmul.f32 v5, v6;
	_ =	sdelay $0x1  }
0x34b: {  	v5 =	vsub.f32 $0.0e+00, v5;
	_ =	sdelay $0x1  }
0x34c: {  	v5 =	vmul.f32 $1.442695020e+00, v5;
	_ =	sdelay $0x1  }
0x34d: {  	(erf) = vpow2.f32 v5;
	_ =	sdelay $0x8  }
0x34e: {  	v5 =	vpop (erf)  }
0x34f: {  	v5 =	vadd.f32 $1.000000000e+00, v5;
	_ =	sdelay $0x1  }
0x350: {  	(erf) = vrcp.f32 v5;
	_ =	sdelay $0x1  }
0x351: {  	s3 =	simm.s32 $0x10;
	s2 =	simm.s32 $0x80  }
.LBB2_14:
0x352: {  	p0 =	sne.s32 s2, $0x9C00;
	v5 =	vld [tilespmem:s3+$0x2710];
	_ =	sdelay $0x5  }
0x353: {  	v6 =	vpop (erf)  }
0x354: {  	[tilespmem:s1+$0x7530] =	vst v6;
	s1 =	smov.u32 s3  }
0x355: {  	v5 =	vld.idx.msk [tilespmem:v5+s4+$0x0], $0xffff  }
0x356: {  	v6 =	vld [tilespmem:s1+$0x7530];
	_ =	sdelay $0x4  }
0x357: {  	v5 =	vmul.f32 v5, v6;
	_ =	sdelay $0x1  }
0x358: {  	v5 =	vsub.f32 $0.0e+00, v5;
	_ =	sdelay $0x1  }
0x359: {  	v5 =	vmul.f32 $1.442695020e+00, v5;
	_ =	sdelay $0x1  }
0x35a: {  	(erf) = vpow2.f32 v5;
	_ =	sdelay $0x8  }
0x35b: {  	v5 =	vpop (erf)  }
.Ltmp6:
0x35c: {  	v5 =	vadd.f32 $1.000000000e+00, v5;
	(pc) =	sbr.rel @p0 .LBB2_14-.Ltmp6, $3  }
0x35d: {  	_ = 	snop  }
0x35e: {  	(erf) = vrcp.f32 v5;
	_ =	sdelay $0x1  }
0x35f: {  	s3 =	sshra.s32 s2, $0x2;
	s2 =	sadd.s32 $0x40, s2  }
0x360: {  	v5 =	vld [tilespmem:s3+$0x2710];
	_ =	sdelay $0x5  }
0x361: {  	v6 =	vpop (erf)  }
0x362: {  	[tilespmem:s1+$0x7530] =	vst v6  }
0x363: {  	v5 =	vld.idx.msk [tilespmem:v5+s4+$0x0], $0xffff  }
0x364: {  	v6 =	vld [tilespmem:s3+$0x7530];
	_ =	sdelay $0x4  }
0x365: {  	v5 =	vmul.f32 v5, v6;
	_ =	sdelay $0x1  }
0x366: {  	v5 =	vsub.f32 $0.0e+00, v5;
	_ =	sdelay $0x1  }
0x367: {  	v5 =	vmul.f32 $1.442695020e+00, v5;
	_ =	sdelay $0x1  }
0x368: {  	(erf) = vpow2.f32 v5;
	_ =	sdelay $0x8  }
0x369: {  	v5 =	vpop (erf)  }
0x36a: {  	v5 =	vadd.f32 $1.000000000e+00, v5;
	_ =	sdelay $0x1  }
0x36b: {  	(erf) = vrcp.f32 v5;
	_ =	sdelay $0x7  }
0x36c: {  	s29 =	sadd.s32 $0x1, s29  }
0x36d: {  	p0 =	sne.s32 s29, s8;
	v5 =	vpop (erf)  }
.Ltmp7:
0x36e: {  	[tilespmem:s3+$0x7530] =	vst v5;
	(pc) =	sbr.rel @p0 .LBB2_1-.Ltmp7, $4  }
0x36f: {  	[hbm4b:s7+s4] =	stream.linear.scatter [tilespmem:s23], [sflag:$0x7], $0x2710, $0x38;
	[tilespmem:$0x1C840] =	vst v63  }
0x370: {  	_ =	swait.ge [sflag:s9], $0x2710  }
0x371: {  	[sflag:s9] =	ssyncset.done $0x0  }
0x372: {  	[sflag:s9] =	ssyncadd.s32 $0xFFFFD8F0  }
0x373: {  	_ =	sfence.sel $0x180000  }
0x374: {  	[bflag:$0x0] =	sbarrier.arrive $0xFFFF  }
0x375: {  	_ =	strace $0x90000047  }
0x376: {  	s0 =	stileid.u32;
	[bflag:$0x2] =	sbarrier.arrive $0xFFFF  }
0x377: {  	p0 =	sne.s32 s0, $0x0;
	s0 =	rddreg [dreg:$0x3]  }
0x378: {  	s0 =	sadd.s32 @!p0 $0x100000, s0  }
0x379: {  	[sflag:s0] =	ssyncadd.tile.s32 @!p0 $0x1;
	_ =	shalt  }
.Lfunc_end2:
_tile_overlayer_lowered:
.L_overlay_start_2:
0x37a: {  	(tag) =	ssettag $0x2  }
0x37b: {  	s0 =	rddreg [dreg:$0x0];
	s2 =	stileid.u32  }
0x37c: {  	s1 =	rddreg [dreg:$0x1];
	p0 =	sne.s32 s2, $0x0  }
0x37d: {  	s3 =	rddreg [dreg:$0x2];
	[bflag:$0x3] =	sbarrier.arrive $0xFFFF;
	s2 =	simm.s32 @!p0 $0x1C07  }
0x37e: {  	[timem:s3], [sflag:s2] =	dma.local @!p0 [hbm:s0], s1  }
0x37f: {  	s0 =	simm.s32 @!p0 $0x7  }
0x380: {  	_ =	swait.ge @!p0 [sflag:s0], s1  }
0x381: {  	s1 =	ssub.s32 @!p0 $0x0, s1;
	[sflag:s0] =	ssyncset.done @!p0 $0x0  }
0x382: {  	[sflag:s0] =	ssyncadd.s32 @!p0 s1  }
0x383: {  	[bflag:$0x3] =	sbarrier.arrive $0xFFFF  }
0x384: {  	_ =	shalt  }

</sc_bundles>
